<compile_context>
chip_gen: v7x
topology: tpu7x:2x2x1
jax: 0.10.2.dev20260603
libtpu: 0.0.44.dev20260713+nightly
codegen_flags: <defaults>
</compile_context>

<pallas_src>
import functools
import math

import jax
import jax.numpy as jnp
from jax import lax
from jax.experimental import pallas as pl
from jax.experimental.pallas import tpu as pltpu
from jax.experimental.pallas import tpu_sc as plsc

_N_NODES = 100000
_N_EDGES = 6400000
_NUM_TYPES = 4
_FACTOR = 1.0 / math.sqrt(64.0)

_LANES = 16
_ROWS = 16
_CHUNK = 128
_BLK = _ROWS * _CHUNK
_NBLK = _N_EDGES // _BLK
_NW = 32
_BASE_BLKS = _NBLK // _NW
_EXTRA = _NBLK - _BASE_BLKS * _NW

_ACC_PAD = 102400
_TILE_SLICE = _ACC_PAD // 16


def _sc_partial_sums(eng3, ei4, species, table16):
    mesh = plsc.VectorSubcoreMesh(core_axis_name="c", subcore_axis_name="s")
    blk_buf = pltpu.VMEM((_ROWS, _CHUNK), jnp.int32)
    blk_buf_f = pltpu.VMEM((_ROWS, _CHUNK), jnp.float32)

    @functools.partial(
        pl.kernel,
        mesh=mesh,
        compiler_params=pltpu.CompilerParams(needs_layout_passes=False),
        out_type=jax.ShapeDtypeStruct((2, _ACC_PAD), jnp.float32),
        scratch_types=[
            pltpu.VMEM((_N_NODES,), jnp.int32),
            pltpu.VMEM((_LANES,), jnp.float32),
            blk_buf, blk_buf, blk_buf_f, blk_buf_f,
            blk_buf, blk_buf, blk_buf_f, blk_buf_f,
            pltpu.VMEM((_TILE_SLICE,), jnp.float32),
            pltpu.VMEM_SHARED((_ACC_PAD,), jnp.float32),
            pltpu.SemaphoreType.DMA,
            pltpu.SemaphoreType.DMA,
            pltpu.SemaphoreType.DMA,
            pltpu.SemaphoreType.DMA,
        ],
    )
    def k(eng_hbm, ei_hbm, species_hbm, table_hbm, out_hbm,
          species_v, table_v,
          cen_a, nei_a, eng_a, val_a,
          cen_b, nei_b, eng_b, val_b,
          stage_v, acc_sh,
          in_sem_a, in_sem_b, scat_sem_a, scat_sem_b):
        cid = lax.axis_index("c")
        tid = lax.axis_index("s")
        wid = tid * 2 + cid

        pltpu.sync_copy(species_hbm, species_v)
        pltpu.sync_copy(table_hbm, table_v)
        table_v[...] = table_v[...] * _FACTOR

        zeros16 = jnp.zeros((_LANES,), jnp.float32)

        def zbody(i, _):
            stage_v[pl.ds(i * _LANES, _LANES)] = zeros16
            return 0

        lax.fori_loop(0, _TILE_SLICE // _LANES, zbody, 0)
        pltpu.sync_copy(stage_v, acc_sh.at[pl.ds(tid * _TILE_SLICE, _TILE_SLICE)])
        plsc.subcore_barrier()

        nblk = jnp.where(wid < _EXTRA, _BASE_BLKS + 1, _BASE_BLKS)
        blk0 = _BASE_BLKS * wid + jnp.minimum(wid, _EXTRA)
        pairs = nblk // 2

        def start_in(blk, cen_v, nei_v, eng_v, sem):
            pltpu.async_copy(ei_hbm.at[0, blk], cen_v, sem)
            pltpu.async_copy(ei_hbm.at[1, blk], nei_v, sem)
            pltpu.async_copy(eng_hbm.at[blk], eng_v, sem)

        def wait_in(cen_v, nei_v, eng_v, sem):
            pltpu.make_async_copy(ei_hbm.at[0, 0], cen_v, sem).wait()
            pltpu.make_async_copy(ei_hbm.at[1, 0], nei_v, sem).wait()
            pltpu.make_async_copy(eng_hbm.at[0], eng_v, sem).wait()

        def compute(cen_v, nei_v, eng_v, val_v):
            def row_body(j, _):
                for q in range(_CHUNK // _LANES):
                    s = q * _LANES
                    c = cen_v[j, pl.ds(s, _LANES)]
                    n = nei_v[j, pl.ds(s, _LANES)]
                    cs = plsc.load_gather(species_v, [c])
                    ns = plsc.load_gather(species_v, [n])
                    scale = plsc.load_gather(table_v, [cs * _NUM_TYPES + ns])
                    val_v[j, pl.ds(s, _LANES)] = (
                        eng_v[j, pl.ds(s, _LANES)] * scale)
                return 0

            lax.fori_loop(0, _ROWS, row_body, 0)

        def fire_scat(cen_v, val_v, sem):
            for j in range(_ROWS):
                pltpu.async_copy(
                    val_v.at[j], acc_sh.at[cen_v.at[j]], sem, add=True)

        def drain_scat(cen_v, val_v, sem):
            for j in range(_ROWS):
                pltpu.make_async_copy(
                    val_v.at[j], acc_sh.at[cen_v.at[j]], sem).wait()

        start_in(blk0, cen_a, nei_a, eng_a, in_sem_a)

        def pair_body(p, _):
            blk = blk0 + 2 * p
            wait_in(cen_a, nei_a, eng_a, in_sem_a)
            compute(cen_a, nei_a, eng_a, val_a)
            fire_scat(cen_a, val_a, scat_sem_a)

            @pl.when(p > 0)
            def _():
                drain_scat(cen_b, val_b, scat_sem_b)

            start_in(blk + 1, cen_b, nei_b, eng_b, in_sem_b)

            wait_in(cen_b, nei_b, eng_b, in_sem_b)
            compute(cen_b, nei_b, eng_b, val_b)
            drain_scat(cen_a, val_a, scat_sem_a)
            fire_scat(cen_b, val_b, scat_sem_b)

            @pl.when(2 * p + 2 < nblk)
            def _():
                start_in(blk + 2, cen_a, nei_a, eng_a, in_sem_a)

            return 0

        lax.fori_loop(0, pairs, pair_body, 0)

        @pl.when(nblk % 2 == 1)
        def _():
            wait_in(cen_a, nei_a, eng_a, in_sem_a)
            compute(cen_a, nei_a, eng_a, val_a)
            fire_scat(cen_a, val_a, scat_sem_a)
            drain_scat(cen_a, val_a, scat_sem_a)

        drain_scat(cen_b, val_b, scat_sem_b)
        plsc.subcore_barrier()

        sl = pl.ds(tid * _TILE_SLICE, _TILE_SLICE)
        pltpu.sync_copy(acc_sh.at[sl], stage_v)
        pltpu.sync_copy(stage_v, out_hbm.at[cid, sl])

    return k(eng3, ei4, species, table16)


def _tc_add(partials):

    def body(p_ref, o_ref):
        o_ref[...] = p_ref[0] + p_ref[1]

    return pl.pallas_call(
        body,
        out_shape=jax.ShapeDtypeStruct((_ACC_PAD // 128, 128), jnp.float32),
    )(partials.reshape(2, _ACC_PAD // 128, 128))


def kernel(edge_energy, per_edge_scales, edge_index, atom_types):
    eng3 = edge_energy.reshape(_NBLK, _ROWS, _CHUNK)
    ei4 = edge_index.reshape(2, _NBLK, _ROWS, _CHUNK)
    species = atom_types.reshape(_N_NODES)
    table16 = per_edge_scales.reshape(_NUM_TYPES * _NUM_TYPES)

    partials = _sc_partial_sums(eng3, ei4, species, table16)
    summed = _tc_add(partials)
    return summed.reshape(_ACC_PAD)[:_N_NODES].reshape(_N_NODES, 1)

# --- scband reference (transcript-rebuilt; emitter-appended) ---
"""Pipeline reference for scband-edgewise-energy-sum-46883863003658 (READ-ONLY COPY).

The authoritative reference and input builder live on the scoring server;
editing this copy changes nothing except your own understanding.
"""

import jax, jax.numpy as jnp
import numpy as np
import math

N_NODES = 100000
N_EDGES = 6400000
NUM_TYPES = 4
AVG_NUM_NEIGHBORS = 64.0


def setup_inputs(seed: int = 0) -> dict:
    key = jax.random.key(seed)
    k1, k2, k3 = jax.random.split(key, 3)
    edge_index = jax.random.randint(k1, (2, N_EDGES), 0, N_NODES, dtype=jnp.int32)
    edge_energy = jax.random.normal(k2, (N_EDGES, 1), dtype=jnp.float32)
    atom_types = jax.random.randint(k3, (N_NODES, 1), 0, NUM_TYPES, dtype=jnp.int32)
    # learned parameter: per-species-pair edge scales, initialized to ones as in torch module
    per_edge_scales = jnp.ones((NUM_TYPES, NUM_TYPES), dtype=jnp.float32)
    return {
        "edge_energy": edge_energy,
        "per_edge_scales": per_edge_scales,
        "edge_index": edge_index,
        "atom_types": atom_types,
    }


def reference(edge_energy, per_edge_scales, edge_index, atom_types):
    edge_center = edge_index[0]
    edge_neighbor = edge_index[1]
    species = jnp.squeeze(atom_types, axis=-1)
    center_species = jnp.take(species, edge_center, axis=0)
    neighbor_species = jnp.take(species, edge_neighbor, axis=0)
    # per-species-pair scaling (gather from small [T, T] table)
    scales = per_edge_scales[center_species, neighbor_species]
    edge_eng = edge_energy * scales[:, None]
    # normalize_edge_energy_sum with avg_num_neighbors
    factor = 1.0 / math.sqrt(AVG_NUM_NEIGHBORS)
    edge_eng = edge_eng * factor
    # scatter-add edges into center atoms
    atom_eng = jax.ops.segment_sum(edge_eng, edge_center, num_segments=N_NODES)
    return atom_eng

if __name__ == "__main__":
    import jax
    _d = setup_inputs()
    print(jax.jit(kernel)(*tuple(_d.values())))

</pallas_src>

<mosaic_0001>
#map = affine_map<(d0, d1) -> (0, 0, 0)>
#map1 = affine_map<(d0, d1) -> (0, 0, 0, 0)>
#map2 = affine_map<(d0, d1) -> (0)>
#map3 = affine_map<(d0, d1) -> (0, 0)>
module attributes {stable_mosaic.version = 14 : i64} {
  func.func @k(%arg0: i32, %arg1: i32, %arg2: memref<3125x16x128xf32, #tpu.memory_space<hbm>>, %arg3: memref<2x3125x16x128xi32, #tpu.memory_space<hbm>>, %arg4: memref<100000xi32, #tpu.memory_space<hbm>>, %arg5: memref<16xf32, #tpu.memory_space<hbm>>, %arg6: memref<2x102400xf32, #tpu.memory_space<hbm>>, %arg7: memref<100000xi32, #tpu.memory_space<vmem>>, %arg8: memref<16xf32, #tpu.memory_space<vmem>>, %arg9: memref<16x128xi32, #tpu.memory_space<vmem>>, %arg10: memref<16x128xi32, #tpu.memory_space<vmem>>, %arg11: memref<16x128xf32, #tpu.memory_space<vmem>>, %arg12: memref<16x128xf32, #tpu.memory_space<vmem>>, %arg13: memref<16x128xi32, #tpu.memory_space<vmem>>, %arg14: memref<16x128xi32, #tpu.memory_space<vmem>>, %arg15: memref<16x128xf32, #tpu.memory_space<vmem>>, %arg16: memref<16x128xf32, #tpu.memory_space<vmem>>, %arg17: memref<6400xf32, #tpu.memory_space<vmem>>, %arg18: memref<102400xf32, #tpu.memory_space<vmem_shared>>, %arg19: memref<!tpu.dma_semaphore, #tpu.memory_space<semaphore_mem>>, %arg20: memref<!tpu.dma_semaphore, #tpu.memory_space<semaphore_mem>>, %arg21: memref<!tpu.dma_semaphore, #tpu.memory_space<semaphore_mem>>, %arg22: memref<!tpu.dma_semaphore, #tpu.memory_space<semaphore_mem>>) attributes {dimension_semantics = [#tpu.dimension_semantics<core_parallel>, #tpu.dimension_semantics<subcore_parallel>], iteration_bounds = array<i64: 2, 16>, scalar_prefetch = 0 : i64, scratch_operands = 16 : i64, tpu.core_type = #tpu.core_type<sc_vector_subcore>, window_params = [{transform_indices = #map}, {transform_indices = #map1}, {transform_indices = #map2}, {transform_indices = #map2}, {transform_indices = #map3}]} {
    %mul3A = arith.constant 2 : i32
    %mul3A_0 = arith.muli %arg1, %mul3A : i32
    %add3A = arith.addi %mul3A_0, %arg0 : i32
    "tpu.region"() ({
      %run_scoped3A = tpu.sem_alloc : memref<!tpu.dma_semaphore, #tpu.memory_space<semaphore_mem>>
      tpu.enqueue_dma source(%arg4 : memref<100000xi32, #tpu.memory_space<hbm>>) target(%arg7 : memref<100000xi32, #tpu.memory_space<vmem>>) target_semaphore(%run_scoped3A : memref<!tpu.dma_semaphore, #tpu.memory_space<semaphore_mem>>)
      tpu.wait_dma2 semaphore(%run_scoped3A : memref<!tpu.dma_semaphore, #tpu.memory_space<semaphore_mem>>) src(%arg4 : memref<100000xi32, #tpu.memory_space<hbm>>) dst(%arg7 : memref<100000xi32, #tpu.memory_space<vmem>>)
      tpu.yield
    }) : () -> ()
    "tpu.region"() ({
      %run_scoped3A = tpu.sem_alloc : memref<!tpu.dma_semaphore, #tpu.memory_space<semaphore_mem>>
      tpu.enqueue_dma source(%arg5 : memref<16xf32, #tpu.memory_space<hbm>>) target(%arg8 : memref<16xf32, #tpu.memory_space<vmem>>) target_semaphore(%run_scoped3A : memref<!tpu.dma_semaphore, #tpu.memory_space<semaphore_mem>>)
      tpu.wait_dma2 semaphore(%run_scoped3A : memref<!tpu.dma_semaphore, #tpu.memory_space<semaphore_mem>>) src(%arg5 : memref<16xf32, #tpu.memory_space<hbm>>) dst(%arg8 : memref<16xf32, #tpu.memory_space<vmem>>)
      tpu.yield
    }) : () -> ()
    %get3A = arith.constant 0 : index
    %get3A_1 = tpu.vector_load %arg8[%get3A] {strides = array<i32>} : memref<16xf32, #tpu.memory_space<vmem>>, vector<16xf32>,
    %mul3A_2 = arith.constant 1.250000e-01 : f32
    %mul3A_3 = vector.broadcast %mul3A_2 : f32 to vector<16xf32>
    %mul3A_4 = arith.mulf %get3A_1, %mul3A_3 : vector<16xf32>
    %swap3A = arith.constant 0 : index
    %swap3A_5 = tpu.vector_load %arg8[%swap3A] {strides = array<i32>} : memref<16xf32, #tpu.memory_space<vmem>>, vector<16xf32>,
    tpu.vector_store %arg8[%swap3A], %mul3A_4 {strides = array<i32>} : memref<16xf32, #tpu.memory_space<vmem>>, vector<16xf32>,
    %broadcast_in_dim3A = arith.constant 0.000000e+00 : f32
    %broadcast_in_dim3A_6 = vector.broadcast %broadcast_in_dim3A : f32 to vector<16xf32>
    %scan3A = arith.constant 0 : i32
    %scan3A_7 = arith.constant 0 : i32
    %scan3A_8 = arith.constant 400 : i32
    %scan3A_9 = arith.addi %scan3A_7, %scan3A_8 : i32
    %scan3A_10 = arith.constant 1 : i32
    %scan3A_11 = scf.for %scan3A_255 = %scan3A_7 to %scan3A_9 step %scan3A_10 iter_args(%scan3A_256 = %scan3A) -> (i32)  : i32 {
      %mul3A_257 = arith.constant 16 : i32
      %mul3A_258 = arith.muli %scan3A_255, %mul3A_257 : i32
      %swap3A_259 = arith.index_cast %mul3A_258 : i32 to index
      %swap3A_260 = tpu.vector_load %arg17[%swap3A_259] {strides = array<i32>} : memref<6400xf32, #tpu.memory_space<vmem>>, vector<16xf32>,
      tpu.vector_store %arg17[%swap3A_259], %broadcast_in_dim3A_6 {strides = array<i32>} : memref<6400xf32, #tpu.memory_space<vmem>>, vector<16xf32>,
      %scan3A_261 = arith.constant 0 : i32
      scf.yield %scan3A_261 : i32
    }
    %scan3A_12 = arith.constant 400 : i32
    %mul3A_13 = arith.constant 6400 : i32
    %mul3A_14 = arith.muli %arg1, %mul3A_13 : i32
    "tpu.region"() ({
      %run_scoped3A = tpu.sem_alloc : memref<!tpu.dma_semaphore, #tpu.memory_space<semaphore_mem>>
      %dma_start3A_255 = tpu.memref_slice %arg18[%mul3A_14] : memref<102400xf32, #tpu.memory_space<vmem_shared>> -> memref<6400xf32, #tpu.memory_space<vmem_shared>>
      %dma_start3A_256 = tpu.memref_slice %arg18[%mul3A_14] : memref<102400xf32, #tpu.memory_space<vmem_shared>> -> memref<6400xf32, #tpu.memory_space<vmem_shared>>
      tpu.enqueue_dma source(%arg17 : memref<6400xf32, #tpu.memory_space<vmem>>) target(%dma_start3A_256 : memref<6400xf32, #tpu.memory_space<vmem_shared>>) target_semaphore(%run_scoped3A : memref<!tpu.dma_semaphore, #tpu.memory_space<semaphore_mem>>)
      %dma_wait3A_257 = tpu.memref_slice %arg18[%mul3A_14] : memref<102400xf32, #tpu.memory_space<vmem_shared>> -> memref<6400xf32, #tpu.memory_space<vmem_shared>>
      %dma_wait3A_258 = tpu.memref_slice %arg18[%mul3A_14] : memref<102400xf32, #tpu.memory_space<vmem_shared>> -> memref<6400xf32, #tpu.memory_space<vmem_shared>>
      tpu.wait_dma2 semaphore(%run_scoped3A : memref<!tpu.dma_semaphore, #tpu.memory_space<semaphore_mem>>) src(%arg17 : memref<6400xf32, #tpu.memory_space<vmem>>) dst(%dma_wait3A_258 : memref<6400xf32, #tpu.memory_space<vmem_shared>>)
      tpu.yield
    }) : () -> ()
    %barrier3A = arith.constant 0 : index
    tpu.barrier barrier_id(%barrier3A)
    %lt3A = arith.constant 21 : i32
    %lt3A_15 = arith.cmpi slt, %add3A, %lt3A : i32
    %jit3A = arith.constant 98 : i32
    %jit3A_16 = arith.constant 97 : i32
    %select_n3A = arith.select %lt3A_15, %jit3A, %jit3A_16 : i32
    %mul3A_17 = arith.constant 97 : i32
    %mul3A_18 = arith.muli %mul3A_17, %add3A : i32
    %min3A = arith.constant 21 : i32
    %min3A_19 = arith.minsi %add3A, %min3A : i32
    %add3A_20 = arith.addi %mul3A_18, %min3A_19 : i32
    %jit3A_21 = arith.constant 2 : i32
    %div3A = arith.divsi %select_n3A, %jit3A_21 : i32
    %sign3A = arith.constant 0 : i32
    %sign3A_22 = arith.cmpi sgt, %select_n3A, %sign3A : i32
    %sign3A_23 = arith.extui %sign3A_22 : i1 to i32
    %sign3A_24 = arith.constant 0 : i32
    %sign3A_25 = arith.cmpi slt, %select_n3A, %sign3A_24 : i32
    %sign3A_26 = arith.extui %sign3A_25 : i1 to i32
    %sign3A_27 = arith.subi %sign3A_23, %sign3A_26 : i32
    %sign3A_28 = arith.constant 0 : i32
    %sign3A_29 = arith.cmpi sgt, %jit3A_21, %sign3A_28 : i32
    %sign3A_30 = arith.extui %sign3A_29 : i1 to i32
    %sign3A_31 = arith.constant 0 : i32
    %sign3A_32 = arith.cmpi slt, %jit3A_21, %sign3A_31 : i32
    %sign3A_33 = arith.extui %sign3A_32 : i1 to i32
    %sign3A_34 = arith.subi %sign3A_30, %sign3A_33 : i32
    %ne3A = arith.cmpi ne, %sign3A_27, %sign3A_34 : i32
    %rem3A = arith.remsi %select_n3A, %jit3A_21 : i32
    %ne3A_35 = arith.constant 0 : i32
    %ne3A_36 = arith.cmpi ne, %rem3A, %ne3A_35 : i32
    %and3A = arith.andi %ne3A, %ne3A_36 : i1
    %sub3A = arith.constant 1 : i32
    %sub3A_37 = arith.subi %div3A, %sub3A : i32
    %select_n3A_38 = arith.select %and3A, %sub3A_37, %div3A : i32
    %dma_start3A = arith.constant 0 : i32
    %dma_start3A_39 = arith.constant 0 : i32
    %dma_start3A_40 = arith.constant 0 : i32
    %dma_start3A_41 = tpu.memref_slice %arg3[%dma_start3A, %add3A_20, %dma_start3A_39, %dma_start3A_40] : memref<2x3125x16x128xi32, #tpu.memory_space<hbm>> -> memref<1x1x16x128xi32, #tpu.memory_space<hbm>>
    %dma_start3A_42 = tpu.memref_squeeze %dma_start3A_41 : memref<1x1x16x128xi32, #tpu.memory_space<hbm>> -> memref<16x128xi32, #tpu.memory_space<hbm>>
    %dma_start3A_43 = arith.constant 0 : i32
    %dma_start3A_44 = arith.constant 0 : i32
    %dma_start3A_45 = tpu.memref_slice %arg3[%dma_start3A, %add3A_20, %dma_start3A_43, %dma_start3A_44] : memref<2x3125x16x128xi32, #tpu.memory_space<hbm>> -> memref<1x1x16x128xi32, #tpu.memory_space<hbm>>
    %dma_start3A_46 = tpu.memref_squeeze %dma_start3A_45 : memref<1x1x16x128xi32, #tpu.memory_space<hbm>> -> memref<16x128xi32, #tpu.memory_space<hbm>>
    tpu.enqueue_dma source(%dma_start3A_46 : memref<16x128xi32, #tpu.memory_space<hbm>>) target(%arg9 : memref<16x128xi32, #tpu.memory_space<vmem>>) target_semaphore(%arg19 : memref<!tpu.dma_semaphore, #tpu.memory_space<semaphore_mem>>)
    %dma_start3A_47 = arith.constant 1 : i32
    %dma_start3A_48 = arith.constant 0 : i32
    %dma_start3A_49 = arith.constant 0 : i32
    %dma_start3A_50 = tpu.memref_slice %arg3[%dma_start3A_47, %add3A_20, %dma_start3A_48, %dma_start3A_49] : memref<2x3125x16x128xi32, #tpu.memory_space<hbm>> -> memref<1x1x16x128xi32, #tpu.memory_space<hbm>>
    %dma_start3A_51 = tpu.memref_squeeze %dma_start3A_50 : memref<1x1x16x128xi32, #tpu.memory_space<hbm>> -> memref<16x128xi32, #tpu.memory_space<hbm>>
    %dma_start3A_52 = arith.constant 0 : i32
    %dma_start3A_53 = arith.constant 0 : i32
    %dma_start3A_54 = tpu.memref_slice %arg3[%dma_start3A_47, %add3A_20, %dma_start3A_52, %dma_start3A_53] : memref<2x3125x16x128xi32, #tpu.memory_space<hbm>> -> memref<1x1x16x128xi32, #tpu.memory_space<hbm>>
    %dma_start3A_55 = tpu.memref_squeeze %dma_start3A_54 : memref<1x1x16x128xi32, #tpu.memory_space<hbm>> -> memref<16x128xi32, #tpu.memory_space<hbm>>
    tpu.enqueue_dma source(%dma_start3A_55 : memref<16x128xi32, #tpu.memory_space<hbm>>) target(%arg10 : memref<16x128xi32, #tpu.memory_space<vmem>>) target_semaphore(%arg19 : memref<!tpu.dma_semaphore, #tpu.memory_space<semaphore_mem>>)
    %dma_start3A_56 = arith.constant 0 : i32
    %dma_start3A_57 = arith.constant 0 : i32
    %dma_start3A_58 = tpu.memref_slice %arg2[%add3A_20, %dma_start3A_56, %dma_start3A_57] : memref<3125x16x128xf32, #tpu.memory_space<hbm>> -> memref<1x16x128xf32, #tpu.memory_space<hbm>>
    %dma_start3A_59 = tpu.memref_squeeze %dma_start3A_58 : memref<1x16x128xf32, #tpu.memory_space<hbm>> -> memref<16x128xf32, #tpu.memory_space<hbm>>
    %dma_start3A_60 = arith.constant 0 : i32
    %dma_start3A_61 = arith.constant 0 : i32
    %dma_start3A_62 = tpu.memref_slice %arg2[%add3A_20, %dma_start3A_60, %dma_start3A_61] : memref<3125x16x128xf32, #tpu.memory_space<hbm>> -> memref<1x16x128xf32, #tpu.memory_space<hbm>>
    %dma_start3A_63 = tpu.memref_squeeze %dma_start3A_62 : memref<1x16x128xf32, #tpu.memory_space<hbm>> -> memref<16x128xf32, #tpu.memory_space<hbm>>
    tpu.enqueue_dma source(%dma_start3A_63 : memref<16x128xf32, #tpu.memory_space<hbm>>) target(%arg11 : memref<16x128xf32, #tpu.memory_space<vmem>>) target_semaphore(%arg19 : memref<!tpu.dma_semaphore, #tpu.memory_space<semaphore_mem>>)
    %while3A = arith.constant 0 : i32
    %while3A_64 = arith.constant 0 : i32
    %while3A_65 = arith.subi %select_n3A_38, %while3A : i32
    %while3A_66 = arith.addi %while3A, %while3A_65 : i32
    %while3A_67 = arith.constant 1 : i32
    %while3A_68 = arith.divsi %while3A_65, %while3A_67 : i32
    %while3A_69 = arith.muli %while3A_68, %while3A_67 : i32
    %while3A_70 = arith.addi %while3A, %while3A_69 : i32
    %while3A_71 = arith.constant 1 : i32
    %while3A_72 = scf.for %while3A_255 = %while3A to %while3A_70 step %while3A_71 iter_args(%while3A_256 = %while3A_64) -> (i32)  : i32 {
      %mul3A_257 = arith.constant 2 : i32
      %mul3A_258 = arith.muli %mul3A_257, %while3A_255 : i32
      %add3A_259 = arith.addi %add3A_20, %mul3A_258 : i32
      %dma_wait3A_260 = arith.constant 0 : i32
      %dma_wait3A_261 = arith.constant 0 : i32
      %dma_wait3A_262 = arith.constant 0 : i32
      %dma_wait3A_263 = arith.constant 0 : i32
      %dma_wait3A_264 = tpu.memref_slice %arg3[%dma_wait3A_260, %dma_wait3A_261, %dma_wait3A_262, %dma_wait3A_263] : memref<2x3125x16x128xi32, #tpu.memory_space<hbm>> -> memref<1x1x16x128xi32, #tpu.memory_space<hbm>>
      %dma_wait3A_265 = tpu.memref_squeeze %dma_wait3A_264 : memref<1x1x16x128xi32, #tpu.memory_space<hbm>> -> memref<16x128xi32, #tpu.memory_space<hbm>>
      %dma_wait3A_266 = arith.constant 0 : i32
      %dma_wait3A_267 = arith.constant 0 : i32
      %dma_wait3A_268 = tpu.memref_slice %arg3[%dma_wait3A_260, %dma_wait3A_261, %dma_wait3A_266, %dma_wait3A_267] : memref<2x3125x16x128xi32, #tpu.memory_space<hbm>> -> memref<1x1x16x128xi32, #tpu.memory_space<hbm>>
      %dma_wait3A_269 = tpu.memref_squeeze %dma_wait3A_268 : memref<1x1x16x128xi32, #tpu.memory_space<hbm>> -> memref<16x128xi32, #tpu.memory_space<hbm>>
      tpu.wait_dma2 semaphore(%arg19 : memref<!tpu.dma_semaphore, #tpu.memory_space<semaphore_mem>>) src(%dma_wait3A_269 : memref<16x128xi32, #tpu.memory_space<hbm>>) dst(%arg9 : memref<16x128xi32, #tpu.memory_space<vmem>>)
      %dma_wait3A_270 = arith.constant 1 : i32
      %dma_wait3A_271 = arith.constant 0 : i32
      %dma_wait3A_272 = arith.constant 0 : i32
      %dma_wait3A_273 = arith.constant 0 : i32
      %dma_wait3A_274 = tpu.memref_slice %arg3[%dma_wait3A_270, %dma_wait3A_271, %dma_wait3A_272, %dma_wait3A_273] : memref<2x3125x16x128xi32, #tpu.memory_space<hbm>> -> memref<1x1x16x128xi32, #tpu.memory_space<hbm>>
      %dma_wait3A_275 = tpu.memref_squeeze %dma_wait3A_274 : memref<1x1x16x128xi32, #tpu.memory_space<hbm>> -> memref<16x128xi32, #tpu.memory_space<hbm>>
      %dma_wait3A_276 = arith.constant 0 : i32
      %dma_wait3A_277 = arith.constant 0 : i32
      %dma_wait3A_278 = tpu.memref_slice %arg3[%dma_wait3A_270, %dma_wait3A_271, %dma_wait3A_276, %dma_wait3A_277] : memref<2x3125x16x128xi32, #tpu.memory_space<hbm>> -> memref<1x1x16x128xi32, #tpu.memory_space<hbm>>
      %dma_wait3A_279 = tpu.memref_squeeze %dma_wait3A_278 : memref<1x1x16x128xi32, #tpu.memory_space<hbm>> -> memref<16x128xi32, #tpu.memory_space<hbm>>
      tpu.wait_dma2 semaphore(%arg19 : memref<!tpu.dma_semaphore, #tpu.memory_space<semaphore_mem>>) src(%dma_wait3A_279 : memref<16x128xi32, #tpu.memory_space<hbm>>) dst(%arg10 : memref<16x128xi32, #tpu.memory_space<vmem>>)
      %dma_wait3A_280 = arith.constant 0 : i32
      %dma_wait3A_281 = arith.constant 0 : i32
      %dma_wait3A_282 = arith.constant 0 : i32
      %dma_wait3A_283 = tpu.memref_slice %arg2[%dma_wait3A_280, %dma_wait3A_281, %dma_wait3A_282] : memref<3125x16x128xf32, #tpu.memory_space<hbm>> -> memref<1x16x128xf32, #tpu.memory_space<hbm>>
      %dma_wait3A_284 = tpu.memref_squeeze %dma_wait3A_283 : memref<1x16x128xf32, #tpu.memory_space<hbm>> -> memref<16x128xf32, #tpu.memory_space<hbm>>
      %dma_wait3A_285 = arith.constant 0 : i32
      %dma_wait3A_286 = arith.constant 0 : i32
      %dma_wait3A_287 = tpu.memref_slice %arg2[%dma_wait3A_280, %dma_wait3A_285, %dma_wait3A_286] : memref<3125x16x128xf32, #tpu.memory_space<hbm>> -> memref<1x16x128xf32, #tpu.memory_space<hbm>>
      %dma_wait3A_288 = tpu.memref_squeeze %dma_wait3A_287 : memref<1x16x128xf32, #tpu.memory_space<hbm>> -> memref<16x128xf32, #tpu.memory_space<hbm>>
      tpu.wait_dma2 semaphore(%arg19 : memref<!tpu.dma_semaphore, #tpu.memory_space<semaphore_mem>>) src(%dma_wait3A_288 : memref<16x128xf32, #tpu.memory_space<hbm>>) dst(%arg11 : memref<16x128xf32, #tpu.memory_space<vmem>>)
      %scan3A_289 = arith.constant 0 : i32
      %scan3A_290 = arith.constant 0 : i32
      %scan3A_291 = arith.constant 16 : i32
      %scan3A_292 = arith.addi %scan3A_290, %scan3A_291 : i32
      %scan3A_293 = arith.constant 1 : i32
      %scan3A_294 = scf.for %scan3A_853 = %scan3A_290 to %scan3A_292 step %scan3A_293 iter_args(%scan3A_854 = %scan3A_289) -> (i32)  : i32 {
        %get3A_855 = arith.index_cast %scan3A_853 : i32 to index
        %get3A_856 = arith.constant 0 : index
        %get3A_857 = tpu.vector_load %arg9[%get3A_855, %get3A_856] {strides = array<i32>} : memref<16x128xi32, #tpu.memory_space<vmem>>, vector<16xi32>,
        %get3A_858 = arith.index_cast %scan3A_853 : i32 to index
        %get3A_859 = arith.constant 0 : index
        %get3A_860 = tpu.vector_load %arg10[%get3A_858, %get3A_859] {strides = array<i32>} : memref<16x128xi32, #tpu.memory_space<vmem>>, vector<16xi32>,
        %gather3A = tpu.vector_load_idx %arg7[%get3A_857] : memref<100000xi32, #tpu.memory_space<vmem>>[vector<16xi32>], vector<16xi32>,
        %gather3A_861 = tpu.vector_load_idx %arg7[%get3A_860] : memref<100000xi32, #tpu.memory_space<vmem>>[vector<16xi32>], vector<16xi32>,
        %mul3A_862 = arith.constant 4 : i32
        %mul3A_863 = vector.broadcast %mul3A_862 : i32 to vector<16xi32>
        %mul3A_864 = arith.muli %gather3A, %mul3A_863 : vector<16xi32>
        %add3A_865 = arith.addi %mul3A_864, %gather3A_861 : vector<16xi32>
        %gather3A_866 = tpu.vector_load_idx %arg8[%add3A_865] : memref<16xf32, #tpu.memory_space<vmem>>[vector<16xi32>], vector<16xf32>,
        %get3A_867 = arith.index_cast %scan3A_853 : i32 to index
        %get3A_868 = arith.constant 0 : index
        %get3A_869 = tpu.vector_load %arg11[%get3A_867, %get3A_868] {strides = array<i32>} : memref<16x128xf32, #tpu.memory_space<vmem>>, vector<16xf32>,
        %mul3A_870 = arith.mulf %get3A_869, %gather3A_866 : vector<16xf32>
        %swap3A_871 = arith.index_cast %scan3A_853 : i32 to index
        %swap3A_872 = arith.constant 0 : index
        %swap3A_873 = tpu.vector_load %arg12[%swap3A_871, %swap3A_872] {strides = array<i32>} : memref<16x128xf32, #tpu.memory_space<vmem>>, vector<16xf32>,
        tpu.vector_store %arg12[%swap3A_871, %swap3A_872], %mul3A_870 {strides = array<i32>} : memref<16x128xf32, #tpu.memory_space<vmem>>, vector<16xf32>,
        %get3A_874 = arith.index_cast %scan3A_853 : i32 to index
        %get3A_875 = arith.constant 16 : index
        %get3A_876 = tpu.vector_load %arg9[%get3A_874, %get3A_875] {strides = array<i32>} : memref<16x128xi32, #tpu.memory_space<vmem>>, vector<16xi32>,
        %get3A_877 = arith.index_cast %scan3A_853 : i32 to index
        %get3A_878 = arith.constant 16 : index
        %get3A_879 = tpu.vector_load %arg10[%get3A_877, %get3A_878] {strides = array<i32>} : memref<16x128xi32, #tpu.memory_space<vmem>>, vector<16xi32>,
        %gather3A_880 = tpu.vector_load_idx %arg7[%get3A_876] : memref<100000xi32, #tpu.memory_space<vmem>>[vector<16xi32>], vector<16xi32>,
        %gather3A_881 = tpu.vector_load_idx %arg7[%get3A_879] : memref<100000xi32, #tpu.memory_space<vmem>>[vector<16xi32>], vector<16xi32>,
        %mul3A_882 = arith.constant 4 : i32
        %mul3A_883 = vector.broadcast %mul3A_882 : i32 to vector<16xi32>
        %mul3A_884 = arith.muli %gather3A_880, %mul3A_883 : vector<16xi32>
        %add3A_885 = arith.addi %mul3A_884, %gather3A_881 : vector<16xi32>
        %gather3A_886 = tpu.vector_load_idx %arg8[%add3A_885] : memref<16xf32, #tpu.memory_space<vmem>>[vector<16xi32>], vector<16xf32>,
        %get3A_887 = arith.index_cast %scan3A_853 : i32 to index
        %get3A_888 = arith.constant 16 : index
        %get3A_889 = tpu.vector_load %arg11[%get3A_887, %get3A_888] {strides = array<i32>} : memref<16x128xf32, #tpu.memory_space<vmem>>, vector<16xf32>,
        %mul3A_890 = arith.mulf %get3A_889, %gather3A_886 : vector<16xf32>
        %swap3A_891 = arith.index_cast %scan3A_853 : i32 to index
        %swap3A_892 = arith.constant 16 : index
        %swap3A_893 = tpu.vector_load %arg12[%swap3A_891, %swap3A_892] {strides = array<i32>} : memref<16x128xf32, #tpu.memory_space<vmem>>, vector<16xf32>,
        tpu.vector_store %arg12[%swap3A_891, %swap3A_892], %mul3A_890 {strides = array<i32>} : memref<16x128xf32, #tpu.memory_space<vmem>>, vector<16xf32>,
        %get3A_894 = arith.index_cast %scan3A_853 : i32 to index
        %get3A_895 = arith.constant 32 : index
        %get3A_896 = tpu.vector_load %arg9[%get3A_894, %get3A_895] {strides = array<i32>} : memref<16x128xi32, #tpu.memory_space<vmem>>, vector<16xi32>,
        %get3A_897 = arith.index_cast %scan3A_853 : i32 to index
        %get3A_898 = arith.constant 32 : index
        %get3A_899 = tpu.vector_load %arg10[%get3A_897, %get3A_898] {strides = array<i32>} : memref<16x128xi32, #tpu.memory_space<vmem>>, vector<16xi32>,
        %gather3A_900 = tpu.vector_load_idx %arg7[%get3A_896] : memref<100000xi32, #tpu.memory_space<vmem>>[vector<16xi32>], vector<16xi32>,
        %gather3A_901 = tpu.vector_load_idx %arg7[%get3A_899] : memref<100000xi32, #tpu.memory_space<vmem>>[vector<16xi32>], vector<16xi32>,
        %mul3A_902 = arith.constant 4 : i32
        %mul3A_903 = vector.broadcast %mul3A_902 : i32 to vector<16xi32>
        %mul3A_904 = arith.muli %gather3A_900, %mul3A_903 : vector<16xi32>
        %add3A_905 = arith.addi %mul3A_904, %gather3A_901 : vector<16xi32>
        %gather3A_906 = tpu.vector_load_idx %arg8[%add3A_905] : memref<16xf32, #tpu.memory_space<vmem>>[vector<16xi32>], vector<16xf32>,
        %get3A_907 = arith.index_cast %scan3A_853 : i32 to index
        %get3A_908 = arith.constant 32 : index
        %get3A_909 = tpu.vector_load %arg11[%get3A_907, %get3A_908] {strides = array<i32>} : memref<16x128xf32, #tpu.memory_space<vmem>>, vector<16xf32>,
        %mul3A_910 = arith.mulf %get3A_909, %gather3A_906 : vector<16xf32>
        %swap3A_911 = arith.index_cast %scan3A_853 : i32 to index
        %swap3A_912 = arith.constant 32 : index
        %swap3A_913 = tpu.vector_load %arg12[%swap3A_911, %swap3A_912] {strides = array<i32>} : memref<16x128xf32, #tpu.memory_space<vmem>>, vector<16xf32>,
        tpu.vector_store %arg12[%swap3A_911, %swap3A_912], %mul3A_910 {strides = array<i32>} : memref<16x128xf32, #tpu.memory_space<vmem>>, vector<16xf32>,
        %get3A_914 = arith.index_cast %scan3A_853 : i32 to index
        %get3A_915 = arith.constant 48 : index
        %get3A_916 = tpu.vector_load %arg9[%get3A_914, %get3A_915] {strides = array<i32>} : memref<16x128xi32, #tpu.memory_space<vmem>>, vector<16xi32>,
        %get3A_917 = arith.index_cast %scan3A_853 : i32 to index
        %get3A_918 = arith.constant 48 : index
        %get3A_919 = tpu.vector_load %arg10[%get3A_917, %get3A_918] {strides = array<i32>} : memref<16x128xi32, #tpu.memory_space<vmem>>, vector<16xi32>,
        %gather3A_920 = tpu.vector_load_idx %arg7[%get3A_916] : memref<100000xi32, #tpu.memory_space<vmem>>[vector<16xi32>], vector<16xi32>,
        %gather3A_921 = tpu.vector_load_idx %arg7[%get3A_919] : memref<100000xi32, #tpu.memory_space<vmem>>[vector<16xi32>], vector<16xi32>,
        %mul3A_922 = arith.constant 4 : i32
        %mul3A_923 = vector.broadcast %mul3A_922 : i32 to vector<16xi32>
        %mul3A_924 = arith.muli %gather3A_920, %mul3A_923 : vector<16xi32>
        %add3A_925 = arith.addi %mul3A_924, %gather3A_921 : vector<16xi32>
        %gather3A_926 = tpu.vector_load_idx %arg8[%add3A_925] : memref<16xf32, #tpu.memory_space<vmem>>[vector<16xi32>], vector<16xf32>,
        %get3A_927 = arith.index_cast %scan3A_853 : i32 to index
        %get3A_928 = arith.constant 48 : index
        %get3A_929 = tpu.vector_load %arg11[%get3A_927, %get3A_928] {strides = array<i32>} : memref<16x128xf32, #tpu.memory_space<vmem>>, vector<16xf32>,
        %mul3A_930 = arith.mulf %get3A_929, %gather3A_926 : vector<16xf32>
        %swap3A_931 = arith.index_cast %scan3A_853 : i32 to index
        %swap3A_932 = arith.constant 48 : index
        %swap3A_933 = tpu.vector_load %arg12[%swap3A_931, %swap3A_932] {strides = array<i32>} : memref<16x128xf32, #tpu.memory_space<vmem>>, vector<16xf32>,
        tpu.vector_store %arg12[%swap3A_931, %swap3A_932], %mul3A_930 {strides = array<i32>} : memref<16x128xf32, #tpu.memory_space<vmem>>, vector<16xf32>,
        %get3A_934 = arith.index_cast %scan3A_853 : i32 to index
        %get3A_935 = arith.constant 64 : index
        %get3A_936 = tpu.vector_load %arg9[%get3A_934, %get3A_935] {strides = array<i32>} : memref<16x128xi32, #tpu.memory_space<vmem>>, vector<16xi32>,
        %get3A_937 = arith.index_cast %scan3A_853 : i32 to index
        %get3A_938 = arith.constant 64 : index
        %get3A_939 = tpu.vector_load %arg10[%get3A_937, %get3A_938] {strides = array<i32>} : memref<16x128xi32, #tpu.memory_space<vmem>>, vector<16xi32>,
        %gather3A_940 = tpu.vector_load_idx %arg7[%get3A_936] : memref<100000xi32, #tpu.memory_space<vmem>>[vector<16xi32>], vector<16xi32>,
        %gather3A_941 = tpu.vector_load_idx %arg7[%get3A_939] : memref<100000xi32, #tpu.memory_space<vmem>>[vector<16xi32>], vector<16xi32>,
        %mul3A_942 = arith.constant 4 : i32
        %mul3A_943 = vector.broadcast %mul3A_942 : i32 to vector<16xi32>
        %mul3A_944 = arith.muli %gather3A_940, %mul3A_943 : vector<16xi32>
        %add3A_945 = arith.addi %mul3A_944, %gather3A_941 : vector<16xi32>
        %gather3A_946 = tpu.vector_load_idx %arg8[%add3A_945] : memref<16xf32, #tpu.memory_space<vmem>>[vector<16xi32>], vector<16xf32>,
        %get3A_947 = arith.index_cast %scan3A_853 : i32 to index
        %get3A_948 = arith.constant 64 : index
        %get3A_949 = tpu.vector_load %arg11[%get3A_947, %get3A_948] {strides = array<i32>} : memref<16x128xf32, #tpu.memory_space<vmem>>, vector<16xf32>,
        %mul3A_950 = arith.mulf %get3A_949, %gather3A_946 : vector<16xf32>
        %swap3A_951 = arith.index_cast %scan3A_853 : i32 to index
        %swap3A_952 = arith.constant 64 : index
        %swap3A_953 = tpu.vector_load %arg12[%swap3A_951, %swap3A_952] {strides = array<i32>} : memref<16x128xf32, #tpu.memory_space<vmem>>, vector<16xf32>,
        tpu.vector_store %arg12[%swap3A_951, %swap3A_952], %mul3A_950 {strides = array<i32>} : memref<16x128xf32, #tpu.memory_space<vmem>>, vector<16xf32>,
        %get3A_954 = arith.index_cast %scan3A_853 : i32 to index
        %get3A_955 = arith.constant 80 : index
        %get3A_956 = tpu.vector_load %arg9[%get3A_954, %get3A_955] {strides = array<i32>} : memref<16x128xi32, #tpu.memory_space<vmem>>, vector<16xi32>,
        %get3A_957 = arith.index_cast %scan3A_853 : i32 to index
        %get3A_958 = arith.constant 80 : index
        %get3A_959 = tpu.vector_load %arg10[%get3A_957, %get3A_958] {strides = array<i32>} : memref<16x128xi32, #tpu.memory_space<vmem>>, vector<16xi32>,
        %gather3A_960 = tpu.vector_load_idx %arg7[%get3A_956] : memref<100000xi32, #tpu.memory_space<vmem>>[vector<16xi32>], vector<16xi32>,
        %gather3A_961 = tpu.vector_load_idx %arg7[%get3A_959] : memref<100000xi32, #tpu.memory_space<vmem>>[vector<16xi32>], vector<16xi32>,
        %mul3A_962 = arith.constant 4 : i32
        %mul3A_963 = vector.broadcast %mul3A_962 : i32 to vector<16xi32>
        %mul3A_964 = arith.muli %gather3A_960, %mul3A_963 : vector<16xi32>
        %add3A_965 = arith.addi %mul3A_964, %gather3A_961 : vector<16xi32>
        %gather3A_966 = tpu.vector_load_idx %arg8[%add3A_965] : memref<16xf32, #tpu.memory_space<vmem>>[vector<16xi32>], vector<16xf32>,
        %get3A_967 = arith.index_cast %scan3A_853 : i32 to index
        %get3A_968 = arith.constant 80 : index
        %get3A_969 = tpu.vector_load %arg11[%get3A_967, %get3A_968] {strides = array<i32>} : memref<16x128xf32, #tpu.memory_space<vmem>>, vector<16xf32>,
        %mul3A_970 = arith.mulf %get3A_969, %gather3A_966 : vector<16xf32>
        %swap3A_971 = arith.index_cast %scan3A_853 : i32 to index
        %swap3A_972 = arith.constant 80 : index
        %swap3A_973 = tpu.vector_load %arg12[%swap3A_971, %swap3A_972] {strides = array<i32>} : memref<16x128xf32, #tpu.memory_space<vmem>>, vector<16xf32>,
        tpu.vector_store %arg12[%swap3A_971, %swap3A_972], %mul3A_970 {strides = array<i32>} : memref<16x128xf32, #tpu.memory_space<vmem>>, vector<16xf32>,
        %get3A_974 = arith.index_cast %scan3A_853 : i32 to index
        %get3A_975 = arith.constant 96 : index
        %get3A_976 = tpu.vector_load %arg9[%get3A_974, %get3A_975] {strides = array<i32>} : memref<16x128xi32, #tpu.memory_space<vmem>>, vector<16xi32>,
        %get3A_977 = arith.index_cast %scan3A_853 : i32 to index
        %get3A_978 = arith.constant 96 : index
        %get3A_979 = tpu.vector_load %arg10[%get3A_977, %get3A_978] {strides = array<i32>} : memref<16x128xi32, #tpu.memory_space<vmem>>, vector<16xi32>,
        %gather3A_980 = tpu.vector_load_idx %arg7[%get3A_976] : memref<100000xi32, #tpu.memory_space<vmem>>[vector<16xi32>], vector<16xi32>,
        %gather3A_981 = tpu.vector_load_idx %arg7[%get3A_979] : memref<100000xi32, #tpu.memory_space<vmem>>[vector<16xi32>], vector<16xi32>,
        %mul3A_982 = arith.constant 4 : i32
        %mul3A_983 = vector.broadcast %mul3A_982 : i32 to vector<16xi32>
        %mul3A_984 = arith.muli %gather3A_980, %mul3A_983 : vector<16xi32>
        %add3A_985 = arith.addi %mul3A_984, %gather3A_981 : vector<16xi32>
        %gather3A_986 = tpu.vector_load_idx %arg8[%add3A_985] : memref<16xf32, #tpu.memory_space<vmem>>[vector<16xi32>], vector<16xf32>,
        %get3A_987 = arith.index_cast %scan3A_853 : i32 to index
        %get3A_988 = arith.constant 96 : index
        %get3A_989 = tpu.vector_load %arg11[%get3A_987, %get3A_988] {strides = array<i32>} : memref<16x128xf32, #tpu.memory_space<vmem>>, vector<16xf32>,
        %mul3A_990 = arith.mulf %get3A_989, %gather3A_986 : vector<16xf32>
        %swap3A_991 = arith.index_cast %scan3A_853 : i32 to index
        %swap3A_992 = arith.constant 96 : index
        %swap3A_993 = tpu.vector_load %arg12[%swap3A_991, %swap3A_992] {strides = array<i32>} : memref<16x128xf32, #tpu.memory_space<vmem>>, vector<16xf32>,
        tpu.vector_store %arg12[%swap3A_991, %swap3A_992], %mul3A_990 {strides = array<i32>} : memref<16x128xf32, #tpu.memory_space<vmem>>, vector<16xf32>,
        %get3A_994 = arith.index_cast %scan3A_853 : i32 to index
        %get3A_995 = arith.constant 112 : index
        %get3A_996 = tpu.vector_load %arg9[%get3A_994, %get3A_995] {strides = array<i32>} : memref<16x128xi32, #tpu.memory_space<vmem>>, vector<16xi32>,
        %get3A_997 = arith.index_cast %scan3A_853 : i32 to index
        %get3A_998 = arith.constant 112 : index
        %get3A_999 = tpu.vector_load %arg10[%get3A_997, %get3A_998] {strides = array<i32>} : memref<16x128xi32, #tpu.memory_space<vmem>>, vector<16xi32>,
        %gather3A_1000 = tpu.vector_load_idx %arg7[%get3A_996] : memref<100000xi32, #tpu.memory_space<vmem>>[vector<16xi32>], vector<16xi32>,
        %gather3A_1001 = tpu.vector_load_idx %arg7[%get3A_999] : memref<100000xi32, #tpu.memory_space<vmem>>[vector<16xi32>], vector<16xi32>,
        %mul3A_1002 = arith.constant 4 : i32
        %mul3A_1003 = vector.broadcast %mul3A_1002 : i32 to vector<16xi32>
        %mul3A_1004 = arith.muli %gather3A_1000, %mul3A_1003 : vector<16xi32>
        %add3A_1005 = arith.addi %mul3A_1004, %gather3A_1001 : vector<16xi32>
        %gather3A_1006 = tpu.vector_load_idx %arg8[%add3A_1005] : memref<16xf32, #tpu.memory_space<vmem>>[vector<16xi32>], vector<16xf32>,
        %get3A_1007 = arith.index_cast %scan3A_853 : i32 to index
        %get3A_1008 = arith.constant 112 : index
        %get3A_1009 = tpu.vector_load %arg11[%get3A_1007, %get3A_1008] {strides = array<i32>} : memref<16x128xf32, #tpu.memory_space<vmem>>, vector<16xf32>,
        %mul3A_1010 = arith.mulf %get3A_1009, %gather3A_1006 : vector<16xf32>
        %swap3A_1011 = arith.index_cast %scan3A_853 : i32 to index
        %swap3A_1012 = arith.constant 112 : index
        %swap3A_1013 = tpu.vector_load %arg12[%swap3A_1011, %swap3A_1012] {strides = array<i32>} : memref<16x128xf32, #tpu.memory_space<vmem>>, vector<16xf32>,
        tpu.vector_store %arg12[%swap3A_1011, %swap3A_1012], %mul3A_1010 {strides = array<i32>} : memref<16x128xf32, #tpu.memory_space<vmem>>, vector<16xf32>,
        %scan3A_1014 = arith.constant 0 : i32
        scf.yield %scan3A_1014 : i32
      }
      %scan3A_295 = arith.constant 16 : i32
      %dma_start3A_296 = arith.constant 0 : i32
      %dma_start3A_297 = arith.constant 0 : i32
      %dma_start3A_298 = arith.constant 0 : i32
      %dma_start3A_299 = tpu.memref_slice %arg12[%dma_start3A_296, %dma_start3A_298] : memref<16x128xf32, #tpu.memory_space<vmem>> -> memref<1x128xf32, #tpu.memory_space<vmem>>
      %dma_start3A_300 = tpu.memref_squeeze %dma_start3A_299 : memref<1x128xf32, #tpu.memory_space<vmem>> -> memref<128xf32, #tpu.memory_space<vmem>>
      %dma_start3A_301 = arith.constant 0 : i32
      %dma_start3A_302 = tpu.memref_slice %arg9[%dma_start3A_297, %dma_start3A_301] : memref<16x128xi32, #tpu.memory_space<vmem>> -> memref<1x128xi32, #tpu.memory_space<vmem>>
      %dma_start3A_303 = tpu.memref_squeeze %dma_start3A_302 : memref<1x128xi32, #tpu.memory_space<vmem>> -> memref<128xi32, #tpu.memory_space<vmem>>
      %dma_start3A_304 = arith.constant 0 : i32
      %dma_start3A_305 = tpu.memref_slice %arg18[%dma_start3A_304] : memref<102400xf32, #tpu.memory_space<vmem_shared>> -> memref<102400xf32, #tpu.memory_space<vmem_shared>>
      tpu.enqueue_indirect_dma source(%dma_start3A_300 : memref<128xf32, #tpu.memory_space<vmem>>) target(%dma_start3A_305 : memref<102400xf32, #tpu.memory_space<vmem_shared>>) offsets(%dma_start3A_303 : memref<128xi32, #tpu.memory_space<vmem>>) semaphore(%arg21 : memref<!tpu.dma_semaphore, #tpu.memory_space<semaphore_mem>>) {add = true}
      %dma_start3A_306 = arith.constant 1 : i32
      %dma_start3A_307 = arith.constant 1 : i32
      %dma_start3A_308 = arith.constant 0 : i32
      %dma_start3A_309 = tpu.memref_slice %arg12[%dma_start3A_306, %dma_start3A_308] : memref<16x128xf32, #tpu.memory_space<vmem>> -> memref<1x128xf32, #tpu.memory_space<vmem>>
      %dma_start3A_310 = tpu.memref_squeeze %dma_start3A_309 : memref<1x128xf32, #tpu.memory_space<vmem>> -> memref<128xf32, #tpu.memory_space<vmem>>
      %dma_start3A_311 = arith.constant 0 : i32
      %dma_start3A_312 = tpu.memref_slice %arg9[%dma_start3A_307, %dma_start3A_311] : memref<16x128xi32, #tpu.memory_space<vmem>> -> memref<1x128xi32, #tpu.memory_space<vmem>>
      %dma_start3A_313 = tpu.memref_squeeze %dma_start3A_312 : memref<1x128xi32, #tpu.memory_space<vmem>> -> memref<128xi32, #tpu.memory_space<vmem>>
      %dma_start3A_314 = arith.constant 0 : i32
      %dma_start3A_315 = tpu.memref_slice %arg18[%dma_start3A_314] : memref<102400xf32, #tpu.memory_space<vmem_shared>> -> memref<102400xf32, #tpu.memory_space<vmem_shared>>
      tpu.enqueue_indirect_dma source(%dma_start3A_310 : memref<128xf32, #tpu.memory_space<vmem>>) target(%dma_start3A_315 : memref<102400xf32, #tpu.memory_space<vmem_shared>>) offsets(%dma_start3A_313 : memref<128xi32, #tpu.memory_space<vmem>>) semaphore(%arg21 : memref<!tpu.dma_semaphore, #tpu.memory_space<semaphore_mem>>) {add = true}
      %dma_start3A_316 = arith.constant 2 : i32
      %dma_start3A_317 = arith.constant 2 : i32
      %dma_start3A_318 = arith.constant 0 : i32
      %dma_start3A_319 = tpu.memref_slice %arg12[%dma_start3A_316, %dma_start3A_318] : memref<16x128xf32, #tpu.memory_space<vmem>> -> memref<1x128xf32, #tpu.memory_space<vmem>>
      %dma_start3A_320 = tpu.memref_squeeze %dma_start3A_319 : memref<1x128xf32, #tpu.memory_space<vmem>> -> memref<128xf32, #tpu.memory_space<vmem>>
      %dma_start3A_321 = arith.constant 0 : i32
      %dma_start3A_322 = tpu.memref_slice %arg9[%dma_start3A_317, %dma_start3A_321] : memref<16x128xi32, #tpu.memory_space<vmem>> -> memref<1x128xi32, #tpu.memory_space<vmem>>
      %dma_start3A_323 = tpu.memref_squeeze %dma_start3A_322 : memref<1x128xi32, #tpu.memory_space<vmem>> -> memref<128xi32, #tpu.memory_space<vmem>>
      %dma_start3A_324 = arith.constant 0 : i32
      %dma_start3A_325 = tpu.memref_slice %arg18[%dma_start3A_324] : memref<102400xf32, #tpu.memory_space<vmem_shared>> -> memref<102400xf32, #tpu.memory_space<vmem_shared>>
      tpu.enqueue_indirect_dma source(%dma_start3A_320 : memref<128xf32, #tpu.memory_space<vmem>>) target(%dma_start3A_325 : memref<102400xf32, #tpu.memory_space<vmem_shared>>) offsets(%dma_start3A_323 : memref<128xi32, #tpu.memory_space<vmem>>) semaphore(%arg21 : memref<!tpu.dma_semaphore, #tpu.memory_space<semaphore_mem>>) {add = true}
      %dma_start3A_326 = arith.constant 3 : i32
      %dma_start3A_327 = arith.constant 3 : i32
      %dma_start3A_328 = arith.constant 0 : i32
      %dma_start3A_329 = tpu.memref_slice %arg12[%dma_start3A_326, %dma_start3A_328] : memref<16x128xf32, #tpu.memory_space<vmem>> -> memref<1x128xf32, #tpu.memory_space<vmem>>
      %dma_start3A_330 = tpu.memref_squeeze %dma_start3A_329 : memref<1x128xf32, #tpu.memory_space<vmem>> -> memref<128xf32, #tpu.memory_space<vmem>>
      %dma_start3A_331 = arith.constant 0 : i32
      %dma_start3A_332 = tpu.memref_slice %arg9[%dma_start3A_327, %dma_start3A_331] : memref<16x128xi32, #tpu.memory_space<vmem>> -> memref<1x128xi32, #tpu.memory_space<vmem>>
      %dma_start3A_333 = tpu.memref_squeeze %dma_start3A_332 : memref<1x128xi32, #tpu.memory_space<vmem>> -> memref<128xi32, #tpu.memory_space<vmem>>
      %dma_start3A_334 = arith.constant 0 : i32
      %dma_start3A_335 = tpu.memref_slice %arg18[%dma_start3A_334] : memref<102400xf32, #tpu.memory_space<vmem_shared>> -> memref<102400xf32, #tpu.memory_space<vmem_shared>>
      tpu.enqueue_indirect_dma source(%dma_start3A_330 : memref<128xf32, #tpu.memory_space<vmem>>) target(%dma_start3A_335 : memref<102400xf32, #tpu.memory_space<vmem_shared>>) offsets(%dma_start3A_333 : memref<128xi32, #tpu.memory_space<vmem>>) semaphore(%arg21 : memref<!tpu.dma_semaphore, #tpu.memory_space<semaphore_mem>>) {add = true}
      %dma_start3A_336 = arith.constant 4 : i32
      %dma_start3A_337 = arith.constant 4 : i32
      %dma_start3A_338 = arith.constant 0 : i32
      %dma_start3A_339 = tpu.memref_slice %arg12[%dma_start3A_336, %dma_start3A_338] : memref<16x128xf32, #tpu.memory_space<vmem>> -> memref<1x128xf32, #tpu.memory_space<vmem>>
      %dma_start3A_340 = tpu.memref_squeeze %dma_start3A_339 : memref<1x128xf32, #tpu.memory_space<vmem>> -> memref<128xf32, #tpu.memory_space<vmem>>
      %dma_start3A_341 = arith.constant 0 : i32
      %dma_start3A_342 = tpu.memref_slice %arg9[%dma_start3A_337, %dma_start3A_341] : memref<16x128xi32, #tpu.memory_space<vmem>> -> memref<1x128xi32, #tpu.memory_space<vmem>>
      %dma_start3A_343 = tpu.memref_squeeze %dma_start3A_342 : memref<1x128xi32, #tpu.memory_space<vmem>> -> memref<128xi32, #tpu.memory_space<vmem>>
      %dma_start3A_344 = arith.constant 0 : i32
      %dma_start3A_345 = tpu.memref_slice %arg18[%dma_start3A_344] : memref<102400xf32, #tpu.memory_space<vmem_shared>> -> memref<102400xf32, #tpu.memory_space<vmem_shared>>
      tpu.enqueue_indirect_dma source(%dma_start3A_340 : memref<128xf32, #tpu.memory_space<vmem>>) target(%dma_start3A_345 : memref<102400xf32, #tpu.memory_space<vmem_shared>>) offsets(%dma_start3A_343 : memref<128xi32, #tpu.memory_space<vmem>>) semaphore(%arg21 : memref<!tpu.dma_semaphore, #tpu.memory_space<semaphore_mem>>) {add = true}
      %dma_start3A_346 = arith.constant 5 : i32
      %dma_start3A_347 = arith.constant 5 : i32
      %dma_start3A_348 = arith.constant 0 : i32
      %dma_start3A_349 = tpu.memref_slice %arg12[%dma_start3A_346, %dma_start3A_348] : memref<16x128xf32, #tpu.memory_space<vmem>> -> memref<1x128xf32, #tpu.memory_space<vmem>>
      %dma_start3A_350 = tpu.memref_squeeze %dma_start3A_349 : memref<1x128xf32, #tpu.memory_space<vmem>> -> memref<128xf32, #tpu.memory_space<vmem>>
      %dma_start3A_351 = arith.constant 0 : i32
      %dma_start3A_352 = tpu.memref_slice %arg9[%dma_start3A_347, %dma_start3A_351] : memref<16x128xi32, #tpu.memory_space<vmem>> -> memref<1x128xi32, #tpu.memory_space<vmem>>
      %dma_start3A_353 = tpu.memref_squeeze %dma_start3A_352 : memref<1x128xi32, #tpu.memory_space<vmem>> -> memref<128xi32, #tpu.memory_space<vmem>>
      %dma_start3A_354 = arith.constant 0 : i32
      %dma_start3A_355 = tpu.memref_slice %arg18[%dma_start3A_354] : memref<102400xf32, #tpu.memory_space<vmem_shared>> -> memref<102400xf32, #tpu.memory_space<vmem_shared>>
      tpu.enqueue_indirect_dma source(%dma_start3A_350 : memref<128xf32, #tpu.memory_space<vmem>>) target(%dma_start3A_355 : memref<102400xf32, #tpu.memory_space<vmem_shared>>) offsets(%dma_start3A_353 : memref<128xi32, #tpu.memory_space<vmem>>) semaphore(%arg21 : memref<!tpu.dma_semaphore, #tpu.memory_space<semaphore_mem>>) {add = true}
      %dma_start3A_356 = arith.constant 6 : i32
      %dma_start3A_357 = arith.constant 6 : i32
      %dma_start3A_358 = arith.constant 0 : i32
      %dma_start3A_359 = tpu.memref_slice %arg12[%dma_start3A_356, %dma_start3A_358] : memref<16x128xf32, #tpu.memory_space<vmem>> -> memref<1x128xf32, #tpu.memory_space<vmem>>
      %dma_start3A_360 = tpu.memref_squeeze %dma_start3A_359 : memref<1x128xf32, #tpu.memory_space<vmem>> -> memref<128xf32, #tpu.memory_space<vmem>>
      %dma_start3A_361 = arith.constant 0 : i32
      %dma_start3A_362 = tpu.memref_slice %arg9[%dma_start3A_357, %dma_start3A_361] : memref<16x128xi32, #tpu.memory_space<vmem>> -> memref<1x128xi32, #tpu.memory_space<vmem>>
      %dma_start3A_363 = tpu.memref_squeeze %dma_start3A_362 : memref<1x128xi32, #tpu.memory_space<vmem>> -> memref<128xi32, #tpu.memory_space<vmem>>
      %dma_start3A_364 = arith.constant 0 : i32
      %dma_start3A_365 = tpu.memref_slice %arg18[%dma_start3A_364] : memref<102400xf32, #tpu.memory_space<vmem_shared>> -> memref<102400xf32, #tpu.memory_space<vmem_shared>>
      tpu.enqueue_indirect_dma source(%dma_start3A_360 : memref<128xf32, #tpu.memory_space<vmem>>) target(%dma_start3A_365 : memref<102400xf32, #tpu.memory_space<vmem_shared>>) offsets(%dma_start3A_363 : memref<128xi32, #tpu.memory_space<vmem>>) semaphore(%arg21 : memref<!tpu.dma_semaphore, #tpu.memory_space<semaphore_mem>>) {add = true}
      %dma_start3A_366 = arith.constant 7 : i32
      %dma_start3A_367 = arith.constant 7 : i32
      %dma_start3A_368 = arith.constant 0 : i32
      %dma_start3A_369 = tpu.memref_slice %arg12[%dma_start3A_366, %dma_start3A_368] : memref<16x128xf32, #tpu.memory_space<vmem>> -> memref<1x128xf32, #tpu.memory_space<vmem>>
      %dma_start3A_370 = tpu.memref_squeeze %dma_start3A_369 : memref<1x128xf32, #tpu.memory_space<vmem>> -> memref<128xf32, #tpu.memory_space<vmem>>
      %dma_start3A_371 = arith.constant 0 : i32
      %dma_start3A_372 = tpu.memref_slice %arg9[%dma_start3A_367, %dma_start3A_371] : memref<16x128xi32, #tpu.memory_space<vmem>> -> memref<1x128xi32, #tpu.memory_space<vmem>>
      %dma_start3A_373 = tpu.memref_squeeze %dma_start3A_372 : memref<1x128xi32, #tpu.memory_space<vmem>> -> memref<128xi32, #tpu.memory_space<vmem>>
      %dma_start3A_374 = arith.constant 0 : i32
      %dma_start3A_375 = tpu.memref_slice %arg18[%dma_start3A_374] : memref<102400xf32, #tpu.memory_space<vmem_shared>> -> memref<102400xf32, #tpu.memory_space<vmem_shared>>
      tpu.enqueue_indirect_dma source(%dma_start3A_370 : memref<128xf32, #tpu.memory_space<vmem>>) target(%dma_start3A_375 : memref<102400xf32, #tpu.memory_space<vmem_shared>>) offsets(%dma_start3A_373 : memref<128xi32, #tpu.memory_space<vmem>>) semaphore(%arg21 : memref<!tpu.dma_semaphore, #tpu.memory_space<semaphore_mem>>) {add = true}
      %dma_start3A_376 = arith.constant 8 : i32
      %dma_start3A_377 = arith.constant 8 : i32
      %dma_start3A_378 = arith.constant 0 : i32
      %dma_start3A_379 = tpu.memref_slice %arg12[%dma_start3A_376, %dma_start3A_378] : memref<16x128xf32, #tpu.memory_space<vmem>> -> memref<1x128xf32, #tpu.memory_space<vmem>>
      %dma_start3A_380 = tpu.memref_squeeze %dma_start3A_379 : memref<1x128xf32, #tpu.memory_space<vmem>> -> memref<128xf32, #tpu.memory_space<vmem>>
      %dma_start3A_381 = arith.constant 0 : i32
      %dma_start3A_382 = tpu.memref_slice %arg9[%dma_start3A_377, %dma_start3A_381] : memref<16x128xi32, #tpu.memory_space<vmem>> -> memref<1x128xi32, #tpu.memory_space<vmem>>
      %dma_start3A_383 = tpu.memref_squeeze %dma_start3A_382 : memref<1x128xi32, #tpu.memory_space<vmem>> -> memref<128xi32, #tpu.memory_space<vmem>>
      %dma_start3A_384 = arith.constant 0 : i32
      %dma_start3A_385 = tpu.memref_slice %arg18[%dma_start3A_384] : memref<102400xf32, #tpu.memory_space<vmem_shared>> -> memref<102400xf32, #tpu.memory_space<vmem_shared>>
      tpu.enqueue_indirect_dma source(%dma_start3A_380 : memref<128xf32, #tpu.memory_space<vmem>>) target(%dma_start3A_385 : memref<102400xf32, #tpu.memory_space<vmem_shared>>) offsets(%dma_start3A_383 : memref<128xi32, #tpu.memory_space<vmem>>) semaphore(%arg21 : memref<!tpu.dma_semaphore, #tpu.memory_space<semaphore_mem>>) {add = true}
      %dma_start3A_386 = arith.constant 9 : i32
      %dma_start3A_387 = arith.constant 9 : i32
      %dma_start3A_388 = arith.constant 0 : i32
      %dma_start3A_389 = tpu.memref_slice %arg12[%dma_start3A_386, %dma_start3A_388] : memref<16x128xf32, #tpu.memory_space<vmem>> -> memref<1x128xf32, #tpu.memory_space<vmem>>
      %dma_start3A_390 = tpu.memref_squeeze %dma_start3A_389 : memref<1x128xf32, #tpu.memory_space<vmem>> -> memref<128xf32, #tpu.memory_space<vmem>>
      %dma_start3A_391 = arith.constant 0 : i32
      %dma_start3A_392 = tpu.memref_slice %arg9[%dma_start3A_387, %dma_start3A_391] : memref<16x128xi32, #tpu.memory_space<vmem>> -> memref<1x128xi32, #tpu.memory_space<vmem>>
      %dma_start3A_393 = tpu.memref_squeeze %dma_start3A_392 : memref<1x128xi32, #tpu.memory_space<vmem>> -> memref<128xi32, #tpu.memory_space<vmem>>
      %dma_start3A_394 = arith.constant 0 : i32
      %dma_start3A_395 = tpu.memref_slice %arg18[%dma_start3A_394] : memref<102400xf32, #tpu.memory_space<vmem_shared>> -> memref<102400xf32, #tpu.memory_space<vmem_shared>>
      tpu.enqueue_indirect_dma source(%dma_start3A_390 : memref<128xf32, #tpu.memory_space<vmem>>) target(%dma_start3A_395 : memref<102400xf32, #tpu.memory_space<vmem_shared>>) offsets(%dma_start3A_393 : memref<128xi32, #tpu.memory_space<vmem>>) semaphore(%arg21 : memref<!tpu.dma_semaphore, #tpu.memory_space<semaphore_mem>>) {add = true}
      %dma_start3A_396 = arith.constant 10 : i32
      %dma_start3A_397 = arith.constant 10 : i32
      %dma_start3A_398 = arith.constant 0 : i32
      %dma_start3A_399 = tpu.memref_slice %arg12[%dma_start3A_396, %dma_start3A_398] : memref<16x128xf32, #tpu.memory_space<vmem>> -> memref<1x128xf32, #tpu.memory_space<vmem>>
      %dma_start3A_400 = tpu.memref_squeeze %dma_start3A_399 : memref<1x128xf32, #tpu.memory_space<vmem>> -> memref<128xf32, #tpu.memory_space<vmem>>
      %dma_start3A_401 = arith.constant 0 : i32
      %dma_start3A_402 = tpu.memref_slice %arg9[%dma_start3A_397, %dma_start3A_401] : memref<16x128xi32, #tpu.memory_space<vmem>> -> memref<1x128xi32, #tpu.memory_space<vmem>>
      %dma_start3A_403 = tpu.memref_squeeze %dma_start3A_402 : memref<1x128xi32, #tpu.memory_space<vmem>> -> memref<128xi32, #tpu.memory_space<vmem>>
      %dma_start3A_404 = arith.constant 0 : i32
      %dma_start3A_405 = tpu.memref_slice %arg18[%dma_start3A_404] : memref<102400xf32, #tpu.memory_space<vmem_shared>> -> memref<102400xf32, #tpu.memory_space<vmem_shared>>
      tpu.enqueue_indirect_dma source(%dma_start3A_400 : memref<128xf32, #tpu.memory_space<vmem>>) target(%dma_start3A_405 : memref<102400xf32, #tpu.memory_space<vmem_shared>>) offsets(%dma_start3A_403 : memref<128xi32, #tpu.memory_space<vmem>>) semaphore(%arg21 : memref<!tpu.dma_semaphore, #tpu.memory_space<semaphore_mem>>) {add = true}
      %dma_start3A_406 = arith.constant 11 : i32
      %dma_start3A_407 = arith.constant 11 : i32
      %dma_start3A_408 = arith.constant 0 : i32
      %dma_start3A_409 = tpu.memref_slice %arg12[%dma_start3A_406, %dma_start3A_408] : memref<16x128xf32, #tpu.memory_space<vmem>> -> memref<1x128xf32, #tpu.memory_space<vmem>>
      %dma_start3A_410 = tpu.memref_squeeze %dma_start3A_409 : memref<1x128xf32, #tpu.memory_space<vmem>> -> memref<128xf32, #tpu.memory_space<vmem>>
      %dma_start3A_411 = arith.constant 0 : i32
      %dma_start3A_412 = tpu.memref_slice %arg9[%dma_start3A_407, %dma_start3A_411] : memref<16x128xi32, #tpu.memory_space<vmem>> -> memref<1x128xi32, #tpu.memory_space<vmem>>
      %dma_start3A_413 = tpu.memref_squeeze %dma_start3A_412 : memref<1x128xi32, #tpu.memory_space<vmem>> -> memref<128xi32, #tpu.memory_space<vmem>>
      %dma_start3A_414 = arith.constant 0 : i32
      %dma_start3A_415 = tpu.memref_slice %arg18[%dma_start3A_414] : memref<102400xf32, #tpu.memory_space<vmem_shared>> -> memref<102400xf32, #tpu.memory_space<vmem_shared>>
      tpu.enqueue_indirect_dma source(%dma_start3A_410 : memref<128xf32, #tpu.memory_space<vmem>>) target(%dma_start3A_415 : memref<102400xf32, #tpu.memory_space<vmem_shared>>) offsets(%dma_start3A_413 : memref<128xi32, #tpu.memory_space<vmem>>) semaphore(%arg21 : memref<!tpu.dma_semaphore, #tpu.memory_space<semaphore_mem>>) {add = true}
      %dma_start3A_416 = arith.constant 12 : i32
      %dma_start3A_417 = arith.constant 12 : i32
      %dma_start3A_418 = arith.constant 0 : i32
      %dma_start3A_419 = tpu.memref_slice %arg12[%dma_start3A_416, %dma_start3A_418] : memref<16x128xf32, #tpu.memory_space<vmem>> -> memref<1x128xf32, #tpu.memory_space<vmem>>
      %dma_start3A_420 = tpu.memref_squeeze %dma_start3A_419 : memref<1x128xf32, #tpu.memory_space<vmem>> -> memref<128xf32, #tpu.memory_space<vmem>>
      %dma_start3A_421 = arith.constant 0 : i32
      %dma_start3A_422 = tpu.memref_slice %arg9[%dma_start3A_417, %dma_start3A_421] : memref<16x128xi32, #tpu.memory_space<vmem>> -> memref<1x128xi32, #tpu.memory_space<vmem>>
      %dma_start3A_423 = tpu.memref_squeeze %dma_start3A_422 : memref<1x128xi32, #tpu.memory_space<vmem>> -> memref<128xi32, #tpu.memory_space<vmem>>
      %dma_start3A_424 = arith.constant 0 : i32
      %dma_start3A_425 = tpu.memref_slice %arg18[%dma_start3A_424] : memref<102400xf32, #tpu.memory_space<vmem_shared>> -> memref<102400xf32, #tpu.memory_space<vmem_shared>>
      tpu.enqueue_indirect_dma source(%dma_start3A_420 : memref<128xf32, #tpu.memory_space<vmem>>) target(%dma_start3A_425 : memref<102400xf32, #tpu.memory_space<vmem_shared>>) offsets(%dma_start3A_423 : memref<128xi32, #tpu.memory_space<vmem>>) semaphore(%arg21 : memref<!tpu.dma_semaphore, #tpu.memory_space<semaphore_mem>>) {add = true}
      %dma_start3A_426 = arith.constant 13 : i32
      %dma_start3A_427 = arith.constant 13 : i32
      %dma_start3A_428 = arith.constant 0 : i32
      %dma_start3A_429 = tpu.memref_slice %arg12[%dma_start3A_426, %dma_start3A_428] : memref<16x128xf32, #tpu.memory_space<vmem>> -> memref<1x128xf32, #tpu.memory_space<vmem>>
      %dma_start3A_430 = tpu.memref_squeeze %dma_start3A_429 : memref<1x128xf32, #tpu.memory_space<vmem>> -> memref<128xf32, #tpu.memory_space<vmem>>
      %dma_start3A_431 = arith.constant 0 : i32
      %dma_start3A_432 = tpu.memref_slice %arg9[%dma_start3A_427, %dma_start3A_431] : memref<16x128xi32, #tpu.memory_space<vmem>> -> memref<1x128xi32, #tpu.memory_space<vmem>>
      %dma_start3A_433 = tpu.memref_squeeze %dma_start3A_432 : memref<1x128xi32, #tpu.memory_space<vmem>> -> memref<128xi32, #tpu.memory_space<vmem>>
      %dma_start3A_434 = arith.constant 0 : i32
      %dma_start3A_435 = tpu.memref_slice %arg18[%dma_start3A_434] : memref<102400xf32, #tpu.memory_space<vmem_shared>> -> memref<102400xf32, #tpu.memory_space<vmem_shared>>
      tpu.enqueue_indirect_dma source(%dma_start3A_430 : memref<128xf32, #tpu.memory_space<vmem>>) target(%dma_start3A_435 : memref<102400xf32, #tpu.memory_space<vmem_shared>>) offsets(%dma_start3A_433 : memref<128xi32, #tpu.memory_space<vmem>>) semaphore(%arg21 : memref<!tpu.dma_semaphore, #tpu.memory_space<semaphore_mem>>) {add = true}
      %dma_start3A_436 = arith.constant 14 : i32
      %dma_start3A_437 = arith.constant 14 : i32
      %dma_start3A_438 = arith.constant 0 : i32
      %dma_start3A_439 = tpu.memref_slice %arg12[%dma_start3A_436, %dma_start3A_438] : memref<16x128xf32, #tpu.memory_space<vmem>> -> memref<1x128xf32, #tpu.memory_space<vmem>>
      %dma_start3A_440 = tpu.memref_squeeze %dma_start3A_439 : memref<1x128xf32, #tpu.memory_space<vmem>> -> memref<128xf32, #tpu.memory_space<vmem>>
      %dma_start3A_441 = arith.constant 0 : i32
      %dma_start3A_442 = tpu.memref_slice %arg9[%dma_start3A_437, %dma_start3A_441] : memref<16x128xi32, #tpu.memory_space<vmem>> -> memref<1x128xi32, #tpu.memory_space<vmem>>
      %dma_start3A_443 = tpu.memref_squeeze %dma_start3A_442 : memref<1x128xi32, #tpu.memory_space<vmem>> -> memref<128xi32, #tpu.memory_space<vmem>>
      %dma_start3A_444 = arith.constant 0 : i32
      %dma_start3A_445 = tpu.memref_slice %arg18[%dma_start3A_444] : memref<102400xf32, #tpu.memory_space<vmem_shared>> -> memref<102400xf32, #tpu.memory_space<vmem_shared>>
      tpu.enqueue_indirect_dma source(%dma_start3A_440 : memref<128xf32, #tpu.memory_space<vmem>>) target(%dma_start3A_445 : memref<102400xf32, #tpu.memory_space<vmem_shared>>) offsets(%dma_start3A_443 : memref<128xi32, #tpu.memory_space<vmem>>) semaphore(%arg21 : memref<!tpu.dma_semaphore, #tpu.memory_space<semaphore_mem>>) {add = true}
      %dma_start3A_446 = arith.constant 15 : i32
      %dma_start3A_447 = arith.constant 15 : i32
      %dma_start3A_448 = arith.constant 0 : i32
      %dma_start3A_449 = tpu.memref_slice %arg12[%dma_start3A_446, %dma_start3A_448] : memref<16x128xf32, #tpu.memory_space<vmem>> -> memref<1x128xf32, #tpu.memory_space<vmem>>
      %dma_start3A_450 = tpu.memref_squeeze %dma_start3A_449 : memref<1x128xf32, #tpu.memory_space<vmem>> -> memref<128xf32, #tpu.memory_space<vmem>>
      %dma_start3A_451 = arith.constant 0 : i32
      %dma_start3A_452 = tpu.memref_slice %arg9[%dma_start3A_447, %dma_start3A_451] : memref<16x128xi32, #tpu.memory_space<vmem>> -> memref<1x128xi32, #tpu.memory_space<vmem>>
      %dma_start3A_453 = tpu.memref_squeeze %dma_start3A_452 : memref<1x128xi32, #tpu.memory_space<vmem>> -> memref<128xi32, #tpu.memory_space<vmem>>
      %dma_start3A_454 = arith.constant 0 : i32
      %dma_start3A_455 = tpu.memref_slice %arg18[%dma_start3A_454] : memref<102400xf32, #tpu.memory_space<vmem_shared>> -> memref<102400xf32, #tpu.memory_space<vmem_shared>>
      tpu.enqueue_indirect_dma source(%dma_start3A_450 : memref<128xf32, #tpu.memory_space<vmem>>) target(%dma_start3A_455 : memref<102400xf32, #tpu.memory_space<vmem_shared>>) offsets(%dma_start3A_453 : memref<128xi32, #tpu.memory_space<vmem>>) semaphore(%arg21 : memref<!tpu.dma_semaphore, #tpu.memory_space<semaphore_mem>>) {add = true}
      %gt3A = arith.constant 0 : i32
      %gt3A_456 = arith.cmpi sgt, %while3A_255, %gt3A : i32
      %convert_element_type3A_457 = arith.extui %gt3A_456 : i1 to i32
      %cond3A_458 = arith.constant 0 : i32
      %cond3A_459 = arith.cmpi ne, %convert_element_type3A_457, %cond3A_458 : i32
      scf.if %cond3A_459 {
        %dma_wait3A_853 = arith.constant 0 : i32
        %dma_wait3A_854 = arith.constant 0 : i32
        %dma_wait3A_855 = arith.constant 0 : i32
        %dma_wait3A_856 = tpu.memref_slice %arg16[%dma_wait3A_853, %dma_wait3A_855] : memref<16x128xf32, #tpu.memory_space<vmem>> -> memref<1x128xf32, #tpu.memory_space<vmem>>
        %dma_wait3A_857 = tpu.memref_squeeze %dma_wait3A_856 : memref<1x128xf32, #tpu.memory_space<vmem>> -> memref<128xf32, #tpu.memory_space<vmem>>
        %dma_wait3A_858 = arith.constant 0 : i32
        %dma_wait3A_859 = tpu.memref_slice %arg13[%dma_wait3A_854, %dma_wait3A_858] : memref<16x128xi32, #tpu.memory_space<vmem>> -> memref<1x128xi32, #tpu.memory_space<vmem>>
        %dma_wait3A_860 = tpu.memref_squeeze %dma_wait3A_859 : memref<1x128xi32, #tpu.memory_space<vmem>> -> memref<128xi32, #tpu.memory_space<vmem>>
        %dma_wait3A_861 = arith.constant 0 : i32
        %dma_wait3A_862 = tpu.memref_slice %arg18[%dma_wait3A_861] : memref<102400xf32, #tpu.memory_space<vmem_shared>> -> memref<102400xf32, #tpu.memory_space<vmem_shared>>
        tpu.wait_indirect_dma semaphore(%arg22 : memref<!tpu.dma_semaphore, #tpu.memory_space<semaphore_mem>>) src(%dma_wait3A_857 : memref<128xf32, #tpu.memory_space<vmem>>) dst(%dma_wait3A_862 : memref<102400xf32, #tpu.memory_space<vmem_shared>>)
        %dma_wait3A_863 = arith.constant 1 : i32
        %dma_wait3A_864 = arith.constant 1 : i32
        %dma_wait3A_865 = arith.constant 0 : i32
        %dma_wait3A_866 = tpu.memref_slice %arg16[%dma_wait3A_863, %dma_wait3A_865] : memref<16x128xf32, #tpu.memory_space<vmem>> -> memref<1x128xf32, #tpu.memory_space<vmem>>
        %dma_wait3A_867 = tpu.memref_squeeze %dma_wait3A_866 : memref<1x128xf32, #tpu.memory_space<vmem>> -> memref<128xf32, #tpu.memory_space<vmem>>
        %dma_wait3A_868 = arith.constant 0 : i32
        %dma_wait3A_869 = tpu.memref_slice %arg13[%dma_wait3A_864, %dma_wait3A_868] : memref<16x128xi32, #tpu.memory_space<vmem>> -> memref<1x128xi32, #tpu.memory_space<vmem>>
        %dma_wait3A_870 = tpu.memref_squeeze %dma_wait3A_869 : memref<1x128xi32, #tpu.memory_space<vmem>> -> memref<128xi32, #tpu.memory_space<vmem>>
        %dma_wait3A_871 = arith.constant 0 : i32
        %dma_wait3A_872 = tpu.memref_slice %arg18[%dma_wait3A_871] : memref<102400xf32, #tpu.memory_space<vmem_shared>> -> memref<102400xf32, #tpu.memory_space<vmem_shared>>
        tpu.wait_indirect_dma semaphore(%arg22 : memref<!tpu.dma_semaphore, #tpu.memory_space<semaphore_mem>>) src(%dma_wait3A_867 : memref<128xf32, #tpu.memory_space<vmem>>) dst(%dma_wait3A_872 : memref<102400xf32, #tpu.memory_space<vmem_shared>>)
        %dma_wait3A_873 = arith.constant 2 : i32
        %dma_wait3A_874 = arith.constant 2 : i32
        %dma_wait3A_875 = arith.constant 0 : i32
        %dma_wait3A_876 = tpu.memref_slice %arg16[%dma_wait3A_873, %dma_wait3A_875] : memref<16x128xf32, #tpu.memory_space<vmem>> -> memref<1x128xf32, #tpu.memory_space<vmem>>
        %dma_wait3A_877 = tpu.memref_squeeze %dma_wait3A_876 : memref<1x128xf32, #tpu.memory_space<vmem>> -> memref<128xf32, #tpu.memory_space<vmem>>
        %dma_wait3A_878 = arith.constant 0 : i32
        %dma_wait3A_879 = tpu.memref_slice %arg13[%dma_wait3A_874, %dma_wait3A_878] : memref<16x128xi32, #tpu.memory_space<vmem>> -> memref<1x128xi32, #tpu.memory_space<vmem>>
        %dma_wait3A_880 = tpu.memref_squeeze %dma_wait3A_879 : memref<1x128xi32, #tpu.memory_space<vmem>> -> memref<128xi32, #tpu.memory_space<vmem>>
        %dma_wait3A_881 = arith.constant 0 : i32
        %dma_wait3A_882 = tpu.memref_slice %arg18[%dma_wait3A_881] : memref<102400xf32, #tpu.memory_space<vmem_shared>> -> memref<102400xf32, #tpu.memory_space<vmem_shared>>
        tpu.wait_indirect_dma semaphore(%arg22 : memref<!tpu.dma_semaphore, #tpu.memory_space<semaphore_mem>>) src(%dma_wait3A_877 : memref<128xf32, #tpu.memory_space<vmem>>) dst(%dma_wait3A_882 : memref<102400xf32, #tpu.memory_space<vmem_shared>>)
        %dma_wait3A_883 = arith.constant 3 : i32
        %dma_wait3A_884 = arith.constant 3 : i32
        %dma_wait3A_885 = arith.constant 0 : i32
        %dma_wait3A_886 = tpu.memref_slice %arg16[%dma_wait3A_883, %dma_wait3A_885] : memref<16x128xf32, #tpu.memory_space<vmem>> -> memref<1x128xf32, #tpu.memory_space<vmem>>
        %dma_wait3A_887 = tpu.memref_squeeze %dma_wait3A_886 : memref<1x128xf32, #tpu.memory_space<vmem>> -> memref<128xf32, #tpu.memory_space<vmem>>
        %dma_wait3A_888 = arith.constant 0 : i32
        %dma_wait3A_889 = tpu.memref_slice %arg13[%dma_wait3A_884, %dma_wait3A_888] : memref<16x128xi32, #tpu.memory_space<vmem>> -> memref<1x128xi32, #tpu.memory_space<vmem>>
        %dma_wait3A_890 = tpu.memref_squeeze %dma_wait3A_889 : memref<1x128xi32, #tpu.memory_space<vmem>> -> memref<128xi32, #tpu.memory_space<vmem>>
        %dma_wait3A_891 = arith.constant 0 : i32
        %dma_wait3A_892 = tpu.memref_slice %arg18[%dma_wait3A_891] : memref<102400xf32, #tpu.memory_space<vmem_shared>> -> memref<102400xf32, #tpu.memory_space<vmem_shared>>
        tpu.wait_indirect_dma semaphore(%arg22 : memref<!tpu.dma_semaphore, #tpu.memory_space<semaphore_mem>>) src(%dma_wait3A_887 : memref<128xf32, #tpu.memory_space<vmem>>) dst(%dma_wait3A_892 : memref<102400xf32, #tpu.memory_space<vmem_shared>>)
        %dma_wait3A_893 = arith.constant 4 : i32
        %dma_wait3A_894 = arith.constant 4 : i32
        %dma_wait3A_895 = arith.constant 0 : i32
        %dma_wait3A_896 = tpu.memref_slice %arg16[%dma_wait3A_893, %dma_wait3A_895] : memref<16x128xf32, #tpu.memory_space<vmem>> -> memref<1x128xf32, #tpu.memory_space<vmem>>
        %dma_wait3A_897 = tpu.memref_squeeze %dma_wait3A_896 : memref<1x128xf32, #tpu.memory_space<vmem>> -> memref<128xf32, #tpu.memory_space<vmem>>
        %dma_wait3A_898 = arith.constant 0 : i32
        %dma_wait3A_899 = tpu.memref_slice %arg13[%dma_wait3A_894, %dma_wait3A_898] : memref<16x128xi32, #tpu.memory_space<vmem>> -> memref<1x128xi32, #tpu.memory_space<vmem>>
        %dma_wait3A_900 = tpu.memref_squeeze %dma_wait3A_899 : memref<1x128xi32, #tpu.memory_space<vmem>> -> memref<128xi32, #tpu.memory_space<vmem>>
        %dma_wait3A_901 = arith.constant 0 : i32
        %dma_wait3A_902 = tpu.memref_slice %arg18[%dma_wait3A_901] : memref<102400xf32, #tpu.memory_space<vmem_shared>> -> memref<102400xf32, #tpu.memory_space<vmem_shared>>
        tpu.wait_indirect_dma semaphore(%arg22 : memref<!tpu.dma_semaphore, #tpu.memory_space<semaphore_mem>>) src(%dma_wait3A_897 : memref<128xf32, #tpu.memory_space<vmem>>) dst(%dma_wait3A_902 : memref<102400xf32, #tpu.memory_space<vmem_shared>>)
        %dma_wait3A_903 = arith.constant 5 : i32
        %dma_wait3A_904 = arith.constant 5 : i32
        %dma_wait3A_905 = arith.constant 0 : i32
        %dma_wait3A_906 = tpu.memref_slice %arg16[%dma_wait3A_903, %dma_wait3A_905] : memref<16x128xf32, #tpu.memory_space<vmem>> -> memref<1x128xf32, #tpu.memory_space<vmem>>
        %dma_wait3A_907 = tpu.memref_squeeze %dma_wait3A_906 : memref<1x128xf32, #tpu.memory_space<vmem>> -> memref<128xf32, #tpu.memory_space<vmem>>
        %dma_wait3A_908 = arith.constant 0 : i32
        %dma_wait3A_909 = tpu.memref_slice %arg13[%dma_wait3A_904, %dma_wait3A_908] : memref<16x128xi32, #tpu.memory_space<vmem>> -> memref<1x128xi32, #tpu.memory_space<vmem>>
        %dma_wait3A_910 = tpu.memref_squeeze %dma_wait3A_909 : memref<1x128xi32, #tpu.memory_space<vmem>> -> memref<128xi32, #tpu.memory_space<vmem>>
        %dma_wait3A_911 = arith.constant 0 : i32
        %dma_wait3A_912 = tpu.memref_slice %arg18[%dma_wait3A_911] : memref<102400xf32, #tpu.memory_space<vmem_shared>> -> memref<102400xf32, #tpu.memory_space<vmem_shared>>
        tpu.wait_indirect_dma semaphore(%arg22 : memref<!tpu.dma_semaphore, #tpu.memory_space<semaphore_mem>>) src(%dma_wait3A_907 : memref<128xf32, #tpu.memory_space<vmem>>) dst(%dma_wait3A_912 : memref<102400xf32, #tpu.memory_space<vmem_shared>>)
        %dma_wait3A_913 = arith.constant 6 : i32
        %dma_wait3A_914 = arith.constant 6 : i32
        %dma_wait3A_915 = arith.constant 0 : i32
        %dma_wait3A_916 = tpu.memref_slice %arg16[%dma_wait3A_913, %dma_wait3A_915] : memref<16x128xf32, #tpu.memory_space<vmem>> -> memref<1x128xf32, #tpu.memory_space<vmem>>
        %dma_wait3A_917 = tpu.memref_squeeze %dma_wait3A_916 : memref<1x128xf32, #tpu.memory_space<vmem>> -> memref<128xf32, #tpu.memory_space<vmem>>
        %dma_wait3A_918 = arith.constant 0 : i32
        %dma_wait3A_919 = tpu.memref_slice %arg13[%dma_wait3A_914, %dma_wait3A_918] : memref<16x128xi32, #tpu.memory_space<vmem>> -> memref<1x128xi32, #tpu.memory_space<vmem>>
        %dma_wait3A_920 = tpu.memref_squeeze %dma_wait3A_919 : memref<1x128xi32, #tpu.memory_space<vmem>> -> memref<128xi32, #tpu.memory_space<vmem>>
        %dma_wait3A_921 = arith.constant 0 : i32
        %dma_wait3A_922 = tpu.memref_slice %arg18[%dma_wait3A_921] : memref<102400xf32, #tpu.memory_space<vmem_shared>> -> memref<102400xf32, #tpu.memory_space<vmem_shared>>
        tpu.wait_indirect_dma semaphore(%arg22 : memref<!tpu.dma_semaphore, #tpu.memory_space<semaphore_mem>>) src(%dma_wait3A_917 : memref<128xf32, #tpu.memory_space<vmem>>) dst(%dma_wait3A_922 : memref<102400xf32, #tpu.memory_space<vmem_shared>>)
        %dma_wait3A_923 = arith.constant 7 : i32
        %dma_wait3A_924 = arith.constant 7 : i32
        %dma_wait3A_925 = arith.constant 0 : i32
        %dma_wait3A_926 = tpu.memref_slice %arg16[%dma_wait3A_923, %dma_wait3A_925] : memref<16x128xf32, #tpu.memory_space<vmem>> -> memref<1x128xf32, #tpu.memory_space<vmem>>
        %dma_wait3A_927 = tpu.memref_squeeze %dma_wait3A_926 : memref<1x128xf32, #tpu.memory_space<vmem>> -> memref<128xf32, #tpu.memory_space<vmem>>
        %dma_wait3A_928 = arith.constant 0 : i32
        %dma_wait3A_929 = tpu.memref_slice %arg13[%dma_wait3A_924, %dma_wait3A_928] : memref<16x128xi32, #tpu.memory_space<vmem>> -> memref<1x128xi32, #tpu.memory_space<vmem>>
        %dma_wait3A_930 = tpu.memref_squeeze %dma_wait3A_929 : memref<1x128xi32, #tpu.memory_space<vmem>> -> memref<128xi32, #tpu.memory_space<vmem>>
        %dma_wait3A_931 = arith.constant 0 : i32
        %dma_wait3A_932 = tpu.memref_slice %arg18[%dma_wait3A_931] : memref<102400xf32, #tpu.memory_space<vmem_shared>> -> memref<102400xf32, #tpu.memory_space<vmem_shared>>
        tpu.wait_indirect_dma semaphore(%arg22 : memref<!tpu.dma_semaphore, #tpu.memory_space<semaphore_mem>>) src(%dma_wait3A_927 : memref<128xf32, #tpu.memory_space<vmem>>) dst(%dma_wait3A_932 : memref<102400xf32, #tpu.memory_space<vmem_shared>>)
        %dma_wait3A_933 = arith.constant 8 : i32
        %dma_wait3A_934 = arith.constant 8 : i32
        %dma_wait3A_935 = arith.constant 0 : i32
        %dma_wait3A_936 = tpu.memref_slice %arg16[%dma_wait3A_933, %dma_wait3A_935] : memref<16x128xf32, #tpu.memory_space<vmem>> -> memref<1x128xf32, #tpu.memory_space<vmem>>
        %dma_wait3A_937 = tpu.memref_squeeze %dma_wait3A_936 : memref<1x128xf32, #tpu.memory_space<vmem>> -> memref<128xf32, #tpu.memory_space<vmem>>
        %dma_wait3A_938 = arith.constant 0 : i32
        %dma_wait3A_939 = tpu.memref_slice %arg13[%dma_wait3A_934, %dma_wait3A_938] : memref<16x128xi32, #tpu.memory_space<vmem>> -> memref<1x128xi32, #tpu.memory_space<vmem>>
        %dma_wait3A_940 = tpu.memref_squeeze %dma_wait3A_939 : memref<1x128xi32, #tpu.memory_space<vmem>> -> memref<128xi32, #tpu.memory_space<vmem>>
        %dma_wait3A_941 = arith.constant 0 : i32
        %dma_wait3A_942 = tpu.memref_slice %arg18[%dma_wait3A_941] : memref<102400xf32, #tpu.memory_space<vmem_shared>> -> memref<102400xf32, #tpu.memory_space<vmem_shared>>
        tpu.wait_indirect_dma semaphore(%arg22 : memref<!tpu.dma_semaphore, #tpu.memory_space<semaphore_mem>>) src(%dma_wait3A_937 : memref<128xf32, #tpu.memory_space<vmem>>) dst(%dma_wait3A_942 : memref<102400xf32, #tpu.memory_space<vmem_shared>>)
        %dma_wait3A_943 = arith.constant 9 : i32
        %dma_wait3A_944 = arith.constant 9 : i32
        %dma_wait3A_945 = arith.constant 0 : i32
        %dma_wait3A_946 = tpu.memref_slice %arg16[%dma_wait3A_943, %dma_wait3A_945] : memref<16x128xf32, #tpu.memory_space<vmem>> -> memref<1x128xf32, #tpu.memory_space<vmem>>
        %dma_wait3A_947 = tpu.memref_squeeze %dma_wait3A_946 : memref<1x128xf32, #tpu.memory_space<vmem>> -> memref<128xf32, #tpu.memory_space<vmem>>
        %dma_wait3A_948 = arith.constant 0 : i32
        %dma_wait3A_949 = tpu.memref_slice %arg13[%dma_wait3A_944, %dma_wait3A_948] : memref<16x128xi32, #tpu.memory_space<vmem>> -> memref<1x128xi32, #tpu.memory_space<vmem>>
        %dma_wait3A_950 = tpu.memref_squeeze %dma_wait3A_949 : memref<1x128xi32, #tpu.memory_space<vmem>> -> memref<128xi32, #tpu.memory_space<vmem>>
        %dma_wait3A_951 = arith.constant 0 : i32
        %dma_wait3A_952 = tpu.memref_slice %arg18[%dma_wait3A_951] : memref<102400xf32, #tpu.memory_space<vmem_shared>> -> memref<102400xf32, #tpu.memory_space<vmem_shared>>
        tpu.wait_indirect_dma semaphore(%arg22 : memref<!tpu.dma_semaphore, #tpu.memory_space<semaphore_mem>>) src(%dma_wait3A_947 : memref<128xf32, #tpu.memory_space<vmem>>) dst(%dma_wait3A_952 : memref<102400xf32, #tpu.memory_space<vmem_shared>>)
        %dma_wait3A_953 = arith.constant 10 : i32
        %dma_wait3A_954 = arith.constant 10 : i32
        %dma_wait3A_955 = arith.constant 0 : i32
        %dma_wait3A_956 = tpu.memref_slice %arg16[%dma_wait3A_953, %dma_wait3A_955] : memref<16x128xf32, #tpu.memory_space<vmem>> -> memref<1x128xf32, #tpu.memory_space<vmem>>
        %dma_wait3A_957 = tpu.memref_squeeze %dma_wait3A_956 : memref<1x128xf32, #tpu.memory_space<vmem>> -> memref<128xf32, #tpu.memory_space<vmem>>
        %dma_wait3A_958 = arith.constant 0 : i32
        %dma_wait3A_959 = tpu.memref_slice %arg13[%dma_wait3A_954, %dma_wait3A_958] : memref<16x128xi32, #tpu.memory_space<vmem>> -> memref<1x128xi32, #tpu.memory_space<vmem>>
        %dma_wait3A_960 = tpu.memref_squeeze %dma_wait3A_959 : memref<1x128xi32, #tpu.memory_space<vmem>> -> memref<128xi32, #tpu.memory_space<vmem>>
        %dma_wait3A_961 = arith.constant 0 : i32
        %dma_wait3A_962 = tpu.memref_slice %arg18[%dma_wait3A_961] : memref<102400xf32, #tpu.memory_space<vmem_shared>> -> memref<102400xf32, #tpu.memory_space<vmem_shared>>
        tpu.wait_indirect_dma semaphore(%arg22 : memref<!tpu.dma_semaphore, #tpu.memory_space<semaphore_mem>>) src(%dma_wait3A_957 : memref<128xf32, #tpu.memory_space<vmem>>) dst(%dma_wait3A_962 : memref<102400xf32, #tpu.memory_space<vmem_shared>>)
        %dma_wait3A_963 = arith.constant 11 : i32
        %dma_wait3A_964 = arith.constant 11 : i32
        %dma_wait3A_965 = arith.constant 0 : i32
        %dma_wait3A_966 = tpu.memref_slice %arg16[%dma_wait3A_963, %dma_wait3A_965] : memref<16x128xf32, #tpu.memory_space<vmem>> -> memref<1x128xf32, #tpu.memory_space<vmem>>
        %dma_wait3A_967 = tpu.memref_squeeze %dma_wait3A_966 : memref<1x128xf32, #tpu.memory_space<vmem>> -> memref<128xf32, #tpu.memory_space<vmem>>
        %dma_wait3A_968 = arith.constant 0 : i32
        %dma_wait3A_969 = tpu.memref_slice %arg13[%dma_wait3A_964, %dma_wait3A_968] : memref<16x128xi32, #tpu.memory_space<vmem>> -> memref<1x128xi32, #tpu.memory_space<vmem>>
        %dma_wait3A_970 = tpu.memref_squeeze %dma_wait3A_969 : memref<1x128xi32, #tpu.memory_space<vmem>> -> memref<128xi32, #tpu.memory_space<vmem>>
        %dma_wait3A_971 = arith.constant 0 : i32
        %dma_wait3A_972 = tpu.memref_slice %arg18[%dma_wait3A_971] : memref<102400xf32, #tpu.memory_space<vmem_shared>> -> memref<102400xf32, #tpu.memory_space<vmem_shared>>
        tpu.wait_indirect_dma semaphore(%arg22 : memref<!tpu.dma_semaphore, #tpu.memory_space<semaphore_mem>>) src(%dma_wait3A_967 : memref<128xf32, #tpu.memory_space<vmem>>) dst(%dma_wait3A_972 : memref<102400xf32, #tpu.memory_space<vmem_shared>>)
        %dma_wait3A_973 = arith.constant 12 : i32
        %dma_wait3A_974 = arith.constant 12 : i32
        %dma_wait3A_975 = arith.constant 0 : i32
        %dma_wait3A_976 = tpu.memref_slice %arg16[%dma_wait3A_973, %dma_wait3A_975] : memref<16x128xf32, #tpu.memory_space<vmem>> -> memref<1x128xf32, #tpu.memory_space<vmem>>
        %dma_wait3A_977 = tpu.memref_squeeze %dma_wait3A_976 : memref<1x128xf32, #tpu.memory_space<vmem>> -> memref<128xf32, #tpu.memory_space<vmem>>
        %dma_wait3A_978 = arith.constant 0 : i32
        %dma_wait3A_979 = tpu.memref_slice %arg13[%dma_wait3A_974, %dma_wait3A_978] : memref<16x128xi32, #tpu.memory_space<vmem>> -> memref<1x128xi32, #tpu.memory_space<vmem>>
        %dma_wait3A_980 = tpu.memref_squeeze %dma_wait3A_979 : memref<1x128xi32, #tpu.memory_space<vmem>> -> memref<128xi32, #tpu.memory_space<vmem>>
        %dma_wait3A_981 = arith.constant 0 : i32
        %dma_wait3A_982 = tpu.memref_slice %arg18[%dma_wait3A_981] : memref<102400xf32, #tpu.memory_space<vmem_shared>> -> memref<102400xf32, #tpu.memory_space<vmem_shared>>
        tpu.wait_indirect_dma semaphore(%arg22 : memref<!tpu.dma_semaphore, #tpu.memory_space<semaphore_mem>>) src(%dma_wait3A_977 : memref<128xf32, #tpu.memory_space<vmem>>) dst(%dma_wait3A_982 : memref<102400xf32, #tpu.memory_space<vmem_shared>>)
        %dma_wait3A_983 = arith.constant 13 : i32
        %dma_wait3A_984 = arith.constant 13 : i32
        %dma_wait3A_985 = arith.constant 0 : i32
        %dma_wait3A_986 = tpu.memref_slice %arg16[%dma_wait3A_983, %dma_wait3A_985] : memref<16x128xf32, #tpu.memory_space<vmem>> -> memref<1x128xf32, #tpu.memory_space<vmem>>
        %dma_wait3A_987 = tpu.memref_squeeze %dma_wait3A_986 : memref<1x128xf32, #tpu.memory_space<vmem>> -> memref<128xf32, #tpu.memory_space<vmem>>
        %dma_wait3A_988 = arith.constant 0 : i32
        %dma_wait3A_989 = tpu.memref_slice %arg13[%dma_wait3A_984, %dma_wait3A_988] : memref<16x128xi32, #tpu.memory_space<vmem>> -> memref<1x128xi32, #tpu.memory_space<vmem>>
        %dma_wait3A_990 = tpu.memref_squeeze %dma_wait3A_989 : memref<1x128xi32, #tpu.memory_space<vmem>> -> memref<128xi32, #tpu.memory_space<vmem>>
        %dma_wait3A_991 = arith.constant 0 : i32
        %dma_wait3A_992 = tpu.memref_slice %arg18[%dma_wait3A_991] : memref<102400xf32, #tpu.memory_space<vmem_shared>> -> memref<102400xf32, #tpu.memory_space<vmem_shared>>
        tpu.wait_indirect_dma semaphore(%arg22 : memref<!tpu.dma_semaphore, #tpu.memory_space<semaphore_mem>>) src(%dma_wait3A_987 : memref<128xf32, #tpu.memory_space<vmem>>) dst(%dma_wait3A_992 : memref<102400xf32, #tpu.memory_space<vmem_shared>>)
        %dma_wait3A_993 = arith.constant 14 : i32
        %dma_wait3A_994 = arith.constant 14 : i32
        %dma_wait3A_995 = arith.constant 0 : i32
        %dma_wait3A_996 = tpu.memref_slice %arg16[%dma_wait3A_993, %dma_wait3A_995] : memref<16x128xf32, #tpu.memory_space<vmem>> -> memref<1x128xf32, #tpu.memory_space<vmem>>
        %dma_wait3A_997 = tpu.memref_squeeze %dma_wait3A_996 : memref<1x128xf32, #tpu.memory_space<vmem>> -> memref<128xf32, #tpu.memory_space<vmem>>
        %dma_wait3A_998 = arith.constant 0 : i32
        %dma_wait3A_999 = tpu.memref_slice %arg13[%dma_wait3A_994, %dma_wait3A_998] : memref<16x128xi32, #tpu.memory_space<vmem>> -> memref<1x128xi32, #tpu.memory_space<vmem>>
        %dma_wait3A_1000 = tpu.memref_squeeze %dma_wait3A_999 : memref<1x128xi32, #tpu.memory_space<vmem>> -> memref<128xi32, #tpu.memory_space<vmem>>
        %dma_wait3A_1001 = arith.constant 0 : i32
        %dma_wait3A_1002 = tpu.memref_slice %arg18[%dma_wait3A_1001] : memref<102400xf32, #tpu.memory_space<vmem_shared>> -> memref<102400xf32, #tpu.memory_space<vmem_shared>>
        tpu.wait_indirect_dma semaphore(%arg22 : memref<!tpu.dma_semaphore, #tpu.memory_space<semaphore_mem>>) src(%dma_wait3A_997 : memref<128xf32, #tpu.memory_space<vmem>>) dst(%dma_wait3A_1002 : memref<102400xf32, #tpu.memory_space<vmem_shared>>)
        %dma_wait3A_1003 = arith.constant 15 : i32
        %dma_wait3A_1004 = arith.constant 15 : i32
        %dma_wait3A_1005 = arith.constant 0 : i32
        %dma_wait3A_1006 = tpu.memref_slice %arg16[%dma_wait3A_1003, %dma_wait3A_1005] : memref<16x128xf32, #tpu.memory_space<vmem>> -> memref<1x128xf32, #tpu.memory_space<vmem>>
        %dma_wait3A_1007 = tpu.memref_squeeze %dma_wait3A_1006 : memref<1x128xf32, #tpu.memory_space<vmem>> -> memref<128xf32, #tpu.memory_space<vmem>>
        %dma_wait3A_1008 = arith.constant 0 : i32
        %dma_wait3A_1009 = tpu.memref_slice %arg13[%dma_wait3A_1004, %dma_wait3A_1008] : memref<16x128xi32, #tpu.memory_space<vmem>> -> memref<1x128xi32, #tpu.memory_space<vmem>>
        %dma_wait3A_1010 = tpu.memref_squeeze %dma_wait3A_1009 : memref<1x128xi32, #tpu.memory_space<vmem>> -> memref<128xi32, #tpu.memory_space<vmem>>
        %dma_wait3A_1011 = arith.constant 0 : i32
        %dma_wait3A_1012 = tpu.memref_slice %arg18[%dma_wait3A_1011] : memref<102400xf32, #tpu.memory_space<vmem_shared>> -> memref<102400xf32, #tpu.memory_space<vmem_shared>>
        tpu.wait_indirect_dma semaphore(%arg22 : memref<!tpu.dma_semaphore, #tpu.memory_space<semaphore_mem>>) src(%dma_wait3A_1007 : memref<128xf32, #tpu.memory_space<vmem>>) dst(%dma_wait3A_1012 : memref<102400xf32, #tpu.memory_space<vmem_shared>>)
      } else {
      }
      %add3A_460 = arith.constant 1 : i32
      %add3A_461 = arith.addi %add3A_259, %add3A_460 : i32
      %dma_start3A_462 = arith.constant 0 : i32
      %dma_start3A_463 = arith.constant 0 : i32
      %dma_start3A_464 = arith.constant 0 : i32
      %dma_start3A_465 = tpu.memref_slice %arg3[%dma_start3A_462, %add3A_461, %dma_start3A_463, %dma_start3A_464] : memref<2x3125x16x128xi32, #tpu.memory_space<hbm>> -> memref<1x1x16x128xi32, #tpu.memory_space<hbm>>
      %dma_start3A_466 = tpu.memref_squeeze %dma_start3A_465 : memref<1x1x16x128xi32, #tpu.memory_space<hbm>> -> memref<16x128xi32, #tpu.memory_space<hbm>>
      %dma_start3A_467 = arith.constant 0 : i32
      %dma_start3A_468 = arith.constant 0 : i32
      %dma_start3A_469 = tpu.memref_slice %arg3[%dma_start3A_462, %add3A_461, %dma_start3A_467, %dma_start3A_468] : memref<2x3125x16x128xi32, #tpu.memory_space<hbm>> -> memref<1x1x16x128xi32, #tpu.memory_space<hbm>>
      %dma_start3A_470 = tpu.memref_squeeze %dma_start3A_469 : memref<1x1x16x128xi32, #tpu.memory_space<hbm>> -> memref<16x128xi32, #tpu.memory_space<hbm>>
      tpu.enqueue_dma source(%dma_start3A_470 : memref<16x128xi32, #tpu.memory_space<hbm>>) target(%arg13 : memref<16x128xi32, #tpu.memory_space<vmem>>) target_semaphore(%arg20 : memref<!tpu.dma_semaphore, #tpu.memory_space<semaphore_mem>>)
      %dma_start3A_471 = arith.constant 1 : i32
      %dma_start3A_472 = arith.constant 0 : i32
      %dma_start3A_473 = arith.constant 0 : i32
      %dma_start3A_474 = tpu.memref_slice %arg3[%dma_start3A_471, %add3A_461, %dma_start3A_472, %dma_start3A_473] : memref<2x3125x16x128xi32, #tpu.memory_space<hbm>> -> memref<1x1x16x128xi32, #tpu.memory_space<hbm>>
      %dma_start3A_475 = tpu.memref_squeeze %dma_start3A_474 : memref<1x1x16x128xi32, #tpu.memory_space<hbm>> -> memref<16x128xi32, #tpu.memory_space<hbm>>
      %dma_start3A_476 = arith.constant 0 : i32
      %dma_start3A_477 = arith.constant 0 : i32
      %dma_start3A_478 = tpu.memref_slice %arg3[%dma_start3A_471, %add3A_461, %dma_start3A_476, %dma_start3A_477] : memref<2x3125x16x128xi32, #tpu.memory_space<hbm>> -> memref<1x1x16x128xi32, #tpu.memory_space<hbm>>
      %dma_start3A_479 = tpu.memref_squeeze %dma_start3A_478 : memref<1x1x16x128xi32, #tpu.memory_space<hbm>> -> memref<16x128xi32, #tpu.memory_space<hbm>>
      tpu.enqueue_dma source(%dma_start3A_479 : memref<16x128xi32, #tpu.memory_space<hbm>>) target(%arg14 : memref<16x128xi32, #tpu.memory_space<vmem>>) target_semaphore(%arg20 : memref<!tpu.dma_semaphore, #tpu.memory_space<semaphore_mem>>)
      %dma_start3A_480 = arith.constant 0 : i32
      %dma_start3A_481 = arith.constant 0 : i32
      %dma_start3A_482 = tpu.memref_slice %arg2[%add3A_461, %dma_start3A_480, %dma_start3A_481] : memref<3125x16x128xf32, #tpu.memory_space<hbm>> -> memref<1x16x128xf32, #tpu.memory_space<hbm>>
      %dma_start3A_483 = tpu.memref_squeeze %dma_start3A_482 : memref<1x16x128xf32, #tpu.memory_space<hbm>> -> memref<16x128xf32, #tpu.memory_space<hbm>>
      %dma_start3A_484 = arith.constant 0 : i32
      %dma_start3A_485 = arith.constant 0 : i32
      %dma_start3A_486 = tpu.memref_slice %arg2[%add3A_461, %dma_start3A_484, %dma_start3A_485] : memref<3125x16x128xf32, #tpu.memory_space<hbm>> -> memref<1x16x128xf32, #tpu.memory_space<hbm>>
      %dma_start3A_487 = tpu.memref_squeeze %dma_start3A_486 : memref<1x16x128xf32, #tpu.memory_space<hbm>> -> memref<16x128xf32, #tpu.memory_space<hbm>>
      tpu.enqueue_dma source(%dma_start3A_487 : memref<16x128xf32, #tpu.memory_space<hbm>>) target(%arg15 : memref<16x128xf32, #tpu.memory_space<vmem>>) target_semaphore(%arg20 : memref<!tpu.dma_semaphore, #tpu.memory_space<semaphore_mem>>)
      %dma_wait3A_488 = arith.constant 0 : i32
      %dma_wait3A_489 = arith.constant 0 : i32
      %dma_wait3A_490 = arith.constant 0 : i32
      %dma_wait3A_491 = arith.constant 0 : i32
      %dma_wait3A_492 = tpu.memref_slice %arg3[%dma_wait3A_488, %dma_wait3A_489, %dma_wait3A_490, %dma_wait3A_491] : memref<2x3125x16x128xi32, #tpu.memory_space<hbm>> -> memref<1x1x16x128xi32, #tpu.memory_space<hbm>>
      %dma_wait3A_493 = tpu.memref_squeeze %dma_wait3A_492 : memref<1x1x16x128xi32, #tpu.memory_space<hbm>> -> memref<16x128xi32, #tpu.memory_space<hbm>>
      %dma_wait3A_494 = arith.constant 0 : i32
      %dma_wait3A_495 = arith.constant 0 : i32
      %dma_wait3A_496 = tpu.memref_slice %arg3[%dma_wait3A_488, %dma_wait3A_489, %dma_wait3A_494, %dma_wait3A_495] : memref<2x3125x16x128xi32, #tpu.memory_space<hbm>> -> memref<1x1x16x128xi32, #tpu.memory_space<hbm>>
      %dma_wait3A_497 = tpu.memref_squeeze %dma_wait3A_496 : memref<1x1x16x128xi32, #tpu.memory_space<hbm>> -> memref<16x128xi32, #tpu.memory_space<hbm>>
      tpu.wait_dma2 semaphore(%arg20 : memref<!tpu.dma_semaphore, #tpu.memory_space<semaphore_mem>>) src(%dma_wait3A_497 : memref<16x128xi32, #tpu.memory_space<hbm>>) dst(%arg13 : memref<16x128xi32, #tpu.memory_space<vmem>>)
      %dma_wait3A_498 = arith.constant 1 : i32
      %dma_wait3A_499 = arith.constant 0 : i32
      %dma_wait3A_500 = arith.constant 0 : i32
      %dma_wait3A_501 = arith.constant 0 : i32
      %dma_wait3A_502 = tpu.memref_slice %arg3[%dma_wait3A_498, %dma_wait3A_499, %dma_wait3A_500, %dma_wait3A_501] : memref<2x3125x16x128xi32, #tpu.memory_space<hbm>> -> memref<1x1x16x128xi32, #tpu.memory_space<hbm>>
      %dma_wait3A_503 = tpu.memref_squeeze %dma_wait3A_502 : memref<1x1x16x128xi32, #tpu.memory_space<hbm>> -> memref<16x128xi32, #tpu.memory_space<hbm>>
      %dma_wait3A_504 = arith.constant 0 : i32
      %dma_wait3A_505 = arith.constant 0 : i32
      %dma_wait3A_506 = tpu.memref_slice %arg3[%dma_wait3A_498, %dma_wait3A_499, %dma_wait3A_504, %dma_wait3A_505] : memref<2x3125x16x128xi32, #tpu.memory_space<hbm>> -> memref<1x1x16x128xi32, #tpu.memory_space<hbm>>
      %dma_wait3A_507 = tpu.memref_squeeze %dma_wait3A_506 : memref<1x1x16x128xi32, #tpu.memory_space<hbm>> -> memref<16x128xi32, #tpu.memory_space<hbm>>
      tpu.wait_dma2 semaphore(%arg20 : memref<!tpu.dma_semaphore, #tpu.memory_space<semaphore_mem>>) src(%dma_wait3A_507 : memref<16x128xi32, #tpu.memory_space<hbm>>) dst(%arg14 : memref<16x128xi32, #tpu.memory_space<vmem>>)
      %dma_wait3A_508 = arith.constant 0 : i32
      %dma_wait3A_509 = arith.constant 0 : i32
      %dma_wait3A_510 = arith.constant 0 : i32
      %dma_wait3A_511 = tpu.memref_slice %arg2[%dma_wait3A_508, %dma_wait3A_509, %dma_wait3A_510] : memref<3125x16x128xf32, #tpu.memory_space<hbm>> -> memref<1x16x128xf32, #tpu.memory_space<hbm>>
      %dma_wait3A_512 = tpu.memref_squeeze %dma_wait3A_511 : memref<1x16x128xf32, #tpu.memory_space<hbm>> -> memref<16x128xf32, #tpu.memory_space<hbm>>
      %dma_wait3A_513 = arith.constant 0 : i32
      %dma_wait3A_514 = arith.constant 0 : i32
      %dma_wait3A_515 = tpu.memref_slice %arg2[%dma_wait3A_508, %dma_wait3A_513, %dma_wait3A_514] : memref<3125x16x128xf32, #tpu.memory_space<hbm>> -> memref<1x16x128xf32, #tpu.memory_space<hbm>>
      %dma_wait3A_516 = tpu.memref_squeeze %dma_wait3A_515 : memref<1x16x128xf32, #tpu.memory_space<hbm>> -> memref<16x128xf32, #tpu.memory_space<hbm>>
      tpu.wait_dma2 semaphore(%arg20 : memref<!tpu.dma_semaphore, #tpu.memory_space<semaphore_mem>>) src(%dma_wait3A_516 : memref<16x128xf32, #tpu.memory_space<hbm>>) dst(%arg15 : memref<16x128xf32, #tpu.memory_space<vmem>>)
      %scan3A_517 = arith.constant 0 : i32
      %scan3A_518 = arith.constant 0 : i32
      %scan3A_519 = arith.constant 16 : i32
      %scan3A_520 = arith.addi %scan3A_518, %scan3A_519 : i32
      %scan3A_521 = arith.constant 1 : i32
      %scan3A_522 = scf.for %scan3A_853 = %scan3A_518 to %scan3A_520 step %scan3A_521 iter_args(%scan3A_854 = %scan3A_517) -> (i32)  : i32 {
        %get3A_855 = arith.index_cast %scan3A_853 : i32 to index
        %get3A_856 = arith.constant 0 : index
        %get3A_857 = tpu.vector_load %arg13[%get3A_855, %get3A_856] {strides = array<i32>} : memref<16x128xi32, #tpu.memory_space<vmem>>, vector<16xi32>,
        %get3A_858 = arith.index_cast %scan3A_853 : i32 to index
        %get3A_859 = arith.constant 0 : index
        %get3A_860 = tpu.vector_load %arg14[%get3A_858, %get3A_859] {strides = array<i32>} : memref<16x128xi32, #tpu.memory_space<vmem>>, vector<16xi32>,
        %gather3A = tpu.vector_load_idx %arg7[%get3A_857] : memref<100000xi32, #tpu.memory_space<vmem>>[vector<16xi32>], vector<16xi32>,
        %gather3A_861 = tpu.vector_load_idx %arg7[%get3A_860] : memref<100000xi32, #tpu.memory_space<vmem>>[vector<16xi32>], vector<16xi32>,
        %mul3A_862 = arith.constant 4 : i32
        %mul3A_863 = vector.broadcast %mul3A_862 : i32 to vector<16xi32>
        %mul3A_864 = arith.muli %gather3A, %mul3A_863 : vector<16xi32>
        %add3A_865 = arith.addi %mul3A_864, %gather3A_861 : vector<16xi32>
        %gather3A_866 = tpu.vector_load_idx %arg8[%add3A_865] : memref<16xf32, #tpu.memory_space<vmem>>[vector<16xi32>], vector<16xf32>,
        %get3A_867 = arith.index_cast %scan3A_853 : i32 to index
        %get3A_868 = arith.constant 0 : index
        %get3A_869 = tpu.vector_load %arg15[%get3A_867, %get3A_868] {strides = array<i32>} : memref<16x128xf32, #tpu.memory_space<vmem>>, vector<16xf32>,
        %mul3A_870 = arith.mulf %get3A_869, %gather3A_866 : vector<16xf32>
        %swap3A_871 = arith.index_cast %scan3A_853 : i32 to index
        %swap3A_872 = arith.constant 0 : index
        %swap3A_873 = tpu.vector_load %arg16[%swap3A_871, %swap3A_872] {strides = array<i32>} : memref<16x128xf32, #tpu.memory_space<vmem>>, vector<16xf32>,
        tpu.vector_store %arg16[%swap3A_871, %swap3A_872], %mul3A_870 {strides = array<i32>} : memref<16x128xf32, #tpu.memory_space<vmem>>, vector<16xf32>,
        %get3A_874 = arith.index_cast %scan3A_853 : i32 to index
        %get3A_875 = arith.constant 16 : index
        %get3A_876 = tpu.vector_load %arg13[%get3A_874, %get3A_875] {strides = array<i32>} : memref<16x128xi32, #tpu.memory_space<vmem>>, vector<16xi32>,
        %get3A_877 = arith.index_cast %scan3A_853 : i32 to index
        %get3A_878 = arith.constant 16 : index
        %get3A_879 = tpu.vector_load %arg14[%get3A_877, %get3A_878] {strides = array<i32>} : memref<16x128xi32, #tpu.memory_space<vmem>>, vector<16xi32>,
        %gather3A_880 = tpu.vector_load_idx %arg7[%get3A_876] : memref<100000xi32, #tpu.memory_space<vmem>>[vector<16xi32>], vector<16xi32>,
        %gather3A_881 = tpu.vector_load_idx %arg7[%get3A_879] : memref<100000xi32, #tpu.memory_space<vmem>>[vector<16xi32>], vector<16xi32>,
        %mul3A_882 = arith.constant 4 : i32
        %mul3A_883 = vector.broadcast %mul3A_882 : i32 to vector<16xi32>
        %mul3A_884 = arith.muli %gather3A_880, %mul3A_883 : vector<16xi32>
        %add3A_885 = arith.addi %mul3A_884, %gather3A_881 : vector<16xi32>
        %gather3A_886 = tpu.vector_load_idx %arg8[%add3A_885] : memref<16xf32, #tpu.memory_space<vmem>>[vector<16xi32>], vector<16xf32>,
        %get3A_887 = arith.index_cast %scan3A_853 : i32 to index
        %get3A_888 = arith.constant 16 : index
        %get3A_889 = tpu.vector_load %arg15[%get3A_887, %get3A_888] {strides = array<i32>} : memref<16x128xf32, #tpu.memory_space<vmem>>, vector<16xf32>,
        %mul3A_890 = arith.mulf %get3A_889, %gather3A_886 : vector<16xf32>
        %swap3A_891 = arith.index_cast %scan3A_853 : i32 to index
        %swap3A_892 = arith.constant 16 : index
        %swap3A_893 = tpu.vector_load %arg16[%swap3A_891, %swap3A_892] {strides = array<i32>} : memref<16x128xf32, #tpu.memory_space<vmem>>, vector<16xf32>,
        tpu.vector_store %arg16[%swap3A_891, %swap3A_892], %mul3A_890 {strides = array<i32>} : memref<16x128xf32, #tpu.memory_space<vmem>>, vector<16xf32>,
        %get3A_894 = arith.index_cast %scan3A_853 : i32 to index
        %get3A_895 = arith.constant 32 : index
        %get3A_896 = tpu.vector_load %arg13[%get3A_894, %get3A_895] {strides = array<i32>} : memref<16x128xi32, #tpu.memory_space<vmem>>, vector<16xi32>,
        %get3A_897 = arith.index_cast %scan3A_853 : i32 to index
        %get3A_898 = arith.constant 32 : index
        %get3A_899 = tpu.vector_load %arg14[%get3A_897, %get3A_898] {strides = array<i32>} : memref<16x128xi32, #tpu.memory_space<vmem>>, vector<16xi32>,
        %gather3A_900 = tpu.vector_load_idx %arg7[%get3A_896] : memref<100000xi32, #tpu.memory_space<vmem>>[vector<16xi32>], vector<16xi32>,
        %gather3A_901 = tpu.vector_load_idx %arg7[%get3A_899] : memref<100000xi32, #tpu.memory_space<vmem>>[vector<16xi32>], vector<16xi32>,
        %mul3A_902 = arith.constant 4 : i32
        %mul3A_903 = vector.broadcast %mul3A_902 : i32 to vector<16xi32>
        %mul3A_904 = arith.muli %gather3A_900, %mul3A_903 : vector<16xi32>
        %add3A_905 = arith.addi %mul3A_904, %gather3A_901 : vector<16xi32>
        %gather3A_906 = tpu.vector_load_idx %arg8[%add3A_905] : memref<16xf32, #tpu.memory_space<vmem>>[vector<16xi32>], vector<16xf32>,
        %get3A_907 = arith.index_cast %scan3A_853 : i32 to index
        %get3A_908 = arith.constant 32 : index
        %get3A_909 = tpu.vector_load %arg15[%get3A_907, %get3A_908] {strides = array<i32>} : memref<16x128xf32, #tpu.memory_space<vmem>>, vector<16xf32>,
        %mul3A_910 = arith.mulf %get3A_909, %gather3A_906 : vector<16xf32>
        %swap3A_911 = arith.index_cast %scan3A_853 : i32 to index
        %swap3A_912 = arith.constant 32 : index
        %swap3A_913 = tpu.vector_load %arg16[%swap3A_911, %swap3A_912] {strides = array<i32>} : memref<16x128xf32, #tpu.memory_space<vmem>>, vector<16xf32>,
        tpu.vector_store %arg16[%swap3A_911, %swap3A_912], %mul3A_910 {strides = array<i32>} : memref<16x128xf32, #tpu.memory_space<vmem>>, vector<16xf32>,
        %get3A_914 = arith.index_cast %scan3A_853 : i32 to index
        %get3A_915 = arith.constant 48 : index
        %get3A_916 = tpu.vector_load %arg13[%get3A_914, %get3A_915] {strides = array<i32>} : memref<16x128xi32, #tpu.memory_space<vmem>>, vector<16xi32>,
        %get3A_917 = arith.index_cast %scan3A_853 : i32 to index
        %get3A_918 = arith.constant 48 : index
        %get3A_919 = tpu.vector_load %arg14[%get3A_917, %get3A_918] {strides = array<i32>} : memref<16x128xi32, #tpu.memory_space<vmem>>, vector<16xi32>,
        %gather3A_920 = tpu.vector_load_idx %arg7[%get3A_916] : memref<100000xi32, #tpu.memory_space<vmem>>[vector<16xi32>], vector<16xi32>,
        %gather3A_921 = tpu.vector_load_idx %arg7[%get3A_919] : memref<100000xi32, #tpu.memory_space<vmem>>[vector<16xi32>], vector<16xi32>,
        %mul3A_922 = arith.constant 4 : i32
        %mul3A_923 = vector.broadcast %mul3A_922 : i32 to vector<16xi32>
        %mul3A_924 = arith.muli %gather3A_920, %mul3A_923 : vector<16xi32>
        %add3A_925 = arith.addi %mul3A_924, %gather3A_921 : vector<16xi32>
        %gather3A_926 = tpu.vector_load_idx %arg8[%add3A_925] : memref<16xf32, #tpu.memory_space<vmem>>[vector<16xi32>], vector<16xf32>,
        %get3A_927 = arith.index_cast %scan3A_853 : i32 to index
        %get3A_928 = arith.constant 48 : index
        %get3A_929 = tpu.vector_load %arg15[%get3A_927, %get3A_928] {strides = array<i32>} : memref<16x128xf32, #tpu.memory_space<vmem>>, vector<16xf32>,
        %mul3A_930 = arith.mulf %get3A_929, %gather3A_926 : vector<16xf32>
        %swap3A_931 = arith.index_cast %scan3A_853 : i32 to index
        %swap3A_932 = arith.constant 48 : index
        %swap3A_933 = tpu.vector_load %arg16[%swap3A_931, %swap3A_932] {strides = array<i32>} : memref<16x128xf32, #tpu.memory_space<vmem>>, vector<16xf32>,
        tpu.vector_store %arg16[%swap3A_931, %swap3A_932], %mul3A_930 {strides = array<i32>} : memref<16x128xf32, #tpu.memory_space<vmem>>, vector<16xf32>,
        %get3A_934 = arith.index_cast %scan3A_853 : i32 to index
        %get3A_935 = arith.constant 64 : index
        %get3A_936 = tpu.vector_load %arg13[%get3A_934, %get3A_935] {strides = array<i32>} : memref<16x128xi32, #tpu.memory_space<vmem>>, vector<16xi32>,
        %get3A_937 = arith.index_cast %scan3A_853 : i32 to index
        %get3A_938 = arith.constant 64 : index
        %get3A_939 = tpu.vector_load %arg14[%get3A_937, %get3A_938] {strides = array<i32>} : memref<16x128xi32, #tpu.memory_space<vmem>>, vector<16xi32>,
        %gather3A_940 = tpu.vector_load_idx %arg7[%get3A_936] : memref<100000xi32, #tpu.memory_space<vmem>>[vector<16xi32>], vector<16xi32>,
        %gather3A_941 = tpu.vector_load_idx %arg7[%get3A_939] : memref<100000xi32, #tpu.memory_space<vmem>>[vector<16xi32>], vector<16xi32>,
        %mul3A_942 = arith.constant 4 : i32
        %mul3A_943 = vector.broadcast %mul3A_942 : i32 to vector<16xi32>
        %mul3A_944 = arith.muli %gather3A_940, %mul3A_943 : vector<16xi32>
        %add3A_945 = arith.addi %mul3A_944, %gather3A_941 : vector<16xi32>
        %gather3A_946 = tpu.vector_load_idx %arg8[%add3A_945] : memref<16xf32, #tpu.memory_space<vmem>>[vector<16xi32>], vector<16xf32>,
        %get3A_947 = arith.index_cast %scan3A_853 : i32 to index
        %get3A_948 = arith.constant 64 : index
        %get3A_949 = tpu.vector_load %arg15[%get3A_947, %get3A_948] {strides = array<i32>} : memref<16x128xf32, #tpu.memory_space<vmem>>, vector<16xf32>,
        %mul3A_950 = arith.mulf %get3A_949, %gather3A_946 : vector<16xf32>
        %swap3A_951 = arith.index_cast %scan3A_853 : i32 to index
        %swap3A_952 = arith.constant 64 : index
        %swap3A_953 = tpu.vector_load %arg16[%swap3A_951, %swap3A_952] {strides = array<i32>} : memref<16x128xf32, #tpu.memory_space<vmem>>, vector<16xf32>,
        tpu.vector_store %arg16[%swap3A_951, %swap3A_952], %mul3A_950 {strides = array<i32>} : memref<16x128xf32, #tpu.memory_space<vmem>>, vector<16xf32>,
        %get3A_954 = arith.index_cast %scan3A_853 : i32 to index
        %get3A_955 = arith.constant 80 : index
        %get3A_956 = tpu.vector_load %arg13[%get3A_954, %get3A_955] {strides = array<i32>} : memref<16x128xi32, #tpu.memory_space<vmem>>, vector<16xi32>,
        %get3A_957 = arith.index_cast %scan3A_853 : i32 to index
        %get3A_958 = arith.constant 80 : index
        %get3A_959 = tpu.vector_load %arg14[%get3A_957, %get3A_958] {strides = array<i32>} : memref<16x128xi32, #tpu.memory_space<vmem>>, vector<16xi32>,
        %gather3A_960 = tpu.vector_load_idx %arg7[%get3A_956] : memref<100000xi32, #tpu.memory_space<vmem>>[vector<16xi32>], vector<16xi32>,
        %gather3A_961 = tpu.vector_load_idx %arg7[%get3A_959] : memref<100000xi32, #tpu.memory_space<vmem>>[vector<16xi32>], vector<16xi32>,
        %mul3A_962 = arith.constant 4 : i32
        %mul3A_963 = vector.broadcast %mul3A_962 : i32 to vector<16xi32>
        %mul3A_964 = arith.muli %gather3A_960, %mul3A_963 : vector<16xi32>
        %add3A_965 = arith.addi %mul3A_964, %gather3A_961 : vector<16xi32>
        %gather3A_966 = tpu.vector_load_idx %arg8[%add3A_965] : memref<16xf32, #tpu.memory_space<vmem>>[vector<16xi32>], vector<16xf32>,
        %get3A_967 = arith.index_cast %scan3A_853 : i32 to index
        %get3A_968 = arith.constant 80 : index
        %get3A_969 = tpu.vector_load %arg15[%get3A_967, %get3A_968] {strides = array<i32>} : memref<16x128xf32, #tpu.memory_space<vmem>>, vector<16xf32>,
        %mul3A_970 = arith.mulf %get3A_969, %gather3A_966 : vector<16xf32>
        %swap3A_971 = arith.index_cast %scan3A_853 : i32 to index
        %swap3A_972 = arith.constant 80 : index
        %swap3A_973 = tpu.vector_load %arg16[%swap3A_971, %swap3A_972] {strides = array<i32>} : memref<16x128xf32, #tpu.memory_space<vmem>>, vector<16xf32>,
        tpu.vector_store %arg16[%swap3A_971, %swap3A_972], %mul3A_970 {strides = array<i32>} : memref<16x128xf32, #tpu.memory_space<vmem>>, vector<16xf32>,
        %get3A_974 = arith.index_cast %scan3A_853 : i32 to index
        %get3A_975 = arith.constant 96 : index
        %get3A_976 = tpu.vector_load %arg13[%get3A_974, %get3A_975] {strides = array<i32>} : memref<16x128xi32, #tpu.memory_space<vmem>>, vector<16xi32>,
        %get3A_977 = arith.index_cast %scan3A_853 : i32 to index
        %get3A_978 = arith.constant 96 : index
        %get3A_979 = tpu.vector_load %arg14[%get3A_977, %get3A_978] {strides = array<i32>} : memref<16x128xi32, #tpu.memory_space<vmem>>, vector<16xi32>,
        %gather3A_980 = tpu.vector_load_idx %arg7[%get3A_976] : memref<100000xi32, #tpu.memory_space<vmem>>[vector<16xi32>], vector<16xi32>,
        %gather3A_981 = tpu.vector_load_idx %arg7[%get3A_979] : memref<100000xi32, #tpu.memory_space<vmem>>[vector<16xi32>], vector<16xi32>,
        %mul3A_982 = arith.constant 4 : i32
        %mul3A_983 = vector.broadcast %mul3A_982 : i32 to vector<16xi32>
        %mul3A_984 = arith.muli %gather3A_980, %mul3A_983 : vector<16xi32>
        %add3A_985 = arith.addi %mul3A_984, %gather3A_981 : vector<16xi32>
        %gather3A_986 = tpu.vector_load_idx %arg8[%add3A_985] : memref<16xf32, #tpu.memory_space<vmem>>[vector<16xi32>], vector<16xf32>,
        %get3A_987 = arith.index_cast %scan3A_853 : i32 to index
        %get3A_988 = arith.constant 96 : index
        %get3A_989 = tpu.vector_load %arg15[%get3A_987, %get3A_988] {strides = array<i32>} : memref<16x128xf32, #tpu.memory_space<vmem>>, vector<16xf32>,
        %mul3A_990 = arith.mulf %get3A_989, %gather3A_986 : vector<16xf32>
        %swap3A_991 = arith.index_cast %scan3A_853 : i32 to index
        %swap3A_992 = arith.constant 96 : index
        %swap3A_993 = tpu.vector_load %arg16[%swap3A_991, %swap3A_992] {strides = array<i32>} : memref<16x128xf32, #tpu.memory_space<vmem>>, vector<16xf32>,
        tpu.vector_store %arg16[%swap3A_991, %swap3A_992], %mul3A_990 {strides = array<i32>} : memref<16x128xf32, #tpu.memory_space<vmem>>, vector<16xf32>,
        %get3A_994 = arith.index_cast %scan3A_853 : i32 to index
        %get3A_995 = arith.constant 112 : index
        %get3A_996 = tpu.vector_load %arg13[%get3A_994, %get3A_995] {strides = array<i32>} : memref<16x128xi32, #tpu.memory_space<vmem>>, vector<16xi32>,
        %get3A_997 = arith.index_cast %scan3A_853 : i32 to index
        %get3A_998 = arith.constant 112 : index
        %get3A_999 = tpu.vector_load %arg14[%get3A_997, %get3A_998] {strides = array<i32>} : memref<16x128xi32, #tpu.memory_space<vmem>>, vector<16xi32>,
        %gather3A_1000 = tpu.vector_load_idx %arg7[%get3A_996] : memref<100000xi32, #tpu.memory_space<vmem>>[vector<16xi32>], vector<16xi32>,
        %gather3A_1001 = tpu.vector_load_idx %arg7[%get3A_999] : memref<100000xi32, #tpu.memory_space<vmem>>[vector<16xi32>], vector<16xi32>,
        %mul3A_1002 = arith.constant 4 : i32
        %mul3A_1003 = vector.broadcast %mul3A_1002 : i32 to vector<16xi32>
        %mul3A_1004 = arith.muli %gather3A_1000, %mul3A_1003 : vector<16xi32>
        %add3A_1005 = arith.addi %mul3A_1004, %gather3A_1001 : vector<16xi32>
        %gather3A_1006 = tpu.vector_load_idx %arg8[%add3A_1005] : memref<16xf32, #tpu.memory_space<vmem>>[vector<16xi32>], vector<16xf32>,
        %get3A_1007 = arith.index_cast %scan3A_853 : i32 to index
        %get3A_1008 = arith.constant 112 : index
        %get3A_1009 = tpu.vector_load %arg15[%get3A_1007, %get3A_1008] {strides = array<i32>} : memref<16x128xf32, #tpu.memory_space<vmem>>, vector<16xf32>,
        %mul3A_1010 = arith.mulf %get3A_1009, %gather3A_1006 : vector<16xf32>
        %swap3A_1011 = arith.index_cast %scan3A_853 : i32 to index
        %swap3A_1012 = arith.constant 112 : index
        %swap3A_1013 = tpu.vector_load %arg16[%swap3A_1011, %swap3A_1012] {strides = array<i32>} : memref<16x128xf32, #tpu.memory_space<vmem>>, vector<16xf32>,
        tpu.vector_store %arg16[%swap3A_1011, %swap3A_1012], %mul3A_1010 {strides = array<i32>} : memref<16x128xf32, #tpu.memory_space<vmem>>, vector<16xf32>,
        %scan3A_1014 = arith.constant 0 : i32
        scf.yield %scan3A_1014 : i32
      }
      %scan3A_523 = arith.constant 16 : i32
      %dma_wait3A_524 = arith.constant 0 : i32
      %dma_wait3A_525 = arith.constant 0 : i32
      %dma_wait3A_526 = arith.constant 0 : i32
      %dma_wait3A_527 = tpu.memref_slice %arg12[%dma_wait3A_524, %dma_wait3A_526] : memref<16x128xf32, #tpu.memory_space<vmem>> -> memref<1x128xf32, #tpu.memory_space<vmem>>
      %dma_wait3A_528 = tpu.memref_squeeze %dma_wait3A_527 : memref<1x128xf32, #tpu.memory_space<vmem>> -> memref<128xf32, #tpu.memory_space<vmem>>
      %dma_wait3A_529 = arith.constant 0 : i32
      %dma_wait3A_530 = tpu.memref_slice %arg9[%dma_wait3A_525, %dma_wait3A_529] : memref<16x128xi32, #tpu.memory_space<vmem>> -> memref<1x128xi32, #tpu.memory_space<vmem>>
      %dma_wait3A_531 = tpu.memref_squeeze %dma_wait3A_530 : memref<1x128xi32, #tpu.memory_space<vmem>> -> memref<128xi32, #tpu.memory_space<vmem>>
      %dma_wait3A_532 = arith.constant 0 : i32
      %dma_wait3A_533 = tpu.memref_slice %arg18[%dma_wait3A_532] : memref<102400xf32, #tpu.memory_space<vmem_shared>> -> memref<102400xf32, #tpu.memory_space<vmem_shared>>
      tpu.wait_indirect_dma semaphore(%arg21 : memref<!tpu.dma_semaphore, #tpu.memory_space<semaphore_mem>>) src(%dma_wait3A_528 : memref<128xf32, #tpu.memory_space<vmem>>) dst(%dma_wait3A_533 : memref<102400xf32, #tpu.memory_space<vmem_shared>>)
      %dma_wait3A_534 = arith.constant 1 : i32
      %dma_wait3A_535 = arith.constant 1 : i32
      %dma_wait3A_536 = arith.constant 0 : i32
      %dma_wait3A_537 = tpu.memref_slice %arg12[%dma_wait3A_534, %dma_wait3A_536] : memref<16x128xf32, #tpu.memory_space<vmem>> -> memref<1x128xf32, #tpu.memory_space<vmem>>
      %dma_wait3A_538 = tpu.memref_squeeze %dma_wait3A_537 : memref<1x128xf32, #tpu.memory_space<vmem>> -> memref<128xf32, #tpu.memory_space<vmem>>
      %dma_wait3A_539 = arith.constant 0 : i32
      %dma_wait3A_540 = tpu.memref_slice %arg9[%dma_wait3A_535, %dma_wait3A_539] : memref<16x128xi32, #tpu.memory_space<vmem>> -> memref<1x128xi32, #tpu.memory_space<vmem>>
      %dma_wait3A_541 = tpu.memref_squeeze %dma_wait3A_540 : memref<1x128xi32, #tpu.memory_space<vmem>> -> memref<128xi32, #tpu.memory_space<vmem>>
      %dma_wait3A_542 = arith.constant 0 : i32
      %dma_wait3A_543 = tpu.memref_slice %arg18[%dma_wait3A_542] : memref<102400xf32, #tpu.memory_space<vmem_shared>> -> memref<102400xf32, #tpu.memory_space<vmem_shared>>
      tpu.wait_indirect_dma semaphore(%arg21 : memref<!tpu.dma_semaphore, #tpu.memory_space<semaphore_mem>>) src(%dma_wait3A_538 : memref<128xf32, #tpu.memory_space<vmem>>) dst(%dma_wait3A_543 : memref<102400xf32, #tpu.memory_space<vmem_shared>>)
      %dma_wait3A_544 = arith.constant 2 : i32
      %dma_wait3A_545 = arith.constant 2 : i32
      %dma_wait3A_546 = arith.constant 0 : i32
      %dma_wait3A_547 = tpu.memref_slice %arg12[%dma_wait3A_544, %dma_wait3A_546] : memref<16x128xf32, #tpu.memory_space<vmem>> -> memref<1x128xf32, #tpu.memory_space<vmem>>
      %dma_wait3A_548 = tpu.memref_squeeze %dma_wait3A_547 : memref<1x128xf32, #tpu.memory_space<vmem>> -> memref<128xf32, #tpu.memory_space<vmem>>
      %dma_wait3A_549 = arith.constant 0 : i32
      %dma_wait3A_550 = tpu.memref_slice %arg9[%dma_wait3A_545, %dma_wait3A_549] : memref<16x128xi32, #tpu.memory_space<vmem>> -> memref<1x128xi32, #tpu.memory_space<vmem>>
      %dma_wait3A_551 = tpu.memref_squeeze %dma_wait3A_550 : memref<1x128xi32, #tpu.memory_space<vmem>> -> memref<128xi32, #tpu.memory_space<vmem>>
      %dma_wait3A_552 = arith.constant 0 : i32
      %dma_wait3A_553 = tpu.memref_slice %arg18[%dma_wait3A_552] : memref<102400xf32, #tpu.memory_space<vmem_shared>> -> memref<102400xf32, #tpu.memory_space<vmem_shared>>
      tpu.wait_indirect_dma semaphore(%arg21 : memref<!tpu.dma_semaphore, #tpu.memory_space<semaphore_mem>>) src(%dma_wait3A_548 : memref<128xf32, #tpu.memory_space<vmem>>) dst(%dma_wait3A_553 : memref<102400xf32, #tpu.memory_space<vmem_shared>>)
      %dma_wait3A_554 = arith.constant 3 : i32
      %dma_wait3A_555 = arith.constant 3 : i32
      %dma_wait3A_556 = arith.constant 0 : i32
      %dma_wait3A_557 = tpu.memref_slice %arg12[%dma_wait3A_554, %dma_wait3A_556] : memref<16x128xf32, #tpu.memory_space<vmem>> -> memref<1x128xf32, #tpu.memory_space<vmem>>
      %dma_wait3A_558 = tpu.memref_squeeze %dma_wait3A_557 : memref<1x128xf32, #tpu.memory_space<vmem>> -> memref<128xf32, #tpu.memory_space<vmem>>
      %dma_wait3A_559 = arith.constant 0 : i32
      %dma_wait3A_560 = tpu.memref_slice %arg9[%dma_wait3A_555, %dma_wait3A_559] : memref<16x128xi32, #tpu.memory_space<vmem>> -> memref<1x128xi32, #tpu.memory_space<vmem>>
      %dma_wait3A_561 = tpu.memref_squeeze %dma_wait3A_560 : memref<1x128xi32, #tpu.memory_space<vmem>> -> memref<128xi32, #tpu.memory_space<vmem>>
      %dma_wait3A_562 = arith.constant 0 : i32
      %dma_wait3A_563 = tpu.memref_slice %arg18[%dma_wait3A_562] : memref<102400xf32, #tpu.memory_space<vmem_shared>> -> memref<102400xf32, #tpu.memory_space<vmem_shared>>
      tpu.wait_indirect_dma semaphore(%arg21 : memref<!tpu.dma_semaphore, #tpu.memory_space<semaphore_mem>>) src(%dma_wait3A_558 : memref<128xf32, #tpu.memory_space<vmem>>) dst(%dma_wait3A_563 : memref<102400xf32, #tpu.memory_space<vmem_shared>>)
      %dma_wait3A_564 = arith.constant 4 : i32
      %dma_wait3A_565 = arith.constant 4 : i32
      %dma_wait3A_566 = arith.constant 0 : i32
      %dma_wait3A_567 = tpu.memref_slice %arg12[%dma_wait3A_564, %dma_wait3A_566] : memref<16x128xf32, #tpu.memory_space<vmem>> -> memref<1x128xf32, #tpu.memory_space<vmem>>
      %dma_wait3A_568 = tpu.memref_squeeze %dma_wait3A_567 : memref<1x128xf32, #tpu.memory_space<vmem>> -> memref<128xf32, #tpu.memory_space<vmem>>
      %dma_wait3A_569 = arith.constant 0 : i32
      %dma_wait3A_570 = tpu.memref_slice %arg9[%dma_wait3A_565, %dma_wait3A_569] : memref<16x128xi32, #tpu.memory_space<vmem>> -> memref<1x128xi32, #tpu.memory_space<vmem>>
      %dma_wait3A_571 = tpu.memref_squeeze %dma_wait3A_570 : memref<1x128xi32, #tpu.memory_space<vmem>> -> memref<128xi32, #tpu.memory_space<vmem>>
      %dma_wait3A_572 = arith.constant 0 : i32
      %dma_wait3A_573 = tpu.memref_slice %arg18[%dma_wait3A_572] : memref<102400xf32, #tpu.memory_space<vmem_shared>> -> memref<102400xf32, #tpu.memory_space<vmem_shared>>
      tpu.wait_indirect_dma semaphore(%arg21 : memref<!tpu.dma_semaphore, #tpu.memory_space<semaphore_mem>>) src(%dma_wait3A_568 : memref<128xf32, #tpu.memory_space<vmem>>) dst(%dma_wait3A_573 : memref<102400xf32, #tpu.memory_space<vmem_shared>>)
      %dma_wait3A_574 = arith.constant 5 : i32
      %dma_wait3A_575 = arith.constant 5 : i32
      %dma_wait3A_576 = arith.constant 0 : i32
      %dma_wait3A_577 = tpu.memref_slice %arg12[%dma_wait3A_574, %dma_wait3A_576] : memref<16x128xf32, #tpu.memory_space<vmem>> -> memref<1x128xf32, #tpu.memory_space<vmem>>
      %dma_wait3A_578 = tpu.memref_squeeze %dma_wait3A_577 : memref<1x128xf32, #tpu.memory_space<vmem>> -> memref<128xf32, #tpu.memory_space<vmem>>
      %dma_wait3A_579 = arith.constant 0 : i32
      %dma_wait3A_580 = tpu.memref_slice %arg9[%dma_wait3A_575, %dma_wait3A_579] : memref<16x128xi32, #tpu.memory_space<vmem>> -> memref<1x128xi32, #tpu.memory_space<vmem>>
      %dma_wait3A_581 = tpu.memref_squeeze %dma_wait3A_580 : memref<1x128xi32, #tpu.memory_space<vmem>> -> memref<128xi32, #tpu.memory_space<vmem>>
      %dma_wait3A_582 = arith.constant 0 : i32
      %dma_wait3A_583 = tpu.memref_slice %arg18[%dma_wait3A_582] : memref<102400xf32, #tpu.memory_space<vmem_shared>> -> memref<102400xf32, #tpu.memory_space<vmem_shared>>
      tpu.wait_indirect_dma semaphore(%arg21 : memref<!tpu.dma_semaphore, #tpu.memory_space<semaphore_mem>>) src(%dma_wait3A_578 : memref<128xf32, #tpu.memory_space<vmem>>) dst(%dma_wait3A_583 : memref<102400xf32, #tpu.memory_space<vmem_shared>>)
      %dma_wait3A_584 = arith.constant 6 : i32
      %dma_wait3A_585 = arith.constant 6 : i32
      %dma_wait3A_586 = arith.constant 0 : i32
      %dma_wait3A_587 = tpu.memref_slice %arg12[%dma_wait3A_584, %dma_wait3A_586] : memref<16x128xf32, #tpu.memory_space<vmem>> -> memref<1x128xf32, #tpu.memory_space<vmem>>
      %dma_wait3A_588 = tpu.memref_squeeze %dma_wait3A_587 : memref<1x128xf32, #tpu.memory_space<vmem>> -> memref<128xf32, #tpu.memory_space<vmem>>
      %dma_wait3A_589 = arith.constant 0 : i32
      %dma_wait3A_590 = tpu.memref_slice %arg9[%dma_wait3A_585, %dma_wait3A_589] : memref<16x128xi32, #tpu.memory_space<vmem>> -> memref<1x128xi32, #tpu.memory_space<vmem>>
      %dma_wait3A_591 = tpu.memref_squeeze %dma_wait3A_590 : memref<1x128xi32, #tpu.memory_space<vmem>> -> memref<128xi32, #tpu.memory_space<vmem>>
      %dma_wait3A_592 = arith.constant 0 : i32
      %dma_wait3A_593 = tpu.memref_slice %arg18[%dma_wait3A_592] : memref<102400xf32, #tpu.memory_space<vmem_shared>> -> memref<102400xf32, #tpu.memory_space<vmem_shared>>
      tpu.wait_indirect_dma semaphore(%arg21 : memref<!tpu.dma_semaphore, #tpu.memory_space<semaphore_mem>>) src(%dma_wait3A_588 : memref<128xf32, #tpu.memory_space<vmem>>) dst(%dma_wait3A_593 : memref<102400xf32, #tpu.memory_space<vmem_shared>>)
      %dma_wait3A_594 = arith.constant 7 : i32
      %dma_wait3A_595 = arith.constant 7 : i32
      %dma_wait3A_596 = arith.constant 0 : i32
      %dma_wait3A_597 = tpu.memref_slice %arg12[%dma_wait3A_594, %dma_wait3A_596] : memref<16x128xf32, #tpu.memory_space<vmem>> -> memref<1x128xf32, #tpu.memory_space<vmem>>
      %dma_wait3A_598 = tpu.memref_squeeze %dma_wait3A_597 : memref<1x128xf32, #tpu.memory_space<vmem>> -> memref<128xf32, #tpu.memory_space<vmem>>
      %dma_wait3A_599 = arith.constant 0 : i32
      %dma_wait3A_600 = tpu.memref_slice %arg9[%dma_wait3A_595, %dma_wait3A_599] : memref<16x128xi32, #tpu.memory_space<vmem>> -> memref<1x128xi32, #tpu.memory_space<vmem>>
      %dma_wait3A_601 = tpu.memref_squeeze %dma_wait3A_600 : memref<1x128xi32, #tpu.memory_space<vmem>> -> memref<128xi32, #tpu.memory_space<vmem>>
      %dma_wait3A_602 = arith.constant 0 : i32
      %dma_wait3A_603 = tpu.memref_slice %arg18[%dma_wait3A_602] : memref<102400xf32, #tpu.memory_space<vmem_shared>> -> memref<102400xf32, #tpu.memory_space<vmem_shared>>
      tpu.wait_indirect_dma semaphore(%arg21 : memref<!tpu.dma_semaphore, #tpu.memory_space<semaphore_mem>>) src(%dma_wait3A_598 : memref<128xf32, #tpu.memory_space<vmem>>) dst(%dma_wait3A_603 : memref<102400xf32, #tpu.memory_space<vmem_shared>>)
      %dma_wait3A_604 = arith.constant 8 : i32
      %dma_wait3A_605 = arith.constant 8 : i32
      %dma_wait3A_606 = arith.constant 0 : i32
      %dma_wait3A_607 = tpu.memref_slice %arg12[%dma_wait3A_604, %dma_wait3A_606] : memref<16x128xf32, #tpu.memory_space<vmem>> -> memref<1x128xf32, #tpu.memory_space<vmem>>
      %dma_wait3A_608 = tpu.memref_squeeze %dma_wait3A_607 : memref<1x128xf32, #tpu.memory_space<vmem>> -> memref<128xf32, #tpu.memory_space<vmem>>
      %dma_wait3A_609 = arith.constant 0 : i32
      %dma_wait3A_610 = tpu.memref_slice %arg9[%dma_wait3A_605, %dma_wait3A_609] : memref<16x128xi32, #tpu.memory_space<vmem>> -> memref<1x128xi32, #tpu.memory_space<vmem>>
      %dma_wait3A_611 = tpu.memref_squeeze %dma_wait3A_610 : memref<1x128xi32, #tpu.memory_space<vmem>> -> memref<128xi32, #tpu.memory_space<vmem>>
      %dma_wait3A_612 = arith.constant 0 : i32
      %dma_wait3A_613 = tpu.memref_slice %arg18[%dma_wait3A_612] : memref<102400xf32, #tpu.memory_space<vmem_shared>> -> memref<102400xf32, #tpu.memory_space<vmem_shared>>
      tpu.wait_indirect_dma semaphore(%arg21 : memref<!tpu.dma_semaphore, #tpu.memory_space<semaphore_mem>>) src(%dma_wait3A_608 : memref<128xf32, #tpu.memory_space<vmem>>) dst(%dma_wait3A_613 : memref<102400xf32, #tpu.memory_space<vmem_shared>>)
      %dma_wait3A_614 = arith.constant 9 : i32
      %dma_wait3A_615 = arith.constant 9 : i32
      %dma_wait3A_616 = arith.constant 0 : i32
      %dma_wait3A_617 = tpu.memref_slice %arg12[%dma_wait3A_614, %dma_wait3A_616] : memref<16x128xf32, #tpu.memory_space<vmem>> -> memref<1x128xf32, #tpu.memory_space<vmem>>
      %dma_wait3A_618 = tpu.memref_squeeze %dma_wait3A_617 : memref<1x128xf32, #tpu.memory_space<vmem>> -> memref<128xf32, #tpu.memory_space<vmem>>
      %dma_wait3A_619 = arith.constant 0 : i32
      %dma_wait3A_620 = tpu.memref_slice %arg9[%dma_wait3A_615, %dma_wait3A_619] : memref<16x128xi32, #tpu.memory_space<vmem>> -> memref<1x128xi32, #tpu.memory_space<vmem>>
      %dma_wait3A_621 = tpu.memref_squeeze %dma_wait3A_620 : memref<1x128xi32, #tpu.memory_space<vmem>> -> memref<128xi32, #tpu.memory_space<vmem>>
      %dma_wait3A_622 = arith.constant 0 : i32
      %dma_wait3A_623 = tpu.memref_slice %arg18[%dma_wait3A_622] : memref<102400xf32, #tpu.memory_space<vmem_shared>> -> memref<102400xf32, #tpu.memory_space<vmem_shared>>
      tpu.wait_indirect_dma semaphore(%arg21 : memref<!tpu.dma_semaphore, #tpu.memory_space<semaphore_mem>>) src(%dma_wait3A_618 : memref<128xf32, #tpu.memory_space<vmem>>) dst(%dma_wait3A_623 : memref<102400xf32, #tpu.memory_space<vmem_shared>>)
      %dma_wait3A_624 = arith.constant 10 : i32
      %dma_wait3A_625 = arith.constant 10 : i32
      %dma_wait3A_626 = arith.constant 0 : i32
      %dma_wait3A_627 = tpu.memref_slice %arg12[%dma_wait3A_624, %dma_wait3A_626] : memref<16x128xf32, #tpu.memory_space<vmem>> -> memref<1x128xf32, #tpu.memory_space<vmem>>
      %dma_wait3A_628 = tpu.memref_squeeze %dma_wait3A_627 : memref<1x128xf32, #tpu.memory_space<vmem>> -> memref<128xf32, #tpu.memory_space<vmem>>
      %dma_wait3A_629 = arith.constant 0 : i32
      %dma_wait3A_630 = tpu.memref_slice %arg9[%dma_wait3A_625, %dma_wait3A_629] : memref<16x128xi32, #tpu.memory_space<vmem>> -> memref<1x128xi32, #tpu.memory_space<vmem>>
      %dma_wait3A_631 = tpu.memref_squeeze %dma_wait3A_630 : memref<1x128xi32, #tpu.memory_space<vmem>> -> memref<128xi32, #tpu.memory_space<vmem>>
      %dma_wait3A_632 = arith.constant 0 : i32
      %dma_wait3A_633 = tpu.memref_slice %arg18[%dma_wait3A_632] : memref<102400xf32, #tpu.memory_space<vmem_shared>> -> memref<102400xf32, #tpu.memory_space<vmem_shared>>
      tpu.wait_indirect_dma semaphore(%arg21 : memref<!tpu.dma_semaphore, #tpu.memory_space<semaphore_mem>>) src(%dma_wait3A_628 : memref<128xf32, #tpu.memory_space<vmem>>) dst(%dma_wait3A_633 : memref<102400xf32, #tpu.memory_space<vmem_shared>>)
      %dma_wait3A_634 = arith.constant 11 : i32
      %dma_wait3A_635 = arith.constant 11 : i32
      %dma_wait3A_636 = arith.constant 0 : i32
      %dma_wait3A_637 = tpu.memref_slice %arg12[%dma_wait3A_634, %dma_wait3A_636] : memref<16x128xf32, #tpu.memory_space<vmem>> -> memref<1x128xf32, #tpu.memory_space<vmem>>
      %dma_wait3A_638 = tpu.memref_squeeze %dma_wait3A_637 : memref<1x128xf32, #tpu.memory_space<vmem>> -> memref<128xf32, #tpu.memory_space<vmem>>
      %dma_wait3A_639 = arith.constant 0 : i32
      %dma_wait3A_640 = tpu.memref_slice %arg9[%dma_wait3A_635, %dma_wait3A_639] : memref<16x128xi32, #tpu.memory_space<vmem>> -> memref<1x128xi32, #tpu.memory_space<vmem>>
      %dma_wait3A_641 = tpu.memref_squeeze %dma_wait3A_640 : memref<1x128xi32, #tpu.memory_space<vmem>> -> memref<128xi32, #tpu.memory_space<vmem>>
      %dma_wait3A_642 = arith.constant 0 : i32
      %dma_wait3A_643 = tpu.memref_slice %arg18[%dma_wait3A_642] : memref<102400xf32, #tpu.memory_space<vmem_shared>> -> memref<102400xf32, #tpu.memory_space<vmem_shared>>
      tpu.wait_indirect_dma semaphore(%arg21 : memref<!tpu.dma_semaphore, #tpu.memory_space<semaphore_mem>>) src(%dma_wait3A_638 : memref<128xf32, #tpu.memory_space<vmem>>) dst(%dma_wait3A_643 : memref<102400xf32, #tpu.memory_space<vmem_shared>>)
      %dma_wait3A_644 = arith.constant 12 : i32
      %dma_wait3A_645 = arith.constant 12 : i32
      %dma_wait3A_646 = arith.constant 0 : i32
      %dma_wait3A_647 = tpu.memref_slice %arg12[%dma_wait3A_644, %dma_wait3A_646] : memref<16x128xf32, #tpu.memory_space<vmem>> -> memref<1x128xf32, #tpu.memory_space<vmem>>
      %dma_wait3A_648 = tpu.memref_squeeze %dma_wait3A_647 : memref<1x128xf32, #tpu.memory_space<vmem>> -> memref<128xf32, #tpu.memory_space<vmem>>
      %dma_wait3A_649 = arith.constant 0 : i32
      %dma_wait3A_650 = tpu.memref_slice %arg9[%dma_wait3A_645, %dma_wait3A_649] : memref<16x128xi32, #tpu.memory_space<vmem>> -> memref<1x128xi32, #tpu.memory_space<vmem>>
      %dma_wait3A_651 = tpu.memref_squeeze %dma_wait3A_650 : memref<1x128xi32, #tpu.memory_space<vmem>> -> memref<128xi32, #tpu.memory_space<vmem>>
      %dma_wait3A_652 = arith.constant 0 : i32
      %dma_wait3A_653 = tpu.memref_slice %arg18[%dma_wait3A_652] : memref<102400xf32, #tpu.memory_space<vmem_shared>> -> memref<102400xf32, #tpu.memory_space<vmem_shared>>
      tpu.wait_indirect_dma semaphore(%arg21 : memref<!tpu.dma_semaphore, #tpu.memory_space<semaphore_mem>>) src(%dma_wait3A_648 : memref<128xf32, #tpu.memory_space<vmem>>) dst(%dma_wait3A_653 : memref<102400xf32, #tpu.memory_space<vmem_shared>>)
      %dma_wait3A_654 = arith.constant 13 : i32
      %dma_wait3A_655 = arith.constant 13 : i32
      %dma_wait3A_656 = arith.constant 0 : i32
      %dma_wait3A_657 = tpu.memref_slice %arg12[%dma_wait3A_654, %dma_wait3A_656] : memref<16x128xf32, #tpu.memory_space<vmem>> -> memref<1x128xf32, #tpu.memory_space<vmem>>
      %dma_wait3A_658 = tpu.memref_squeeze %dma_wait3A_657 : memref<1x128xf32, #tpu.memory_space<vmem>> -> memref<128xf32, #tpu.memory_space<vmem>>
      %dma_wait3A_659 = arith.constant 0 : i32
      %dma_wait3A_660 = tpu.memref_slice %arg9[%dma_wait3A_655, %dma_wait3A_659] : memref<16x128xi32, #tpu.memory_space<vmem>> -> memref<1x128xi32, #tpu.memory_space<vmem>>
      %dma_wait3A_661 = tpu.memref_squeeze %dma_wait3A_660 : memref<1x128xi32, #tpu.memory_space<vmem>> -> memref<128xi32, #tpu.memory_space<vmem>>
      %dma_wait3A_662 = arith.constant 0 : i32
      %dma_wait3A_663 = tpu.memref_slice %arg18[%dma_wait3A_662] : memref<102400xf32, #tpu.memory_space<vmem_shared>> -> memref<102400xf32, #tpu.memory_space<vmem_shared>>
      tpu.wait_indirect_dma semaphore(%arg21 : memref<!tpu.dma_semaphore, #tpu.memory_space<semaphore_mem>>) src(%dma_wait3A_658 : memref<128xf32, #tpu.memory_space<vmem>>) dst(%dma_wait3A_663 : memref<102400xf32, #tpu.memory_space<vmem_shared>>)
      %dma_wait3A_664 = arith.constant 14 : i32
      %dma_wait3A_665 = arith.constant 14 : i32
      %dma_wait3A_666 = arith.constant 0 : i32
      %dma_wait3A_667 = tpu.memref_slice %arg12[%dma_wait3A_664, %dma_wait3A_666] : memref<16x128xf32, #tpu.memory_space<vmem>> -> memref<1x128xf32, #tpu.memory_space<vmem>>
      %dma_wait3A_668 = tpu.memref_squeeze %dma_wait3A_667 : memref<1x128xf32, #tpu.memory_space<vmem>> -> memref<128xf32, #tpu.memory_space<vmem>>
      %dma_wait3A_669 = arith.constant 0 : i32
      %dma_wait3A_670 = tpu.memref_slice %arg9[%dma_wait3A_665, %dma_wait3A_669] : memref<16x128xi32, #tpu.memory_space<vmem>> -> memref<1x128xi32, #tpu.memory_space<vmem>>
      %dma_wait3A_671 = tpu.memref_squeeze %dma_wait3A_670 : memref<1x128xi32, #tpu.memory_space<vmem>> -> memref<128xi32, #tpu.memory_space<vmem>>
      %dma_wait3A_672 = arith.constant 0 : i32
      %dma_wait3A_673 = tpu.memref_slice %arg18[%dma_wait3A_672] : memref<102400xf32, #tpu.memory_space<vmem_shared>> -> memref<102400xf32, #tpu.memory_space<vmem_shared>>
      tpu.wait_indirect_dma semaphore(%arg21 : memref<!tpu.dma_semaphore, #tpu.memory_space<semaphore_mem>>) src(%dma_wait3A_668 : memref<128xf32, #tpu.memory_space<vmem>>) dst(%dma_wait3A_673 : memref<102400xf32, #tpu.memory_space<vmem_shared>>)
      %dma_wait3A_674 = arith.constant 15 : i32
      %dma_wait3A_675 = arith.constant 15 : i32
      %dma_wait3A_676 = arith.constant 0 : i32
      %dma_wait3A_677 = tpu.memref_slice %arg12[%dma_wait3A_674, %dma_wait3A_676] : memref<16x128xf32, #tpu.memory_space<vmem>> -> memref<1x128xf32, #tpu.memory_space<vmem>>
      %dma_wait3A_678 = tpu.memref_squeeze %dma_wait3A_677 : memref<1x128xf32, #tpu.memory_space<vmem>> -> memref<128xf32, #tpu.memory_space<vmem>>
      %dma_wait3A_679 = arith.constant 0 : i32
      %dma_wait3A_680 = tpu.memref_slice %arg9[%dma_wait3A_675, %dma_wait3A_679] : memref<16x128xi32, #tpu.memory_space<vmem>> -> memref<1x128xi32, #tpu.memory_space<vmem>>
      %dma_wait3A_681 = tpu.memref_squeeze %dma_wait3A_680 : memref<1x128xi32, #tpu.memory_space<vmem>> -> memref<128xi32, #tpu.memory_space<vmem>>
      %dma_wait3A_682 = arith.constant 0 : i32
      %dma_wait3A_683 = tpu.memref_slice %arg18[%dma_wait3A_682] : memref<102400xf32, #tpu.memory_space<vmem_shared>> -> memref<102400xf32, #tpu.memory_space<vmem_shared>>
      tpu.wait_indirect_dma semaphore(%arg21 : memref<!tpu.dma_semaphore, #tpu.memory_space<semaphore_mem>>) src(%dma_wait3A_678 : memref<128xf32, #tpu.memory_space<vmem>>) dst(%dma_wait3A_683 : memref<102400xf32, #tpu.memory_space<vmem_shared>>)
      %dma_start3A_684 = arith.constant 0 : i32
      %dma_start3A_685 = arith.constant 0 : i32
      %dma_start3A_686 = arith.constant 0 : i32
      %dma_start3A_687 = tpu.memref_slice %arg16[%dma_start3A_684, %dma_start3A_686] : memref<16x128xf32, #tpu.memory_space<vmem>> -> memref<1x128xf32, #tpu.memory_space<vmem>>
      %dma_start3A_688 = tpu.memref_squeeze %dma_start3A_687 : memref<1x128xf32, #tpu.memory_space<vmem>> -> memref<128xf32, #tpu.memory_space<vmem>>
      %dma_start3A_689 = arith.constant 0 : i32
      %dma_start3A_690 = tpu.memref_slice %arg13[%dma_start3A_685, %dma_start3A_689] : memref<16x128xi32, #tpu.memory_space<vmem>> -> memref<1x128xi32, #tpu.memory_space<vmem>>
      %dma_start3A_691 = tpu.memref_squeeze %dma_start3A_690 : memref<1x128xi32, #tpu.memory_space<vmem>> -> memref<128xi32, #tpu.memory_space<vmem>>
      %dma_start3A_692 = arith.constant 0 : i32
      %dma_start3A_693 = tpu.memref_slice %arg18[%dma_start3A_692] : memref<102400xf32, #tpu.memory_space<vmem_shared>> -> memref<102400xf32, #tpu.memory_space<vmem_shared>>
      tpu.enqueue_indirect_dma source(%dma_start3A_688 : memref<128xf32, #tpu.memory_space<vmem>>) target(%dma_start3A_693 : memref<102400xf32, #tpu.memory_space<vmem_shared>>) offsets(%dma_start3A_691 : memref<128xi32, #tpu.memory_space<vmem>>) semaphore(%arg22 : memref<!tpu.dma_semaphore, #tpu.memory_space<semaphore_mem>>) {add = true}
      %dma_start3A_694 = arith.constant 1 : i32
      %dma_start3A_695 = arith.constant 1 : i32
      %dma_start3A_696 = arith.constant 0 : i32
      %dma_start3A_697 = tpu.memref_slice %arg16[%dma_start3A_694, %dma_start3A_696] : memref<16x128xf32, #tpu.memory_space<vmem>> -> memref<1x128xf32, #tpu.memory_space<vmem>>
      %dma_start3A_698 = tpu.memref_squeeze %dma_start3A_697 : memref<1x128xf32, #tpu.memory_space<vmem>> -> memref<128xf32, #tpu.memory_space<vmem>>
      %dma_start3A_699 = arith.constant 0 : i32
      %dma_start3A_700 = tpu.memref_slice %arg13[%dma_start3A_695, %dma_start3A_699] : memref<16x128xi32, #tpu.memory_space<vmem>> -> memref<1x128xi32, #tpu.memory_space<vmem>>
      %dma_start3A_701 = tpu.memref_squeeze %dma_start3A_700 : memref<1x128xi32, #tpu.memory_space<vmem>> -> memref<128xi32, #tpu.memory_space<vmem>>
      %dma_start3A_702 = arith.constant 0 : i32
      %dma_start3A_703 = tpu.memref_slice %arg18[%dma_start3A_702] : memref<102400xf32, #tpu.memory_space<vmem_shared>> -> memref<102400xf32, #tpu.memory_space<vmem_shared>>
      tpu.enqueue_indirect_dma source(%dma_start3A_698 : memref<128xf32, #tpu.memory_space<vmem>>) target(%dma_start3A_703 : memref<102400xf32, #tpu.memory_space<vmem_shared>>) offsets(%dma_start3A_701 : memref<128xi32, #tpu.memory_space<vmem>>) semaphore(%arg22 : memref<!tpu.dma_semaphore, #tpu.memory_space<semaphore_mem>>) {add = true}
      %dma_start3A_704 = arith.constant 2 : i32
      %dma_start3A_705 = arith.constant 2 : i32
      %dma_start3A_706 = arith.constant 0 : i32
      %dma_start3A_707 = tpu.memref_slice %arg16[%dma_start3A_704, %dma_start3A_706] : memref<16x128xf32, #tpu.memory_space<vmem>> -> memref<1x128xf32, #tpu.memory_space<vmem>>
      %dma_start3A_708 = tpu.memref_squeeze %dma_start3A_707 : memref<1x128xf32, #tpu.memory_space<vmem>> -> memref<128xf32, #tpu.memory_space<vmem>>
      %dma_start3A_709 = arith.constant 0 : i32
      %dma_start3A_710 = tpu.memref_slice %arg13[%dma_start3A_705, %dma_start3A_709] : memref<16x128xi32, #tpu.memory_space<vmem>> -> memref<1x128xi32, #tpu.memory_space<vmem>>
      %dma_start3A_711 = tpu.memref_squeeze %dma_start3A_710 : memref<1x128xi32, #tpu.memory_space<vmem>> -> memref<128xi32, #tpu.memory_space<vmem>>
      %dma_start3A_712 = arith.constant 0 : i32
      %dma_start3A_713 = tpu.memref_slice %arg18[%dma_start3A_712] : memref<102400xf32, #tpu.memory_space<vmem_shared>> -> memref<102400xf32, #tpu.memory_space<vmem_shared>>
      tpu.enqueue_indirect_dma source(%dma_start3A_708 : memref<128xf32, #tpu.memory_space<vmem>>) target(%dma_start3A_713 : memref<102400xf32, #tpu.memory_space<vmem_shared>>) offsets(%dma_start3A_711 : memref<128xi32, #tpu.memory_space<vmem>>) semaphore(%arg22 : memref<!tpu.dma_semaphore, #tpu.memory_space<semaphore_mem>>) {add = true}
      %dma_start3A_714 = arith.constant 3 : i32
      %dma_start3A_715 = arith.constant 3 : i32
      %dma_start3A_716 = arith.constant 0 : i32
      %dma_start3A_717 = tpu.memref_slice %arg16[%dma_start3A_714, %dma_start3A_716] : memref<16x128xf32, #tpu.memory_space<vmem>> -> memref<1x128xf32, #tpu.memory_space<vmem>>
      %dma_start3A_718 = tpu.memref_squeeze %dma_start3A_717 : memref<1x128xf32, #tpu.memory_space<vmem>> -> memref<128xf32, #tpu.memory_space<vmem>>
      %dma_start3A_719 = arith.constant 0 : i32
      %dma_start3A_720 = tpu.memref_slice %arg13[%dma_start3A_715, %dma_start3A_719] : memref<16x128xi32, #tpu.memory_space<vmem>> -> memref<1x128xi32, #tpu.memory_space<vmem>>
      %dma_start3A_721 = tpu.memref_squeeze %dma_start3A_720 : memref<1x128xi32, #tpu.memory_space<vmem>> -> memref<128xi32, #tpu.memory_space<vmem>>
      %dma_start3A_722 = arith.constant 0 : i32
      %dma_start3A_723 = tpu.memref_slice %arg18[%dma_start3A_722] : memref<102400xf32, #tpu.memory_space<vmem_shared>> -> memref<102400xf32, #tpu.memory_space<vmem_shared>>
      tpu.enqueue_indirect_dma source(%dma_start3A_718 : memref<128xf32, #tpu.memory_space<vmem>>) target(%dma_start3A_723 : memref<102400xf32, #tpu.memory_space<vmem_shared>>) offsets(%dma_start3A_721 : memref<128xi32, #tpu.memory_space<vmem>>) semaphore(%arg22 : memref<!tpu.dma_semaphore, #tpu.memory_space<semaphore_mem>>) {add = true}
      %dma_start3A_724 = arith.constant 4 : i32
      %dma_start3A_725 = arith.constant 4 : i32
      %dma_start3A_726 = arith.constant 0 : i32
      %dma_start3A_727 = tpu.memref_slice %arg16[%dma_start3A_724, %dma_start3A_726] : memref<16x128xf32, #tpu.memory_space<vmem>> -> memref<1x128xf32, #tpu.memory_space<vmem>>
      %dma_start3A_728 = tpu.memref_squeeze %dma_start3A_727 : memref<1x128xf32, #tpu.memory_space<vmem>> -> memref<128xf32, #tpu.memory_space<vmem>>
      %dma_start3A_729 = arith.constant 0 : i32
      %dma_start3A_730 = tpu.memref_slice %arg13[%dma_start3A_725, %dma_start3A_729] : memref<16x128xi32, #tpu.memory_space<vmem>> -> memref<1x128xi32, #tpu.memory_space<vmem>>
      %dma_start3A_731 = tpu.memref_squeeze %dma_start3A_730 : memref<1x128xi32, #tpu.memory_space<vmem>> -> memref<128xi32, #tpu.memory_space<vmem>>
      %dma_start3A_732 = arith.constant 0 : i32
      %dma_start3A_733 = tpu.memref_slice %arg18[%dma_start3A_732] : memref<102400xf32, #tpu.memory_space<vmem_shared>> -> memref<102400xf32, #tpu.memory_space<vmem_shared>>
      tpu.enqueue_indirect_dma source(%dma_start3A_728 : memref<128xf32, #tpu.memory_space<vmem>>) target(%dma_start3A_733 : memref<102400xf32, #tpu.memory_space<vmem_shared>>) offsets(%dma_start3A_731 : memref<128xi32, #tpu.memory_space<vmem>>) semaphore(%arg22 : memref<!tpu.dma_semaphore, #tpu.memory_space<semaphore_mem>>) {add = true}
      %dma_start3A_734 = arith.constant 5 : i32
      %dma_start3A_735 = arith.constant 5 : i32
      %dma_start3A_736 = arith.constant 0 : i32
      %dma_start3A_737 = tpu.memref_slice %arg16[%dma_start3A_734, %dma_start3A_736] : memref<16x128xf32, #tpu.memory_space<vmem>> -> memref<1x128xf32, #tpu.memory_space<vmem>>
      %dma_start3A_738 = tpu.memref_squeeze %dma_start3A_737 : memref<1x128xf32, #tpu.memory_space<vmem>> -> memref<128xf32, #tpu.memory_space<vmem>>
      %dma_start3A_739 = arith.constant 0 : i32
      %dma_start3A_740 = tpu.memref_slice %arg13[%dma_start3A_735, %dma_start3A_739] : memref<16x128xi32, #tpu.memory_space<vmem>> -> memref<1x128xi32, #tpu.memory_space<vmem>>
      %dma_start3A_741 = tpu.memref_squeeze %dma_start3A_740 : memref<1x128xi32, #tpu.memory_space<vmem>> -> memref<128xi32, #tpu.memory_space<vmem>>
      %dma_start3A_742 = arith.constant 0 : i32
      %dma_start3A_743 = tpu.memref_slice %arg18[%dma_start3A_742] : memref<102400xf32, #tpu.memory_space<vmem_shared>> -> memref<102400xf32, #tpu.memory_space<vmem_shared>>
      tpu.enqueue_indirect_dma source(%dma_start3A_738 : memref<128xf32, #tpu.memory_space<vmem>>) target(%dma_start3A_743 : memref<102400xf32, #tpu.memory_space<vmem_shared>>) offsets(%dma_start3A_741 : memref<128xi32, #tpu.memory_space<vmem>>) semaphore(%arg22 : memref<!tpu.dma_semaphore, #tpu.memory_space<semaphore_mem>>) {add = true}
      %dma_start3A_744 = arith.constant 6 : i32
      %dma_start3A_745 = arith.constant 6 : i32
      %dma_start3A_746 = arith.constant 0 : i32
      %dma_start3A_747 = tpu.memref_slice %arg16[%dma_start3A_744, %dma_start3A_746] : memref<16x128xf32, #tpu.memory_space<vmem>> -> memref<1x128xf32, #tpu.memory_space<vmem>>
      %dma_start3A_748 = tpu.memref_squeeze %dma_start3A_747 : memref<1x128xf32, #tpu.memory_space<vmem>> -> memref<128xf32, #tpu.memory_space<vmem>>
      %dma_start3A_749 = arith.constant 0 : i32
      %dma_start3A_750 = tpu.memref_slice %arg13[%dma_start3A_745, %dma_start3A_749] : memref<16x128xi32, #tpu.memory_space<vmem>> -> memref<1x128xi32, #tpu.memory_space<vmem>>
      %dma_start3A_751 = tpu.memref_squeeze %dma_start3A_750 : memref<1x128xi32, #tpu.memory_space<vmem>> -> memref<128xi32, #tpu.memory_space<vmem>>
      %dma_start3A_752 = arith.constant 0 : i32
      %dma_start3A_753 = tpu.memref_slice %arg18[%dma_start3A_752] : memref<102400xf32, #tpu.memory_space<vmem_shared>> -> memref<102400xf32, #tpu.memory_space<vmem_shared>>
      tpu.enqueue_indirect_dma source(%dma_start3A_748 : memref<128xf32, #tpu.memory_space<vmem>>) target(%dma_start3A_753 : memref<102400xf32, #tpu.memory_space<vmem_shared>>) offsets(%dma_start3A_751 : memref<128xi32, #tpu.memory_space<vmem>>) semaphore(%arg22 : memref<!tpu.dma_semaphore, #tpu.memory_space<semaphore_mem>>) {add = true}
      %dma_start3A_754 = arith.constant 7 : i32
      %dma_start3A_755 = arith.constant 7 : i32
      %dma_start3A_756 = arith.constant 0 : i32
      %dma_start3A_757 = tpu.memref_slice %arg16[%dma_start3A_754, %dma_start3A_756] : memref<16x128xf32, #tpu.memory_space<vmem>> -> memref<1x128xf32, #tpu.memory_space<vmem>>
      %dma_start3A_758 = tpu.memref_squeeze %dma_start3A_757 : memref<1x128xf32, #tpu.memory_space<vmem>> -> memref<128xf32, #tpu.memory_space<vmem>>
      %dma_start3A_759 = arith.constant 0 : i32
      %dma_start3A_760 = tpu.memref_slice %arg13[%dma_start3A_755, %dma_start3A_759] : memref<16x128xi32, #tpu.memory_space<vmem>> -> memref<1x128xi32, #tpu.memory_space<vmem>>
      %dma_start3A_761 = tpu.memref_squeeze %dma_start3A_760 : memref<1x128xi32, #tpu.memory_space<vmem>> -> memref<128xi32, #tpu.memory_space<vmem>>
      %dma_start3A_762 = arith.constant 0 : i32
      %dma_start3A_763 = tpu.memref_slice %arg18[%dma_start3A_762] : memref<102400xf32, #tpu.memory_space<vmem_shared>> -> memref<102400xf32, #tpu.memory_space<vmem_shared>>
      tpu.enqueue_indirect_dma source(%dma_start3A_758 : memref<128xf32, #tpu.memory_space<vmem>>) target(%dma_start3A_763 : memref<102400xf32, #tpu.memory_space<vmem_shared>>) offsets(%dma_start3A_761 : memref<128xi32, #tpu.memory_space<vmem>>) semaphore(%arg22 : memref<!tpu.dma_semaphore, #tpu.memory_space<semaphore_mem>>) {add = true}
      %dma_start3A_764 = arith.constant 8 : i32
      %dma_start3A_765 = arith.constant 8 : i32
      %dma_start3A_766 = arith.constant 0 : i32
      %dma_start3A_767 = tpu.memref_slice %arg16[%dma_start3A_764, %dma_start3A_766] : memref<16x128xf32, #tpu.memory_space<vmem>> -> memref<1x128xf32, #tpu.memory_space<vmem>>
      %dma_start3A_768 = tpu.memref_squeeze %dma_start3A_767 : memref<1x128xf32, #tpu.memory_space<vmem>> -> memref<128xf32, #tpu.memory_space<vmem>>
      %dma_start3A_769 = arith.constant 0 : i32
      %dma_start3A_770 = tpu.memref_slice %arg13[%dma_start3A_765, %dma_start3A_769] : memref<16x128xi32, #tpu.memory_space<vmem>> -> memref<1x128xi32, #tpu.memory_space<vmem>>
      %dma_start3A_771 = tpu.memref_squeeze %dma_start3A_770 : memref<1x128xi32, #tpu.memory_space<vmem>> -> memref<128xi32, #tpu.memory_space<vmem>>
      %dma_start3A_772 = arith.constant 0 : i32
      %dma_start3A_773 = tpu.memref_slice %arg18[%dma_start3A_772] : memref<102400xf32, #tpu.memory_space<vmem_shared>> -> memref<102400xf32, #tpu.memory_space<vmem_shared>>
      tpu.enqueue_indirect_dma source(%dma_start3A_768 : memref<128xf32, #tpu.memory_space<vmem>>) target(%dma_start3A_773 : memref<102400xf32, #tpu.memory_space<vmem_shared>>) offsets(%dma_start3A_771 : memref<128xi32, #tpu.memory_space<vmem>>) semaphore(%arg22 : memref<!tpu.dma_semaphore, #tpu.memory_space<semaphore_mem>>) {add = true}
      %dma_start3A_774 = arith.constant 9 : i32
      %dma_start3A_775 = arith.constant 9 : i32
      %dma_start3A_776 = arith.constant 0 : i32
      %dma_start3A_777 = tpu.memref_slice %arg16[%dma_start3A_774, %dma_start3A_776] : memref<16x128xf32, #tpu.memory_space<vmem>> -> memref<1x128xf32, #tpu.memory_space<vmem>>
      %dma_start3A_778 = tpu.memref_squeeze %dma_start3A_777 : memref<1x128xf32, #tpu.memory_space<vmem>> -> memref<128xf32, #tpu.memory_space<vmem>>
      %dma_start3A_779 = arith.constant 0 : i32
      %dma_start3A_780 = tpu.memref_slice %arg13[%dma_start3A_775, %dma_start3A_779] : memref<16x128xi32, #tpu.memory_space<vmem>> -> memref<1x128xi32, #tpu.memory_space<vmem>>
      %dma_start3A_781 = tpu.memref_squeeze %dma_start3A_780 : memref<1x128xi32, #tpu.memory_space<vmem>> -> memref<128xi32, #tpu.memory_space<vmem>>
      %dma_start3A_782 = arith.constant 0 : i32
      %dma_start3A_783 = tpu.memref_slice %arg18[%dma_start3A_782] : memref<102400xf32, #tpu.memory_space<vmem_shared>> -> memref<102400xf32, #tpu.memory_space<vmem_shared>>
      tpu.enqueue_indirect_dma source(%dma_start3A_778 : memref<128xf32, #tpu.memory_space<vmem>>) target(%dma_start3A_783 : memref<102400xf32, #tpu.memory_space<vmem_shared>>) offsets(%dma_start3A_781 : memref<128xi32, #tpu.memory_space<vmem>>) semaphore(%arg22 : memref<!tpu.dma_semaphore, #tpu.memory_space<semaphore_mem>>) {add = true}
      %dma_start3A_784 = arith.constant 10 : i32
      %dma_start3A_785 = arith.constant 10 : i32
      %dma_start3A_786 = arith.constant 0 : i32
      %dma_start3A_787 = tpu.memref_slice %arg16[%dma_start3A_784, %dma_start3A_786] : memref<16x128xf32, #tpu.memory_space<vmem>> -> memref<1x128xf32, #tpu.memory_space<vmem>>
      %dma_start3A_788 = tpu.memref_squeeze %dma_start3A_787 : memref<1x128xf32, #tpu.memory_space<vmem>> -> memref<128xf32, #tpu.memory_space<vmem>>
      %dma_start3A_789 = arith.constant 0 : i32
      %dma_start3A_790 = tpu.memref_slice %arg13[%dma_start3A_785, %dma_start3A_789] : memref<16x128xi32, #tpu.memory_space<vmem>> -> memref<1x128xi32, #tpu.memory_space<vmem>>
      %dma_start3A_791 = tpu.memref_squeeze %dma_start3A_790 : memref<1x128xi32, #tpu.memory_space<vmem>> -> memref<128xi32, #tpu.memory_space<vmem>>
      %dma_start3A_792 = arith.constant 0 : i32
      %dma_start3A_793 = tpu.memref_slice %arg18[%dma_start3A_792] : memref<102400xf32, #tpu.memory_space<vmem_shared>> -> memref<102400xf32, #tpu.memory_space<vmem_shared>>
      tpu.enqueue_indirect_dma source(%dma_start3A_788 : memref<128xf32, #tpu.memory_space<vmem>>) target(%dma_start3A_793 : memref<102400xf32, #tpu.memory_space<vmem_shared>>) offsets(%dma_start3A_791 : memref<128xi32, #tpu.memory_space<vmem>>) semaphore(%arg22 : memref<!tpu.dma_semaphore, #tpu.memory_space<semaphore_mem>>) {add = true}
      %dma_start3A_794 = arith.constant 11 : i32
      %dma_start3A_795 = arith.constant 11 : i32
      %dma_start3A_796 = arith.constant 0 : i32
      %dma_start3A_797 = tpu.memref_slice %arg16[%dma_start3A_794, %dma_start3A_796] : memref<16x128xf32, #tpu.memory_space<vmem>> -> memref<1x128xf32, #tpu.memory_space<vmem>>
      %dma_start3A_798 = tpu.memref_squeeze %dma_start3A_797 : memref<1x128xf32, #tpu.memory_space<vmem>> -> memref<128xf32, #tpu.memory_space<vmem>>
      %dma_start3A_799 = arith.constant 0 : i32
      %dma_start3A_800 = tpu.memref_slice %arg13[%dma_start3A_795, %dma_start3A_799] : memref<16x128xi32, #tpu.memory_space<vmem>> -> memref<1x128xi32, #tpu.memory_space<vmem>>
      %dma_start3A_801 = tpu.memref_squeeze %dma_start3A_800 : memref<1x128xi32, #tpu.memory_space<vmem>> -> memref<128xi32, #tpu.memory_space<vmem>>
      %dma_start3A_802 = arith.constant 0 : i32
      %dma_start3A_803 = tpu.memref_slice %arg18[%dma_start3A_802] : memref<102400xf32, #tpu.memory_space<vmem_shared>> -> memref<102400xf32, #tpu.memory_space<vmem_shared>>
      tpu.enqueue_indirect_dma source(%dma_start3A_798 : memref<128xf32, #tpu.memory_space<vmem>>) target(%dma_start3A_803 : memref<102400xf32, #tpu.memory_space<vmem_shared>>) offsets(%dma_start3A_801 : memref<128xi32, #tpu.memory_space<vmem>>) semaphore(%arg22 : memref<!tpu.dma_semaphore, #tpu.memory_space<semaphore_mem>>) {add = true}
      %dma_start3A_804 = arith.constant 12 : i32
      %dma_start3A_805 = arith.constant 12 : i32
      %dma_start3A_806 = arith.constant 0 : i32
      %dma_start3A_807 = tpu.memref_slice %arg16[%dma_start3A_804, %dma_start3A_806] : memref<16x128xf32, #tpu.memory_space<vmem>> -> memref<1x128xf32, #tpu.memory_space<vmem>>
      %dma_start3A_808 = tpu.memref_squeeze %dma_start3A_807 : memref<1x128xf32, #tpu.memory_space<vmem>> -> memref<128xf32, #tpu.memory_space<vmem>>
      %dma_start3A_809 = arith.constant 0 : i32
      %dma_start3A_810 = tpu.memref_slice %arg13[%dma_start3A_805, %dma_start3A_809] : memref<16x128xi32, #tpu.memory_space<vmem>> -> memref<1x128xi32, #tpu.memory_space<vmem>>
      %dma_start3A_811 = tpu.memref_squeeze %dma_start3A_810 : memref<1x128xi32, #tpu.memory_space<vmem>> -> memref<128xi32, #tpu.memory_space<vmem>>
      %dma_start3A_812 = arith.constant 0 : i32
      %dma_start3A_813 = tpu.memref_slice %arg18[%dma_start3A_812] : memref<102400xf32, #tpu.memory_space<vmem_shared>> -> memref<102400xf32, #tpu.memory_space<vmem_shared>>
      tpu.enqueue_indirect_dma source(%dma_start3A_808 : memref<128xf32, #tpu.memory_space<vmem>>) target(%dma_start3A_813 : memref<102400xf32, #tpu.memory_space<vmem_shared>>) offsets(%dma_start3A_811 : memref<128xi32, #tpu.memory_space<vmem>>) semaphore(%arg22 : memref<!tpu.dma_semaphore, #tpu.memory_space<semaphore_mem>>) {add = true}
      %dma_start3A_814 = arith.constant 13 : i32
      %dma_start3A_815 = arith.constant 13 : i32
      %dma_start3A_816 = arith.constant 0 : i32
      %dma_start3A_817 = tpu.memref_slice %arg16[%dma_start3A_814, %dma_start3A_816] : memref<16x128xf32, #tpu.memory_space<vmem>> -> memref<1x128xf32, #tpu.memory_space<vmem>>
      %dma_start3A_818 = tpu.memref_squeeze %dma_start3A_817 : memref<1x128xf32, #tpu.memory_space<vmem>> -> memref<128xf32, #tpu.memory_space<vmem>>
      %dma_start3A_819 = arith.constant 0 : i32
      %dma_start3A_820 = tpu.memref_slice %arg13[%dma_start3A_815, %dma_start3A_819] : memref<16x128xi32, #tpu.memory_space<vmem>> -> memref<1x128xi32, #tpu.memory_space<vmem>>
      %dma_start3A_821 = tpu.memref_squeeze %dma_start3A_820 : memref<1x128xi32, #tpu.memory_space<vmem>> -> memref<128xi32, #tpu.memory_space<vmem>>
      %dma_start3A_822 = arith.constant 0 : i32
      %dma_start3A_823 = tpu.memref_slice %arg18[%dma_start3A_822] : memref<102400xf32, #tpu.memory_space<vmem_shared>> -> memref<102400xf32, #tpu.memory_space<vmem_shared>>
      tpu.enqueue_indirect_dma source(%dma_start3A_818 : memref<128xf32, #tpu.memory_space<vmem>>) target(%dma_start3A_823 : memref<102400xf32, #tpu.memory_space<vmem_shared>>) offsets(%dma_start3A_821 : memref<128xi32, #tpu.memory_space<vmem>>) semaphore(%arg22 : memref<!tpu.dma_semaphore, #tpu.memory_space<semaphore_mem>>) {add = true}
      %dma_start3A_824 = arith.constant 14 : i32
      %dma_start3A_825 = arith.constant 14 : i32
      %dma_start3A_826 = arith.constant 0 : i32
      %dma_start3A_827 = tpu.memref_slice %arg16[%dma_start3A_824, %dma_start3A_826] : memref<16x128xf32, #tpu.memory_space<vmem>> -> memref<1x128xf32, #tpu.memory_space<vmem>>
      %dma_start3A_828 = tpu.memref_squeeze %dma_start3A_827 : memref<1x128xf32, #tpu.memory_space<vmem>> -> memref<128xf32, #tpu.memory_space<vmem>>
      %dma_start3A_829 = arith.constant 0 : i32
      %dma_start3A_830 = tpu.memref_slice %arg13[%dma_start3A_825, %dma_start3A_829] : memref<16x128xi32, #tpu.memory_space<vmem>> -> memref<1x128xi32, #tpu.memory_space<vmem>>
      %dma_start3A_831 = tpu.memref_squeeze %dma_start3A_830 : memref<1x128xi32, #tpu.memory_space<vmem>> -> memref<128xi32, #tpu.memory_space<vmem>>
      %dma_start3A_832 = arith.constant 0 : i32
      %dma_start3A_833 = tpu.memref_slice %arg18[%dma_start3A_832] : memref<102400xf32, #tpu.memory_space<vmem_shared>> -> memref<102400xf32, #tpu.memory_space<vmem_shared>>
      tpu.enqueue_indirect_dma source(%dma_start3A_828 : memref<128xf32, #tpu.memory_space<vmem>>) target(%dma_start3A_833 : memref<102400xf32, #tpu.memory_space<vmem_shared>>) offsets(%dma_start3A_831 : memref<128xi32, #tpu.memory_space<vmem>>) semaphore(%arg22 : memref<!tpu.dma_semaphore, #tpu.memory_space<semaphore_mem>>) {add = true}
      %dma_start3A_834 = arith.constant 15 : i32
      %dma_start3A_835 = arith.constant 15 : i32
      %dma_start3A_836 = arith.constant 0 : i32
      %dma_start3A_837 = tpu.memref_slice %arg16[%dma_start3A_834, %dma_start3A_836] : memref<16x128xf32, #tpu.memory_space<vmem>> -> memref<1x128xf32, #tpu.memory_space<vmem>>
      %dma_start3A_838 = tpu.memref_squeeze %dma_start3A_837 : memref<1x128xf32, #tpu.memory_space<vmem>> -> memref<128xf32, #tpu.memory_space<vmem>>
      %dma_start3A_839 = arith.constant 0 : i32
      %dma_start3A_840 = tpu.memref_slice %arg13[%dma_start3A_835, %dma_start3A_839] : memref<16x128xi32, #tpu.memory_space<vmem>> -> memref<1x128xi32, #tpu.memory_space<vmem>>
      %dma_start3A_841 = tpu.memref_squeeze %dma_start3A_840 : memref<1x128xi32, #tpu.memory_space<vmem>> -> memref<128xi32, #tpu.memory_space<vmem>>
      %dma_start3A_842 = arith.constant 0 : i32
      %dma_start3A_843 = tpu.memref_slice %arg18[%dma_start3A_842] : memref<102400xf32, #tpu.memory_space<vmem_shared>> -> memref<102400xf32, #tpu.memory_space<vmem_shared>>
      tpu.enqueue_indirect_dma source(%dma_start3A_838 : memref<128xf32, #tpu.memory_space<vmem>>) target(%dma_start3A_843 : memref<102400xf32, #tpu.memory_space<vmem_shared>>) offsets(%dma_start3A_841 : memref<128xi32, #tpu.memory_space<vmem>>) semaphore(%arg22 : memref<!tpu.dma_semaphore, #tpu.memory_space<semaphore_mem>>) {add = true}
      %mul3A_844 = arith.constant 2 : i32
      %mul3A_845 = arith.muli %mul3A_844, %while3A_255 : i32
      %add3A_846 = arith.constant 2 : i32
      %add3A_847 = arith.addi %mul3A_845, %add3A_846 : i32
      %lt3A_848 = arith.cmpi slt, %add3A_847, %select_n3A : i32
      %convert_element_type3A_849 = arith.extui %lt3A_848 : i1 to i32
      %cond3A_850 = arith.constant 0 : i32
      %cond3A_851 = arith.cmpi ne, %convert_element_type3A_849, %cond3A_850 : i32
      scf.if %cond3A_851 {
        %add3A_853 = arith.constant 2 : i32
        %add3A_854 = arith.addi %add3A_259, %add3A_853 : i32
        %dma_start3A_855 = arith.constant 0 : i32
        %dma_start3A_856 = arith.constant 0 : i32
        %dma_start3A_857 = arith.constant 0 : i32
        %dma_start3A_858 = tpu.memref_slice %arg3[%dma_start3A_855, %add3A_854, %dma_start3A_856, %dma_start3A_857] : memref<2x3125x16x128xi32, #tpu.memory_space<hbm>> -> memref<1x1x16x128xi32, #tpu.memory_space<hbm>>
        %dma_start3A_859 = tpu.memref_squeeze %dma_start3A_858 : memref<1x1x16x128xi32, #tpu.memory_space<hbm>> -> memref<16x128xi32, #tpu.memory_space<hbm>>
        %dma_start3A_860 = arith.constant 0 : i32
        %dma_start3A_861 = arith.constant 0 : i32
        %dma_start3A_862 = tpu.memref_slice %arg3[%dma_start3A_855, %add3A_854, %dma_start3A_860, %dma_start3A_861] : memref<2x3125x16x128xi32, #tpu.memory_space<hbm>> -> memref<1x1x16x128xi32, #tpu.memory_space<hbm>>
        %dma_start3A_863 = tpu.memref_squeeze %dma_start3A_862 : memref<1x1x16x128xi32, #tpu.memory_space<hbm>> -> memref<16x128xi32, #tpu.memory_space<hbm>>
        tpu.enqueue_dma source(%dma_start3A_863 : memref<16x128xi32, #tpu.memory_space<hbm>>) target(%arg9 : memref<16x128xi32, #tpu.memory_space<vmem>>) target_semaphore(%arg19 : memref<!tpu.dma_semaphore, #tpu.memory_space<semaphore_mem>>)
        %dma_start3A_864 = arith.constant 1 : i32
        %dma_start3A_865 = arith.constant 0 : i32
        %dma_start3A_866 = arith.constant 0 : i32
        %dma_start3A_867 = tpu.memref_slice %arg3[%dma_start3A_864, %add3A_854, %dma_start3A_865, %dma_start3A_866] : memref<2x3125x16x128xi32, #tpu.memory_space<hbm>> -> memref<1x1x16x128xi32, #tpu.memory_space<hbm>>
        %dma_start3A_868 = tpu.memref_squeeze %dma_start3A_867 : memref<1x1x16x128xi32, #tpu.memory_space<hbm>> -> memref<16x128xi32, #tpu.memory_space<hbm>>
        %dma_start3A_869 = arith.constant 0 : i32
        %dma_start3A_870 = arith.constant 0 : i32
        %dma_start3A_871 = tpu.memref_slice %arg3[%dma_start3A_864, %add3A_854, %dma_start3A_869, %dma_start3A_870] : memref<2x3125x16x128xi32, #tpu.memory_space<hbm>> -> memref<1x1x16x128xi32, #tpu.memory_space<hbm>>
        %dma_start3A_872 = tpu.memref_squeeze %dma_start3A_871 : memref<1x1x16x128xi32, #tpu.memory_space<hbm>> -> memref<16x128xi32, #tpu.memory_space<hbm>>
        tpu.enqueue_dma source(%dma_start3A_872 : memref<16x128xi32, #tpu.memory_space<hbm>>) target(%arg10 : memref<16x128xi32, #tpu.memory_space<vmem>>) target_semaphore(%arg19 : memref<!tpu.dma_semaphore, #tpu.memory_space<semaphore_mem>>)
        %dma_start3A_873 = arith.constant 0 : i32
        %dma_start3A_874 = arith.constant 0 : i32
        %dma_start3A_875 = tpu.memref_slice %arg2[%add3A_854, %dma_start3A_873, %dma_start3A_874] : memref<3125x16x128xf32, #tpu.memory_space<hbm>> -> memref<1x16x128xf32, #tpu.memory_space<hbm>>
        %dma_start3A_876 = tpu.memref_squeeze %dma_start3A_875 : memref<1x16x128xf32, #tpu.memory_space<hbm>> -> memref<16x128xf32, #tpu.memory_space<hbm>>
        %dma_start3A_877 = arith.constant 0 : i32
        %dma_start3A_878 = arith.constant 0 : i32
        %dma_start3A_879 = tpu.memref_slice %arg2[%add3A_854, %dma_start3A_877, %dma_start3A_878] : memref<3125x16x128xf32, #tpu.memory_space<hbm>> -> memref<1x16x128xf32, #tpu.memory_space<hbm>>
        %dma_start3A_880 = tpu.memref_squeeze %dma_start3A_879 : memref<1x16x128xf32, #tpu.memory_space<hbm>> -> memref<16x128xf32, #tpu.memory_space<hbm>>
        tpu.enqueue_dma source(%dma_start3A_880 : memref<16x128xf32, #tpu.memory_space<hbm>>) target(%arg11 : memref<16x128xf32, #tpu.memory_space<vmem>>) target_semaphore(%arg19 : memref<!tpu.dma_semaphore, #tpu.memory_space<semaphore_mem>>)
      } else {
      }
      %while3A_852 = arith.constant 0 : i32
      scf.yield %while3A_852 : i32
    }
    %while3A_73 = arith.constant 1 : i32
    %while3A_74 = scf.for %while3A_255 = %while3A_70 to %while3A_66 step %while3A_73 iter_args(%while3A_256 = %while3A_72) -> (i32)  : i32 {
      %mul3A_257 = arith.constant 2 : i32
      %mul3A_258 = arith.muli %mul3A_257, %while3A_255 : i32
      %add3A_259 = arith.addi %add3A_20, %mul3A_258 : i32
      %dma_wait3A_260 = arith.constant 0 : i32
      %dma_wait3A_261 = arith.constant 0 : i32
      %dma_wait3A_262 = arith.constant 0 : i32
      %dma_wait3A_263 = arith.constant 0 : i32
      %dma_wait3A_264 = tpu.memref_slice %arg3[%dma_wait3A_260, %dma_wait3A_261, %dma_wait3A_262, %dma_wait3A_263] : memref<2x3125x16x128xi32, #tpu.memory_space<hbm>> -> memref<1x1x16x128xi32, #tpu.memory_space<hbm>>
      %dma_wait3A_265 = tpu.memref_squeeze %dma_wait3A_264 : memref<1x1x16x128xi32, #tpu.memory_space<hbm>> -> memref<16x128xi32, #tpu.memory_space<hbm>>
      %dma_wait3A_266 = arith.constant 0 : i32
      %dma_wait3A_267 = arith.constant 0 : i32
      %dma_wait3A_268 = tpu.memref_slice %arg3[%dma_wait3A_260, %dma_wait3A_261, %dma_wait3A_266, %dma_wait3A_267] : memref<2x3125x16x128xi32, #tpu.memory_space<hbm>> -> memref<1x1x16x128xi32, #tpu.memory_space<hbm>>
      %dma_wait3A_269 = tpu.memref_squeeze %dma_wait3A_268 : memref<1x1x16x128xi32, #tpu.memory_space<hbm>> -> memref<16x128xi32, #tpu.memory_space<hbm>>
      tpu.wait_dma2 semaphore(%arg19 : memref<!tpu.dma_semaphore, #tpu.memory_space<semaphore_mem>>) src(%dma_wait3A_269 : memref<16x128xi32, #tpu.memory_space<hbm>>) dst(%arg9 : memref<16x128xi32, #tpu.memory_space<vmem>>)
      %dma_wait3A_270 = arith.constant 1 : i32
      %dma_wait3A_271 = arith.constant 0 : i32
      %dma_wait3A_272 = arith.constant 0 : i32
      %dma_wait3A_273 = arith.constant 0 : i32
      %dma_wait3A_274 = tpu.memref_slice %arg3[%dma_wait3A_270, %dma_wait3A_271, %dma_wait3A_272, %dma_wait3A_273] : memref<2x3125x16x128xi32, #tpu.memory_space<hbm>> -> memref<1x1x16x128xi32, #tpu.memory_space<hbm>>
      %dma_wait3A_275 = tpu.memref_squeeze %dma_wait3A_274 : memref<1x1x16x128xi32, #tpu.memory_space<hbm>> -> memref<16x128xi32, #tpu.memory_space<hbm>>
      %dma_wait3A_276 = arith.constant 0 : i32
      %dma_wait3A_277 = arith.constant 0 : i32
      %dma_wait3A_278 = tpu.memref_slice %arg3[%dma_wait3A_270, %dma_wait3A_271, %dma_wait3A_276, %dma_wait3A_277] : memref<2x3125x16x128xi32, #tpu.memory_space<hbm>> -> memref<1x1x16x128xi32, #tpu.memory_space<hbm>>
      %dma_wait3A_279 = tpu.memref_squeeze %dma_wait3A_278 : memref<1x1x16x128xi32, #tpu.memory_space<hbm>> -> memref<16x128xi32, #tpu.memory_space<hbm>>
      tpu.wait_dma2 semaphore(%arg19 : memref<!tpu.dma_semaphore, #tpu.memory_space<semaphore_mem>>) src(%dma_wait3A_279 : memref<16x128xi32, #tpu.memory_space<hbm>>) dst(%arg10 : memref<16x128xi32, #tpu.memory_space<vmem>>)
      %dma_wait3A_280 = arith.constant 0 : i32
      %dma_wait3A_281 = arith.constant 0 : i32
      %dma_wait3A_282 = arith.constant 0 : i32
      %dma_wait3A_283 = tpu.memref_slice %arg2[%dma_wait3A_280, %dma_wait3A_281, %dma_wait3A_282] : memref<3125x16x128xf32, #tpu.memory_space<hbm>> -> memref<1x16x128xf32, #tpu.memory_space<hbm>>
      %dma_wait3A_284 = tpu.memref_squeeze %dma_wait3A_283 : memref<1x16x128xf32, #tpu.memory_space<hbm>> -> memref<16x128xf32, #tpu.memory_space<hbm>>
      %dma_wait3A_285 = arith.constant 0 : i32
      %dma_wait3A_286 = arith.constant 0 : i32
      %dma_wait3A_287 = tpu.memref_slice %arg2[%dma_wait3A_280, %dma_wait3A_285, %dma_wait3A_286] : memref<3125x16x128xf32, #tpu.memory_space<hbm>> -> memref<1x16x128xf32, #tpu.memory_space<hbm>>
      %dma_wait3A_288 = tpu.memref_squeeze %dma_wait3A_287 : memref<1x16x128xf32, #tpu.memory_space<hbm>> -> memref<16x128xf32, #tpu.memory_space<hbm>>
      tpu.wait_dma2 semaphore(%arg19 : memref<!tpu.dma_semaphore, #tpu.memory_space<semaphore_mem>>) src(%dma_wait3A_288 : memref<16x128xf32, #tpu.memory_space<hbm>>) dst(%arg11 : memref<16x128xf32, #tpu.memory_space<vmem>>)
      %scan3A_289 = arith.constant 0 : i32
      %scan3A_290 = arith.constant 0 : i32
      %scan3A_291 = arith.constant 16 : i32
      %scan3A_292 = arith.addi %scan3A_290, %scan3A_291 : i32
      %scan3A_293 = arith.constant 1 : i32
      %scan3A_294 = scf.for %scan3A_853 = %scan3A_290 to %scan3A_292 step %scan3A_293 iter_args(%scan3A_854 = %scan3A_289) -> (i32)  : i32 {
        %get3A_855 = arith.index_cast %scan3A_853 : i32 to index
        %get3A_856 = arith.constant 0 : index
        %get3A_857 = tpu.vector_load %arg9[%get3A_855, %get3A_856] {strides = array<i32>} : memref<16x128xi32, #tpu.memory_space<vmem>>, vector<16xi32>,
        %get3A_858 = arith.index_cast %scan3A_853 : i32 to index
        %get3A_859 = arith.constant 0 : index
        %get3A_860 = tpu.vector_load %arg10[%get3A_858, %get3A_859] {strides = array<i32>} : memref<16x128xi32, #tpu.memory_space<vmem>>, vector<16xi32>,
        %gather3A = tpu.vector_load_idx %arg7[%get3A_857] : memref<100000xi32, #tpu.memory_space<vmem>>[vector<16xi32>], vector<16xi32>,
        %gather3A_861 = tpu.vector_load_idx %arg7[%get3A_860] : memref<100000xi32, #tpu.memory_space<vmem>>[vector<16xi32>], vector<16xi32>,
        %mul3A_862 = arith.constant 4 : i32
        %mul3A_863 = vector.broadcast %mul3A_862 : i32 to vector<16xi32>
        %mul3A_864 = arith.muli %gather3A, %mul3A_863 : vector<16xi32>
        %add3A_865 = arith.addi %mul3A_864, %gather3A_861 : vector<16xi32>
        %gather3A_866 = tpu.vector_load_idx %arg8[%add3A_865] : memref<16xf32, #tpu.memory_space<vmem>>[vector<16xi32>], vector<16xf32>,
        %get3A_867 = arith.index_cast %scan3A_853 : i32 to index
        %get3A_868 = arith.constant 0 : index
        %get3A_869 = tpu.vector_load %arg11[%get3A_867, %get3A_868] {strides = array<i32>} : memref<16x128xf32, #tpu.memory_space<vmem>>, vector<16xf32>,
        %mul3A_870 = arith.mulf %get3A_869, %gather3A_866 : vector<16xf32>
        %swap3A_871 = arith.index_cast %scan3A_853 : i32 to index
        %swap3A_872 = arith.constant 0 : index
        %swap3A_873 = tpu.vector_load %arg12[%swap3A_871, %swap3A_872] {strides = array<i32>} : memref<16x128xf32, #tpu.memory_space<vmem>>, vector<16xf32>,
        tpu.vector_store %arg12[%swap3A_871, %swap3A_872], %mul3A_870 {strides = array<i32>} : memref<16x128xf32, #tpu.memory_space<vmem>>, vector<16xf32>,
        %get3A_874 = arith.index_cast %scan3A_853 : i32 to index
        %get3A_875 = arith.constant 16 : index
        %get3A_876 = tpu.vector_load %arg9[%get3A_874, %get3A_875] {strides = array<i32>} : memref<16x128xi32, #tpu.memory_space<vmem>>, vector<16xi32>,
        %get3A_877 = arith.index_cast %scan3A_853 : i32 to index
        %get3A_878 = arith.constant 16 : index
        %get3A_879 = tpu.vector_load %arg10[%get3A_877, %get3A_878] {strides = array<i32>} : memref<16x128xi32, #tpu.memory_space<vmem>>, vector<16xi32>,
        %gather3A_880 = tpu.vector_load_idx %arg7[%get3A_876] : memref<100000xi32, #tpu.memory_space<vmem>>[vector<16xi32>], vector<16xi32>,
        %gather3A_881 = tpu.vector_load_idx %arg7[%get3A_879] : memref<100000xi32, #tpu.memory_space<vmem>>[vector<16xi32>], vector<16xi32>,
        %mul3A_882 = arith.constant 4 : i32
        %mul3A_883 = vector.broadcast %mul3A_882 : i32 to vector<16xi32>
        %mul3A_884 = arith.muli %gather3A_880, %mul3A_883 : vector<16xi32>
        %add3A_885 = arith.addi %mul3A_884, %gather3A_881 : vector<16xi32>
        %gather3A_886 = tpu.vector_load_idx %arg8[%add3A_885] : memref<16xf32, #tpu.memory_space<vmem>>[vector<16xi32>], vector<16xf32>,
        %get3A_887 = arith.index_cast %scan3A_853 : i32 to index
        %get3A_888 = arith.constant 16 : index
        %get3A_889 = tpu.vector_load %arg11[%get3A_887, %get3A_888] {strides = array<i32>} : memref<16x128xf32, #tpu.memory_space<vmem>>, vector<16xf32>,
        %mul3A_890 = arith.mulf %get3A_889, %gather3A_886 : vector<16xf32>
        %swap3A_891 = arith.index_cast %scan3A_853 : i32 to index
        %swap3A_892 = arith.constant 16 : index
        %swap3A_893 = tpu.vector_load %arg12[%swap3A_891, %swap3A_892] {strides = array<i32>} : memref<16x128xf32, #tpu.memory_space<vmem>>, vector<16xf32>,
        tpu.vector_store %arg12[%swap3A_891, %swap3A_892], %mul3A_890 {strides = array<i32>} : memref<16x128xf32, #tpu.memory_space<vmem>>, vector<16xf32>,
        %get3A_894 = arith.index_cast %scan3A_853 : i32 to index
        %get3A_895 = arith.constant 32 : index
        %get3A_896 = tpu.vector_load %arg9[%get3A_894, %get3A_895] {strides = array<i32>} : memref<16x128xi32, #tpu.memory_space<vmem>>, vector<16xi32>,
        %get3A_897 = arith.index_cast %scan3A_853 : i32 to index
        %get3A_898 = arith.constant 32 : index
        %get3A_899 = tpu.vector_load %arg10[%get3A_897, %get3A_898] {strides = array<i32>} : memref<16x128xi32, #tpu.memory_space<vmem>>, vector<16xi32>,
        %gather3A_900 = tpu.vector_load_idx %arg7[%get3A_896] : memref<100000xi32, #tpu.memory_space<vmem>>[vector<16xi32>], vector<16xi32>,
        %gather3A_901 = tpu.vector_load_idx %arg7[%get3A_899] : memref<100000xi32, #tpu.memory_space<vmem>>[vector<16xi32>], vector<16xi32>,
        %mul3A_902 = arith.constant 4 : i32
        %mul3A_903 = vector.broadcast %mul3A_902 : i32 to vector<16xi32>
        %mul3A_904 = arith.muli %gather3A_900, %mul3A_903 : vector<16xi32>
        %add3A_905 = arith.addi %mul3A_904, %gather3A_901 : vector<16xi32>
        %gather3A_906 = tpu.vector_load_idx %arg8[%add3A_905] : memref<16xf32, #tpu.memory_space<vmem>>[vector<16xi32>], vector<16xf32>,
        %get3A_907 = arith.index_cast %scan3A_853 : i32 to index
        %get3A_908 = arith.constant 32 : index
        %get3A_909 = tpu.vector_load %arg11[%get3A_907, %get3A_908] {strides = array<i32>} : memref<16x128xf32, #tpu.memory_space<vmem>>, vector<16xf32>,
        %mul3A_910 = arith.mulf %get3A_909, %gather3A_906 : vector<16xf32>
        %swap3A_911 = arith.index_cast %scan3A_853 : i32 to index
        %swap3A_912 = arith.constant 32 : index
        %swap3A_913 = tpu.vector_load %arg12[%swap3A_911, %swap3A_912] {strides = array<i32>} : memref<16x128xf32, #tpu.memory_space<vmem>>, vector<16xf32>,
        tpu.vector_store %arg12[%swap3A_911, %swap3A_912], %mul3A_910 {strides = array<i32>} : memref<16x128xf32, #tpu.memory_space<vmem>>, vector<16xf32>,
        %get3A_914 = arith.index_cast %scan3A_853 : i32 to index
        %get3A_915 = arith.constant 48 : index
        %get3A_916 = tpu.vector_load %arg9[%get3A_914, %get3A_915] {strides = array<i32>} : memref<16x128xi32, #tpu.memory_space<vmem>>, vector<16xi32>,
        %get3A_917 = arith.index_cast %scan3A_853 : i32 to index
        %get3A_918 = arith.constant 48 : index
        %get3A_919 = tpu.vector_load %arg10[%get3A_917, %get3A_918] {strides = array<i32>} : memref<16x128xi32, #tpu.memory_space<vmem>>, vector<16xi32>,
        %gather3A_920 = tpu.vector_load_idx %arg7[%get3A_916] : memref<100000xi32, #tpu.memory_space<vmem>>[vector<16xi32>], vector<16xi32>,
        %gather3A_921 = tpu.vector_load_idx %arg7[%get3A_919] : memref<100000xi32, #tpu.memory_space<vmem>>[vector<16xi32>], vector<16xi32>,
        %mul3A_922 = arith.constant 4 : i32
        %mul3A_923 = vector.broadcast %mul3A_922 : i32 to vector<16xi32>
        %mul3A_924 = arith.muli %gather3A_920, %mul3A_923 : vector<16xi32>
        %add3A_925 = arith.addi %mul3A_924, %gather3A_921 : vector<16xi32>
        %gather3A_926 = tpu.vector_load_idx %arg8[%add3A_925] : memref<16xf32, #tpu.memory_space<vmem>>[vector<16xi32>], vector<16xf32>,
        %get3A_927 = arith.index_cast %scan3A_853 : i32 to index
        %get3A_928 = arith.constant 48 : index
        %get3A_929 = tpu.vector_load %arg11[%get3A_927, %get3A_928] {strides = array<i32>} : memref<16x128xf32, #tpu.memory_space<vmem>>, vector<16xf32>,
        %mul3A_930 = arith.mulf %get3A_929, %gather3A_926 : vector<16xf32>
        %swap3A_931 = arith.index_cast %scan3A_853 : i32 to index
        %swap3A_932 = arith.constant 48 : index
        %swap3A_933 = tpu.vector_load %arg12[%swap3A_931, %swap3A_932] {strides = array<i32>} : memref<16x128xf32, #tpu.memory_space<vmem>>, vector<16xf32>,
        tpu.vector_store %arg12[%swap3A_931, %swap3A_932], %mul3A_930 {strides = array<i32>} : memref<16x128xf32, #tpu.memory_space<vmem>>, vector<16xf32>,
        %get3A_934 = arith.index_cast %scan3A_853 : i32 to index
        %get3A_935 = arith.constant 64 : index
        %get3A_936 = tpu.vector_load %arg9[%get3A_934, %get3A_935] {strides = array<i32>} : memref<16x128xi32, #tpu.memory_space<vmem>>, vector<16xi32>,
        %get3A_937 = arith.index_cast %scan3A_853 : i32 to index
        %get3A_938 = arith.constant 64 : index
        %get3A_939 = tpu.vector_load %arg10[%get3A_937, %get3A_938] {strides = array<i32>} : memref<16x128xi32, #tpu.memory_space<vmem>>, vector<16xi32>,
        %gather3A_940 = tpu.vector_load_idx %arg7[%get3A_936] : memref<100000xi32, #tpu.memory_space<vmem>>[vector<16xi32>], vector<16xi32>,
        %gather3A_941 = tpu.vector_load_idx %arg7[%get3A_939] : memref<100000xi32, #tpu.memory_space<vmem>>[vector<16xi32>], vector<16xi32>,
        %mul3A_942 = arith.constant 4 : i32
        %mul3A_943 = vector.broadcast %mul3A_942 : i32 to vector<16xi32>
        %mul3A_944 = arith.muli %gather3A_940, %mul3A_943 : vector<16xi32>
        %add3A_945 = arith.addi %mul3A_944, %gather3A_941 : vector<16xi32>
        %gather3A_946 = tpu.vector_load_idx %arg8[%add3A_945] : memref<16xf32, #tpu.memory_space<vmem>>[vector<16xi32>], vector<16xf32>,
        %get3A_947 = arith.index_cast %scan3A_853 : i32 to index
        %get3A_948 = arith.constant 64 : index
        %get3A_949 = tpu.vector_load %arg11[%get3A_947, %get3A_948] {strides = array<i32>} : memref<16x128xf32, #tpu.memory_space<vmem>>, vector<16xf32>,
        %mul3A_950 = arith.mulf %get3A_949, %gather3A_946 : vector<16xf32>
        %swap3A_951 = arith.index_cast %scan3A_853 : i32 to index
        %swap3A_952 = arith.constant 64 : index
        %swap3A_953 = tpu.vector_load %arg12[%swap3A_951, %swap3A_952] {strides = array<i32>} : memref<16x128xf32, #tpu.memory_space<vmem>>, vector<16xf32>,
        tpu.vector_store %arg12[%swap3A_951, %swap3A_952], %mul3A_950 {strides = array<i32>} : memref<16x128xf32, #tpu.memory_space<vmem>>, vector<16xf32>,
        %get3A_954 = arith.index_cast %scan3A_853 : i32 to index
        %get3A_955 = arith.constant 80 : index
        %get3A_956 = tpu.vector_load %arg9[%get3A_954, %get3A_955] {strides = array<i32>} : memref<16x128xi32, #tpu.memory_space<vmem>>, vector<16xi32>,
        %get3A_957 = arith.index_cast %scan3A_853 : i32 to index
        %get3A_958 = arith.constant 80 : index
        %get3A_959 = tpu.vector_load %arg10[%get3A_957, %get3A_958] {strides = array<i32>} : memref<16x128xi32, #tpu.memory_space<vmem>>, vector<16xi32>,
        %gather3A_960 = tpu.vector_load_idx %arg7[%get3A_956] : memref<100000xi32, #tpu.memory_space<vmem>>[vector<16xi32>], vector<16xi32>,
        %gather3A_961 = tpu.vector_load_idx %arg7[%get3A_959] : memref<100000xi32, #tpu.memory_space<vmem>>[vector<16xi32>], vector<16xi32>,
        %mul3A_962 = arith.constant 4 : i32
        %mul3A_963 = vector.broadcast %mul3A_962 : i32 to vector<16xi32>
        %mul3A_964 = arith.muli %gather3A_960, %mul3A_963 : vector<16xi32>
        %add3A_965 = arith.addi %mul3A_964, %gather3A_961 : vector<16xi32>
        %gather3A_966 = tpu.vector_load_idx %arg8[%add3A_965] : memref<16xf32, #tpu.memory_space<vmem>>[vector<16xi32>], vector<16xf32>,
        %get3A_967 = arith.index_cast %scan3A_853 : i32 to index
        %get3A_968 = arith.constant 80 : index
        %get3A_969 = tpu.vector_load %arg11[%get3A_967, %get3A_968] {strides = array<i32>} : memref<16x128xf32, #tpu.memory_space<vmem>>, vector<16xf32>,
        %mul3A_970 = arith.mulf %get3A_969, %gather3A_966 : vector<16xf32>
        %swap3A_971 = arith.index_cast %scan3A_853 : i32 to index
        %swap3A_972 = arith.constant 80 : index
        %swap3A_973 = tpu.vector_load %arg12[%swap3A_971, %swap3A_972] {strides = array<i32>} : memref<16x128xf32, #tpu.memory_space<vmem>>, vector<16xf32>,
        tpu.vector_store %arg12[%swap3A_971, %swap3A_972], %mul3A_970 {strides = array<i32>} : memref<16x128xf32, #tpu.memory_space<vmem>>, vector<16xf32>,
        %get3A_974 = arith.index_cast %scan3A_853 : i32 to index
        %get3A_975 = arith.constant 96 : index
        %get3A_976 = tpu.vector_load %arg9[%get3A_974, %get3A_975] {strides = array<i32>} : memref<16x128xi32, #tpu.memory_space<vmem>>, vector<16xi32>,
        %get3A_977 = arith.index_cast %scan3A_853 : i32 to index
        %get3A_978 = arith.constant 96 : index
        %get3A_979 = tpu.vector_load %arg10[%get3A_977, %get3A_978] {strides = array<i32>} : memref<16x128xi32, #tpu.memory_space<vmem>>, vector<16xi32>,
        %gather3A_980 = tpu.vector_load_idx %arg7[%get3A_976] : memref<100000xi32, #tpu.memory_space<vmem>>[vector<16xi32>], vector<16xi32>,
        %gather3A_981 = tpu.vector_load_idx %arg7[%get3A_979] : memref<100000xi32, #tpu.memory_space<vmem>>[vector<16xi32>], vector<16xi32>,
        %mul3A_982 = arith.constant 4 : i32
        %mul3A_983 = vector.broadcast %mul3A_982 : i32 to vector<16xi32>
        %mul3A_984 = arith.muli %gather3A_980, %mul3A_983 : vector<16xi32>
        %add3A_985 = arith.addi %mul3A_984, %gather3A_981 : vector<16xi32>
        %gather3A_986 = tpu.vector_load_idx %arg8[%add3A_985] : memref<16xf32, #tpu.memory_space<vmem>>[vector<16xi32>], vector<16xf32>,
        %get3A_987 = arith.index_cast %scan3A_853 : i32 to index
        %get3A_988 = arith.constant 96 : index
        %get3A_989 = tpu.vector_load %arg11[%get3A_987, %get3A_988] {strides = array<i32>} : memref<16x128xf32, #tpu.memory_space<vmem>>, vector<16xf32>,
        %mul3A_990 = arith.mulf %get3A_989, %gather3A_986 : vector<16xf32>
        %swap3A_991 = arith.index_cast %scan3A_853 : i32 to index
        %swap3A_992 = arith.constant 96 : index
        %swap3A_993 = tpu.vector_load %arg12[%swap3A_991, %swap3A_992] {strides = array<i32>} : memref<16x128xf32, #tpu.memory_space<vmem>>, vector<16xf32>,
        tpu.vector_store %arg12[%swap3A_991, %swap3A_992], %mul3A_990 {strides = array<i32>} : memref<16x128xf32, #tpu.memory_space<vmem>>, vector<16xf32>,
        %get3A_994 = arith.index_cast %scan3A_853 : i32 to index
        %get3A_995 = arith.constant 112 : index
        %get3A_996 = tpu.vector_load %arg9[%get3A_994, %get3A_995] {strides = array<i32>} : memref<16x128xi32, #tpu.memory_space<vmem>>, vector<16xi32>,
        %get3A_997 = arith.index_cast %scan3A_853 : i32 to index
        %get3A_998 = arith.constant 112 : index
        %get3A_999 = tpu.vector_load %arg10[%get3A_997, %get3A_998] {strides = array<i32>} : memref<16x128xi32, #tpu.memory_space<vmem>>, vector<16xi32>,
        %gather3A_1000 = tpu.vector_load_idx %arg7[%get3A_996] : memref<100000xi32, #tpu.memory_space<vmem>>[vector<16xi32>], vector<16xi32>,
        %gather3A_1001 = tpu.vector_load_idx %arg7[%get3A_999] : memref<100000xi32, #tpu.memory_space<vmem>>[vector<16xi32>], vector<16xi32>,
        %mul3A_1002 = arith.constant 4 : i32
        %mul3A_1003 = vector.broadcast %mul3A_1002 : i32 to vector<16xi32>
        %mul3A_1004 = arith.muli %gather3A_1000, %mul3A_1003 : vector<16xi32>
        %add3A_1005 = arith.addi %mul3A_1004, %gather3A_1001 : vector<16xi32>
        %gather3A_1006 = tpu.vector_load_idx %arg8[%add3A_1005] : memref<16xf32, #tpu.memory_space<vmem>>[vector<16xi32>], vector<16xf32>,
        %get3A_1007 = arith.index_cast %scan3A_853 : i32 to index
        %get3A_1008 = arith.constant 112 : index
        %get3A_1009 = tpu.vector_load %arg11[%get3A_1007, %get3A_1008] {strides = array<i32>} : memref<16x128xf32, #tpu.memory_space<vmem>>, vector<16xf32>,
        %mul3A_1010 = arith.mulf %get3A_1009, %gather3A_1006 : vector<16xf32>
        %swap3A_1011 = arith.index_cast %scan3A_853 : i32 to index
        %swap3A_1012 = arith.constant 112 : index
        %swap3A_1013 = tpu.vector_load %arg12[%swap3A_1011, %swap3A_1012] {strides = array<i32>} : memref<16x128xf32, #tpu.memory_space<vmem>>, vector<16xf32>,
        tpu.vector_store %arg12[%swap3A_1011, %swap3A_1012], %mul3A_1010 {strides = array<i32>} : memref<16x128xf32, #tpu.memory_space<vmem>>, vector<16xf32>,
        %scan3A_1014 = arith.constant 0 : i32
        scf.yield %scan3A_1014 : i32
      }
      %scan3A_295 = arith.constant 16 : i32
      %dma_start3A_296 = arith.constant 0 : i32
      %dma_start3A_297 = arith.constant 0 : i32
      %dma_start3A_298 = arith.constant 0 : i32
      %dma_start3A_299 = tpu.memref_slice %arg12[%dma_start3A_296, %dma_start3A_298] : memref<16x128xf32, #tpu.memory_space<vmem>> -> memref<1x128xf32, #tpu.memory_space<vmem>>
      %dma_start3A_300 = tpu.memref_squeeze %dma_start3A_299 : memref<1x128xf32, #tpu.memory_space<vmem>> -> memref<128xf32, #tpu.memory_space<vmem>>
      %dma_start3A_301 = arith.constant 0 : i32
      %dma_start3A_302 = tpu.memref_slice %arg9[%dma_start3A_297, %dma_start3A_301] : memref<16x128xi32, #tpu.memory_space<vmem>> -> memref<1x128xi32, #tpu.memory_space<vmem>>
      %dma_start3A_303 = tpu.memref_squeeze %dma_start3A_302 : memref<1x128xi32, #tpu.memory_space<vmem>> -> memref<128xi32, #tpu.memory_space<vmem>>
      %dma_start3A_304 = arith.constant 0 : i32
      %dma_start3A_305 = tpu.memref_slice %arg18[%dma_start3A_304] : memref<102400xf32, #tpu.memory_space<vmem_shared>> -> memref<102400xf32, #tpu.memory_space<vmem_shared>>
      tpu.enqueue_indirect_dma source(%dma_start3A_300 : memref<128xf32, #tpu.memory_space<vmem>>) target(%dma_start3A_305 : memref<102400xf32, #tpu.memory_space<vmem_shared>>) offsets(%dma_start3A_303 : memref<128xi32, #tpu.memory_space<vmem>>) semaphore(%arg21 : memref<!tpu.dma_semaphore, #tpu.memory_space<semaphore_mem>>) {add = true}
      %dma_start3A_306 = arith.constant 1 : i32
      %dma_start3A_307 = arith.constant 1 : i32
      %dma_start3A_308 = arith.constant 0 : i32
      %dma_start3A_309 = tpu.memref_slice %arg12[%dma_start3A_306, %dma_start3A_308] : memref<16x128xf32, #tpu.memory_space<vmem>> -> memref<1x128xf32, #tpu.memory_space<vmem>>
      %dma_start3A_310 = tpu.memref_squeeze %dma_start3A_309 : memref<1x128xf32, #tpu.memory_space<vmem>> -> memref<128xf32, #tpu.memory_space<vmem>>
      %dma_start3A_311 = arith.constant 0 : i32
      %dma_start3A_312 = tpu.memref_slice %arg9[%dma_start3A_307, %dma_start3A_311] : memref<16x128xi32, #tpu.memory_space<vmem>> -> memref<1x128xi32, #tpu.memory_space<vmem>>
      %dma_start3A_313 = tpu.memref_squeeze %dma_start3A_312 : memref<1x128xi32, #tpu.memory_space<vmem>> -> memref<128xi32, #tpu.memory_space<vmem>>
      %dma_start3A_314 = arith.constant 0 : i32
      %dma_start3A_315 = tpu.memref_slice %arg18[%dma_start3A_314] : memref<102400xf32, #tpu.memory_space<vmem_shared>> -> memref<102400xf32, #tpu.memory_space<vmem_shared>>
      tpu.enqueue_indirect_dma source(%dma_start3A_310 : memref<128xf32, #tpu.memory_space<vmem>>) target(%dma_start3A_315 : memref<102400xf32, #tpu.memory_space<vmem_shared>>) offsets(%dma_start3A_313 : memref<128xi32, #tpu.memory_space<vmem>>) semaphore(%arg21 : memref<!tpu.dma_semaphore, #tpu.memory_space<semaphore_mem>>) {add = true}
      %dma_start3A_316 = arith.constant 2 : i32
      %dma_start3A_317 = arith.constant 2 : i32
      %dma_start3A_318 = arith.constant 0 : i32
      %dma_start3A_319 = tpu.memref_slice %arg12[%dma_start3A_316, %dma_start3A_318] : memref<16x128xf32, #tpu.memory_space<vmem>> -> memref<1x128xf32, #tpu.memory_space<vmem>>
      %dma_start3A_320 = tpu.memref_squeeze %dma_start3A_319 : memref<1x128xf32, #tpu.memory_space<vmem>> -> memref<128xf32, #tpu.memory_space<vmem>>
      %dma_start3A_321 = arith.constant 0 : i32
      %dma_start3A_322 = tpu.memref_slice %arg9[%dma_start3A_317, %dma_start3A_321] : memref<16x128xi32, #tpu.memory_space<vmem>> -> memref<1x128xi32, #tpu.memory_space<vmem>>
      %dma_start3A_323 = tpu.memref_squeeze %dma_start3A_322 : memref<1x128xi32, #tpu.memory_space<vmem>> -> memref<128xi32, #tpu.memory_space<vmem>>
      %dma_start3A_324 = arith.constant 0 : i32
      %dma_start3A_325 = tpu.memref_slice %arg18[%dma_start3A_324] : memref<102400xf32, #tpu.memory_space<vmem_shared>> -> memref<102400xf32, #tpu.memory_space<vmem_shared>>
      tpu.enqueue_indirect_dma source(%dma_start3A_320 : memref<128xf32, #tpu.memory_space<vmem>>) target(%dma_start3A_325 : memref<102400xf32, #tpu.memory_space<vmem_shared>>) offsets(%dma_start3A_323 : memref<128xi32, #tpu.memory_space<vmem>>) semaphore(%arg21 : memref<!tpu.dma_semaphore, #tpu.memory_space<semaphore_mem>>) {add = true}
      %dma_start3A_326 = arith.constant 3 : i32
      %dma_start3A_327 = arith.constant 3 : i32
      %dma_start3A_328 = arith.constant 0 : i32
      %dma_start3A_329 = tpu.memref_slice %arg12[%dma_start3A_326, %dma_start3A_328] : memref<16x128xf32, #tpu.memory_space<vmem>> -> memref<1x128xf32, #tpu.memory_space<vmem>>
      %dma_start3A_330 = tpu.memref_squeeze %dma_start3A_329 : memref<1x128xf32, #tpu.memory_space<vmem>> -> memref<128xf32, #tpu.memory_space<vmem>>
      %dma_start3A_331 = arith.constant 0 : i32
      %dma_start3A_332 = tpu.memref_slice %arg9[%dma_start3A_327, %dma_start3A_331] : memref<16x128xi32, #tpu.memory_space<vmem>> -> memref<1x128xi32, #tpu.memory_space<vmem>>
      %dma_start3A_333 = tpu.memref_squeeze %dma_start3A_332 : memref<1x128xi32, #tpu.memory_space<vmem>> -> memref<128xi32, #tpu.memory_space<vmem>>
      %dma_start3A_334 = arith.constant 0 : i32
      %dma_start3A_335 = tpu.memref_slice %arg18[%dma_start3A_334] : memref<102400xf32, #tpu.memory_space<vmem_shared>> -> memref<102400xf32, #tpu.memory_space<vmem_shared>>
      tpu.enqueue_indirect_dma source(%dma_start3A_330 : memref<128xf32, #tpu.memory_space<vmem>>) target(%dma_start3A_335 : memref<102400xf32, #tpu.memory_space<vmem_shared>>) offsets(%dma_start3A_333 : memref<128xi32, #tpu.memory_space<vmem>>) semaphore(%arg21 : memref<!tpu.dma_semaphore, #tpu.memory_space<semaphore_mem>>) {add = true}
      %dma_start3A_336 = arith.constant 4 : i32
      %dma_start3A_337 = arith.constant 4 : i32
      %dma_start3A_338 = arith.constant 0 : i32
      %dma_start3A_339 = tpu.memref_slice %arg12[%dma_start3A_336, %dma_start3A_338] : memref<16x128xf32, #tpu.memory_space<vmem>> -> memref<1x128xf32, #tpu.memory_space<vmem>>
      %dma_start3A_340 = tpu.memref_squeeze %dma_start3A_339 : memref<1x128xf32, #tpu.memory_space<vmem>> -> memref<128xf32, #tpu.memory_space<vmem>>
      %dma_start3A_341 = arith.constant 0 : i32
      %dma_start3A_342 = tpu.memref_slice %arg9[%dma_start3A_337, %dma_start3A_341] : memref<16x128xi32, #tpu.memory_space<vmem>> -> memref<1x128xi32, #tpu.memory_space<vmem>>
      %dma_start3A_343 = tpu.memref_squeeze %dma_start3A_342 : memref<1x128xi32, #tpu.memory_space<vmem>> -> memref<128xi32, #tpu.memory_space<vmem>>
      %dma_start3A_344 = arith.constant 0 : i32
      %dma_start3A_345 = tpu.memref_slice %arg18[%dma_start3A_344] : memref<102400xf32, #tpu.memory_space<vmem_shared>> -> memref<102400xf32, #tpu.memory_space<vmem_shared>>
      tpu.enqueue_indirect_dma source(%dma_start3A_340 : memref<128xf32, #tpu.memory_space<vmem>>) target(%dma_start3A_345 : memref<102400xf32, #tpu.memory_space<vmem_shared>>) offsets(%dma_start3A_343 : memref<128xi32, #tpu.memory_space<vmem>>) semaphore(%arg21 : memref<!tpu.dma_semaphore, #tpu.memory_space<semaphore_mem>>) {add = true}
      %dma_start3A_346 = arith.constant 5 : i32
      %dma_start3A_347 = arith.constant 5 : i32
      %dma_start3A_348 = arith.constant 0 : i32
      %dma_start3A_349 = tpu.memref_slice %arg12[%dma_start3A_346, %dma_start3A_348] : memref<16x128xf32, #tpu.memory_space<vmem>> -> memref<1x128xf32, #tpu.memory_space<vmem>>
      %dma_start3A_350 = tpu.memref_squeeze %dma_start3A_349 : memref<1x128xf32, #tpu.memory_space<vmem>> -> memref<128xf32, #tpu.memory_space<vmem>>
      %dma_start3A_351 = arith.constant 0 : i32
      %dma_start3A_352 = tpu.memref_slice %arg9[%dma_start3A_347, %dma_start3A_351] : memref<16x128xi32, #tpu.memory_space<vmem>> -> memref<1x128xi32, #tpu.memory_space<vmem>>
      %dma_start3A_353 = tpu.memref_squeeze %dma_start3A_352 : memref<1x128xi32, #tpu.memory_space<vmem>> -> memref<128xi32, #tpu.memory_space<vmem>>
      %dma_start3A_354 = arith.constant 0 : i32
      %dma_start3A_355 = tpu.memref_slice %arg18[%dma_start3A_354] : memref<102400xf32, #tpu.memory_space<vmem_shared>> -> memref<102400xf32, #tpu.memory_space<vmem_shared>>
      tpu.enqueue_indirect_dma source(%dma_start3A_350 : memref<128xf32, #tpu.memory_space<vmem>>) target(%dma_start3A_355 : memref<102400xf32, #tpu.memory_space<vmem_shared>>) offsets(%dma_start3A_353 : memref<128xi32, #tpu.memory_space<vmem>>) semaphore(%arg21 : memref<!tpu.dma_semaphore, #tpu.memory_space<semaphore_mem>>) {add = true}
      %dma_start3A_356 = arith.constant 6 : i32
      %dma_start3A_357 = arith.constant 6 : i32
      %dma_start3A_358 = arith.constant 0 : i32
      %dma_start3A_359 = tpu.memref_slice %arg12[%dma_start3A_356, %dma_start3A_358] : memref<16x128xf32, #tpu.memory_space<vmem>> -> memref<1x128xf32, #tpu.memory_space<vmem>>
      %dma_start3A_360 = tpu.memref_squeeze %dma_start3A_359 : memref<1x128xf32, #tpu.memory_space<vmem>> -> memref<128xf32, #tpu.memory_space<vmem>>
      %dma_start3A_361 = arith.constant 0 : i32
      %dma_start3A_362 = tpu.memref_slice %arg9[%dma_start3A_357, %dma_start3A_361] : memref<16x128xi32, #tpu.memory_space<vmem>> -> memref<1x128xi32, #tpu.memory_space<vmem>>
      %dma_start3A_363 = tpu.memref_squeeze %dma_start3A_362 : memref<1x128xi32, #tpu.memory_space<vmem>> -> memref<128xi32, #tpu.memory_space<vmem>>
      %dma_start3A_364 = arith.constant 0 : i32
      %dma_start3A_365 = tpu.memref_slice %arg18[%dma_start3A_364] : memref<102400xf32, #tpu.memory_space<vmem_shared>> -> memref<102400xf32, #tpu.memory_space<vmem_shared>>
      tpu.enqueue_indirect_dma source(%dma_start3A_360 : memref<128xf32, #tpu.memory_space<vmem>>) target(%dma_start3A_365 : memref<102400xf32, #tpu.memory_space<vmem_shared>>) offsets(%dma_start3A_363 : memref<128xi32, #tpu.memory_space<vmem>>) semaphore(%arg21 : memref<!tpu.dma_semaphore, #tpu.memory_space<semaphore_mem>>) {add = true}
      %dma_start3A_366 = arith.constant 7 : i32
      %dma_start3A_367 = arith.constant 7 : i32
      %dma_start3A_368 = arith.constant 0 : i32
      %dma_start3A_369 = tpu.memref_slice %arg12[%dma_start3A_366, %dma_start3A_368] : memref<16x128xf32, #tpu.memory_space<vmem>> -> memref<1x128xf32, #tpu.memory_space<vmem>>
      %dma_start3A_370 = tpu.memref_squeeze %dma_start3A_369 : memref<1x128xf32, #tpu.memory_space<vmem>> -> memref<128xf32, #tpu.memory_space<vmem>>
      %dma_start3A_371 = arith.constant 0 : i32
      %dma_start3A_372 = tpu.memref_slice %arg9[%dma_start3A_367, %dma_start3A_371] : memref<16x128xi32, #tpu.memory_space<vmem>> -> memref<1x128xi32, #tpu.memory_space<vmem>>
      %dma_start3A_373 = tpu.memref_squeeze %dma_start3A_372 : memref<1x128xi32, #tpu.memory_space<vmem>> -> memref<128xi32, #tpu.memory_space<vmem>>
      %dma_start3A_374 = arith.constant 0 : i32
      %dma_start3A_375 = tpu.memref_slice %arg18[%dma_start3A_374] : memref<102400xf32, #tpu.memory_space<vmem_shared>> -> memref<102400xf32, #tpu.memory_space<vmem_shared>>
      tpu.enqueue_indirect_dma source(%dma_start3A_370 : memref<128xf32, #tpu.memory_space<vmem>>) target(%dma_start3A_375 : memref<102400xf32, #tpu.memory_space<vmem_shared>>) offsets(%dma_start3A_373 : memref<128xi32, #tpu.memory_space<vmem>>) semaphore(%arg21 : memref<!tpu.dma_semaphore, #tpu.memory_space<semaphore_mem>>) {add = true}
      %dma_start3A_376 = arith.constant 8 : i32
      %dma_start3A_377 = arith.constant 8 : i32
      %dma_start3A_378 = arith.constant 0 : i32
      %dma_start3A_379 = tpu.memref_slice %arg12[%dma_start3A_376, %dma_start3A_378] : memref<16x128xf32, #tpu.memory_space<vmem>> -> memref<1x128xf32, #tpu.memory_space<vmem>>
      %dma_start3A_380 = tpu.memref_squeeze %dma_start3A_379 : memref<1x128xf32, #tpu.memory_space<vmem>> -> memref<128xf32, #tpu.memory_space<vmem>>
      %dma_start3A_381 = arith.constant 0 : i32
      %dma_start3A_382 = tpu.memref_slice %arg9[%dma_start3A_377, %dma_start3A_381] : memref<16x128xi32, #tpu.memory_space<vmem>> -> memref<1x128xi32, #tpu.memory_space<vmem>>
      %dma_start3A_383 = tpu.memref_squeeze %dma_start3A_382 : memref<1x128xi32, #tpu.memory_space<vmem>> -> memref<128xi32, #tpu.memory_space<vmem>>
      %dma_start3A_384 = arith.constant 0 : i32
      %dma_start3A_385 = tpu.memref_slice %arg18[%dma_start3A_384] : memref<102400xf32, #tpu.memory_space<vmem_shared>> -> memref<102400xf32, #tpu.memory_space<vmem_shared>>
      tpu.enqueue_indirect_dma source(%dma_start3A_380 : memref<128xf32, #tpu.memory_space<vmem>>) target(%dma_start3A_385 : memref<102400xf32, #tpu.memory_space<vmem_shared>>) offsets(%dma_start3A_383 : memref<128xi32, #tpu.memory_space<vmem>>) semaphore(%arg21 : memref<!tpu.dma_semaphore, #tpu.memory_space<semaphore_mem>>) {add = true}
      %dma_start3A_386 = arith.constant 9 : i32
      %dma_start3A_387 = arith.constant 9 : i32
      %dma_start3A_388 = arith.constant 0 : i32
      %dma_start3A_389 = tpu.memref_slice %arg12[%dma_start3A_386, %dma_start3A_388] : memref<16x128xf32, #tpu.memory_space<vmem>> -> memref<1x128xf32, #tpu.memory_space<vmem>>
      %dma_start3A_390 = tpu.memref_squeeze %dma_start3A_389 : memref<1x128xf32, #tpu.memory_space<vmem>> -> memref<128xf32, #tpu.memory_space<vmem>>
      %dma_start3A_391 = arith.constant 0 : i32
      %dma_start3A_392 = tpu.memref_slice %arg9[%dma_start3A_387, %dma_start3A_391] : memref<16x128xi32, #tpu.memory_space<vmem>> -> memref<1x128xi32, #tpu.memory_space<vmem>>
      %dma_start3A_393 = tpu.memref_squeeze %dma_start3A_392 : memref<1x128xi32, #tpu.memory_space<vmem>> -> memref<128xi32, #tpu.memory_space<vmem>>
      %dma_start3A_394 = arith.constant 0 : i32
      %dma_start3A_395 = tpu.memref_slice %arg18[%dma_start3A_394] : memref<102400xf32, #tpu.memory_space<vmem_shared>> -> memref<102400xf32, #tpu.memory_space<vmem_shared>>
      tpu.enqueue_indirect_dma source(%dma_start3A_390 : memref<128xf32, #tpu.memory_space<vmem>>) target(%dma_start3A_395 : memref<102400xf32, #tpu.memory_space<vmem_shared>>) offsets(%dma_start3A_393 : memref<128xi32, #tpu.memory_space<vmem>>) semaphore(%arg21 : memref<!tpu.dma_semaphore, #tpu.memory_space<semaphore_mem>>) {add = true}
      %dma_start3A_396 = arith.constant 10 : i32
      %dma_start3A_397 = arith.constant 10 : i32
      %dma_start3A_398 = arith.constant 0 : i32
      %dma_start3A_399 = tpu.memref_slice %arg12[%dma_start3A_396, %dma_start3A_398] : memref<16x128xf32, #tpu.memory_space<vmem>> -> memref<1x128xf32, #tpu.memory_space<vmem>>
      %dma_start3A_400 = tpu.memref_squeeze %dma_start3A_399 : memref<1x128xf32, #tpu.memory_space<vmem>> -> memref<128xf32, #tpu.memory_space<vmem>>
      %dma_start3A_401 = arith.constant 0 : i32
      %dma_start3A_402 = tpu.memref_slice %arg9[%dma_start3A_397, %dma_start3A_401] : memref<16x128xi32, #tpu.memory_space<vmem>> -> memref<1x128xi32, #tpu.memory_space<vmem>>
      %dma_start3A_403 = tpu.memref_squeeze %dma_start3A_402 : memref<1x128xi32, #tpu.memory_space<vmem>> -> memref<128xi32, #tpu.memory_space<vmem>>
      %dma_start3A_404 = arith.constant 0 : i32
      %dma_start3A_405 = tpu.memref_slice %arg18[%dma_start3A_404] : memref<102400xf32, #tpu.memory_space<vmem_shared>> -> memref<102400xf32, #tpu.memory_space<vmem_shared>>
      tpu.enqueue_indirect_dma source(%dma_start3A_400 : memref<128xf32, #tpu.memory_space<vmem>>) target(%dma_start3A_405 : memref<102400xf32, #tpu.memory_space<vmem_shared>>) offsets(%dma_start3A_403 : memref<128xi32, #tpu.memory_space<vmem>>) semaphore(%arg21 : memref<!tpu.dma_semaphore, #tpu.memory_space<semaphore_mem>>) {add = true}
      %dma_start3A_406 = arith.constant 11 : i32
      %dma_start3A_407 = arith.constant 11 : i32
      %dma_start3A_408 = arith.constant 0 : i32
      %dma_start3A_409 = tpu.memref_slice %arg12[%dma_start3A_406, %dma_start3A_408] : memref<16x128xf32, #tpu.memory_space<vmem>> -> memref<1x128xf32, #tpu.memory_space<vmem>>
      %dma_start3A_410 = tpu.memref_squeeze %dma_start3A_409 : memref<1x128xf32, #tpu.memory_space<vmem>> -> memref<128xf32, #tpu.memory_space<vmem>>
      %dma_start3A_411 = arith.constant 0 : i32
      %dma_start3A_412 = tpu.memref_slice %arg9[%dma_start3A_407, %dma_start3A_411] : memref<16x128xi32, #tpu.memory_space<vmem>> -> memref<1x128xi32, #tpu.memory_space<vmem>>
      %dma_start3A_413 = tpu.memref_squeeze %dma_start3A_412 : memref<1x128xi32, #tpu.memory_space<vmem>> -> memref<128xi32, #tpu.memory_space<vmem>>
      %dma_start3A_414 = arith.constant 0 : i32
      %dma_start3A_415 = tpu.memref_slice %arg18[%dma_start3A_414] : memref<102400xf32, #tpu.memory_space<vmem_shared>> -> memref<102400xf32, #tpu.memory_space<vmem_shared>>
      tpu.enqueue_indirect_dma source(%dma_start3A_410 : memref<128xf32, #tpu.memory_space<vmem>>) target(%dma_start3A_415 : memref<102400xf32, #tpu.memory_space<vmem_shared>>) offsets(%dma_start3A_413 : memref<128xi32, #tpu.memory_space<vmem>>) semaphore(%arg21 : memref<!tpu.dma_semaphore, #tpu.memory_space<semaphore_mem>>) {add = true}
      %dma_start3A_416 = arith.constant 12 : i32
      %dma_start3A_417 = arith.constant 12 : i32
      %dma_start3A_418 = arith.constant 0 : i32
      %dma_start3A_419 = tpu.memref_slice %arg12[%dma_start3A_416, %dma_start3A_418] : memref<16x128xf32, #tpu.memory_space<vmem>> -> memref<1x128xf32, #tpu.memory_space<vmem>>
      %dma_start3A_420 = tpu.memref_squeeze %dma_start3A_419 : memref<1x128xf32, #tpu.memory_space<vmem>> -> memref<128xf32, #tpu.memory_space<vmem>>
      %dma_start3A_421 = arith.constant 0 : i32
      %dma_start3A_422 = tpu.memref_slice %arg9[%dma_start3A_417, %dma_start3A_421] : memref<16x128xi32, #tpu.memory_space<vmem>> -> memref<1x128xi32, #tpu.memory_space<vmem>>
      %dma_start3A_423 = tpu.memref_squeeze %dma_start3A_422 : memref<1x128xi32, #tpu.memory_space<vmem>> -> memref<128xi32, #tpu.memory_space<vmem>>
      %dma_start3A_424 = arith.constant 0 : i32
      %dma_start3A_425 = tpu.memref_slice %arg18[%dma_start3A_424] : memref<102400xf32, #tpu.memory_space<vmem_shared>> -> memref<102400xf32, #tpu.memory_space<vmem_shared>>
      tpu.enqueue_indirect_dma source(%dma_start3A_420 : memref<128xf32, #tpu.memory_space<vmem>>) target(%dma_start3A_425 : memref<102400xf32, #tpu.memory_space<vmem_shared>>) offsets(%dma_start3A_423 : memref<128xi32, #tpu.memory_space<vmem>>) semaphore(%arg21 : memref<!tpu.dma_semaphore, #tpu.memory_space<semaphore_mem>>) {add = true}
      %dma_start3A_426 = arith.constant 13 : i32
      %dma_start3A_427 = arith.constant 13 : i32
      %dma_start3A_428 = arith.constant 0 : i32
      %dma_start3A_429 = tpu.memref_slice %arg12[%dma_start3A_426, %dma_start3A_428] : memref<16x128xf32, #tpu.memory_space<vmem>> -> memref<1x128xf32, #tpu.memory_space<vmem>>
      %dma_start3A_430 = tpu.memref_squeeze %dma_start3A_429 : memref<1x128xf32, #tpu.memory_space<vmem>> -> memref<128xf32, #tpu.memory_space<vmem>>
      %dma_start3A_431 = arith.constant 0 : i32
      %dma_start3A_432 = tpu.memref_slice %arg9[%dma_start3A_427, %dma_start3A_431] : memref<16x128xi32, #tpu.memory_space<vmem>> -> memref<1x128xi32, #tpu.memory_space<vmem>>
      %dma_start3A_433 = tpu.memref_squeeze %dma_start3A_432 : memref<1x128xi32, #tpu.memory_space<vmem>> -> memref<128xi32, #tpu.memory_space<vmem>>
      %dma_start3A_434 = arith.constant 0 : i32
      %dma_start3A_435 = tpu.memref_slice %arg18[%dma_start3A_434] : memref<102400xf32, #tpu.memory_space<vmem_shared>> -> memref<102400xf32, #tpu.memory_space<vmem_shared>>
      tpu.enqueue_indirect_dma source(%dma_start3A_430 : memref<128xf32, #tpu.memory_space<vmem>>) target(%dma_start3A_435 : memref<102400xf32, #tpu.memory_space<vmem_shared>>) offsets(%dma_start3A_433 : memref<128xi32, #tpu.memory_space<vmem>>) semaphore(%arg21 : memref<!tpu.dma_semaphore, #tpu.memory_space<semaphore_mem>>) {add = true}
      %dma_start3A_436 = arith.constant 14 : i32
      %dma_start3A_437 = arith.constant 14 : i32
      %dma_start3A_438 = arith.constant 0 : i32
      %dma_start3A_439 = tpu.memref_slice %arg12[%dma_start3A_436, %dma_start3A_438] : memref<16x128xf32, #tpu.memory_space<vmem>> -> memref<1x128xf32, #tpu.memory_space<vmem>>
      %dma_start3A_440 = tpu.memref_squeeze %dma_start3A_439 : memref<1x128xf32, #tpu.memory_space<vmem>> -> memref<128xf32, #tpu.memory_space<vmem>>
      %dma_start3A_441 = arith.constant 0 : i32
      %dma_start3A_442 = tpu.memref_slice %arg9[%dma_start3A_437, %dma_start3A_441] : memref<16x128xi32, #tpu.memory_space<vmem>> -> memref<1x128xi32, #tpu.memory_space<vmem>>
      %dma_start3A_443 = tpu.memref_squeeze %dma_start3A_442 : memref<1x128xi32, #tpu.memory_space<vmem>> -> memref<128xi32, #tpu.memory_space<vmem>>
      %dma_start3A_444 = arith.constant 0 : i32
      %dma_start3A_445 = tpu.memref_slice %arg18[%dma_start3A_444] : memref<102400xf32, #tpu.memory_space<vmem_shared>> -> memref<102400xf32, #tpu.memory_space<vmem_shared>>
      tpu.enqueue_indirect_dma source(%dma_start3A_440 : memref<128xf32, #tpu.memory_space<vmem>>) target(%dma_start3A_445 : memref<102400xf32, #tpu.memory_space<vmem_shared>>) offsets(%dma_start3A_443 : memref<128xi32, #tpu.memory_space<vmem>>) semaphore(%arg21 : memref<!tpu.dma_semaphore, #tpu.memory_space<semaphore_mem>>) {add = true}
      %dma_start3A_446 = arith.constant 15 : i32
      %dma_start3A_447 = arith.constant 15 : i32
      %dma_start3A_448 = arith.constant 0 : i32
      %dma_start3A_449 = tpu.memref_slice %arg12[%dma_start3A_446, %dma_start3A_448] : memref<16x128xf32, #tpu.memory_space<vmem>> -> memref<1x128xf32, #tpu.memory_space<vmem>>
      %dma_start3A_450 = tpu.memref_squeeze %dma_start3A_449 : memref<1x128xf32, #tpu.memory_space<vmem>> -> memref<128xf32, #tpu.memory_space<vmem>>
      %dma_start3A_451 = arith.constant 0 : i32
      %dma_start3A_452 = tpu.memref_slice %arg9[%dma_start3A_447, %dma_start3A_451] : memref<16x128xi32, #tpu.memory_space<vmem>> -> memref<1x128xi32, #tpu.memory_space<vmem>>
      %dma_start3A_453 = tpu.memref_squeeze %dma_start3A_452 : memref<1x128xi32, #tpu.memory_space<vmem>> -> memref<128xi32, #tpu.memory_space<vmem>>
      %dma_start3A_454 = arith.constant 0 : i32
      %dma_start3A_455 = tpu.memref_slice %arg18[%dma_start3A_454] : memref<102400xf32, #tpu.memory_space<vmem_shared>> -> memref<102400xf32, #tpu.memory_space<vmem_shared>>
      tpu.enqueue_indirect_dma source(%dma_start3A_450 : memref<128xf32, #tpu.memory_space<vmem>>) target(%dma_start3A_455 : memref<102400xf32, #tpu.memory_space<vmem_shared>>) offsets(%dma_start3A_453 : memref<128xi32, #tpu.memory_space<vmem>>) semaphore(%arg21 : memref<!tpu.dma_semaphore, #tpu.memory_space<semaphore_mem>>) {add = true}
      %gt3A = arith.constant 0 : i32
      %gt3A_456 = arith.cmpi sgt, %while3A_255, %gt3A : i32
      %convert_element_type3A_457 = arith.extui %gt3A_456 : i1 to i32
      %cond3A_458 = arith.constant 0 : i32
      %cond3A_459 = arith.cmpi ne, %convert_element_type3A_457, %cond3A_458 : i32
      scf.if %cond3A_459 {
        %dma_wait3A_853 = arith.constant 0 : i32
        %dma_wait3A_854 = arith.constant 0 : i32
        %dma_wait3A_855 = arith.constant 0 : i32
        %dma_wait3A_856 = tpu.memref_slice %arg16[%dma_wait3A_853, %dma_wait3A_855] : memref<16x128xf32, #tpu.memory_space<vmem>> -> memref<1x128xf32, #tpu.memory_space<vmem>>
        %dma_wait3A_857 = tpu.memref_squeeze %dma_wait3A_856 : memref<1x128xf32, #tpu.memory_space<vmem>> -> memref<128xf32, #tpu.memory_space<vmem>>
        %dma_wait3A_858 = arith.constant 0 : i32
        %dma_wait3A_859 = tpu.memref_slice %arg13[%dma_wait3A_854, %dma_wait3A_858] : memref<16x128xi32, #tpu.memory_space<vmem>> -> memref<1x128xi32, #tpu.memory_space<vmem>>
        %dma_wait3A_860 = tpu.memref_squeeze %dma_wait3A_859 : memref<1x128xi32, #tpu.memory_space<vmem>> -> memref<128xi32, #tpu.memory_space<vmem>>
        %dma_wait3A_861 = arith.constant 0 : i32
        %dma_wait3A_862 = tpu.memref_slice %arg18[%dma_wait3A_861] : memref<102400xf32, #tpu.memory_space<vmem_shared>> -> memref<102400xf32, #tpu.memory_space<vmem_shared>>
        tpu.wait_indirect_dma semaphore(%arg22 : memref<!tpu.dma_semaphore, #tpu.memory_space<semaphore_mem>>) src(%dma_wait3A_857 : memref<128xf32, #tpu.memory_space<vmem>>) dst(%dma_wait3A_862 : memref<102400xf32, #tpu.memory_space<vmem_shared>>)
        %dma_wait3A_863 = arith.constant 1 : i32
        %dma_wait3A_864 = arith.constant 1 : i32
        %dma_wait3A_865 = arith.constant 0 : i32
        %dma_wait3A_866 = tpu.memref_slice %arg16[%dma_wait3A_863, %dma_wait3A_865] : memref<16x128xf32, #tpu.memory_space<vmem>> -> memref<1x128xf32, #tpu.memory_space<vmem>>
        %dma_wait3A_867 = tpu.memref_squeeze %dma_wait3A_866 : memref<1x128xf32, #tpu.memory_space<vmem>> -> memref<128xf32, #tpu.memory_space<vmem>>
        %dma_wait3A_868 = arith.constant 0 : i32
        %dma_wait3A_869 = tpu.memref_slice %arg13[%dma_wait3A_864, %dma_wait3A_868] : memref<16x128xi32, #tpu.memory_space<vmem>> -> memref<1x128xi32, #tpu.memory_space<vmem>>
        %dma_wait3A_870 = tpu.memref_squeeze %dma_wait3A_869 : memref<1x128xi32, #tpu.memory_space<vmem>> -> memref<128xi32, #tpu.memory_space<vmem>>
        %dma_wait3A_871 = arith.constant 0 : i32
        %dma_wait3A_872 = tpu.memref_slice %arg18[%dma_wait3A_871] : memref<102400xf32, #tpu.memory_space<vmem_shared>> -> memref<102400xf32, #tpu.memory_space<vmem_shared>>
        tpu.wait_indirect_dma semaphore(%arg22 : memref<!tpu.dma_semaphore, #tpu.memory_space<semaphore_mem>>) src(%dma_wait3A_867 : memref<128xf32, #tpu.memory_space<vmem>>) dst(%dma_wait3A_872 : memref<102400xf32, #tpu.memory_space<vmem_shared>>)
        %dma_wait3A_873 = arith.constant 2 : i32
        %dma_wait3A_874 = arith.constant 2 : i32
        %dma_wait3A_875 = arith.constant 0 : i32
        %dma_wait3A_876 = tpu.memref_slice %arg16[%dma_wait3A_873, %dma_wait3A_875] : memref<16x128xf32, #tpu.memory_space<vmem>> -> memref<1x128xf32, #tpu.memory_space<vmem>>
        %dma_wait3A_877 = tpu.memref_squeeze %dma_wait3A_876 : memref<1x128xf32, #tpu.memory_space<vmem>> -> memref<128xf32, #tpu.memory_space<vmem>>
        %dma_wait3A_878 = arith.constant 0 : i32
        %dma_wait3A_879 = tpu.memref_slice %arg13[%dma_wait3A_874, %dma_wait3A_878] : memref<16x128xi32, #tpu.memory_space<vmem>> -> memref<1x128xi32, #tpu.memory_space<vmem>>
        %dma_wait3A_880 = tpu.memref_squeeze %dma_wait3A_879 : memref<1x128xi32, #tpu.memory_space<vmem>> -> memref<128xi32, #tpu.memory_space<vmem>>
        %dma_wait3A_881 = arith.constant 0 : i32
        %dma_wait3A_882 = tpu.memref_slice %arg18[%dma_wait3A_881] : memref<102400xf32, #tpu.memory_space<vmem_shared>> -> memref<102400xf32, #tpu.memory_space<vmem_shared>>
        tpu.wait_indirect_dma semaphore(%arg22 : memref<!tpu.dma_semaphore, #tpu.memory_space<semaphore_mem>>) src(%dma_wait3A_877 : memref<128xf32, #tpu.memory_space<vmem>>) dst(%dma_wait3A_882 : memref<102400xf32, #tpu.memory_space<vmem_shared>>)
        %dma_wait3A_883 = arith.constant 3 : i32
        %dma_wait3A_884 = arith.constant 3 : i32
        %dma_wait3A_885 = arith.constant 0 : i32
        %dma_wait3A_886 = tpu.memref_slice %arg16[%dma_wait3A_883, %dma_wait3A_885] : memref<16x128xf32, #tpu.memory_space<vmem>> -> memref<1x128xf32, #tpu.memory_space<vmem>>
        %dma_wait3A_887 = tpu.memref_squeeze %dma_wait3A_886 : memref<1x128xf32, #tpu.memory_space<vmem>> -> memref<128xf32, #tpu.memory_space<vmem>>
        %dma_wait3A_888 = arith.constant 0 : i32
        %dma_wait3A_889 = tpu.memref_slice %arg13[%dma_wait3A_884, %dma_wait3A_888] : memref<16x128xi32, #tpu.memory_space<vmem>> -> memref<1x128xi32, #tpu.memory_space<vmem>>
        %dma_wait3A_890 = tpu.memref_squeeze %dma_wait3A_889 : memref<1x128xi32, #tpu.memory_space<vmem>> -> memref<128xi32, #tpu.memory_space<vmem>>
        %dma_wait3A_891 = arith.constant 0 : i32
        %dma_wait3A_892 = tpu.memref_slice %arg18[%dma_wait3A_891] : memref<102400xf32, #tpu.memory_space<vmem_shared>> -> memref<102400xf32, #tpu.memory_space<vmem_shared>>
        tpu.wait_indirect_dma semaphore(%arg22 : memref<!tpu.dma_semaphore, #tpu.memory_space<semaphore_mem>>) src(%dma_wait3A_887 : memref<128xf32, #tpu.memory_space<vmem>>) dst(%dma_wait3A_892 : memref<102400xf32, #tpu.memory_space<vmem_shared>>)
        %dma_wait3A_893 = arith.constant 4 : i32
        %dma_wait3A_894 = arith.constant 4 : i32
        %dma_wait3A_895 = arith.constant 0 : i32
        %dma_wait3A_896 = tpu.memref_slice %arg16[%dma_wait3A_893, %dma_wait3A_895] : memref<16x128xf32, #tpu.memory_space<vmem>> -> memref<1x128xf32, #tpu.memory_space<vmem>>
        %dma_wait3A_897 = tpu.memref_squeeze %dma_wait3A_896 : memref<1x128xf32, #tpu.memory_space<vmem>> -> memref<128xf32, #tpu.memory_space<vmem>>
        %dma_wait3A_898 = arith.constant 0 : i32
        %dma_wait3A_899 = tpu.memref_slice %arg13[%dma_wait3A_894, %dma_wait3A_898] : memref<16x128xi32, #tpu.memory_space<vmem>> -> memref<1x128xi32, #tpu.memory_space<vmem>>
        %dma_wait3A_900 = tpu.memref_squeeze %dma_wait3A_899 : memref<1x128xi32, #tpu.memory_space<vmem>> -> memref<128xi32, #tpu.memory_space<vmem>>
        %dma_wait3A_901 = arith.constant 0 : i32
        %dma_wait3A_902 = tpu.memref_slice %arg18[%dma_wait3A_901] : memref<102400xf32, #tpu.memory_space<vmem_shared>> -> memref<102400xf32, #tpu.memory_space<vmem_shared>>
        tpu.wait_indirect_dma semaphore(%arg22 : memref<!tpu.dma_semaphore, #tpu.memory_space<semaphore_mem>>) src(%dma_wait3A_897 : memref<128xf32, #tpu.memory_space<vmem>>) dst(%dma_wait3A_902 : memref<102400xf32, #tpu.memory_space<vmem_shared>>)
        %dma_wait3A_903 = arith.constant 5 : i32
        %dma_wait3A_904 = arith.constant 5 : i32
        %dma_wait3A_905 = arith.constant 0 : i32
        %dma_wait3A_906 = tpu.memref_slice %arg16[%dma_wait3A_903, %dma_wait3A_905] : memref<16x128xf32, #tpu.memory_space<vmem>> -> memref<1x128xf32, #tpu.memory_space<vmem>>
        %dma_wait3A_907 = tpu.memref_squeeze %dma_wait3A_906 : memref<1x128xf32, #tpu.memory_space<vmem>> -> memref<128xf32, #tpu.memory_space<vmem>>
        %dma_wait3A_908 = arith.constant 0 : i32
        %dma_wait3A_909 = tpu.memref_slice %arg13[%dma_wait3A_904, %dma_wait3A_908] : memref<16x128xi32, #tpu.memory_space<vmem>> -> memref<1x128xi32, #tpu.memory_space<vmem>>
        %dma_wait3A_910 = tpu.memref_squeeze %dma_wait3A_909 : memref<1x128xi32, #tpu.memory_space<vmem>> -> memref<128xi32, #tpu.memory_space<vmem>>
        %dma_wait3A_911 = arith.constant 0 : i32
        %dma_wait3A_912 = tpu.memref_slice %arg18[%dma_wait3A_911] : memref<102400xf32, #tpu.memory_space<vmem_shared>> -> memref<102400xf32, #tpu.memory_space<vmem_shared>>
        tpu.wait_indirect_dma semaphore(%arg22 : memref<!tpu.dma_semaphore, #tpu.memory_space<semaphore_mem>>) src(%dma_wait3A_907 : memref<128xf32, #tpu.memory_space<vmem>>) dst(%dma_wait3A_912 : memref<102400xf32, #tpu.memory_space<vmem_shared>>)
        %dma_wait3A_913 = arith.constant 6 : i32
        %dma_wait3A_914 = arith.constant 6 : i32
        %dma_wait3A_915 = arith.constant 0 : i32
        %dma_wait3A_916 = tpu.memref_slice %arg16[%dma_wait3A_913, %dma_wait3A_915] : memref<16x128xf32, #tpu.memory_space<vmem>> -> memref<1x128xf32, #tpu.memory_space<vmem>>
        %dma_wait3A_917 = tpu.memref_squeeze %dma_wait3A_916 : memref<1x128xf32, #tpu.memory_space<vmem>> -> memref<128xf32, #tpu.memory_space<vmem>>
        %dma_wait3A_918 = arith.constant 0 : i32
        %dma_wait3A_919 = tpu.memref_slice %arg13[%dma_wait3A_914, %dma_wait3A_918] : memref<16x128xi32, #tpu.memory_space<vmem>> -> memref<1x128xi32, #tpu.memory_space<vmem>>
        %dma_wait3A_920 = tpu.memref_squeeze %dma_wait3A_919 : memref<1x128xi32, #tpu.memory_space<vmem>> -> memref<128xi32, #tpu.memory_space<vmem>>
        %dma_wait3A_921 = arith.constant 0 : i32
        %dma_wait3A_922 = tpu.memref_slice %arg18[%dma_wait3A_921] : memref<102400xf32, #tpu.memory_space<vmem_shared>> -> memref<102400xf32, #tpu.memory_space<vmem_shared>>
        tpu.wait_indirect_dma semaphore(%arg22 : memref<!tpu.dma_semaphore, #tpu.memory_space<semaphore_mem>>) src(%dma_wait3A_917 : memref<128xf32, #tpu.memory_space<vmem>>) dst(%dma_wait3A_922 : memref<102400xf32, #tpu.memory_space<vmem_shared>>)
        %dma_wait3A_923 = arith.constant 7 : i32
        %dma_wait3A_924 = arith.constant 7 : i32
        %dma_wait3A_925 = arith.constant 0 : i32
        %dma_wait3A_926 = tpu.memref_slice %arg16[%dma_wait3A_923, %dma_wait3A_925] : memref<16x128xf32, #tpu.memory_space<vmem>> -> memref<1x128xf32, #tpu.memory_space<vmem>>
        %dma_wait3A_927 = tpu.memref_squeeze %dma_wait3A_926 : memref<1x128xf32, #tpu.memory_space<vmem>> -> memref<128xf32, #tpu.memory_space<vmem>>
        %dma_wait3A_928 = arith.constant 0 : i32
        %dma_wait3A_929 = tpu.memref_slice %arg13[%dma_wait3A_924, %dma_wait3A_928] : memref<16x128xi32, #tpu.memory_space<vmem>> -> memref<1x128xi32, #tpu.memory_space<vmem>>
        %dma_wait3A_930 = tpu.memref_squeeze %dma_wait3A_929 : memref<1x128xi32, #tpu.memory_space<vmem>> -> memref<128xi32, #tpu.memory_space<vmem>>
        %dma_wait3A_931 = arith.constant 0 : i32
        %dma_wait3A_932 = tpu.memref_slice %arg18[%dma_wait3A_931] : memref<102400xf32, #tpu.memory_space<vmem_shared>> -> memref<102400xf32, #tpu.memory_space<vmem_shared>>
        tpu.wait_indirect_dma semaphore(%arg22 : memref<!tpu.dma_semaphore, #tpu.memory_space<semaphore_mem>>) src(%dma_wait3A_927 : memref<128xf32, #tpu.memory_space<vmem>>) dst(%dma_wait3A_932 : memref<102400xf32, #tpu.memory_space<vmem_shared>>)
        %dma_wait3A_933 = arith.constant 8 : i32
        %dma_wait3A_934 = arith.constant 8 : i32
        %dma_wait3A_935 = arith.constant 0 : i32
        %dma_wait3A_936 = tpu.memref_slice %arg16[%dma_wait3A_933, %dma_wait3A_935] : memref<16x128xf32, #tpu.memory_space<vmem>> -> memref<1x128xf32, #tpu.memory_space<vmem>>
        %dma_wait3A_937 = tpu.memref_squeeze %dma_wait3A_936 : memref<1x128xf32, #tpu.memory_space<vmem>> -> memref<128xf32, #tpu.memory_space<vmem>>
        %dma_wait3A_938 = arith.constant 0 : i32
        %dma_wait3A_939 = tpu.memref_slice %arg13[%dma_wait3A_934, %dma_wait3A_938] : memref<16x128xi32, #tpu.memory_space<vmem>> -> memref<1x128xi32, #tpu.memory_space<vmem>>
        %dma_wait3A_940 = tpu.memref_squeeze %dma_wait3A_939 : memref<1x128xi32, #tpu.memory_space<vmem>> -> memref<128xi32, #tpu.memory_space<vmem>>
        %dma_wait3A_941 = arith.constant 0 : i32
        %dma_wait3A_942 = tpu.memref_slice %arg18[%dma_wait3A_941] : memref<102400xf32, #tpu.memory_space<vmem_shared>> -> memref<102400xf32, #tpu.memory_space<vmem_shared>>
        tpu.wait_indirect_dma semaphore(%arg22 : memref<!tpu.dma_semaphore, #tpu.memory_space<semaphore_mem>>) src(%dma_wait3A_937 : memref<128xf32, #tpu.memory_space<vmem>>) dst(%dma_wait3A_942 : memref<102400xf32, #tpu.memory_space<vmem_shared>>)
        %dma_wait3A_943 = arith.constant 9 : i32
        %dma_wait3A_944 = arith.constant 9 : i32
        %dma_wait3A_945 = arith.constant 0 : i32
        %dma_wait3A_946 = tpu.memref_slice %arg16[%dma_wait3A_943, %dma_wait3A_945] : memref<16x128xf32, #tpu.memory_space<vmem>> -> memref<1x128xf32, #tpu.memory_space<vmem>>
        %dma_wait3A_947 = tpu.memref_squeeze %dma_wait3A_946 : memref<1x128xf32, #tpu.memory_space<vmem>> -> memref<128xf32, #tpu.memory_space<vmem>>
        %dma_wait3A_948 = arith.constant 0 : i32
        %dma_wait3A_949 = tpu.memref_slice %arg13[%dma_wait3A_944, %dma_wait3A_948] : memref<16x128xi32, #tpu.memory_space<vmem>> -> memref<1x128xi32, #tpu.memory_space<vmem>>
        %dma_wait3A_950 = tpu.memref_squeeze %dma_wait3A_949 : memref<1x128xi32, #tpu.memory_space<vmem>> -> memref<128xi32, #tpu.memory_space<vmem>>
        %dma_wait3A_951 = arith.constant 0 : i32
        %dma_wait3A_952 = tpu.memref_slice %arg18[%dma_wait3A_951] : memref<102400xf32, #tpu.memory_space<vmem_shared>> -> memref<102400xf32, #tpu.memory_space<vmem_shared>>
        tpu.wait_indirect_dma semaphore(%arg22 : memref<!tpu.dma_semaphore, #tpu.memory_space<semaphore_mem>>) src(%dma_wait3A_947 : memref<128xf32, #tpu.memory_space<vmem>>) dst(%dma_wait3A_952 : memref<102400xf32, #tpu.memory_space<vmem_shared>>)
        %dma_wait3A_953 = arith.constant 10 : i32
        %dma_wait3A_954 = arith.constant 10 : i32
        %dma_wait3A_955 = arith.constant 0 : i32
        %dma_wait3A_956 = tpu.memref_slice %arg16[%dma_wait3A_953, %dma_wait3A_955] : memref<16x128xf32, #tpu.memory_space<vmem>> -> memref<1x128xf32, #tpu.memory_space<vmem>>
        %dma_wait3A_957 = tpu.memref_squeeze %dma_wait3A_956 : memref<1x128xf32, #tpu.memory_space<vmem>> -> memref<128xf32, #tpu.memory_space<vmem>>
        %dma_wait3A_958 = arith.constant 0 : i32
        %dma_wait3A_959 = tpu.memref_slice %arg13[%dma_wait3A_954, %dma_wait3A_958] : memref<16x128xi32, #tpu.memory_space<vmem>> -> memref<1x128xi32, #tpu.memory_space<vmem>>
        %dma_wait3A_960 = tpu.memref_squeeze %dma_wait3A_959 : memref<1x128xi32, #tpu.memory_space<vmem>> -> memref<128xi32, #tpu.memory_space<vmem>>
        %dma_wait3A_961 = arith.constant 0 : i32
        %dma_wait3A_962 = tpu.memref_slice %arg18[%dma_wait3A_961] : memref<102400xf32, #tpu.memory_space<vmem_shared>> -> memref<102400xf32, #tpu.memory_space<vmem_shared>>
        tpu.wait_indirect_dma semaphore(%arg22 : memref<!tpu.dma_semaphore, #tpu.memory_space<semaphore_mem>>) src(%dma_wait3A_957 : memref<128xf32, #tpu.memory_space<vmem>>) dst(%dma_wait3A_962 : memref<102400xf32, #tpu.memory_space<vmem_shared>>)
        %dma_wait3A_963 = arith.constant 11 : i32
        %dma_wait3A_964 = arith.constant 11 : i32
        %dma_wait3A_965 = arith.constant 0 : i32
        %dma_wait3A_966 = tpu.memref_slice %arg16[%dma_wait3A_963, %dma_wait3A_965] : memref<16x128xf32, #tpu.memory_space<vmem>> -> memref<1x128xf32, #tpu.memory_space<vmem>>
        %dma_wait3A_967 = tpu.memref_squeeze %dma_wait3A_966 : memref<1x128xf32, #tpu.memory_space<vmem>> -> memref<128xf32, #tpu.memory_space<vmem>>
        %dma_wait3A_968 = arith.constant 0 : i32
        %dma_wait3A_969 = tpu.memref_slice %arg13[%dma_wait3A_964, %dma_wait3A_968] : memref<16x128xi32, #tpu.memory_space<vmem>> -> memref<1x128xi32, #tpu.memory_space<vmem>>
        %dma_wait3A_970 = tpu.memref_squeeze %dma_wait3A_969 : memref<1x128xi32, #tpu.memory_space<vmem>> -> memref<128xi32, #tpu.memory_space<vmem>>
        %dma_wait3A_971 = arith.constant 0 : i32
        %dma_wait3A_972 = tpu.memref_slice %arg18[%dma_wait3A_971] : memref<102400xf32, #tpu.memory_space<vmem_shared>> -> memref<102400xf32, #tpu.memory_space<vmem_shared>>
        tpu.wait_indirect_dma semaphore(%arg22 : memref<!tpu.dma_semaphore, #tpu.memory_space<semaphore_mem>>) src(%dma_wait3A_967 : memref<128xf32, #tpu.memory_space<vmem>>) dst(%dma_wait3A_972 : memref<102400xf32, #tpu.memory_space<vmem_shared>>)
        %dma_wait3A_973 = arith.constant 12 : i32
        %dma_wait3A_974 = arith.constant 12 : i32
        %dma_wait3A_975 = arith.constant 0 : i32
        %dma_wait3A_976 = tpu.memref_slice %arg16[%dma_wait3A_973, %dma_wait3A_975] : memref<16x128xf32, #tpu.memory_space<vmem>> -> memref<1x128xf32, #tpu.memory_space<vmem>>
        %dma_wait3A_977 = tpu.memref_squeeze %dma_wait3A_976 : memref<1x128xf32, #tpu.memory_space<vmem>> -> memref<128xf32, #tpu.memory_space<vmem>>
        %dma_wait3A_978 = arith.constant 0 : i32
        %dma_wait3A_979 = tpu.memref_slice %arg13[%dma_wait3A_974, %dma_wait3A_978] : memref<16x128xi32, #tpu.memory_space<vmem>> -> memref<1x128xi32, #tpu.memory_space<vmem>>
        %dma_wait3A_980 = tpu.memref_squeeze %dma_wait3A_979 : memref<1x128xi32, #tpu.memory_space<vmem>> -> memref<128xi32, #tpu.memory_space<vmem>>
        %dma_wait3A_981 = arith.constant 0 : i32
        %dma_wait3A_982 = tpu.memref_slice %arg18[%dma_wait3A_981] : memref<102400xf32, #tpu.memory_space<vmem_shared>> -> memref<102400xf32, #tpu.memory_space<vmem_shared>>
        tpu.wait_indirect_dma semaphore(%arg22 : memref<!tpu.dma_semaphore, #tpu.memory_space<semaphore_mem>>) src(%dma_wait3A_977 : memref<128xf32, #tpu.memory_space<vmem>>) dst(%dma_wait3A_982 : memref<102400xf32, #tpu.memory_space<vmem_shared>>)
        %dma_wait3A_983 = arith.constant 13 : i32
        %dma_wait3A_984 = arith.constant 13 : i32
        %dma_wait3A_985 = arith.constant 0 : i32
        %dma_wait3A_986 = tpu.memref_slice %arg16[%dma_wait3A_983, %dma_wait3A_985] : memref<16x128xf32, #tpu.memory_space<vmem>> -> memref<1x128xf32, #tpu.memory_space<vmem>>
        %dma_wait3A_987 = tpu.memref_squeeze %dma_wait3A_986 : memref<1x128xf32, #tpu.memory_space<vmem>> -> memref<128xf32, #tpu.memory_space<vmem>>
        %dma_wait3A_988 = arith.constant 0 : i32
        %dma_wait3A_989 = tpu.memref_slice %arg13[%dma_wait3A_984, %dma_wait3A_988] : memref<16x128xi32, #tpu.memory_space<vmem>> -> memref<1x128xi32, #tpu.memory_space<vmem>>
        %dma_wait3A_990 = tpu.memref_squeeze %dma_wait3A_989 : memref<1x128xi32, #tpu.memory_space<vmem>> -> memref<128xi32, #tpu.memory_space<vmem>>
        %dma_wait3A_991 = arith.constant 0 : i32
        %dma_wait3A_992 = tpu.memref_slice %arg18[%dma_wait3A_991] : memref<102400xf32, #tpu.memory_space<vmem_shared>> -> memref<102400xf32, #tpu.memory_space<vmem_shared>>
        tpu.wait_indirect_dma semaphore(%arg22 : memref<!tpu.dma_semaphore, #tpu.memory_space<semaphore_mem>>) src(%dma_wait3A_987 : memref<128xf32, #tpu.memory_space<vmem>>) dst(%dma_wait3A_992 : memref<102400xf32, #tpu.memory_space<vmem_shared>>)
        %dma_wait3A_993 = arith.constant 14 : i32
        %dma_wait3A_994 = arith.constant 14 : i32
        %dma_wait3A_995 = arith.constant 0 : i32
        %dma_wait3A_996 = tpu.memref_slice %arg16[%dma_wait3A_993, %dma_wait3A_995] : memref<16x128xf32, #tpu.memory_space<vmem>> -> memref<1x128xf32, #tpu.memory_space<vmem>>
        %dma_wait3A_997 = tpu.memref_squeeze %dma_wait3A_996 : memref<1x128xf32, #tpu.memory_space<vmem>> -> memref<128xf32, #tpu.memory_space<vmem>>
        %dma_wait3A_998 = arith.constant 0 : i32
        %dma_wait3A_999 = tpu.memref_slice %arg13[%dma_wait3A_994, %dma_wait3A_998] : memref<16x128xi32, #tpu.memory_space<vmem>> -> memref<1x128xi32, #tpu.memory_space<vmem>>
        %dma_wait3A_1000 = tpu.memref_squeeze %dma_wait3A_999 : memref<1x128xi32, #tpu.memory_space<vmem>> -> memref<128xi32, #tpu.memory_space<vmem>>
        %dma_wait3A_1001 = arith.constant 0 : i32
        %dma_wait3A_1002 = tpu.memref_slice %arg18[%dma_wait3A_1001] : memref<102400xf32, #tpu.memory_space<vmem_shared>> -> memref<102400xf32, #tpu.memory_space<vmem_shared>>
        tpu.wait_indirect_dma semaphore(%arg22 : memref<!tpu.dma_semaphore, #tpu.memory_space<semaphore_mem>>) src(%dma_wait3A_997 : memref<128xf32, #tpu.memory_space<vmem>>) dst(%dma_wait3A_1002 : memref<102400xf32, #tpu.memory_space<vmem_shared>>)
        %dma_wait3A_1003 = arith.constant 15 : i32
        %dma_wait3A_1004 = arith.constant 15 : i32
        %dma_wait3A_1005 = arith.constant 0 : i32
        %dma_wait3A_1006 = tpu.memref_slice %arg16[%dma_wait3A_1003, %dma_wait3A_1005] : memref<16x128xf32, #tpu.memory_space<vmem>> -> memref<1x128xf32, #tpu.memory_space<vmem>>
        %dma_wait3A_1007 = tpu.memref_squeeze %dma_wait3A_1006 : memref<1x128xf32, #tpu.memory_space<vmem>> -> memref<128xf32, #tpu.memory_space<vmem>>
        %dma_wait3A_1008 = arith.constant 0 : i32
        %dma_wait3A_1009 = tpu.memref_slice %arg13[%dma_wait3A_1004, %dma_wait3A_1008] : memref<16x128xi32, #tpu.memory_space<vmem>> -> memref<1x128xi32, #tpu.memory_space<vmem>>
        %dma_wait3A_1010 = tpu.memref_squeeze %dma_wait3A_1009 : memref<1x128xi32, #tpu.memory_space<vmem>> -> memref<128xi32, #tpu.memory_space<vmem>>
        %dma_wait3A_1011 = arith.constant 0 : i32
        %dma_wait3A_1012 = tpu.memref_slice %arg18[%dma_wait3A_1011] : memref<102400xf32, #tpu.memory_space<vmem_shared>> -> memref<102400xf32, #tpu.memory_space<vmem_shared>>
        tpu.wait_indirect_dma semaphore(%arg22 : memref<!tpu.dma_semaphore, #tpu.memory_space<semaphore_mem>>) src(%dma_wait3A_1007 : memref<128xf32, #tpu.memory_space<vmem>>) dst(%dma_wait3A_1012 : memref<102400xf32, #tpu.memory_space<vmem_shared>>)
      } else {
      }
      %add3A_460 = arith.constant 1 : i32
      %add3A_461 = arith.addi %add3A_259, %add3A_460 : i32
      %dma_start3A_462 = arith.constant 0 : i32
      %dma_start3A_463 = arith.constant 0 : i32
      %dma_start3A_464 = arith.constant 0 : i32
      %dma_start3A_465 = tpu.memref_slice %arg3[%dma_start3A_462, %add3A_461, %dma_start3A_463, %dma_start3A_464] : memref<2x3125x16x128xi32, #tpu.memory_space<hbm>> -> memref<1x1x16x128xi32, #tpu.memory_space<hbm>>
      %dma_start3A_466 = tpu.memref_squeeze %dma_start3A_465 : memref<1x1x16x128xi32, #tpu.memory_space<hbm>> -> memref<16x128xi32, #tpu.memory_space<hbm>>
      %dma_start3A_467 = arith.constant 0 : i32
      %dma_start3A_468 = arith.constant 0 : i32
      %dma_start3A_469 = tpu.memref_slice %arg3[%dma_start3A_462, %add3A_461, %dma_start3A_467, %dma_start3A_468] : memref<2x3125x16x128xi32, #tpu.memory_space<hbm>> -> memref<1x1x16x128xi32, #tpu.memory_space<hbm>>
      %dma_start3A_470 = tpu.memref_squeeze %dma_start3A_469 : memref<1x1x16x128xi32, #tpu.memory_space<hbm>> -> memref<16x128xi32, #tpu.memory_space<hbm>>
      tpu.enqueue_dma source(%dma_start3A_470 : memref<16x128xi32, #tpu.memory_space<hbm>>) target(%arg13 : memref<16x128xi32, #tpu.memory_space<vmem>>) target_semaphore(%arg20 : memref<!tpu.dma_semaphore, #tpu.memory_space<semaphore_mem>>)
      %dma_start3A_471 = arith.constant 1 : i32
      %dma_start3A_472 = arith.constant 0 : i32
      %dma_start3A_473 = arith.constant 0 : i32
      %dma_start3A_474 = tpu.memref_slice %arg3[%dma_start3A_471, %add3A_461, %dma_start3A_472, %dma_start3A_473] : memref<2x3125x16x128xi32, #tpu.memory_space<hbm>> -> memref<1x1x16x128xi32, #tpu.memory_space<hbm>>
      %dma_start3A_475 = tpu.memref_squeeze %dma_start3A_474 : memref<1x1x16x128xi32, #tpu.memory_space<hbm>> -> memref<16x128xi32, #tpu.memory_space<hbm>>
      %dma_start3A_476 = arith.constant 0 : i32
      %dma_start3A_477 = arith.constant 0 : i32
      %dma_start3A_478 = tpu.memref_slice %arg3[%dma_start3A_471, %add3A_461, %dma_start3A_476, %dma_start3A_477] : memref<2x3125x16x128xi32, #tpu.memory_space<hbm>> -> memref<1x1x16x128xi32, #tpu.memory_space<hbm>>
      %dma_start3A_479 = tpu.memref_squeeze %dma_start3A_478 : memref<1x1x16x128xi32, #tpu.memory_space<hbm>> -> memref<16x128xi32, #tpu.memory_space<hbm>>
      tpu.enqueue_dma source(%dma_start3A_479 : memref<16x128xi32, #tpu.memory_space<hbm>>) target(%arg14 : memref<16x128xi32, #tpu.memory_space<vmem>>) target_semaphore(%arg20 : memref<!tpu.dma_semaphore, #tpu.memory_space<semaphore_mem>>)
      %dma_start3A_480 = arith.constant 0 : i32
      %dma_start3A_481 = arith.constant 0 : i32
      %dma_start3A_482 = tpu.memref_slice %arg2[%add3A_461, %dma_start3A_480, %dma_start3A_481] : memref<3125x16x128xf32, #tpu.memory_space<hbm>> -> memref<1x16x128xf32, #tpu.memory_space<hbm>>
      %dma_start3A_483 = tpu.memref_squeeze %dma_start3A_482 : memref<1x16x128xf32, #tpu.memory_space<hbm>> -> memref<16x128xf32, #tpu.memory_space<hbm>>
      %dma_start3A_484 = arith.constant 0 : i32
      %dma_start3A_485 = arith.constant 0 : i32
      %dma_start3A_486 = tpu.memref_slice %arg2[%add3A_461, %dma_start3A_484, %dma_start3A_485] : memref<3125x16x128xf32, #tpu.memory_space<hbm>> -> memref<1x16x128xf32, #tpu.memory_space<hbm>>
      %dma_start3A_487 = tpu.memref_squeeze %dma_start3A_486 : memref<1x16x128xf32, #tpu.memory_space<hbm>> -> memref<16x128xf32, #tpu.memory_space<hbm>>
      tpu.enqueue_dma source(%dma_start3A_487 : memref<16x128xf32, #tpu.memory_space<hbm>>) target(%arg15 : memref<16x128xf32, #tpu.memory_space<vmem>>) target_semaphore(%arg20 : memref<!tpu.dma_semaphore, #tpu.memory_space<semaphore_mem>>)
      %dma_wait3A_488 = arith.constant 0 : i32
      %dma_wait3A_489 = arith.constant 0 : i32
      %dma_wait3A_490 = arith.constant 0 : i32
      %dma_wait3A_491 = arith.constant 0 : i32
      %dma_wait3A_492 = tpu.memref_slice %arg3[%dma_wait3A_488, %dma_wait3A_489, %dma_wait3A_490, %dma_wait3A_491] : memref<2x3125x16x128xi32, #tpu.memory_space<hbm>> -> memref<1x1x16x128xi32, #tpu.memory_space<hbm>>
      %dma_wait3A_493 = tpu.memref_squeeze %dma_wait3A_492 : memref<1x1x16x128xi32, #tpu.memory_space<hbm>> -> memref<16x128xi32, #tpu.memory_space<hbm>>
      %dma_wait3A_494 = arith.constant 0 : i32
      %dma_wait3A_495 = arith.constant 0 : i32
      %dma_wait3A_496 = tpu.memref_slice %arg3[%dma_wait3A_488, %dma_wait3A_489, %dma_wait3A_494, %dma_wait3A_495] : memref<2x3125x16x128xi32, #tpu.memory_space<hbm>> -> memref<1x1x16x128xi32, #tpu.memory_space<hbm>>
      %dma_wait3A_497 = tpu.memref_squeeze %dma_wait3A_496 : memref<1x1x16x128xi32, #tpu.memory_space<hbm>> -> memref<16x128xi32, #tpu.memory_space<hbm>>
      tpu.wait_dma2 semaphore(%arg20 : memref<!tpu.dma_semaphore, #tpu.memory_space<semaphore_mem>>) src(%dma_wait3A_497 : memref<16x128xi32, #tpu.memory_space<hbm>>) dst(%arg13 : memref<16x128xi32, #tpu.memory_space<vmem>>)
      %dma_wait3A_498 = arith.constant 1 : i32
      %dma_wait3A_499 = arith.constant 0 : i32
      %dma_wait3A_500 = arith.constant 0 : i32
      %dma_wait3A_501 = arith.constant 0 : i32
      %dma_wait3A_502 = tpu.memref_slice %arg3[%dma_wait3A_498, %dma_wait3A_499, %dma_wait3A_500, %dma_wait3A_501] : memref<2x3125x16x128xi32, #tpu.memory_space<hbm>> -> memref<1x1x16x128xi32, #tpu.memory_space<hbm>>
      %dma_wait3A_503 = tpu.memref_squeeze %dma_wait3A_502 : memref<1x1x16x128xi32, #tpu.memory_space<hbm>> -> memref<16x128xi32, #tpu.memory_space<hbm>>
      %dma_wait3A_504 = arith.constant 0 : i32
      %dma_wait3A_505 = arith.constant 0 : i32
      %dma_wait3A_506 = tpu.memref_slice %arg3[%dma_wait3A_498, %dma_wait3A_499, %dma_wait3A_504, %dma_wait3A_505] : memref<2x3125x16x128xi32, #tpu.memory_space<hbm>> -> memref<1x1x16x128xi32, #tpu.memory_space<hbm>>
      %dma_wait3A_507 = tpu.memref_squeeze %dma_wait3A_506 : memref<1x1x16x128xi32, #tpu.memory_space<hbm>> -> memref<16x128xi32, #tpu.memory_space<hbm>>
      tpu.wait_dma2 semaphore(%arg20 : memref<!tpu.dma_semaphore, #tpu.memory_space<semaphore_mem>>) src(%dma_wait3A_507 : memref<16x128xi32, #tpu.memory_space<hbm>>) dst(%arg14 : memref<16x128xi32, #tpu.memory_space<vmem>>)
      %dma_wait3A_508 = arith.constant 0 : i32
      %dma_wait3A_509 = arith.constant 0 : i32
      %dma_wait3A_510 = arith.constant 0 : i32
      %dma_wait3A_511 = tpu.memref_slice %arg2[%dma_wait3A_508, %dma_wait3A_509, %dma_wait3A_510] : memref<3125x16x128xf32, #tpu.memory_space<hbm>> -> memref<1x16x128xf32, #tpu.memory_space<hbm>>
      %dma_wait3A_512 = tpu.memref_squeeze %dma_wait3A_511 : memref<1x16x128xf32, #tpu.memory_space<hbm>> -> memref<16x128xf32, #tpu.memory_space<hbm>>
      %dma_wait3A_513 = arith.constant 0 : i32
      %dma_wait3A_514 = arith.constant 0 : i32
      %dma_wait3A_515 = tpu.memref_slice %arg2[%dma_wait3A_508, %dma_wait3A_513, %dma_wait3A_514] : memref<3125x16x128xf32, #tpu.memory_space<hbm>> -> memref<1x16x128xf32, #tpu.memory_space<hbm>>
      %dma_wait3A_516 = tpu.memref_squeeze %dma_wait3A_515 : memref<1x16x128xf32, #tpu.memory_space<hbm>> -> memref<16x128xf32, #tpu.memory_space<hbm>>
      tpu.wait_dma2 semaphore(%arg20 : memref<!tpu.dma_semaphore, #tpu.memory_space<semaphore_mem>>) src(%dma_wait3A_516 : memref<16x128xf32, #tpu.memory_space<hbm>>) dst(%arg15 : memref<16x128xf32, #tpu.memory_space<vmem>>)
      %scan3A_517 = arith.constant 0 : i32
      %scan3A_518 = arith.constant 0 : i32
      %scan3A_519 = arith.constant 16 : i32
      %scan3A_520 = arith.addi %scan3A_518, %scan3A_519 : i32
      %scan3A_521 = arith.constant 1 : i32
      %scan3A_522 = scf.for %scan3A_853 = %scan3A_518 to %scan3A_520 step %scan3A_521 iter_args(%scan3A_854 = %scan3A_517) -> (i32)  : i32 {
        %get3A_855 = arith.index_cast %scan3A_853 : i32 to index
        %get3A_856 = arith.constant 0 : index
        %get3A_857 = tpu.vector_load %arg13[%get3A_855, %get3A_856] {strides = array<i32>} : memref<16x128xi32, #tpu.memory_space<vmem>>, vector<16xi32>,
        %get3A_858 = arith.index_cast %scan3A_853 : i32 to index
        %get3A_859 = arith.constant 0 : index
        %get3A_860 = tpu.vector_load %arg14[%get3A_858, %get3A_859] {strides = array<i32>} : memref<16x128xi32, #tpu.memory_space<vmem>>, vector<16xi32>,
        %gather3A = tpu.vector_load_idx %arg7[%get3A_857] : memref<100000xi32, #tpu.memory_space<vmem>>[vector<16xi32>], vector<16xi32>,
        %gather3A_861 = tpu.vector_load_idx %arg7[%get3A_860] : memref<100000xi32, #tpu.memory_space<vmem>>[vector<16xi32>], vector<16xi32>,
        %mul3A_862 = arith.constant 4 : i32
        %mul3A_863 = vector.broadcast %mul3A_862 : i32 to vector<16xi32>
        %mul3A_864 = arith.muli %gather3A, %mul3A_863 : vector<16xi32>
        %add3A_865 = arith.addi %mul3A_864, %gather3A_861 : vector<16xi32>
        %gather3A_866 = tpu.vector_load_idx %arg8[%add3A_865] : memref<16xf32, #tpu.memory_space<vmem>>[vector<16xi32>], vector<16xf32>,
        %get3A_867 = arith.index_cast %scan3A_853 : i32 to index
        %get3A_868 = arith.constant 0 : index
        %get3A_869 = tpu.vector_load %arg15[%get3A_867, %get3A_868] {strides = array<i32>} : memref<16x128xf32, #tpu.memory_space<vmem>>, vector<16xf32>,
        %mul3A_870 = arith.mulf %get3A_869, %gather3A_866 : vector<16xf32>
        %swap3A_871 = arith.index_cast %scan3A_853 : i32 to index
        %swap3A_872 = arith.constant 0 : index
        %swap3A_873 = tpu.vector_load %arg16[%swap3A_871, %swap3A_872] {strides = array<i32>} : memref<16x128xf32, #tpu.memory_space<vmem>>, vector<16xf32>,
        tpu.vector_store %arg16[%swap3A_871, %swap3A_872], %mul3A_870 {strides = array<i32>} : memref<16x128xf32, #tpu.memory_space<vmem>>, vector<16xf32>,
        %get3A_874 = arith.index_cast %scan3A_853 : i32 to index
        %get3A_875 = arith.constant 16 : index
        %get3A_876 = tpu.vector_load %arg13[%get3A_874, %get3A_875] {strides = array<i32>} : memref<16x128xi32, #tpu.memory_space<vmem>>, vector<16xi32>,
        %get3A_877 = arith.index_cast %scan3A_853 : i32 to index
        %get3A_878 = arith.constant 16 : index
        %get3A_879 = tpu.vector_load %arg14[%get3A_877, %get3A_878] {strides = array<i32>} : memref<16x128xi32, #tpu.memory_space<vmem>>, vector<16xi32>,
        %gather3A_880 = tpu.vector_load_idx %arg7[%get3A_876] : memref<100000xi32, #tpu.memory_space<vmem>>[vector<16xi32>], vector<16xi32>,
        %gather3A_881 = tpu.vector_load_idx %arg7[%get3A_879] : memref<100000xi32, #tpu.memory_space<vmem>>[vector<16xi32>], vector<16xi32>,
        %mul3A_882 = arith.constant 4 : i32
        %mul3A_883 = vector.broadcast %mul3A_882 : i32 to vector<16xi32>
        %mul3A_884 = arith.muli %gather3A_880, %mul3A_883 : vector<16xi32>
        %add3A_885 = arith.addi %mul3A_884, %gather3A_881 : vector<16xi32>
        %gather3A_886 = tpu.vector_load_idx %arg8[%add3A_885] : memref<16xf32, #tpu.memory_space<vmem>>[vector<16xi32>], vector<16xf32>,
        %get3A_887 = arith.index_cast %scan3A_853 : i32 to index
        %get3A_888 = arith.constant 16 : index
        %get3A_889 = tpu.vector_load %arg15[%get3A_887, %get3A_888] {strides = array<i32>} : memref<16x128xf32, #tpu.memory_space<vmem>>, vector<16xf32>,
        %mul3A_890 = arith.mulf %get3A_889, %gather3A_886 : vector<16xf32>
        %swap3A_891 = arith.index_cast %scan3A_853 : i32 to index
        %swap3A_892 = arith.constant 16 : index
        %swap3A_893 = tpu.vector_load %arg16[%swap3A_891, %swap3A_892] {strides = array<i32>} : memref<16x128xf32, #tpu.memory_space<vmem>>, vector<16xf32>,
        tpu.vector_store %arg16[%swap3A_891, %swap3A_892], %mul3A_890 {strides = array<i32>} : memref<16x128xf32, #tpu.memory_space<vmem>>, vector<16xf32>,
        %get3A_894 = arith.index_cast %scan3A_853 : i32 to index
        %get3A_895 = arith.constant 32 : index
        %get3A_896 = tpu.vector_load %arg13[%get3A_894, %get3A_895] {strides = array<i32>} : memref<16x128xi32, #tpu.memory_space<vmem>>, vector<16xi32>,
        %get3A_897 = arith.index_cast %scan3A_853 : i32 to index
        %get3A_898 = arith.constant 32 : index
        %get3A_899 = tpu.vector_load %arg14[%get3A_897, %get3A_898] {strides = array<i32>} : memref<16x128xi32, #tpu.memory_space<vmem>>, vector<16xi32>,
        %gather3A_900 = tpu.vector_load_idx %arg7[%get3A_896] : memref<100000xi32, #tpu.memory_space<vmem>>[vector<16xi32>], vector<16xi32>,
        %gather3A_901 = tpu.vector_load_idx %arg7[%get3A_899] : memref<100000xi32, #tpu.memory_space<vmem>>[vector<16xi32>], vector<16xi32>,
        %mul3A_902 = arith.constant 4 : i32
        %mul3A_903 = vector.broadcast %mul3A_902 : i32 to vector<16xi32>
        %mul3A_904 = arith.muli %gather3A_900, %mul3A_903 : vector<16xi32>
        %add3A_905 = arith.addi %mul3A_904, %gather3A_901 : vector<16xi32>
        %gather3A_906 = tpu.vector_load_idx %arg8[%add3A_905] : memref<16xf32, #tpu.memory_space<vmem>>[vector<16xi32>], vector<16xf32>,
        %get3A_907 = arith.index_cast %scan3A_853 : i32 to index
        %get3A_908 = arith.constant 32 : index
        %get3A_909 = tpu.vector_load %arg15[%get3A_907, %get3A_908] {strides = array<i32>} : memref<16x128xf32, #tpu.memory_space<vmem>>, vector<16xf32>,
        %mul3A_910 = arith.mulf %get3A_909, %gather3A_906 : vector<16xf32>
        %swap3A_911 = arith.index_cast %scan3A_853 : i32 to index
        %swap3A_912 = arith.constant 32 : index
        %swap3A_913 = tpu.vector_load %arg16[%swap3A_911, %swap3A_912] {strides = array<i32>} : memref<16x128xf32, #tpu.memory_space<vmem>>, vector<16xf32>,
        tpu.vector_store %arg16[%swap3A_911, %swap3A_912], %mul3A_910 {strides = array<i32>} : memref<16x128xf32, #tpu.memory_space<vmem>>, vector<16xf32>,
        %get3A_914 = arith.index_cast %scan3A_853 : i32 to index
        %get3A_915 = arith.constant 48 : index
        %get3A_916 = tpu.vector_load %arg13[%get3A_914, %get3A_915] {strides = array<i32>} : memref<16x128xi32, #tpu.memory_space<vmem>>, vector<16xi32>,
        %get3A_917 = arith.index_cast %scan3A_853 : i32 to index
        %get3A_918 = arith.constant 48 : index
        %get3A_919 = tpu.vector_load %arg14[%get3A_917, %get3A_918] {strides = array<i32>} : memref<16x128xi32, #tpu.memory_space<vmem>>, vector<16xi32>,
        %gather3A_920 = tpu.vector_load_idx %arg7[%get3A_916] : memref<100000xi32, #tpu.memory_space<vmem>>[vector<16xi32>], vector<16xi32>,
        %gather3A_921 = tpu.vector_load_idx %arg7[%get3A_919] : memref<100000xi32, #tpu.memory_space<vmem>>[vector<16xi32>], vector<16xi32>,
        %mul3A_922 = arith.constant 4 : i32
        %mul3A_923 = vector.broadcast %mul3A_922 : i32 to vector<16xi32>
        %mul3A_924 = arith.muli %gather3A_920, %mul3A_923 : vector<16xi32>
        %add3A_925 = arith.addi %mul3A_924, %gather3A_921 : vector<16xi32>
        %gather3A_926 = tpu.vector_load_idx %arg8[%add3A_925] : memref<16xf32, #tpu.memory_space<vmem>>[vector<16xi32>], vector<16xf32>,
        %get3A_927 = arith.index_cast %scan3A_853 : i32 to index
        %get3A_928 = arith.constant 48 : index
        %get3A_929 = tpu.vector_load %arg15[%get3A_927, %get3A_928] {strides = array<i32>} : memref<16x128xf32, #tpu.memory_space<vmem>>, vector<16xf32>,
        %mul3A_930 = arith.mulf %get3A_929, %gather3A_926 : vector<16xf32>
        %swap3A_931 = arith.index_cast %scan3A_853 : i32 to index
        %swap3A_932 = arith.constant 48 : index
        %swap3A_933 = tpu.vector_load %arg16[%swap3A_931, %swap3A_932] {strides = array<i32>} : memref<16x128xf32, #tpu.memory_space<vmem>>, vector<16xf32>,
        tpu.vector_store %arg16[%swap3A_931, %swap3A_932], %mul3A_930 {strides = array<i32>} : memref<16x128xf32, #tpu.memory_space<vmem>>, vector<16xf32>,
        %get3A_934 = arith.index_cast %scan3A_853 : i32 to index
        %get3A_935 = arith.constant 64 : index
        %get3A_936 = tpu.vector_load %arg13[%get3A_934, %get3A_935] {strides = array<i32>} : memref<16x128xi32, #tpu.memory_space<vmem>>, vector<16xi32>,
        %get3A_937 = arith.index_cast %scan3A_853 : i32 to index
        %get3A_938 = arith.constant 64 : index
        %get3A_939 = tpu.vector_load %arg14[%get3A_937, %get3A_938] {strides = array<i32>} : memref<16x128xi32, #tpu.memory_space<vmem>>, vector<16xi32>,
        %gather3A_940 = tpu.vector_load_idx %arg7[%get3A_936] : memref<100000xi32, #tpu.memory_space<vmem>>[vector<16xi32>], vector<16xi32>,
        %gather3A_941 = tpu.vector_load_idx %arg7[%get3A_939] : memref<100000xi32, #tpu.memory_space<vmem>>[vector<16xi32>], vector<16xi32>,
        %mul3A_942 = arith.constant 4 : i32
        %mul3A_943 = vector.broadcast %mul3A_942 : i32 to vector<16xi32>
        %mul3A_944 = arith.muli %gather3A_940, %mul3A_943 : vector<16xi32>
        %add3A_945 = arith.addi %mul3A_944, %gather3A_941 : vector<16xi32>
        %gather3A_946 = tpu.vector_load_idx %arg8[%add3A_945] : memref<16xf32, #tpu.memory_space<vmem>>[vector<16xi32>], vector<16xf32>,
        %get3A_947 = arith.index_cast %scan3A_853 : i32 to index
        %get3A_948 = arith.constant 64 : index
        %get3A_949 = tpu.vector_load %arg15[%get3A_947, %get3A_948] {strides = array<i32>} : memref<16x128xf32, #tpu.memory_space<vmem>>, vector<16xf32>,
        %mul3A_950 = arith.mulf %get3A_949, %gather3A_946 : vector<16xf32>
        %swap3A_951 = arith.index_cast %scan3A_853 : i32 to index
        %swap3A_952 = arith.constant 64 : index
        %swap3A_953 = tpu.vector_load %arg16[%swap3A_951, %swap3A_952] {strides = array<i32>} : memref<16x128xf32, #tpu.memory_space<vmem>>, vector<16xf32>,
        tpu.vector_store %arg16[%swap3A_951, %swap3A_952], %mul3A_950 {strides = array<i32>} : memref<16x128xf32, #tpu.memory_space<vmem>>, vector<16xf32>,
        %get3A_954 = arith.index_cast %scan3A_853 : i32 to index
        %get3A_955 = arith.constant 80 : index
        %get3A_956 = tpu.vector_load %arg13[%get3A_954, %get3A_955] {strides = array<i32>} : memref<16x128xi32, #tpu.memory_space<vmem>>, vector<16xi32>,
        %get3A_957 = arith.index_cast %scan3A_853 : i32 to index
        %get3A_958 = arith.constant 80 : index
        %get3A_959 = tpu.vector_load %arg14[%get3A_957, %get3A_958] {strides = array<i32>} : memref<16x128xi32, #tpu.memory_space<vmem>>, vector<16xi32>,
        %gather3A_960 = tpu.vector_load_idx %arg7[%get3A_956] : memref<100000xi32, #tpu.memory_space<vmem>>[vector<16xi32>], vector<16xi32>,
        %gather3A_961 = tpu.vector_load_idx %arg7[%get3A_959] : memref<100000xi32, #tpu.memory_space<vmem>>[vector<16xi32>], vector<16xi32>,
        %mul3A_962 = arith.constant 4 : i32
        %mul3A_963 = vector.broadcast %mul3A_962 : i32 to vector<16xi32>
        %mul3A_964 = arith.muli %gather3A_960, %mul3A_963 : vector<16xi32>
        %add3A_965 = arith.addi %mul3A_964, %gather3A_961 : vector<16xi32>
        %gather3A_966 = tpu.vector_load_idx %arg8[%add3A_965] : memref<16xf32, #tpu.memory_space<vmem>>[vector<16xi32>], vector<16xf32>,
        %get3A_967 = arith.index_cast %scan3A_853 : i32 to index
        %get3A_968 = arith.constant 80 : index
        %get3A_969 = tpu.vector_load %arg15[%get3A_967, %get3A_968] {strides = array<i32>} : memref<16x128xf32, #tpu.memory_space<vmem>>, vector<16xf32>,
        %mul3A_970 = arith.mulf %get3A_969, %gather3A_966 : vector<16xf32>
        %swap3A_971 = arith.index_cast %scan3A_853 : i32 to index
        %swap3A_972 = arith.constant 80 : index
        %swap3A_973 = tpu.vector_load %arg16[%swap3A_971, %swap3A_972] {strides = array<i32>} : memref<16x128xf32, #tpu.memory_space<vmem>>, vector<16xf32>,
        tpu.vector_store %arg16[%swap3A_971, %swap3A_972], %mul3A_970 {strides = array<i32>} : memref<16x128xf32, #tpu.memory_space<vmem>>, vector<16xf32>,
        %get3A_974 = arith.index_cast %scan3A_853 : i32 to index
        %get3A_975 = arith.constant 96 : index
        %get3A_976 = tpu.vector_load %arg13[%get3A_974, %get3A_975] {strides = array<i32>} : memref<16x128xi32, #tpu.memory_space<vmem>>, vector<16xi32>,
        %get3A_977 = arith.index_cast %scan3A_853 : i32 to index
        %get3A_978 = arith.constant 96 : index
        %get3A_979 = tpu.vector_load %arg14[%get3A_977, %get3A_978] {strides = array<i32>} : memref<16x128xi32, #tpu.memory_space<vmem>>, vector<16xi32>,
        %gather3A_980 = tpu.vector_load_idx %arg7[%get3A_976] : memref<100000xi32, #tpu.memory_space<vmem>>[vector<16xi32>], vector<16xi32>,
        %gather3A_981 = tpu.vector_load_idx %arg7[%get3A_979] : memref<100000xi32, #tpu.memory_space<vmem>>[vector<16xi32>], vector<16xi32>,
        %mul3A_982 = arith.constant 4 : i32
        %mul3A_983 = vector.broadcast %mul3A_982 : i32 to vector<16xi32>
        %mul3A_984 = arith.muli %gather3A_980, %mul3A_983 : vector<16xi32>
        %add3A_985 = arith.addi %mul3A_984, %gather3A_981 : vector<16xi32>
        %gather3A_986 = tpu.vector_load_idx %arg8[%add3A_985] : memref<16xf32, #tpu.memory_space<vmem>>[vector<16xi32>], vector<16xf32>,
        %get3A_987 = arith.index_cast %scan3A_853 : i32 to index
        %get3A_988 = arith.constant 96 : index
        %get3A_989 = tpu.vector_load %arg15[%get3A_987, %get3A_988] {strides = array<i32>} : memref<16x128xf32, #tpu.memory_space<vmem>>, vector<16xf32>,
        %mul3A_990 = arith.mulf %get3A_989, %gather3A_986 : vector<16xf32>
        %swap3A_991 = arith.index_cast %scan3A_853 : i32 to index
        %swap3A_992 = arith.constant 96 : index
        %swap3A_993 = tpu.vector_load %arg16[%swap3A_991, %swap3A_992] {strides = array<i32>} : memref<16x128xf32, #tpu.memory_space<vmem>>, vector<16xf32>,
        tpu.vector_store %arg16[%swap3A_991, %swap3A_992], %mul3A_990 {strides = array<i32>} : memref<16x128xf32, #tpu.memory_space<vmem>>, vector<16xf32>,
        %get3A_994 = arith.index_cast %scan3A_853 : i32 to index
        %get3A_995 = arith.constant 112 : index
        %get3A_996 = tpu.vector_load %arg13[%get3A_994, %get3A_995] {strides = array<i32>} : memref<16x128xi32, #tpu.memory_space<vmem>>, vector<16xi32>,
        %get3A_997 = arith.index_cast %scan3A_853 : i32 to index
        %get3A_998 = arith.constant 112 : index
        %get3A_999 = tpu.vector_load %arg14[%get3A_997, %get3A_998] {strides = array<i32>} : memref<16x128xi32, #tpu.memory_space<vmem>>, vector<16xi32>,
        %gather3A_1000 = tpu.vector_load_idx %arg7[%get3A_996] : memref<100000xi32, #tpu.memory_space<vmem>>[vector<16xi32>], vector<16xi32>,
        %gather3A_1001 = tpu.vector_load_idx %arg7[%get3A_999] : memref<100000xi32, #tpu.memory_space<vmem>>[vector<16xi32>], vector<16xi32>,
        %mul3A_1002 = arith.constant 4 : i32
        %mul3A_1003 = vector.broadcast %mul3A_1002 : i32 to vector<16xi32>
        %mul3A_1004 = arith.muli %gather3A_1000, %mul3A_1003 : vector<16xi32>
        %add3A_1005 = arith.addi %mul3A_1004, %gather3A_1001 : vector<16xi32>
        %gather3A_1006 = tpu.vector_load_idx %arg8[%add3A_1005] : memref<16xf32, #tpu.memory_space<vmem>>[vector<16xi32>], vector<16xf32>,
        %get3A_1007 = arith.index_cast %scan3A_853 : i32 to index
        %get3A_1008 = arith.constant 112 : index
        %get3A_1009 = tpu.vector_load %arg15[%get3A_1007, %get3A_1008] {strides = array<i32>} : memref<16x128xf32, #tpu.memory_space<vmem>>, vector<16xf32>,
        %mul3A_1010 = arith.mulf %get3A_1009, %gather3A_1006 : vector<16xf32>
        %swap3A_1011 = arith.index_cast %scan3A_853 : i32 to index
        %swap3A_1012 = arith.constant 112 : index
        %swap3A_1013 = tpu.vector_load %arg16[%swap3A_1011, %swap3A_1012] {strides = array<i32>} : memref<16x128xf32, #tpu.memory_space<vmem>>, vector<16xf32>,
        tpu.vector_store %arg16[%swap3A_1011, %swap3A_1012], %mul3A_1010 {strides = array<i32>} : memref<16x128xf32, #tpu.memory_space<vmem>>, vector<16xf32>,
        %scan3A_1014 = arith.constant 0 : i32
        scf.yield %scan3A_1014 : i32
      }
      %scan3A_523 = arith.constant 16 : i32
      %dma_wait3A_524 = arith.constant 0 : i32
      %dma_wait3A_525 = arith.constant 0 : i32
      %dma_wait3A_526 = arith.constant 0 : i32
      %dma_wait3A_527 = tpu.memref_slice %arg12[%dma_wait3A_524, %dma_wait3A_526] : memref<16x128xf32, #tpu.memory_space<vmem>> -> memref<1x128xf32, #tpu.memory_space<vmem>>
      %dma_wait3A_528 = tpu.memref_squeeze %dma_wait3A_527 : memref<1x128xf32, #tpu.memory_space<vmem>> -> memref<128xf32, #tpu.memory_space<vmem>>
      %dma_wait3A_529 = arith.constant 0 : i32
      %dma_wait3A_530 = tpu.memref_slice %arg9[%dma_wait3A_525, %dma_wait3A_529] : memref<16x128xi32, #tpu.memory_space<vmem>> -> memref<1x128xi32, #tpu.memory_space<vmem>>
      %dma_wait3A_531 = tpu.memref_squeeze %dma_wait3A_530 : memref<1x128xi32, #tpu.memory_space<vmem>> -> memref<128xi32, #tpu.memory_space<vmem>>
      %dma_wait3A_532 = arith.constant 0 : i32
      %dma_wait3A_533 = tpu.memref_slice %arg18[%dma_wait3A_532] : memref<102400xf32, #tpu.memory_space<vmem_shared>> -> memref<102400xf32, #tpu.memory_space<vmem_shared>>
      tpu.wait_indirect_dma semaphore(%arg21 : memref<!tpu.dma_semaphore, #tpu.memory_space<semaphore_mem>>) src(%dma_wait3A_528 : memref<128xf32, #tpu.memory_space<vmem>>) dst(%dma_wait3A_533 : memref<102400xf32, #tpu.memory_space<vmem_shared>>)
      %dma_wait3A_534 = arith.constant 1 : i32
      %dma_wait3A_535 = arith.constant 1 : i32
      %dma_wait3A_536 = arith.constant 0 : i32
      %dma_wait3A_537 = tpu.memref_slice %arg12[%dma_wait3A_534, %dma_wait3A_536] : memref<16x128xf32, #tpu.memory_space<vmem>> -> memref<1x128xf32, #tpu.memory_space<vmem>>
      %dma_wait3A_538 = tpu.memref_squeeze %dma_wait3A_537 : memref<1x128xf32, #tpu.memory_space<vmem>> -> memref<128xf32, #tpu.memory_space<vmem>>
      %dma_wait3A_539 = arith.constant 0 : i32
      %dma_wait3A_540 = tpu.memref_slice %arg9[%dma_wait3A_535, %dma_wait3A_539] : memref<16x128xi32, #tpu.memory_space<vmem>> -> memref<1x128xi32, #tpu.memory_space<vmem>>
      %dma_wait3A_541 = tpu.memref_squeeze %dma_wait3A_540 : memref<1x128xi32, #tpu.memory_space<vmem>> -> memref<128xi32, #tpu.memory_space<vmem>>
      %dma_wait3A_542 = arith.constant 0 : i32
      %dma_wait3A_543 = tpu.memref_slice %arg18[%dma_wait3A_542] : memref<102400xf32, #tpu.memory_space<vmem_shared>> -> memref<102400xf32, #tpu.memory_space<vmem_shared>>
      tpu.wait_indirect_dma semaphore(%arg21 : memref<!tpu.dma_semaphore, #tpu.memory_space<semaphore_mem>>) src(%dma_wait3A_538 : memref<128xf32, #tpu.memory_space<vmem>>) dst(%dma_wait3A_543 : memref<102400xf32, #tpu.memory_space<vmem_shared>>)
      %dma_wait3A_544 = arith.constant 2 : i32
      %dma_wait3A_545 = arith.constant 2 : i32
      %dma_wait3A_546 = arith.constant 0 : i32
      %dma_wait3A_547 = tpu.memref_slice %arg12[%dma_wait3A_544, %dma_wait3A_546] : memref<16x128xf32, #tpu.memory_space<vmem>> -> memref<1x128xf32, #tpu.memory_space<vmem>>
      %dma_wait3A_548 = tpu.memref_squeeze %dma_wait3A_547 : memref<1x128xf32, #tpu.memory_space<vmem>> -> memref<128xf32, #tpu.memory_space<vmem>>
      %dma_wait3A_549 = arith.constant 0 : i32
      %dma_wait3A_550 = tpu.memref_slice %arg9[%dma_wait3A_545, %dma_wait3A_549] : memref<16x128xi32, #tpu.memory_space<vmem>> -> memref<1x128xi32, #tpu.memory_space<vmem>>
      %dma_wait3A_551 = tpu.memref_squeeze %dma_wait3A_550 : memref<1x128xi32, #tpu.memory_space<vmem>> -> memref<128xi32, #tpu.memory_space<vmem>>
      %dma_wait3A_552 = arith.constant 0 : i32
      %dma_wait3A_553 = tpu.memref_slice %arg18[%dma_wait3A_552] : memref<102400xf32, #tpu.memory_space<vmem_shared>> -> memref<102400xf32, #tpu.memory_space<vmem_shared>>
      tpu.wait_indirect_dma semaphore(%arg21 : memref<!tpu.dma_semaphore, #tpu.memory_space<semaphore_mem>>) src(%dma_wait3A_548 : memref<128xf32, #tpu.memory_space<vmem>>) dst(%dma_wait3A_553 : memref<102400xf32, #tpu.memory_space<vmem_shared>>)
      %dma_wait3A_554 = arith.constant 3 : i32
      %dma_wait3A_555 = arith.constant 3 : i32
      %dma_wait3A_556 = arith.constant 0 : i32
      %dma_wait3A_557 = tpu.memref_slice %arg12[%dma_wait3A_554, %dma_wait3A_556] : memref<16x128xf32, #tpu.memory_space<vmem>> -> memref<1x128xf32, #tpu.memory_space<vmem>>
      %dma_wait3A_558 = tpu.memref_squeeze %dma_wait3A_557 : memref<1x128xf32, #tpu.memory_space<vmem>> -> memref<128xf32, #tpu.memory_space<vmem>>
      %dma_wait3A_559 = arith.constant 0 : i32
      %dma_wait3A_560 = tpu.memref_slice %arg9[%dma_wait3A_555, %dma_wait3A_559] : memref<16x128xi32, #tpu.memory_space<vmem>> -> memref<1x128xi32, #tpu.memory_space<vmem>>
      %dma_wait3A_561 = tpu.memref_squeeze %dma_wait3A_560 : memref<1x128xi32, #tpu.memory_space<vmem>> -> memref<128xi32, #tpu.memory_space<vmem>>
      %dma_wait3A_562 = arith.constant 0 : i32
      %dma_wait3A_563 = tpu.memref_slice %arg18[%dma_wait3A_562] : memref<102400xf32, #tpu.memory_space<vmem_shared>> -> memref<102400xf32, #tpu.memory_space<vmem_shared>>
      tpu.wait_indirect_dma semaphore(%arg21 : memref<!tpu.dma_semaphore, #tpu.memory_space<semaphore_mem>>) src(%dma_wait3A_558 : memref<128xf32, #tpu.memory_space<vmem>>) dst(%dma_wait3A_563 : memref<102400xf32, #tpu.memory_space<vmem_shared>>)
      %dma_wait3A_564 = arith.constant 4 : i32
      %dma_wait3A_565 = arith.constant 4 : i32
      %dma_wait3A_566 = arith.constant 0 : i32
      %dma_wait3A_567 = tpu.memref_slice %arg12[%dma_wait3A_564, %dma_wait3A_566] : memref<16x128xf32, #tpu.memory_space<vmem>> -> memref<1x128xf32, #tpu.memory_space<vmem>>
      %dma_wait3A_568 = tpu.memref_squeeze %dma_wait3A_567 : memref<1x128xf32, #tpu.memory_space<vmem>> -> memref<128xf32, #tpu.memory_space<vmem>>
      %dma_wait3A_569 = arith.constant 0 : i32
      %dma_wait3A_570 = tpu.memref_slice %arg9[%dma_wait3A_565, %dma_wait3A_569] : memref<16x128xi32, #tpu.memory_space<vmem>> -> memref<1x128xi32, #tpu.memory_space<vmem>>
      %dma_wait3A_571 = tpu.memref_squeeze %dma_wait3A_570 : memref<1x128xi32, #tpu.memory_space<vmem>> -> memref<128xi32, #tpu.memory_space<vmem>>
      %dma_wait3A_572 = arith.constant 0 : i32
      %dma_wait3A_573 = tpu.memref_slice %arg18[%dma_wait3A_572] : memref<102400xf32, #tpu.memory_space<vmem_shared>> -> memref<102400xf32, #tpu.memory_space<vmem_shared>>
      tpu.wait_indirect_dma semaphore(%arg21 : memref<!tpu.dma_semaphore, #tpu.memory_space<semaphore_mem>>) src(%dma_wait3A_568 : memref<128xf32, #tpu.memory_space<vmem>>) dst(%dma_wait3A_573 : memref<102400xf32, #tpu.memory_space<vmem_shared>>)
      %dma_wait3A_574 = arith.constant 5 : i32
      %dma_wait3A_575 = arith.constant 5 : i32
      %dma_wait3A_576 = arith.constant 0 : i32
      %dma_wait3A_577 = tpu.memref_slice %arg12[%dma_wait3A_574, %dma_wait3A_576] : memref<16x128xf32, #tpu.memory_space<vmem>> -> memref<1x128xf32, #tpu.memory_space<vmem>>
      %dma_wait3A_578 = tpu.memref_squeeze %dma_wait3A_577 : memref<1x128xf32, #tpu.memory_space<vmem>> -> memref<128xf32, #tpu.memory_space<vmem>>
      %dma_wait3A_579 = arith.constant 0 : i32
      %dma_wait3A_580 = tpu.memref_slice %arg9[%dma_wait3A_575, %dma_wait3A_579] : memref<16x128xi32, #tpu.memory_space<vmem>> -> memref<1x128xi32, #tpu.memory_space<vmem>>
      %dma_wait3A_581 = tpu.memref_squeeze %dma_wait3A_580 : memref<1x128xi32, #tpu.memory_space<vmem>> -> memref<128xi32, #tpu.memory_space<vmem>>
      %dma_wait3A_582 = arith.constant 0 : i32
      %dma_wait3A_583 = tpu.memref_slice %arg18[%dma_wait3A_582] : memref<102400xf32, #tpu.memory_space<vmem_shared>> -> memref<102400xf32, #tpu.memory_space<vmem_shared>>
      tpu.wait_indirect_dma semaphore(%arg21 : memref<!tpu.dma_semaphore, #tpu.memory_space<semaphore_mem>>) src(%dma_wait3A_578 : memref<128xf32, #tpu.memory_space<vmem>>) dst(%dma_wait3A_583 : memref<102400xf32, #tpu.memory_space<vmem_shared>>)
      %dma_wait3A_584 = arith.constant 6 : i32
      %dma_wait3A_585 = arith.constant 6 : i32
      %dma_wait3A_586 = arith.constant 0 : i32
      %dma_wait3A_587 = tpu.memref_slice %arg12[%dma_wait3A_584, %dma_wait3A_586] : memref<16x128xf32, #tpu.memory_space<vmem>> -> memref<1x128xf32, #tpu.memory_space<vmem>>
      %dma_wait3A_588 = tpu.memref_squeeze %dma_wait3A_587 : memref<1x128xf32, #tpu.memory_space<vmem>> -> memref<128xf32, #tpu.memory_space<vmem>>
      %dma_wait3A_589 = arith.constant 0 : i32
      %dma_wait3A_590 = tpu.memref_slice %arg9[%dma_wait3A_585, %dma_wait3A_589] : memref<16x128xi32, #tpu.memory_space<vmem>> -> memref<1x128xi32, #tpu.memory_space<vmem>>
      %dma_wait3A_591 = tpu.memref_squeeze %dma_wait3A_590 : memref<1x128xi32, #tpu.memory_space<vmem>> -> memref<128xi32, #tpu.memory_space<vmem>>
      %dma_wait3A_592 = arith.constant 0 : i32
      %dma_wait3A_593 = tpu.memref_slice %arg18[%dma_wait3A_592] : memref<102400xf32, #tpu.memory_space<vmem_shared>> -> memref<102400xf32, #tpu.memory_space<vmem_shared>>
      tpu.wait_indirect_dma semaphore(%arg21 : memref<!tpu.dma_semaphore, #tpu.memory_space<semaphore_mem>>) src(%dma_wait3A_588 : memref<128xf32, #tpu.memory_space<vmem>>) dst(%dma_wait3A_593 : memref<102400xf32, #tpu.memory_space<vmem_shared>>)
      %dma_wait3A_594 = arith.constant 7 : i32
      %dma_wait3A_595 = arith.constant 7 : i32
      %dma_wait3A_596 = arith.constant 0 : i32
      %dma_wait3A_597 = tpu.memref_slice %arg12[%dma_wait3A_594, %dma_wait3A_596] : memref<16x128xf32, #tpu.memory_space<vmem>> -> memref<1x128xf32, #tpu.memory_space<vmem>>
      %dma_wait3A_598 = tpu.memref_squeeze %dma_wait3A_597 : memref<1x128xf32, #tpu.memory_space<vmem>> -> memref<128xf32, #tpu.memory_space<vmem>>
      %dma_wait3A_599 = arith.constant 0 : i32
      %dma_wait3A_600 = tpu.memref_slice %arg9[%dma_wait3A_595, %dma_wait3A_599] : memref<16x128xi32, #tpu.memory_space<vmem>> -> memref<1x128xi32, #tpu.memory_space<vmem>>
      %dma_wait3A_601 = tpu.memref_squeeze %dma_wait3A_600 : memref<1x128xi32, #tpu.memory_space<vmem>> -> memref<128xi32, #tpu.memory_space<vmem>>
      %dma_wait3A_602 = arith.constant 0 : i32
      %dma_wait3A_603 = tpu.memref_slice %arg18[%dma_wait3A_602] : memref<102400xf32, #tpu.memory_space<vmem_shared>> -> memref<102400xf32, #tpu.memory_space<vmem_shared>>
      tpu.wait_indirect_dma semaphore(%arg21 : memref<!tpu.dma_semaphore, #tpu.memory_space<semaphore_mem>>) src(%dma_wait3A_598 : memref<128xf32, #tpu.memory_space<vmem>>) dst(%dma_wait3A_603 : memref<102400xf32, #tpu.memory_space<vmem_shared>>)
      %dma_wait3A_604 = arith.constant 8 : i32
      %dma_wait3A_605 = arith.constant 8 : i32
      %dma_wait3A_606 = arith.constant 0 : i32
      %dma_wait3A_607 = tpu.memref_slice %arg12[%dma_wait3A_604, %dma_wait3A_606] : memref<16x128xf32, #tpu.memory_space<vmem>> -> memref<1x128xf32, #tpu.memory_space<vmem>>
      %dma_wait3A_608 = tpu.memref_squeeze %dma_wait3A_607 : memref<1x128xf32, #tpu.memory_space<vmem>> -> memref<128xf32, #tpu.memory_space<vmem>>
      %dma_wait3A_609 = arith.constant 0 : i32
      %dma_wait3A_610 = tpu.memref_slice %arg9[%dma_wait3A_605, %dma_wait3A_609] : memref<16x128xi32, #tpu.memory_space<vmem>> -> memref<1x128xi32, #tpu.memory_space<vmem>>
      %dma_wait3A_611 = tpu.memref_squeeze %dma_wait3A_610 : memref<1x128xi32, #tpu.memory_space<vmem>> -> memref<128xi32, #tpu.memory_space<vmem>>
      %dma_wait3A_612 = arith.constant 0 : i32
      %dma_wait3A_613 = tpu.memref_slice %arg18[%dma_wait3A_612] : memref<102400xf32, #tpu.memory_space<vmem_shared>> -> memref<102400xf32, #tpu.memory_space<vmem_shared>>
      tpu.wait_indirect_dma semaphore(%arg21 : memref<!tpu.dma_semaphore, #tpu.memory_space<semaphore_mem>>) src(%dma_wait3A_608 : memref<128xf32, #tpu.memory_space<vmem>>) dst(%dma_wait3A_613 : memref<102400xf32, #tpu.memory_space<vmem_shared>>)
      %dma_wait3A_614 = arith.constant 9 : i32
      %dma_wait3A_615 = arith.constant 9 : i32
      %dma_wait3A_616 = arith.constant 0 : i32
      %dma_wait3A_617 = tpu.memref_slice %arg12[%dma_wait3A_614, %dma_wait3A_616] : memref<16x128xf32, #tpu.memory_space<vmem>> -> memref<1x128xf32, #tpu.memory_space<vmem>>
      %dma_wait3A_618 = tpu.memref_squeeze %dma_wait3A_617 : memref<1x128xf32, #tpu.memory_space<vmem>> -> memref<128xf32, #tpu.memory_space<vmem>>
      %dma_wait3A_619 = arith.constant 0 : i32
      %dma_wait3A_620 = tpu.memref_slice %arg9[%dma_wait3A_615, %dma_wait3A_619] : memref<16x128xi32, #tpu.memory_space<vmem>> -> memref<1x128xi32, #tpu.memory_space<vmem>>
      %dma_wait3A_621 = tpu.memref_squeeze %dma_wait3A_620 : memref<1x128xi32, #tpu.memory_space<vmem>> -> memref<128xi32, #tpu.memory_space<vmem>>
      %dma_wait3A_622 = arith.constant 0 : i32
      %dma_wait3A_623 = tpu.memref_slice %arg18[%dma_wait3A_622] : memref<102400xf32, #tpu.memory_space<vmem_shared>> -> memref<102400xf32, #tpu.memory_space<vmem_shared>>
      tpu.wait_indirect_dma semaphore(%arg21 : memref<!tpu.dma_semaphore, #tpu.memory_space<semaphore_mem>>) src(%dma_wait3A_618 : memref<128xf32, #tpu.memory_space<vmem>>) dst(%dma_wait3A_623 : memref<102400xf32, #tpu.memory_space<vmem_shared>>)
      %dma_wait3A_624 = arith.constant 10 : i32
      %dma_wait3A_625 = arith.constant 10 : i32
      %dma_wait3A_626 = arith.constant 0 : i32
      %dma_wait3A_627 = tpu.memref_slice %arg12[%dma_wait3A_624, %dma_wait3A_626] : memref<16x128xf32, #tpu.memory_space<vmem>> -> memref<1x128xf32, #tpu.memory_space<vmem>>
      %dma_wait3A_628 = tpu.memref_squeeze %dma_wait3A_627 : memref<1x128xf32, #tpu.memory_space<vmem>> -> memref<128xf32, #tpu.memory_space<vmem>>
      %dma_wait3A_629 = arith.constant 0 : i32
      %dma_wait3A_630 = tpu.memref_slice %arg9[%dma_wait3A_625, %dma_wait3A_629] : memref<16x128xi32, #tpu.memory_space<vmem>> -> memref<1x128xi32, #tpu.memory_space<vmem>>
      %dma_wait3A_631 = tpu.memref_squeeze %dma_wait3A_630 : memref<1x128xi32, #tpu.memory_space<vmem>> -> memref<128xi32, #tpu.memory_space<vmem>>
      %dma_wait3A_632 = arith.constant 0 : i32
      %dma_wait3A_633 = tpu.memref_slice %arg18[%dma_wait3A_632] : memref<102400xf32, #tpu.memory_space<vmem_shared>> -> memref<102400xf32, #tpu.memory_space<vmem_shared>>
      tpu.wait_indirect_dma semaphore(%arg21 : memref<!tpu.dma_semaphore, #tpu.memory_space<semaphore_mem>>) src(%dma_wait3A_628 : memref<128xf32, #tpu.memory_space<vmem>>) dst(%dma_wait3A_633 : memref<102400xf32, #tpu.memory_space<vmem_shared>>)
      %dma_wait3A_634 = arith.constant 11 : i32
      %dma_wait3A_635 = arith.constant 11 : i32
      %dma_wait3A_636 = arith.constant 0 : i32
      %dma_wait3A_637 = tpu.memref_slice %arg12[%dma_wait3A_634, %dma_wait3A_636] : memref<16x128xf32, #tpu.memory_space<vmem>> -> memref<1x128xf32, #tpu.memory_space<vmem>>
      %dma_wait3A_638 = tpu.memref_squeeze %dma_wait3A_637 : memref<1x128xf32, #tpu.memory_space<vmem>> -> memref<128xf32, #tpu.memory_space<vmem>>
      %dma_wait3A_639 = arith.constant 0 : i32
      %dma_wait3A_640 = tpu.memref_slice %arg9[%dma_wait3A_635, %dma_wait3A_639] : memref<16x128xi32, #tpu.memory_space<vmem>> -> memref<1x128xi32, #tpu.memory_space<vmem>>
      %dma_wait3A_641 = tpu.memref_squeeze %dma_wait3A_640 : memref<1x128xi32, #tpu.memory_space<vmem>> -> memref<128xi32, #tpu.memory_space<vmem>>
      %dma_wait3A_642 = arith.constant 0 : i32
      %dma_wait3A_643 = tpu.memref_slice %arg18[%dma_wait3A_642] : memref<102400xf32, #tpu.memory_space<vmem_shared>> -> memref<102400xf32, #tpu.memory_space<vmem_shared>>
      tpu.wait_indirect_dma semaphore(%arg21 : memref<!tpu.dma_semaphore, #tpu.memory_space<semaphore_mem>>) src(%dma_wait3A_638 : memref<128xf32, #tpu.memory_space<vmem>>) dst(%dma_wait3A_643 : memref<102400xf32, #tpu.memory_space<vmem_shared>>)
      %dma_wait3A_644 = arith.constant 12 : i32
      %dma_wait3A_645 = arith.constant 12 : i32
      %dma_wait3A_646 = arith.constant 0 : i32
      %dma_wait3A_647 = tpu.memref_slice %arg12[%dma_wait3A_644, %dma_wait3A_646] : memref<16x128xf32, #tpu.memory_space<vmem>> -> memref<1x128xf32, #tpu.memory_space<vmem>>
      %dma_wait3A_648 = tpu.memref_squeeze %dma_wait3A_647 : memref<1x128xf32, #tpu.memory_space<vmem>> -> memref<128xf32, #tpu.memory_space<vmem>>
      %dma_wait3A_649 = arith.constant 0 : i32
      %dma_wait3A_650 = tpu.memref_slice %arg9[%dma_wait3A_645, %dma_wait3A_649] : memref<16x128xi32, #tpu.memory_space<vmem>> -> memref<1x128xi32, #tpu.memory_space<vmem>>
      %dma_wait3A_651 = tpu.memref_squeeze %dma_wait3A_650 : memref<1x128xi32, #tpu.memory_space<vmem>> -> memref<128xi32, #tpu.memory_space<vmem>>
      %dma_wait3A_652 = arith.constant 0 : i32
      %dma_wait3A_653 = tpu.memref_slice %arg18[%dma_wait3A_652] : memref<102400xf32, #tpu.memory_space<vmem_shared>> -> memref<102400xf32, #tpu.memory_space<vmem_shared>>
      tpu.wait_indirect_dma semaphore(%arg21 : memref<!tpu.dma_semaphore, #tpu.memory_space<semaphore_mem>>) src(%dma_wait3A_648 : memref<128xf32, #tpu.memory_space<vmem>>) dst(%dma_wait3A_653 : memref<102400xf32, #tpu.memory_space<vmem_shared>>)
      %dma_wait3A_654 = arith.constant 13 : i32
      %dma_wait3A_655 = arith.constant 13 : i32
      %dma_wait3A_656 = arith.constant 0 : i32
      %dma_wait3A_657 = tpu.memref_slice %arg12[%dma_wait3A_654, %dma_wait3A_656] : memref<16x128xf32, #tpu.memory_space<vmem>> -> memref<1x128xf32, #tpu.memory_space<vmem>>
      %dma_wait3A_658 = tpu.memref_squeeze %dma_wait3A_657 : memref<1x128xf32, #tpu.memory_space<vmem>> -> memref<128xf32, #tpu.memory_space<vmem>>
      %dma_wait3A_659 = arith.constant 0 : i32
      %dma_wait3A_660 = tpu.memref_slice %arg9[%dma_wait3A_655, %dma_wait3A_659] : memref<16x128xi32, #tpu.memory_space<vmem>> -> memref<1x128xi32, #tpu.memory_space<vmem>>
      %dma_wait3A_661 = tpu.memref_squeeze %dma_wait3A_660 : memref<1x128xi32, #tpu.memory_space<vmem>> -> memref<128xi32, #tpu.memory_space<vmem>>
      %dma_wait3A_662 = arith.constant 0 : i32
      %dma_wait3A_663 = tpu.memref_slice %arg18[%dma_wait3A_662] : memref<102400xf32, #tpu.memory_space<vmem_shared>> -> memref<102400xf32, #tpu.memory_space<vmem_shared>>
      tpu.wait_indirect_dma semaphore(%arg21 : memref<!tpu.dma_semaphore, #tpu.memory_space<semaphore_mem>>) src(%dma_wait3A_658 : memref<128xf32, #tpu.memory_space<vmem>>) dst(%dma_wait3A_663 : memref<102400xf32, #tpu.memory_space<vmem_shared>>)
      %dma_wait3A_664 = arith.constant 14 : i32
      %dma_wait3A_665 = arith.constant 14 : i32
      %dma_wait3A_666 = arith.constant 0 : i32
      %dma_wait3A_667 = tpu.memref_slice %arg12[%dma_wait3A_664, %dma_wait3A_666] : memref<16x128xf32, #tpu.memory_space<vmem>> -> memref<1x128xf32, #tpu.memory_space<vmem>>
      %dma_wait3A_668 = tpu.memref_squeeze %dma_wait3A_667 : memref<1x128xf32, #tpu.memory_space<vmem>> -> memref<128xf32, #tpu.memory_space<vmem>>
      %dma_wait3A_669 = arith.constant 0 : i32
      %dma_wait3A_670 = tpu.memref_slice %arg9[%dma_wait3A_665, %dma_wait3A_669] : memref<16x128xi32, #tpu.memory_space<vmem>> -> memref<1x128xi32, #tpu.memory_space<vmem>>
      %dma_wait3A_671 = tpu.memref_squeeze %dma_wait3A_670 : memref<1x128xi32, #tpu.memory_space<vmem>> -> memref<128xi32, #tpu.memory_space<vmem>>
      %dma_wait3A_672 = arith.constant 0 : i32
      %dma_wait3A_673 = tpu.memref_slice %arg18[%dma_wait3A_672] : memref<102400xf32, #tpu.memory_space<vmem_shared>> -> memref<102400xf32, #tpu.memory_space<vmem_shared>>
      tpu.wait_indirect_dma semaphore(%arg21 : memref<!tpu.dma_semaphore, #tpu.memory_space<semaphore_mem>>) src(%dma_wait3A_668 : memref<128xf32, #tpu.memory_space<vmem>>) dst(%dma_wait3A_673 : memref<102400xf32, #tpu.memory_space<vmem_shared>>)
      %dma_wait3A_674 = arith.constant 15 : i32
      %dma_wait3A_675 = arith.constant 15 : i32
      %dma_wait3A_676 = arith.constant 0 : i32
      %dma_wait3A_677 = tpu.memref_slice %arg12[%dma_wait3A_674, %dma_wait3A_676] : memref<16x128xf32, #tpu.memory_space<vmem>> -> memref<1x128xf32, #tpu.memory_space<vmem>>
      %dma_wait3A_678 = tpu.memref_squeeze %dma_wait3A_677 : memref<1x128xf32, #tpu.memory_space<vmem>> -> memref<128xf32, #tpu.memory_space<vmem>>
      %dma_wait3A_679 = arith.constant 0 : i32
      %dma_wait3A_680 = tpu.memref_slice %arg9[%dma_wait3A_675, %dma_wait3A_679] : memref<16x128xi32, #tpu.memory_space<vmem>> -> memref<1x128xi32, #tpu.memory_space<vmem>>
      %dma_wait3A_681 = tpu.memref_squeeze %dma_wait3A_680 : memref<1x128xi32, #tpu.memory_space<vmem>> -> memref<128xi32, #tpu.memory_space<vmem>>
      %dma_wait3A_682 = arith.constant 0 : i32
      %dma_wait3A_683 = tpu.memref_slice %arg18[%dma_wait3A_682] : memref<102400xf32, #tpu.memory_space<vmem_shared>> -> memref<102400xf32, #tpu.memory_space<vmem_shared>>
      tpu.wait_indirect_dma semaphore(%arg21 : memref<!tpu.dma_semaphore, #tpu.memory_space<semaphore_mem>>) src(%dma_wait3A_678 : memref<128xf32, #tpu.memory_space<vmem>>) dst(%dma_wait3A_683 : memref<102400xf32, #tpu.memory_space<vmem_shared>>)
      %dma_start3A_684 = arith.constant 0 : i32
      %dma_start3A_685 = arith.constant 0 : i32
      %dma_start3A_686 = arith.constant 0 : i32
      %dma_start3A_687 = tpu.memref_slice %arg16[%dma_start3A_684, %dma_start3A_686] : memref<16x128xf32, #tpu.memory_space<vmem>> -> memref<1x128xf32, #tpu.memory_space<vmem>>
      %dma_start3A_688 = tpu.memref_squeeze %dma_start3A_687 : memref<1x128xf32, #tpu.memory_space<vmem>> -> memref<128xf32, #tpu.memory_space<vmem>>
      %dma_start3A_689 = arith.constant 0 : i32
      %dma_start3A_690 = tpu.memref_slice %arg13[%dma_start3A_685, %dma_start3A_689] : memref<16x128xi32, #tpu.memory_space<vmem>> -> memref<1x128xi32, #tpu.memory_space<vmem>>
      %dma_start3A_691 = tpu.memref_squeeze %dma_start3A_690 : memref<1x128xi32, #tpu.memory_space<vmem>> -> memref<128xi32, #tpu.memory_space<vmem>>
      %dma_start3A_692 = arith.constant 0 : i32
      %dma_start3A_693 = tpu.memref_slice %arg18[%dma_start3A_692] : memref<102400xf32, #tpu.memory_space<vmem_shared>> -> memref<102400xf32, #tpu.memory_space<vmem_shared>>
      tpu.enqueue_indirect_dma source(%dma_start3A_688 : memref<128xf32, #tpu.memory_space<vmem>>) target(%dma_start3A_693 : memref<102400xf32, #tpu.memory_space<vmem_shared>>) offsets(%dma_start3A_691 : memref<128xi32, #tpu.memory_space<vmem>>) semaphore(%arg22 : memref<!tpu.dma_semaphore, #tpu.memory_space<semaphore_mem>>) {add = true}
      %dma_start3A_694 = arith.constant 1 : i32
      %dma_start3A_695 = arith.constant 1 : i32
      %dma_start3A_696 = arith.constant 0 : i32
      %dma_start3A_697 = tpu.memref_slice %arg16[%dma_start3A_694, %dma_start3A_696] : memref<16x128xf32, #tpu.memory_space<vmem>> -> memref<1x128xf32, #tpu.memory_space<vmem>>
      %dma_start3A_698 = tpu.memref_squeeze %dma_start3A_697 : memref<1x128xf32, #tpu.memory_space<vmem>> -> memref<128xf32, #tpu.memory_space<vmem>>
      %dma_start3A_699 = arith.constant 0 : i32
      %dma_start3A_700 = tpu.memref_slice %arg13[%dma_start3A_695, %dma_start3A_699] : memref<16x128xi32, #tpu.memory_space<vmem>> -> memref<1x128xi32, #tpu.memory_space<vmem>>
      %dma_start3A_701 = tpu.memref_squeeze %dma_start3A_700 : memref<1x128xi32, #tpu.memory_space<vmem>> -> memref<128xi32, #tpu.memory_space<vmem>>
      %dma_start3A_702 = arith.constant 0 : i32
      %dma_start3A_703 = tpu.memref_slice %arg18[%dma_start3A_702] : memref<102400xf32, #tpu.memory_space<vmem_shared>> -> memref<102400xf32, #tpu.memory_space<vmem_shared>>
      tpu.enqueue_indirect_dma source(%dma_start3A_698 : memref<128xf32, #tpu.memory_space<vmem>>) target(%dma_start3A_703 : memref<102400xf32, #tpu.memory_space<vmem_shared>>) offsets(%dma_start3A_701 : memref<128xi32, #tpu.memory_space<vmem>>) semaphore(%arg22 : memref<!tpu.dma_semaphore, #tpu.memory_space<semaphore_mem>>) {add = true}
      %dma_start3A_704 = arith.constant 2 : i32
      %dma_start3A_705 = arith.constant 2 : i32
      %dma_start3A_706 = arith.constant 0 : i32
      %dma_start3A_707 = tpu.memref_slice %arg16[%dma_start3A_704, %dma_start3A_706] : memref<16x128xf32, #tpu.memory_space<vmem>> -> memref<1x128xf32, #tpu.memory_space<vmem>>
      %dma_start3A_708 = tpu.memref_squeeze %dma_start3A_707 : memref<1x128xf32, #tpu.memory_space<vmem>> -> memref<128xf32, #tpu.memory_space<vmem>>
      %dma_start3A_709 = arith.constant 0 : i32
      %dma_start3A_710 = tpu.memref_slice %arg13[%dma_start3A_705, %dma_start3A_709] : memref<16x128xi32, #tpu.memory_space<vmem>> -> memref<1x128xi32, #tpu.memory_space<vmem>>
      %dma_start3A_711 = tpu.memref_squeeze %dma_start3A_710 : memref<1x128xi32, #tpu.memory_space<vmem>> -> memref<128xi32, #tpu.memory_space<vmem>>
      %dma_start3A_712 = arith.constant 0 : i32
      %dma_start3A_713 = tpu.memref_slice %arg18[%dma_start3A_712] : memref<102400xf32, #tpu.memory_space<vmem_shared>> -> memref<102400xf32, #tpu.memory_space<vmem_shared>>
      tpu.enqueue_indirect_dma source(%dma_start3A_708 : memref<128xf32, #tpu.memory_space<vmem>>) target(%dma_start3A_713 : memref<102400xf32, #tpu.memory_space<vmem_shared>>) offsets(%dma_start3A_711 : memref<128xi32, #tpu.memory_space<vmem>>) semaphore(%arg22 : memref<!tpu.dma_semaphore, #tpu.memory_space<semaphore_mem>>) {add = true}
      %dma_start3A_714 = arith.constant 3 : i32
      %dma_start3A_715 = arith.constant 3 : i32
      %dma_start3A_716 = arith.constant 0 : i32
      %dma_start3A_717 = tpu.memref_slice %arg16[%dma_start3A_714, %dma_start3A_716] : memref<16x128xf32, #tpu.memory_space<vmem>> -> memref<1x128xf32, #tpu.memory_space<vmem>>
      %dma_start3A_718 = tpu.memref_squeeze %dma_start3A_717 : memref<1x128xf32, #tpu.memory_space<vmem>> -> memref<128xf32, #tpu.memory_space<vmem>>
      %dma_start3A_719 = arith.constant 0 : i32
      %dma_start3A_720 = tpu.memref_slice %arg13[%dma_start3A_715, %dma_start3A_719] : memref<16x128xi32, #tpu.memory_space<vmem>> -> memref<1x128xi32, #tpu.memory_space<vmem>>
      %dma_start3A_721 = tpu.memref_squeeze %dma_start3A_720 : memref<1x128xi32, #tpu.memory_space<vmem>> -> memref<128xi32, #tpu.memory_space<vmem>>
      %dma_start3A_722 = arith.constant 0 : i32
      %dma_start3A_723 = tpu.memref_slice %arg18[%dma_start3A_722] : memref<102400xf32, #tpu.memory_space<vmem_shared>> -> memref<102400xf32, #tpu.memory_space<vmem_shared>>
      tpu.enqueue_indirect_dma source(%dma_start3A_718 : memref<128xf32, #tpu.memory_space<vmem>>) target(%dma_start3A_723 : memref<102400xf32, #tpu.memory_space<vmem_shared>>) offsets(%dma_start3A_721 : memref<128xi32, #tpu.memory_space<vmem>>) semaphore(%arg22 : memref<!tpu.dma_semaphore, #tpu.memory_space<semaphore_mem>>) {add = true}
      %dma_start3A_724 = arith.constant 4 : i32
      %dma_start3A_725 = arith.constant 4 : i32
      %dma_start3A_726 = arith.constant 0 : i32
      %dma_start3A_727 = tpu.memref_slice %arg16[%dma_start3A_724, %dma_start3A_726] : memref<16x128xf32, #tpu.memory_space<vmem>> -> memref<1x128xf32, #tpu.memory_space<vmem>>
      %dma_start3A_728 = tpu.memref_squeeze %dma_start3A_727 : memref<1x128xf32, #tpu.memory_space<vmem>> -> memref<128xf32, #tpu.memory_space<vmem>>
      %dma_start3A_729 = arith.constant 0 : i32
      %dma_start3A_730 = tpu.memref_slice %arg13[%dma_start3A_725, %dma_start3A_729] : memref<16x128xi32, #tpu.memory_space<vmem>> -> memref<1x128xi32, #tpu.memory_space<vmem>>
      %dma_start3A_731 = tpu.memref_squeeze %dma_start3A_730 : memref<1x128xi32, #tpu.memory_space<vmem>> -> memref<128xi32, #tpu.memory_space<vmem>>
      %dma_start3A_732 = arith.constant 0 : i32
      %dma_start3A_733 = tpu.memref_slice %arg18[%dma_start3A_732] : memref<102400xf32, #tpu.memory_space<vmem_shared>> -> memref<102400xf32, #tpu.memory_space<vmem_shared>>
      tpu.enqueue_indirect_dma source(%dma_start3A_728 : memref<128xf32, #tpu.memory_space<vmem>>) target(%dma_start3A_733 : memref<102400xf32, #tpu.memory_space<vmem_shared>>) offsets(%dma_start3A_731 : memref<128xi32, #tpu.memory_space<vmem>>) semaphore(%arg22 : memref<!tpu.dma_semaphore, #tpu.memory_space<semaphore_mem>>) {add = true}
      %dma_start3A_734 = arith.constant 5 : i32
      %dma_start3A_735 = arith.constant 5 : i32
      %dma_start3A_736 = arith.constant 0 : i32
      %dma_start3A_737 = tpu.memref_slice %arg16[%dma_start3A_734, %dma_start3A_736] : memref<16x128xf32, #tpu.memory_space<vmem>> -> memref<1x128xf32, #tpu.memory_space<vmem>>
      %dma_start3A_738 = tpu.memref_squeeze %dma_start3A_737 : memref<1x128xf32, #tpu.memory_space<vmem>> -> memref<128xf32, #tpu.memory_space<vmem>>
      %dma_start3A_739 = arith.constant 0 : i32
      %dma_start3A_740 = tpu.memref_slice %arg13[%dma_start3A_735, %dma_start3A_739] : memref<16x128xi32, #tpu.memory_space<vmem>> -> memref<1x128xi32, #tpu.memory_space<vmem>>
      %dma_start3A_741 = tpu.memref_squeeze %dma_start3A_740 : memref<1x128xi32, #tpu.memory_space<vmem>> -> memref<128xi32, #tpu.memory_space<vmem>>
      %dma_start3A_742 = arith.constant 0 : i32
      %dma_start3A_743 = tpu.memref_slice %arg18[%dma_start3A_742] : memref<102400xf32, #tpu.memory_space<vmem_shared>> -> memref<102400xf32, #tpu.memory_space<vmem_shared>>
      tpu.enqueue_indirect_dma source(%dma_start3A_738 : memref<128xf32, #tpu.memory_space<vmem>>) target(%dma_start3A_743 : memref<102400xf32, #tpu.memory_space<vmem_shared>>) offsets(%dma_start3A_741 : memref<128xi32, #tpu.memory_space<vmem>>) semaphore(%arg22 : memref<!tpu.dma_semaphore, #tpu.memory_space<semaphore_mem>>) {add = true}
      %dma_start3A_744 = arith.constant 6 : i32
      %dma_start3A_745 = arith.constant 6 : i32
      %dma_start3A_746 = arith.constant 0 : i32
      %dma_start3A_747 = tpu.memref_slice %arg16[%dma_start3A_744, %dma_start3A_746] : memref<16x128xf32, #tpu.memory_space<vmem>> -> memref<1x128xf32, #tpu.memory_space<vmem>>
      %dma_start3A_748 = tpu.memref_squeeze %dma_start3A_747 : memref<1x128xf32, #tpu.memory_space<vmem>> -> memref<128xf32, #tpu.memory_space<vmem>>
      %dma_start3A_749 = arith.constant 0 : i32
      %dma_start3A_750 = tpu.memref_slice %arg13[%dma_start3A_745, %dma_start3A_749] : memref<16x128xi32, #tpu.memory_space<vmem>> -> memref<1x128xi32, #tpu.memory_space<vmem>>
      %dma_start3A_751 = tpu.memref_squeeze %dma_start3A_750 : memref<1x128xi32, #tpu.memory_space<vmem>> -> memref<128xi32, #tpu.memory_space<vmem>>
      %dma_start3A_752 = arith.constant 0 : i32
      %dma_start3A_753 = tpu.memref_slice %arg18[%dma_start3A_752] : memref<102400xf32, #tpu.memory_space<vmem_shared>> -> memref<102400xf32, #tpu.memory_space<vmem_shared>>
      tpu.enqueue_indirect_dma source(%dma_start3A_748 : memref<128xf32, #tpu.memory_space<vmem>>) target(%dma_start3A_753 : memref<102400xf32, #tpu.memory_space<vmem_shared>>) offsets(%dma_start3A_751 : memref<128xi32, #tpu.memory_space<vmem>>) semaphore(%arg22 : memref<!tpu.dma_semaphore, #tpu.memory_space<semaphore_mem>>) {add = true}
      %dma_start3A_754 = arith.constant 7 : i32
      %dma_start3A_755 = arith.constant 7 : i32
      %dma_start3A_756 = arith.constant 0 : i32
      %dma_start3A_757 = tpu.memref_slice %arg16[%dma_start3A_754, %dma_start3A_756] : memref<16x128xf32, #tpu.memory_space<vmem>> -> memref<1x128xf32, #tpu.memory_space<vmem>>
      %dma_start3A_758 = tpu.memref_squeeze %dma_start3A_757 : memref<1x128xf32, #tpu.memory_space<vmem>> -> memref<128xf32, #tpu.memory_space<vmem>>
      %dma_start3A_759 = arith.constant 0 : i32
      %dma_start3A_760 = tpu.memref_slice %arg13[%dma_start3A_755, %dma_start3A_759] : memref<16x128xi32, #tpu.memory_space<vmem>> -> memref<1x128xi32, #tpu.memory_space<vmem>>
      %dma_start3A_761 = tpu.memref_squeeze %dma_start3A_760 : memref<1x128xi32, #tpu.memory_space<vmem>> -> memref<128xi32, #tpu.memory_space<vmem>>
      %dma_start3A_762 = arith.constant 0 : i32
      %dma_start3A_763 = tpu.memref_slice %arg18[%dma_start3A_762] : memref<102400xf32, #tpu.memory_space<vmem_shared>> -> memref<102400xf32, #tpu.memory_space<vmem_shared>>
      tpu.enqueue_indirect_dma source(%dma_start3A_758 : memref<128xf32, #tpu.memory_space<vmem>>) target(%dma_start3A_763 : memref<102400xf32, #tpu.memory_space<vmem_shared>>) offsets(%dma_start3A_761 : memref<128xi32, #tpu.memory_space<vmem>>) semaphore(%arg22 : memref<!tpu.dma_semaphore, #tpu.memory_space<semaphore_mem>>) {add = true}
      %dma_start3A_764 = arith.constant 8 : i32
      %dma_start3A_765 = arith.constant 8 : i32
      %dma_start3A_766 = arith.constant 0 : i32
      %dma_start3A_767 = tpu.memref_slice %arg16[%dma_start3A_764, %dma_start3A_766] : memref<16x128xf32, #tpu.memory_space<vmem>> -> memref<1x128xf32, #tpu.memory_space<vmem>>
      %dma_start3A_768 = tpu.memref_squeeze %dma_start3A_767 : memref<1x128xf32, #tpu.memory_space<vmem>> -> memref<128xf32, #tpu.memory_space<vmem>>
      %dma_start3A_769 = arith.constant 0 : i32
      %dma_start3A_770 = tpu.memref_slice %arg13[%dma_start3A_765, %dma_start3A_769] : memref<16x128xi32, #tpu.memory_space<vmem>> -> memref<1x128xi32, #tpu.memory_space<vmem>>
      %dma_start3A_771 = tpu.memref_squeeze %dma_start3A_770 : memref<1x128xi32, #tpu.memory_space<vmem>> -> memref<128xi32, #tpu.memory_space<vmem>>
      %dma_start3A_772 = arith.constant 0 : i32
      %dma_start3A_773 = tpu.memref_slice %arg18[%dma_start3A_772] : memref<102400xf32, #tpu.memory_space<vmem_shared>> -> memref<102400xf32, #tpu.memory_space<vmem_shared>>
      tpu.enqueue_indirect_dma source(%dma_start3A_768 : memref<128xf32, #tpu.memory_space<vmem>>) target(%dma_start3A_773 : memref<102400xf32, #tpu.memory_space<vmem_shared>>) offsets(%dma_start3A_771 : memref<128xi32, #tpu.memory_space<vmem>>) semaphore(%arg22 : memref<!tpu.dma_semaphore, #tpu.memory_space<semaphore_mem>>) {add = true}
      %dma_start3A_774 = arith.constant 9 : i32
      %dma_start3A_775 = arith.constant 9 : i32
      %dma_start3A_776 = arith.constant 0 : i32
      %dma_start3A_777 = tpu.memref_slice %arg16[%dma_start3A_774, %dma_start3A_776] : memref<16x128xf32, #tpu.memory_space<vmem>> -> memref<1x128xf32, #tpu.memory_space<vmem>>
      %dma_start3A_778 = tpu.memref_squeeze %dma_start3A_777 : memref<1x128xf32, #tpu.memory_space<vmem>> -> memref<128xf32, #tpu.memory_space<vmem>>
      %dma_start3A_779 = arith.constant 0 : i32
      %dma_start3A_780 = tpu.memref_slice %arg13[%dma_start3A_775, %dma_start3A_779] : memref<16x128xi32, #tpu.memory_space<vmem>> -> memref<1x128xi32, #tpu.memory_space<vmem>>
      %dma_start3A_781 = tpu.memref_squeeze %dma_start3A_780 : memref<1x128xi32, #tpu.memory_space<vmem>> -> memref<128xi32, #tpu.memory_space<vmem>>
      %dma_start3A_782 = arith.constant 0 : i32
      %dma_start3A_783 = tpu.memref_slice %arg18[%dma_start3A_782] : memref<102400xf32, #tpu.memory_space<vmem_shared>> -> memref<102400xf32, #tpu.memory_space<vmem_shared>>
      tpu.enqueue_indirect_dma source(%dma_start3A_778 : memref<128xf32, #tpu.memory_space<vmem>>) target(%dma_start3A_783 : memref<102400xf32, #tpu.memory_space<vmem_shared>>) offsets(%dma_start3A_781 : memref<128xi32, #tpu.memory_space<vmem>>) semaphore(%arg22 : memref<!tpu.dma_semaphore, #tpu.memory_space<semaphore_mem>>) {add = true}
      %dma_start3A_784 = arith.constant 10 : i32
      %dma_start3A_785 = arith.constant 10 : i32
      %dma_start3A_786 = arith.constant 0 : i32
      %dma_start3A_787 = tpu.memref_slice %arg16[%dma_start3A_784, %dma_start3A_786] : memref<16x128xf32, #tpu.memory_space<vmem>> -> memref<1x128xf32, #tpu.memory_space<vmem>>
      %dma_start3A_788 = tpu.memref_squeeze %dma_start3A_787 : memref<1x128xf32, #tpu.memory_space<vmem>> -> memref<128xf32, #tpu.memory_space<vmem>>
      %dma_start3A_789 = arith.constant 0 : i32
      %dma_start3A_790 = tpu.memref_slice %arg13[%dma_start3A_785, %dma_start3A_789] : memref<16x128xi32, #tpu.memory_space<vmem>> -> memref<1x128xi32, #tpu.memory_space<vmem>>
      %dma_start3A_791 = tpu.memref_squeeze %dma_start3A_790 : memref<1x128xi32, #tpu.memory_space<vmem>> -> memref<128xi32, #tpu.memory_space<vmem>>
      %dma_start3A_792 = arith.constant 0 : i32
      %dma_start3A_793 = tpu.memref_slice %arg18[%dma_start3A_792] : memref<102400xf32, #tpu.memory_space<vmem_shared>> -> memref<102400xf32, #tpu.memory_space<vmem_shared>>
      tpu.enqueue_indirect_dma source(%dma_start3A_788 : memref<128xf32, #tpu.memory_space<vmem>>) target(%dma_start3A_793 : memref<102400xf32, #tpu.memory_space<vmem_shared>>) offsets(%dma_start3A_791 : memref<128xi32, #tpu.memory_space<vmem>>) semaphore(%arg22 : memref<!tpu.dma_semaphore, #tpu.memory_space<semaphore_mem>>) {add = true}
      %dma_start3A_794 = arith.constant 11 : i32
      %dma_start3A_795 = arith.constant 11 : i32
      %dma_start3A_796 = arith.constant 0 : i32
      %dma_start3A_797 = tpu.memref_slice %arg16[%dma_start3A_794, %dma_start3A_796] : memref<16x128xf32, #tpu.memory_space<vmem>> -> memref<1x128xf32, #tpu.memory_space<vmem>>
      %dma_start3A_798 = tpu.memref_squeeze %dma_start3A_797 : memref<1x128xf32, #tpu.memory_space<vmem>> -> memref<128xf32, #tpu.memory_space<vmem>>
      %dma_start3A_799 = arith.constant 0 : i32
      %dma_start3A_800 = tpu.memref_slice %arg13[%dma_start3A_795, %dma_start3A_799] : memref<16x128xi32, #tpu.memory_space<vmem>> -> memref<1x128xi32, #tpu.memory_space<vmem>>
      %dma_start3A_801 = tpu.memref_squeeze %dma_start3A_800 : memref<1x128xi32, #tpu.memory_space<vmem>> -> memref<128xi32, #tpu.memory_space<vmem>>
      %dma_start3A_802 = arith.constant 0 : i32
      %dma_start3A_803 = tpu.memref_slice %arg18[%dma_start3A_802] : memref<102400xf32, #tpu.memory_space<vmem_shared>> -> memref<102400xf32, #tpu.memory_space<vmem_shared>>
      tpu.enqueue_indirect_dma source(%dma_start3A_798 : memref<128xf32, #tpu.memory_space<vmem>>) target(%dma_start3A_803 : memref<102400xf32, #tpu.memory_space<vmem_shared>>) offsets(%dma_start3A_801 : memref<128xi32, #tpu.memory_space<vmem>>) semaphore(%arg22 : memref<!tpu.dma_semaphore, #tpu.memory_space<semaphore_mem>>) {add = true}
      %dma_start3A_804 = arith.constant 12 : i32
      %dma_start3A_805 = arith.constant 12 : i32
      %dma_start3A_806 = arith.constant 0 : i32
      %dma_start3A_807 = tpu.memref_slice %arg16[%dma_start3A_804, %dma_start3A_806] : memref<16x128xf32, #tpu.memory_space<vmem>> -> memref<1x128xf32, #tpu.memory_space<vmem>>
      %dma_start3A_808 = tpu.memref_squeeze %dma_start3A_807 : memref<1x128xf32, #tpu.memory_space<vmem>> -> memref<128xf32, #tpu.memory_space<vmem>>
      %dma_start3A_809 = arith.constant 0 : i32
      %dma_start3A_810 = tpu.memref_slice %arg13[%dma_start3A_805, %dma_start3A_809] : memref<16x128xi32, #tpu.memory_space<vmem>> -> memref<1x128xi32, #tpu.memory_space<vmem>>
      %dma_start3A_811 = tpu.memref_squeeze %dma_start3A_810 : memref<1x128xi32, #tpu.memory_space<vmem>> -> memref<128xi32, #tpu.memory_space<vmem>>
      %dma_start3A_812 = arith.constant 0 : i32
      %dma_start3A_813 = tpu.memref_slice %arg18[%dma_start3A_812] : memref<102400xf32, #tpu.memory_space<vmem_shared>> -> memref<102400xf32, #tpu.memory_space<vmem_shared>>
      tpu.enqueue_indirect_dma source(%dma_start3A_808 : memref<128xf32, #tpu.memory_space<vmem>>) target(%dma_start3A_813 : memref<102400xf32, #tpu.memory_space<vmem_shared>>) offsets(%dma_start3A_811 : memref<128xi32, #tpu.memory_space<vmem>>) semaphore(%arg22 : memref<!tpu.dma_semaphore, #tpu.memory_space<semaphore_mem>>) {add = true}
      %dma_start3A_814 = arith.constant 13 : i32
      %dma_start3A_815 = arith.constant 13 : i32
      %dma_start3A_816 = arith.constant 0 : i32
      %dma_start3A_817 = tpu.memref_slice %arg16[%dma_start3A_814, %dma_start3A_816] : memref<16x128xf32, #tpu.memory_space<vmem>> -> memref<1x128xf32, #tpu.memory_space<vmem>>
      %dma_start3A_818 = tpu.memref_squeeze %dma_start3A_817 : memref<1x128xf32, #tpu.memory_space<vmem>> -> memref<128xf32, #tpu.memory_space<vmem>>
      %dma_start3A_819 = arith.constant 0 : i32
      %dma_start3A_820 = tpu.memref_slice %arg13[%dma_start3A_815, %dma_start3A_819] : memref<16x128xi32, #tpu.memory_space<vmem>> -> memref<1x128xi32, #tpu.memory_space<vmem>>
      %dma_start3A_821 = tpu.memref_squeeze %dma_start3A_820 : memref<1x128xi32, #tpu.memory_space<vmem>> -> memref<128xi32, #tpu.memory_space<vmem>>
      %dma_start3A_822 = arith.constant 0 : i32
      %dma_start3A_823 = tpu.memref_slice %arg18[%dma_start3A_822] : memref<102400xf32, #tpu.memory_space<vmem_shared>> -> memref<102400xf32, #tpu.memory_space<vmem_shared>>
      tpu.enqueue_indirect_dma source(%dma_start3A_818 : memref<128xf32, #tpu.memory_space<vmem>>) target(%dma_start3A_823 : memref<102400xf32, #tpu.memory_space<vmem_shared>>) offsets(%dma_start3A_821 : memref<128xi32, #tpu.memory_space<vmem>>) semaphore(%arg22 : memref<!tpu.dma_semaphore, #tpu.memory_space<semaphore_mem>>) {add = true}
      %dma_start3A_824 = arith.constant 14 : i32
      %dma_start3A_825 = arith.constant 14 : i32
      %dma_start3A_826 = arith.constant 0 : i32
      %dma_start3A_827 = tpu.memref_slice %arg16[%dma_start3A_824, %dma_start3A_826] : memref<16x128xf32, #tpu.memory_space<vmem>> -> memref<1x128xf32, #tpu.memory_space<vmem>>
      %dma_start3A_828 = tpu.memref_squeeze %dma_start3A_827 : memref<1x128xf32, #tpu.memory_space<vmem>> -> memref<128xf32, #tpu.memory_space<vmem>>
      %dma_start3A_829 = arith.constant 0 : i32
      %dma_start3A_830 = tpu.memref_slice %arg13[%dma_start3A_825, %dma_start3A_829] : memref<16x128xi32, #tpu.memory_space<vmem>> -> memref<1x128xi32, #tpu.memory_space<vmem>>
      %dma_start3A_831 = tpu.memref_squeeze %dma_start3A_830 : memref<1x128xi32, #tpu.memory_space<vmem>> -> memref<128xi32, #tpu.memory_space<vmem>>
      %dma_start3A_832 = arith.constant 0 : i32
      %dma_start3A_833 = tpu.memref_slice %arg18[%dma_start3A_832] : memref<102400xf32, #tpu.memory_space<vmem_shared>> -> memref<102400xf32, #tpu.memory_space<vmem_shared>>
      tpu.enqueue_indirect_dma source(%dma_start3A_828 : memref<128xf32, #tpu.memory_space<vmem>>) target(%dma_start3A_833 : memref<102400xf32, #tpu.memory_space<vmem_shared>>) offsets(%dma_start3A_831 : memref<128xi32, #tpu.memory_space<vmem>>) semaphore(%arg22 : memref<!tpu.dma_semaphore, #tpu.memory_space<semaphore_mem>>) {add = true}
      %dma_start3A_834 = arith.constant 15 : i32
      %dma_start3A_835 = arith.constant 15 : i32
      %dma_start3A_836 = arith.constant 0 : i32
      %dma_start3A_837 = tpu.memref_slice %arg16[%dma_start3A_834, %dma_start3A_836] : memref<16x128xf32, #tpu.memory_space<vmem>> -> memref<1x128xf32, #tpu.memory_space<vmem>>
      %dma_start3A_838 = tpu.memref_squeeze %dma_start3A_837 : memref<1x128xf32, #tpu.memory_space<vmem>> -> memref<128xf32, #tpu.memory_space<vmem>>
      %dma_start3A_839 = arith.constant 0 : i32
      %dma_start3A_840 = tpu.memref_slice %arg13[%dma_start3A_835, %dma_start3A_839] : memref<16x128xi32, #tpu.memory_space<vmem>> -> memref<1x128xi32, #tpu.memory_space<vmem>>
      %dma_start3A_841 = tpu.memref_squeeze %dma_start3A_840 : memref<1x128xi32, #tpu.memory_space<vmem>> -> memref<128xi32, #tpu.memory_space<vmem>>
      %dma_start3A_842 = arith.constant 0 : i32
      %dma_start3A_843 = tpu.memref_slice %arg18[%dma_start3A_842] : memref<102400xf32, #tpu.memory_space<vmem_shared>> -> memref<102400xf32, #tpu.memory_space<vmem_shared>>
      tpu.enqueue_indirect_dma source(%dma_start3A_838 : memref<128xf32, #tpu.memory_space<vmem>>) target(%dma_start3A_843 : memref<102400xf32, #tpu.memory_space<vmem_shared>>) offsets(%dma_start3A_841 : memref<128xi32, #tpu.memory_space<vmem>>) semaphore(%arg22 : memref<!tpu.dma_semaphore, #tpu.memory_space<semaphore_mem>>) {add = true}
      %mul3A_844 = arith.constant 2 : i32
      %mul3A_845 = arith.muli %mul3A_844, %while3A_255 : i32
      %add3A_846 = arith.constant 2 : i32
      %add3A_847 = arith.addi %mul3A_845, %add3A_846 : i32
      %lt3A_848 = arith.cmpi slt, %add3A_847, %select_n3A : i32
      %convert_element_type3A_849 = arith.extui %lt3A_848 : i1 to i32
      %cond3A_850 = arith.constant 0 : i32
      %cond3A_851 = arith.cmpi ne, %convert_element_type3A_849, %cond3A_850 : i32
      scf.if %cond3A_851 {
        %add3A_853 = arith.constant 2 : i32
        %add3A_854 = arith.addi %add3A_259, %add3A_853 : i32
        %dma_start3A_855 = arith.constant 0 : i32
        %dma_start3A_856 = arith.constant 0 : i32
        %dma_start3A_857 = arith.constant 0 : i32
        %dma_start3A_858 = tpu.memref_slice %arg3[%dma_start3A_855, %add3A_854, %dma_start3A_856, %dma_start3A_857] : memref<2x3125x16x128xi32, #tpu.memory_space<hbm>> -> memref<1x1x16x128xi32, #tpu.memory_space<hbm>>
        %dma_start3A_859 = tpu.memref_squeeze %dma_start3A_858 : memref<1x1x16x128xi32, #tpu.memory_space<hbm>> -> memref<16x128xi32, #tpu.memory_space<hbm>>
        %dma_start3A_860 = arith.constant 0 : i32
        %dma_start3A_861 = arith.constant 0 : i32
        %dma_start3A_862 = tpu.memref_slice %arg3[%dma_start3A_855, %add3A_854, %dma_start3A_860, %dma_start3A_861] : memref<2x3125x16x128xi32, #tpu.memory_space<hbm>> -> memref<1x1x16x128xi32, #tpu.memory_space<hbm>>
        %dma_start3A_863 = tpu.memref_squeeze %dma_start3A_862 : memref<1x1x16x128xi32, #tpu.memory_space<hbm>> -> memref<16x128xi32, #tpu.memory_space<hbm>>
        tpu.enqueue_dma source(%dma_start3A_863 : memref<16x128xi32, #tpu.memory_space<hbm>>) target(%arg9 : memref<16x128xi32, #tpu.memory_space<vmem>>) target_semaphore(%arg19 : memref<!tpu.dma_semaphore, #tpu.memory_space<semaphore_mem>>)
        %dma_start3A_864 = arith.constant 1 : i32
        %dma_start3A_865 = arith.constant 0 : i32
        %dma_start3A_866 = arith.constant 0 : i32
        %dma_start3A_867 = tpu.memref_slice %arg3[%dma_start3A_864, %add3A_854, %dma_start3A_865, %dma_start3A_866] : memref<2x3125x16x128xi32, #tpu.memory_space<hbm>> -> memref<1x1x16x128xi32, #tpu.memory_space<hbm>>
        %dma_start3A_868 = tpu.memref_squeeze %dma_start3A_867 : memref<1x1x16x128xi32, #tpu.memory_space<hbm>> -> memref<16x128xi32, #tpu.memory_space<hbm>>
        %dma_start3A_869 = arith.constant 0 : i32
        %dma_start3A_870 = arith.constant 0 : i32
        %dma_start3A_871 = tpu.memref_slice %arg3[%dma_start3A_864, %add3A_854, %dma_start3A_869, %dma_start3A_870] : memref<2x3125x16x128xi32, #tpu.memory_space<hbm>> -> memref<1x1x16x128xi32, #tpu.memory_space<hbm>>
        %dma_start3A_872 = tpu.memref_squeeze %dma_start3A_871 : memref<1x1x16x128xi32, #tpu.memory_space<hbm>> -> memref<16x128xi32, #tpu.memory_space<hbm>>
        tpu.enqueue_dma source(%dma_start3A_872 : memref<16x128xi32, #tpu.memory_space<hbm>>) target(%arg10 : memref<16x128xi32, #tpu.memory_space<vmem>>) target_semaphore(%arg19 : memref<!tpu.dma_semaphore, #tpu.memory_space<semaphore_mem>>)
        %dma_start3A_873 = arith.constant 0 : i32
        %dma_start3A_874 = arith.constant 0 : i32
        %dma_start3A_875 = tpu.memref_slice %arg2[%add3A_854, %dma_start3A_873, %dma_start3A_874] : memref<3125x16x128xf32, #tpu.memory_space<hbm>> -> memref<1x16x128xf32, #tpu.memory_space<hbm>>
        %dma_start3A_876 = tpu.memref_squeeze %dma_start3A_875 : memref<1x16x128xf32, #tpu.memory_space<hbm>> -> memref<16x128xf32, #tpu.memory_space<hbm>>
        %dma_start3A_877 = arith.constant 0 : i32
        %dma_start3A_878 = arith.constant 0 : i32
        %dma_start3A_879 = tpu.memref_slice %arg2[%add3A_854, %dma_start3A_877, %dma_start3A_878] : memref<3125x16x128xf32, #tpu.memory_space<hbm>> -> memref<1x16x128xf32, #tpu.memory_space<hbm>>
        %dma_start3A_880 = tpu.memref_squeeze %dma_start3A_879 : memref<1x16x128xf32, #tpu.memory_space<hbm>> -> memref<16x128xf32, #tpu.memory_space<hbm>>
        tpu.enqueue_dma source(%dma_start3A_880 : memref<16x128xf32, #tpu.memory_space<hbm>>) target(%arg11 : memref<16x128xf32, #tpu.memory_space<vmem>>) target_semaphore(%arg19 : memref<!tpu.dma_semaphore, #tpu.memory_space<semaphore_mem>>)
      } else {
      }
      %while3A_852 = arith.constant 0 : i32
      scf.yield %while3A_852 : i32
    }
    %jit3A_75 = arith.constant 2 : i32
    %eq3A = arith.constant 0 : i32
    %eq3A_76 = arith.cmpi eq, %jit3A_75, %eq3A : i32
    %jit3A_77 = arith.constant 1 : i32
    %select_n3A_78 = arith.select %eq3A_76, %jit3A_77, %jit3A_75 : i32
    %rem3A_79 = arith.remsi %select_n3A, %select_n3A_78 : i32
    %ne3A_80 = arith.constant 0 : i32
    %ne3A_81 = arith.cmpi ne, %rem3A_79, %ne3A_80 : i32
    %lt3A_82 = arith.constant 0 : i32
    %lt3A_83 = arith.cmpi slt, %rem3A_79, %lt3A_82 : i32
    %lt3A_84 = arith.constant 0 : i32
    %lt3A_85 = arith.cmpi slt, %select_n3A_78, %lt3A_84 : i32
    %ne3A_86 = arith.xori %lt3A_83, %lt3A_85 : i1
    %and3A_87 = arith.andi %ne3A_86, %ne3A_81 : i1
    %add3A_88 = arith.addi %rem3A_79, %select_n3A_78 : i32
    %select_n3A_89 = arith.select %and3A_87, %add3A_88, %rem3A_79 : i32
    %eq3A_90 = arith.constant 1 : i32
    %eq3A_91 = arith.cmpi eq, %select_n3A_89, %eq3A_90 : i32
    %convert_element_type3A = arith.extui %eq3A_91 : i1 to i32
    %cond3A = arith.constant 0 : i32
    %cond3A_92 = arith.cmpi ne, %convert_element_type3A, %cond3A : i32
    scf.if %cond3A_92 {
      %dma_wait3A_255 = arith.constant 0 : i32
      %dma_wait3A_256 = arith.constant 0 : i32
      %dma_wait3A_257 = arith.constant 0 : i32
      %dma_wait3A_258 = arith.constant 0 : i32
      %dma_wait3A_259 = tpu.memref_slice %arg3[%dma_wait3A_255, %dma_wait3A_256, %dma_wait3A_257, %dma_wait3A_258] : memref<2x3125x16x128xi32, #tpu.memory_space<hbm>> -> memref<1x1x16x128xi32, #tpu.memory_space<hbm>>
      %dma_wait3A_260 = tpu.memref_squeeze %dma_wait3A_259 : memref<1x1x16x128xi32, #tpu.memory_space<hbm>> -> memref<16x128xi32, #tpu.memory_space<hbm>>
      %dma_wait3A_261 = arith.constant 0 : i32
      %dma_wait3A_262 = arith.constant 0 : i32
      %dma_wait3A_263 = tpu.memref_slice %arg3[%dma_wait3A_255, %dma_wait3A_256, %dma_wait3A_261, %dma_wait3A_262] : memref<2x3125x16x128xi32, #tpu.memory_space<hbm>> -> memref<1x1x16x128xi32, #tpu.memory_space<hbm>>
      %dma_wait3A_264 = tpu.memref_squeeze %dma_wait3A_263 : memref<1x1x16x128xi32, #tpu.memory_space<hbm>> -> memref<16x128xi32, #tpu.memory_space<hbm>>
      tpu.wait_dma2 semaphore(%arg19 : memref<!tpu.dma_semaphore, #tpu.memory_space<semaphore_mem>>) src(%dma_wait3A_264 : memref<16x128xi32, #tpu.memory_space<hbm>>) dst(%arg9 : memref<16x128xi32, #tpu.memory_space<vmem>>)
      %dma_wait3A_265 = arith.constant 1 : i32
      %dma_wait3A_266 = arith.constant 0 : i32
      %dma_wait3A_267 = arith.constant 0 : i32
      %dma_wait3A_268 = arith.constant 0 : i32
      %dma_wait3A_269 = tpu.memref_slice %arg3[%dma_wait3A_265, %dma_wait3A_266, %dma_wait3A_267, %dma_wait3A_268] : memref<2x3125x16x128xi32, #tpu.memory_space<hbm>> -> memref<1x1x16x128xi32, #tpu.memory_space<hbm>>
      %dma_wait3A_270 = tpu.memref_squeeze %dma_wait3A_269 : memref<1x1x16x128xi32, #tpu.memory_space<hbm>> -> memref<16x128xi32, #tpu.memory_space<hbm>>
      %dma_wait3A_271 = arith.constant 0 : i32
      %dma_wait3A_272 = arith.constant 0 : i32
      %dma_wait3A_273 = tpu.memref_slice %arg3[%dma_wait3A_265, %dma_wait3A_266, %dma_wait3A_271, %dma_wait3A_272] : memref<2x3125x16x128xi32, #tpu.memory_space<hbm>> -> memref<1x1x16x128xi32, #tpu.memory_space<hbm>>
      %dma_wait3A_274 = tpu.memref_squeeze %dma_wait3A_273 : memref<1x1x16x128xi32, #tpu.memory_space<hbm>> -> memref<16x128xi32, #tpu.memory_space<hbm>>
      tpu.wait_dma2 semaphore(%arg19 : memref<!tpu.dma_semaphore, #tpu.memory_space<semaphore_mem>>) src(%dma_wait3A_274 : memref<16x128xi32, #tpu.memory_space<hbm>>) dst(%arg10 : memref<16x128xi32, #tpu.memory_space<vmem>>)
      %dma_wait3A_275 = arith.constant 0 : i32
      %dma_wait3A_276 = arith.constant 0 : i32
      %dma_wait3A_277 = arith.constant 0 : i32
      %dma_wait3A_278 = tpu.memref_slice %arg2[%dma_wait3A_275, %dma_wait3A_276, %dma_wait3A_277] : memref<3125x16x128xf32, #tpu.memory_space<hbm>> -> memref<1x16x128xf32, #tpu.memory_space<hbm>>
      %dma_wait3A_279 = tpu.memref_squeeze %dma_wait3A_278 : memref<1x16x128xf32, #tpu.memory_space<hbm>> -> memref<16x128xf32, #tpu.memory_space<hbm>>
      %dma_wait3A_280 = arith.constant 0 : i32
      %dma_wait3A_281 = arith.constant 0 : i32
      %dma_wait3A_282 = tpu.memref_slice %arg2[%dma_wait3A_275, %dma_wait3A_280, %dma_wait3A_281] : memref<3125x16x128xf32, #tpu.memory_space<hbm>> -> memref<1x16x128xf32, #tpu.memory_space<hbm>>
      %dma_wait3A_283 = tpu.memref_squeeze %dma_wait3A_282 : memref<1x16x128xf32, #tpu.memory_space<hbm>> -> memref<16x128xf32, #tpu.memory_space<hbm>>
      tpu.wait_dma2 semaphore(%arg19 : memref<!tpu.dma_semaphore, #tpu.memory_space<semaphore_mem>>) src(%dma_wait3A_283 : memref<16x128xf32, #tpu.memory_space<hbm>>) dst(%arg11 : memref<16x128xf32, #tpu.memory_space<vmem>>)
      %scan3A_284 = arith.constant 0 : i32
      %scan3A_285 = arith.constant 0 : i32
      %scan3A_286 = arith.constant 16 : i32
      %scan3A_287 = arith.addi %scan3A_285, %scan3A_286 : i32
      %scan3A_288 = arith.constant 1 : i32
      %scan3A_289 = scf.for %scan3A_611 = %scan3A_285 to %scan3A_287 step %scan3A_288 iter_args(%scan3A_612 = %scan3A_284) -> (i32)  : i32 {
        %get3A_613 = arith.index_cast %scan3A_611 : i32 to index
        %get3A_614 = arith.constant 0 : index
        %get3A_615 = tpu.vector_load %arg9[%get3A_613, %get3A_614] {strides = array<i32>} : memref<16x128xi32, #tpu.memory_space<vmem>>, vector<16xi32>,
        %get3A_616 = arith.index_cast %scan3A_611 : i32 to index
        %get3A_617 = arith.constant 0 : index
        %get3A_618 = tpu.vector_load %arg10[%get3A_616, %get3A_617] {strides = array<i32>} : memref<16x128xi32, #tpu.memory_space<vmem>>, vector<16xi32>,
        %gather3A = tpu.vector_load_idx %arg7[%get3A_615] : memref<100000xi32, #tpu.memory_space<vmem>>[vector<16xi32>], vector<16xi32>,
        %gather3A_619 = tpu.vector_load_idx %arg7[%get3A_618] : memref<100000xi32, #tpu.memory_space<vmem>>[vector<16xi32>], vector<16xi32>,
        %mul3A_620 = arith.constant 4 : i32
        %mul3A_621 = vector.broadcast %mul3A_620 : i32 to vector<16xi32>
        %mul3A_622 = arith.muli %gather3A, %mul3A_621 : vector<16xi32>
        %add3A_623 = arith.addi %mul3A_622, %gather3A_619 : vector<16xi32>
        %gather3A_624 = tpu.vector_load_idx %arg8[%add3A_623] : memref<16xf32, #tpu.memory_space<vmem>>[vector<16xi32>], vector<16xf32>,
        %get3A_625 = arith.index_cast %scan3A_611 : i32 to index
        %get3A_626 = arith.constant 0 : index
        %get3A_627 = tpu.vector_load %arg11[%get3A_625, %get3A_626] {strides = array<i32>} : memref<16x128xf32, #tpu.memory_space<vmem>>, vector<16xf32>,
        %mul3A_628 = arith.mulf %get3A_627, %gather3A_624 : vector<16xf32>
        %swap3A_629 = arith.index_cast %scan3A_611 : i32 to index
        %swap3A_630 = arith.constant 0 : index
        %swap3A_631 = tpu.vector_load %arg12[%swap3A_629, %swap3A_630] {strides = array<i32>} : memref<16x128xf32, #tpu.memory_space<vmem>>, vector<16xf32>,
        tpu.vector_store %arg12[%swap3A_629, %swap3A_630], %mul3A_628 {strides = array<i32>} : memref<16x128xf32, #tpu.memory_space<vmem>>, vector<16xf32>,
        %get3A_632 = arith.index_cast %scan3A_611 : i32 to index
        %get3A_633 = arith.constant 16 : index
        %get3A_634 = tpu.vector_load %arg9[%get3A_632, %get3A_633] {strides = array<i32>} : memref<16x128xi32, #tpu.memory_space<vmem>>, vector<16xi32>,
        %get3A_635 = arith.index_cast %scan3A_611 : i32 to index
        %get3A_636 = arith.constant 16 : index
        %get3A_637 = tpu.vector_load %arg10[%get3A_635, %get3A_636] {strides = array<i32>} : memref<16x128xi32, #tpu.memory_space<vmem>>, vector<16xi32>,
        %gather3A_638 = tpu.vector_load_idx %arg7[%get3A_634] : memref<100000xi32, #tpu.memory_space<vmem>>[vector<16xi32>], vector<16xi32>,
        %gather3A_639 = tpu.vector_load_idx %arg7[%get3A_637] : memref<100000xi32, #tpu.memory_space<vmem>>[vector<16xi32>], vector<16xi32>,
        %mul3A_640 = arith.constant 4 : i32
        %mul3A_641 = vector.broadcast %mul3A_640 : i32 to vector<16xi32>
        %mul3A_642 = arith.muli %gather3A_638, %mul3A_641 : vector<16xi32>
        %add3A_643 = arith.addi %mul3A_642, %gather3A_639 : vector<16xi32>
        %gather3A_644 = tpu.vector_load_idx %arg8[%add3A_643] : memref<16xf32, #tpu.memory_space<vmem>>[vector<16xi32>], vector<16xf32>,
        %get3A_645 = arith.index_cast %scan3A_611 : i32 to index
        %get3A_646 = arith.constant 16 : index
        %get3A_647 = tpu.vector_load %arg11[%get3A_645, %get3A_646] {strides = array<i32>} : memref<16x128xf32, #tpu.memory_space<vmem>>, vector<16xf32>,
        %mul3A_648 = arith.mulf %get3A_647, %gather3A_644 : vector<16xf32>
        %swap3A_649 = arith.index_cast %scan3A_611 : i32 to index
        %swap3A_650 = arith.constant 16 : index
        %swap3A_651 = tpu.vector_load %arg12[%swap3A_649, %swap3A_650] {strides = array<i32>} : memref<16x128xf32, #tpu.memory_space<vmem>>, vector<16xf32>,
        tpu.vector_store %arg12[%swap3A_649, %swap3A_650], %mul3A_648 {strides = array<i32>} : memref<16x128xf32, #tpu.memory_space<vmem>>, vector<16xf32>,
        %get3A_652 = arith.index_cast %scan3A_611 : i32 to index
        %get3A_653 = arith.constant 32 : index
        %get3A_654 = tpu.vector_load %arg9[%get3A_652, %get3A_653] {strides = array<i32>} : memref<16x128xi32, #tpu.memory_space<vmem>>, vector<16xi32>,
        %get3A_655 = arith.index_cast %scan3A_611 : i32 to index
        %get3A_656 = arith.constant 32 : index
        %get3A_657 = tpu.vector_load %arg10[%get3A_655, %get3A_656] {strides = array<i32>} : memref<16x128xi32, #tpu.memory_space<vmem>>, vector<16xi32>,
        %gather3A_658 = tpu.vector_load_idx %arg7[%get3A_654] : memref<100000xi32, #tpu.memory_space<vmem>>[vector<16xi32>], vector<16xi32>,
        %gather3A_659 = tpu.vector_load_idx %arg7[%get3A_657] : memref<100000xi32, #tpu.memory_space<vmem>>[vector<16xi32>], vector<16xi32>,
        %mul3A_660 = arith.constant 4 : i32
        %mul3A_661 = vector.broadcast %mul3A_660 : i32 to vector<16xi32>
        %mul3A_662 = arith.muli %gather3A_658, %mul3A_661 : vector<16xi32>
        %add3A_663 = arith.addi %mul3A_662, %gather3A_659 : vector<16xi32>
        %gather3A_664 = tpu.vector_load_idx %arg8[%add3A_663] : memref<16xf32, #tpu.memory_space<vmem>>[vector<16xi32>], vector<16xf32>,
        %get3A_665 = arith.index_cast %scan3A_611 : i32 to index
        %get3A_666 = arith.constant 32 : index
        %get3A_667 = tpu.vector_load %arg11[%get3A_665, %get3A_666] {strides = array<i32>} : memref<16x128xf32, #tpu.memory_space<vmem>>, vector<16xf32>,
        %mul3A_668 = arith.mulf %get3A_667, %gather3A_664 : vector<16xf32>
        %swap3A_669 = arith.index_cast %scan3A_611 : i32 to index
        %swap3A_670 = arith.constant 32 : index
        %swap3A_671 = tpu.vector_load %arg12[%swap3A_669, %swap3A_670] {strides = array<i32>} : memref<16x128xf32, #tpu.memory_space<vmem>>, vector<16xf32>,
        tpu.vector_store %arg12[%swap3A_669, %swap3A_670], %mul3A_668 {strides = array<i32>} : memref<16x128xf32, #tpu.memory_space<vmem>>, vector<16xf32>,
        %get3A_672 = arith.index_cast %scan3A_611 : i32 to index
        %get3A_673 = arith.constant 48 : index
        %get3A_674 = tpu.vector_load %arg9[%get3A_672, %get3A_673] {strides = array<i32>} : memref<16x128xi32, #tpu.memory_space<vmem>>, vector<16xi32>,
        %get3A_675 = arith.index_cast %scan3A_611 : i32 to index
        %get3A_676 = arith.constant 48 : index
        %get3A_677 = tpu.vector_load %arg10[%get3A_675, %get3A_676] {strides = array<i32>} : memref<16x128xi32, #tpu.memory_space<vmem>>, vector<16xi32>,
        %gather3A_678 = tpu.vector_load_idx %arg7[%get3A_674] : memref<100000xi32, #tpu.memory_space<vmem>>[vector<16xi32>], vector<16xi32>,
        %gather3A_679 = tpu.vector_load_idx %arg7[%get3A_677] : memref<100000xi32, #tpu.memory_space<vmem>>[vector<16xi32>], vector<16xi32>,
        %mul3A_680 = arith.constant 4 : i32
        %mul3A_681 = vector.broadcast %mul3A_680 : i32 to vector<16xi32>
        %mul3A_682 = arith.muli %gather3A_678, %mul3A_681 : vector<16xi32>
        %add3A_683 = arith.addi %mul3A_682, %gather3A_679 : vector<16xi32>
        %gather3A_684 = tpu.vector_load_idx %arg8[%add3A_683] : memref<16xf32, #tpu.memory_space<vmem>>[vector<16xi32>], vector<16xf32>,
        %get3A_685 = arith.index_cast %scan3A_611 : i32 to index
        %get3A_686 = arith.constant 48 : index
        %get3A_687 = tpu.vector_load %arg11[%get3A_685, %get3A_686] {strides = array<i32>} : memref<16x128xf32, #tpu.memory_space<vmem>>, vector<16xf32>,
        %mul3A_688 = arith.mulf %get3A_687, %gather3A_684 : vector<16xf32>
        %swap3A_689 = arith.index_cast %scan3A_611 : i32 to index
        %swap3A_690 = arith.constant 48 : index
        %swap3A_691 = tpu.vector_load %arg12[%swap3A_689, %swap3A_690] {strides = array<i32>} : memref<16x128xf32, #tpu.memory_space<vmem>>, vector<16xf32>,
        tpu.vector_store %arg12[%swap3A_689, %swap3A_690], %mul3A_688 {strides = array<i32>} : memref<16x128xf32, #tpu.memory_space<vmem>>, vector<16xf32>,
        %get3A_692 = arith.index_cast %scan3A_611 : i32 to index
        %get3A_693 = arith.constant 64 : index
        %get3A_694 = tpu.vector_load %arg9[%get3A_692, %get3A_693] {strides = array<i32>} : memref<16x128xi32, #tpu.memory_space<vmem>>, vector<16xi32>,
        %get3A_695 = arith.index_cast %scan3A_611 : i32 to index
        %get3A_696 = arith.constant 64 : index
        %get3A_697 = tpu.vector_load %arg10[%get3A_695, %get3A_696] {strides = array<i32>} : memref<16x128xi32, #tpu.memory_space<vmem>>, vector<16xi32>,
        %gather3A_698 = tpu.vector_load_idx %arg7[%get3A_694] : memref<100000xi32, #tpu.memory_space<vmem>>[vector<16xi32>], vector<16xi32>,
        %gather3A_699 = tpu.vector_load_idx %arg7[%get3A_697] : memref<100000xi32, #tpu.memory_space<vmem>>[vector<16xi32>], vector<16xi32>,
        %mul3A_700 = arith.constant 4 : i32
        %mul3A_701 = vector.broadcast %mul3A_700 : i32 to vector<16xi32>
        %mul3A_702 = arith.muli %gather3A_698, %mul3A_701 : vector<16xi32>
        %add3A_703 = arith.addi %mul3A_702, %gather3A_699 : vector<16xi32>
        %gather3A_704 = tpu.vector_load_idx %arg8[%add3A_703] : memref<16xf32, #tpu.memory_space<vmem>>[vector<16xi32>], vector<16xf32>,
        %get3A_705 = arith.index_cast %scan3A_611 : i32 to index
        %get3A_706 = arith.constant 64 : index
        %get3A_707 = tpu.vector_load %arg11[%get3A_705, %get3A_706] {strides = array<i32>} : memref<16x128xf32, #tpu.memory_space<vmem>>, vector<16xf32>,
        %mul3A_708 = arith.mulf %get3A_707, %gather3A_704 : vector<16xf32>
        %swap3A_709 = arith.index_cast %scan3A_611 : i32 to index
        %swap3A_710 = arith.constant 64 : index
        %swap3A_711 = tpu.vector_load %arg12[%swap3A_709, %swap3A_710] {strides = array<i32>} : memref<16x128xf32, #tpu.memory_space<vmem>>, vector<16xf32>,
        tpu.vector_store %arg12[%swap3A_709, %swap3A_710], %mul3A_708 {strides = array<i32>} : memref<16x128xf32, #tpu.memory_space<vmem>>, vector<16xf32>,
        %get3A_712 = arith.index_cast %scan3A_611 : i32 to index
        %get3A_713 = arith.constant 80 : index
        %get3A_714 = tpu.vector_load %arg9[%get3A_712, %get3A_713] {strides = array<i32>} : memref<16x128xi32, #tpu.memory_space<vmem>>, vector<16xi32>,
        %get3A_715 = arith.index_cast %scan3A_611 : i32 to index
        %get3A_716 = arith.constant 80 : index
        %get3A_717 = tpu.vector_load %arg10[%get3A_715, %get3A_716] {strides = array<i32>} : memref<16x128xi32, #tpu.memory_space<vmem>>, vector<16xi32>,
        %gather3A_718 = tpu.vector_load_idx %arg7[%get3A_714] : memref<100000xi32, #tpu.memory_space<vmem>>[vector<16xi32>], vector<16xi32>,
        %gather3A_719 = tpu.vector_load_idx %arg7[%get3A_717] : memref<100000xi32, #tpu.memory_space<vmem>>[vector<16xi32>], vector<16xi32>,
        %mul3A_720 = arith.constant 4 : i32
        %mul3A_721 = vector.broadcast %mul3A_720 : i32 to vector<16xi32>
        %mul3A_722 = arith.muli %gather3A_718, %mul3A_721 : vector<16xi32>
        %add3A_723 = arith.addi %mul3A_722, %gather3A_719 : vector<16xi32>
        %gather3A_724 = tpu.vector_load_idx %arg8[%add3A_723] : memref<16xf32, #tpu.memory_space<vmem>>[vector<16xi32>], vector<16xf32>,
        %get3A_725 = arith.index_cast %scan3A_611 : i32 to index
        %get3A_726 = arith.constant 80 : index
        %get3A_727 = tpu.vector_load %arg11[%get3A_725, %get3A_726] {strides = array<i32>} : memref<16x128xf32, #tpu.memory_space<vmem>>, vector<16xf32>,
        %mul3A_728 = arith.mulf %get3A_727, %gather3A_724 : vector<16xf32>
        %swap3A_729 = arith.index_cast %scan3A_611 : i32 to index
        %swap3A_730 = arith.constant 80 : index
        %swap3A_731 = tpu.vector_load %arg12[%swap3A_729, %swap3A_730] {strides = array<i32>} : memref<16x128xf32, #tpu.memory_space<vmem>>, vector<16xf32>,
        tpu.vector_store %arg12[%swap3A_729, %swap3A_730], %mul3A_728 {strides = array<i32>} : memref<16x128xf32, #tpu.memory_space<vmem>>, vector<16xf32>,
        %get3A_732 = arith.index_cast %scan3A_611 : i32 to index
        %get3A_733 = arith.constant 96 : index
        %get3A_734 = tpu.vector_load %arg9[%get3A_732, %get3A_733] {strides = array<i32>} : memref<16x128xi32, #tpu.memory_space<vmem>>, vector<16xi32>,
        %get3A_735 = arith.index_cast %scan3A_611 : i32 to index
        %get3A_736 = arith.constant 96 : index
        %get3A_737 = tpu.vector_load %arg10[%get3A_735, %get3A_736] {strides = array<i32>} : memref<16x128xi32, #tpu.memory_space<vmem>>, vector<16xi32>,
        %gather3A_738 = tpu.vector_load_idx %arg7[%get3A_734] : memref<100000xi32, #tpu.memory_space<vmem>>[vector<16xi32>], vector<16xi32>,
        %gather3A_739 = tpu.vector_load_idx %arg7[%get3A_737] : memref<100000xi32, #tpu.memory_space<vmem>>[vector<16xi32>], vector<16xi32>,
        %mul3A_740 = arith.constant 4 : i32
        %mul3A_741 = vector.broadcast %mul3A_740 : i32 to vector<16xi32>
        %mul3A_742 = arith.muli %gather3A_738, %mul3A_741 : vector<16xi32>
        %add3A_743 = arith.addi %mul3A_742, %gather3A_739 : vector<16xi32>
        %gather3A_744 = tpu.vector_load_idx %arg8[%add3A_743] : memref<16xf32, #tpu.memory_space<vmem>>[vector<16xi32>], vector<16xf32>,
        %get3A_745 = arith.index_cast %scan3A_611 : i32 to index
        %get3A_746 = arith.constant 96 : index
        %get3A_747 = tpu.vector_load %arg11[%get3A_745, %get3A_746] {strides = array<i32>} : memref<16x128xf32, #tpu.memory_space<vmem>>, vector<16xf32>,
        %mul3A_748 = arith.mulf %get3A_747, %gather3A_744 : vector<16xf32>
        %swap3A_749 = arith.index_cast %scan3A_611 : i32 to index
        %swap3A_750 = arith.constant 96 : index
        %swap3A_751 = tpu.vector_load %arg12[%swap3A_749, %swap3A_750] {strides = array<i32>} : memref<16x128xf32, #tpu.memory_space<vmem>>, vector<16xf32>,
        tpu.vector_store %arg12[%swap3A_749, %swap3A_750], %mul3A_748 {strides = array<i32>} : memref<16x128xf32, #tpu.memory_space<vmem>>, vector<16xf32>,
        %get3A_752 = arith.index_cast %scan3A_611 : i32 to index
        %get3A_753 = arith.constant 112 : index
        %get3A_754 = tpu.vector_load %arg9[%get3A_752, %get3A_753] {strides = array<i32>} : memref<16x128xi32, #tpu.memory_space<vmem>>, vector<16xi32>,
        %get3A_755 = arith.index_cast %scan3A_611 : i32 to index
        %get3A_756 = arith.constant 112 : index
        %get3A_757 = tpu.vector_load %arg10[%get3A_755, %get3A_756] {strides = array<i32>} : memref<16x128xi32, #tpu.memory_space<vmem>>, vector<16xi32>,
        %gather3A_758 = tpu.vector_load_idx %arg7[%get3A_754] : memref<100000xi32, #tpu.memory_space<vmem>>[vector<16xi32>], vector<16xi32>,
        %gather3A_759 = tpu.vector_load_idx %arg7[%get3A_757] : memref<100000xi32, #tpu.memory_space<vmem>>[vector<16xi32>], vector<16xi32>,
        %mul3A_760 = arith.constant 4 : i32
        %mul3A_761 = vector.broadcast %mul3A_760 : i32 to vector<16xi32>
        %mul3A_762 = arith.muli %gather3A_758, %mul3A_761 : vector<16xi32>
        %add3A_763 = arith.addi %mul3A_762, %gather3A_759 : vector<16xi32>
        %gather3A_764 = tpu.vector_load_idx %arg8[%add3A_763] : memref<16xf32, #tpu.memory_space<vmem>>[vector<16xi32>], vector<16xf32>,
        %get3A_765 = arith.index_cast %scan3A_611 : i32 to index
        %get3A_766 = arith.constant 112 : index
        %get3A_767 = tpu.vector_load %arg11[%get3A_765, %get3A_766] {strides = array<i32>} : memref<16x128xf32, #tpu.memory_space<vmem>>, vector<16xf32>,
        %mul3A_768 = arith.mulf %get3A_767, %gather3A_764 : vector<16xf32>
        %swap3A_769 = arith.index_cast %scan3A_611 : i32 to index
        %swap3A_770 = arith.constant 112 : index
        %swap3A_771 = tpu.vector_load %arg12[%swap3A_769, %swap3A_770] {strides = array<i32>} : memref<16x128xf32, #tpu.memory_space<vmem>>, vector<16xf32>,
        tpu.vector_store %arg12[%swap3A_769, %swap3A_770], %mul3A_768 {strides = array<i32>} : memref<16x128xf32, #tpu.memory_space<vmem>>, vector<16xf32>,
        %scan3A_772 = arith.constant 0 : i32
        scf.yield %scan3A_772 : i32
      }
      %scan3A_290 = arith.constant 16 : i32
      %dma_start3A_291 = arith.constant 0 : i32
      %dma_start3A_292 = arith.constant 0 : i32
      %dma_start3A_293 = arith.constant 0 : i32
      %dma_start3A_294 = tpu.memref_slice %arg12[%dma_start3A_291, %dma_start3A_293] : memref<16x128xf32, #tpu.memory_space<vmem>> -> memref<1x128xf32, #tpu.memory_space<vmem>>
      %dma_start3A_295 = tpu.memref_squeeze %dma_start3A_294 : memref<1x128xf32, #tpu.memory_space<vmem>> -> memref<128xf32, #tpu.memory_space<vmem>>
      %dma_start3A_296 = arith.constant 0 : i32
      %dma_start3A_297 = tpu.memref_slice %arg9[%dma_start3A_292, %dma_start3A_296] : memref<16x128xi32, #tpu.memory_space<vmem>> -> memref<1x128xi32, #tpu.memory_space<vmem>>
      %dma_start3A_298 = tpu.memref_squeeze %dma_start3A_297 : memref<1x128xi32, #tpu.memory_space<vmem>> -> memref<128xi32, #tpu.memory_space<vmem>>
      %dma_start3A_299 = arith.constant 0 : i32
      %dma_start3A_300 = tpu.memref_slice %arg18[%dma_start3A_299] : memref<102400xf32, #tpu.memory_space<vmem_shared>> -> memref<102400xf32, #tpu.memory_space<vmem_shared>>
      tpu.enqueue_indirect_dma source(%dma_start3A_295 : memref<128xf32, #tpu.memory_space<vmem>>) target(%dma_start3A_300 : memref<102400xf32, #tpu.memory_space<vmem_shared>>) offsets(%dma_start3A_298 : memref<128xi32, #tpu.memory_space<vmem>>) semaphore(%arg21 : memref<!tpu.dma_semaphore, #tpu.memory_space<semaphore_mem>>) {add = true}
      %dma_start3A_301 = arith.constant 1 : i32
      %dma_start3A_302 = arith.constant 1 : i32
      %dma_start3A_303 = arith.constant 0 : i32
      %dma_start3A_304 = tpu.memref_slice %arg12[%dma_start3A_301, %dma_start3A_303] : memref<16x128xf32, #tpu.memory_space<vmem>> -> memref<1x128xf32, #tpu.memory_space<vmem>>
      %dma_start3A_305 = tpu.memref_squeeze %dma_start3A_304 : memref<1x128xf32, #tpu.memory_space<vmem>> -> memref<128xf32, #tpu.memory_space<vmem>>
      %dma_start3A_306 = arith.constant 0 : i32
      %dma_start3A_307 = tpu.memref_slice %arg9[%dma_start3A_302, %dma_start3A_306] : memref<16x128xi32, #tpu.memory_space<vmem>> -> memref<1x128xi32, #tpu.memory_space<vmem>>
      %dma_start3A_308 = tpu.memref_squeeze %dma_start3A_307 : memref<1x128xi32, #tpu.memory_space<vmem>> -> memref<128xi32, #tpu.memory_space<vmem>>
      %dma_start3A_309 = arith.constant 0 : i32
      %dma_start3A_310 = tpu.memref_slice %arg18[%dma_start3A_309] : memref<102400xf32, #tpu.memory_space<vmem_shared>> -> memref<102400xf32, #tpu.memory_space<vmem_shared>>
      tpu.enqueue_indirect_dma source(%dma_start3A_305 : memref<128xf32, #tpu.memory_space<vmem>>) target(%dma_start3A_310 : memref<102400xf32, #tpu.memory_space<vmem_shared>>) offsets(%dma_start3A_308 : memref<128xi32, #tpu.memory_space<vmem>>) semaphore(%arg21 : memref<!tpu.dma_semaphore, #tpu.memory_space<semaphore_mem>>) {add = true}
      %dma_start3A_311 = arith.constant 2 : i32
      %dma_start3A_312 = arith.constant 2 : i32
      %dma_start3A_313 = arith.constant 0 : i32
      %dma_start3A_314 = tpu.memref_slice %arg12[%dma_start3A_311, %dma_start3A_313] : memref<16x128xf32, #tpu.memory_space<vmem>> -> memref<1x128xf32, #tpu.memory_space<vmem>>
      %dma_start3A_315 = tpu.memref_squeeze %dma_start3A_314 : memref<1x128xf32, #tpu.memory_space<vmem>> -> memref<128xf32, #tpu.memory_space<vmem>>
      %dma_start3A_316 = arith.constant 0 : i32
      %dma_start3A_317 = tpu.memref_slice %arg9[%dma_start3A_312, %dma_start3A_316] : memref<16x128xi32, #tpu.memory_space<vmem>> -> memref<1x128xi32, #tpu.memory_space<vmem>>
      %dma_start3A_318 = tpu.memref_squeeze %dma_start3A_317 : memref<1x128xi32, #tpu.memory_space<vmem>> -> memref<128xi32, #tpu.memory_space<vmem>>
      %dma_start3A_319 = arith.constant 0 : i32
      %dma_start3A_320 = tpu.memref_slice %arg18[%dma_start3A_319] : memref<102400xf32, #tpu.memory_space<vmem_shared>> -> memref<102400xf32, #tpu.memory_space<vmem_shared>>
      tpu.enqueue_indirect_dma source(%dma_start3A_315 : memref<128xf32, #tpu.memory_space<vmem>>) target(%dma_start3A_320 : memref<102400xf32, #tpu.memory_space<vmem_shared>>) offsets(%dma_start3A_318 : memref<128xi32, #tpu.memory_space<vmem>>) semaphore(%arg21 : memref<!tpu.dma_semaphore, #tpu.memory_space<semaphore_mem>>) {add = true}
      %dma_start3A_321 = arith.constant 3 : i32
      %dma_start3A_322 = arith.constant 3 : i32
      %dma_start3A_323 = arith.constant 0 : i32
      %dma_start3A_324 = tpu.memref_slice %arg12[%dma_start3A_321, %dma_start3A_323] : memref<16x128xf32, #tpu.memory_space<vmem>> -> memref<1x128xf32, #tpu.memory_space<vmem>>
      %dma_start3A_325 = tpu.memref_squeeze %dma_start3A_324 : memref<1x128xf32, #tpu.memory_space<vmem>> -> memref<128xf32, #tpu.memory_space<vmem>>
      %dma_start3A_326 = arith.constant 0 : i32
      %dma_start3A_327 = tpu.memref_slice %arg9[%dma_start3A_322, %dma_start3A_326] : memref<16x128xi32, #tpu.memory_space<vmem>> -> memref<1x128xi32, #tpu.memory_space<vmem>>
      %dma_start3A_328 = tpu.memref_squeeze %dma_start3A_327 : memref<1x128xi32, #tpu.memory_space<vmem>> -> memref<128xi32, #tpu.memory_space<vmem>>
      %dma_start3A_329 = arith.constant 0 : i32
      %dma_start3A_330 = tpu.memref_slice %arg18[%dma_start3A_329] : memref<102400xf32, #tpu.memory_space<vmem_shared>> -> memref<102400xf32, #tpu.memory_space<vmem_shared>>
      tpu.enqueue_indirect_dma source(%dma_start3A_325 : memref<128xf32, #tpu.memory_space<vmem>>) target(%dma_start3A_330 : memref<102400xf32, #tpu.memory_space<vmem_shared>>) offsets(%dma_start3A_328 : memref<128xi32, #tpu.memory_space<vmem>>) semaphore(%arg21 : memref<!tpu.dma_semaphore, #tpu.memory_space<semaphore_mem>>) {add = true}
      %dma_start3A_331 = arith.constant 4 : i32
      %dma_start3A_332 = arith.constant 4 : i32
      %dma_start3A_333 = arith.constant 0 : i32
      %dma_start3A_334 = tpu.memref_slice %arg12[%dma_start3A_331, %dma_start3A_333] : memref<16x128xf32, #tpu.memory_space<vmem>> -> memref<1x128xf32, #tpu.memory_space<vmem>>
      %dma_start3A_335 = tpu.memref_squeeze %dma_start3A_334 : memref<1x128xf32, #tpu.memory_space<vmem>> -> memref<128xf32, #tpu.memory_space<vmem>>
      %dma_start3A_336 = arith.constant 0 : i32
      %dma_start3A_337 = tpu.memref_slice %arg9[%dma_start3A_332, %dma_start3A_336] : memref<16x128xi32, #tpu.memory_space<vmem>> -> memref<1x128xi32, #tpu.memory_space<vmem>>
      %dma_start3A_338 = tpu.memref_squeeze %dma_start3A_337 : memref<1x128xi32, #tpu.memory_space<vmem>> -> memref<128xi32, #tpu.memory_space<vmem>>
      %dma_start3A_339 = arith.constant 0 : i32
      %dma_start3A_340 = tpu.memref_slice %arg18[%dma_start3A_339] : memref<102400xf32, #tpu.memory_space<vmem_shared>> -> memref<102400xf32, #tpu.memory_space<vmem_shared>>
      tpu.enqueue_indirect_dma source(%dma_start3A_335 : memref<128xf32, #tpu.memory_space<vmem>>) target(%dma_start3A_340 : memref<102400xf32, #tpu.memory_space<vmem_shared>>) offsets(%dma_start3A_338 : memref<128xi32, #tpu.memory_space<vmem>>) semaphore(%arg21 : memref<!tpu.dma_semaphore, #tpu.memory_space<semaphore_mem>>) {add = true}
      %dma_start3A_341 = arith.constant 5 : i32
      %dma_start3A_342 = arith.constant 5 : i32
      %dma_start3A_343 = arith.constant 0 : i32
      %dma_start3A_344 = tpu.memref_slice %arg12[%dma_start3A_341, %dma_start3A_343] : memref<16x128xf32, #tpu.memory_space<vmem>> -> memref<1x128xf32, #tpu.memory_space<vmem>>
      %dma_start3A_345 = tpu.memref_squeeze %dma_start3A_344 : memref<1x128xf32, #tpu.memory_space<vmem>> -> memref<128xf32, #tpu.memory_space<vmem>>
      %dma_start3A_346 = arith.constant 0 : i32
      %dma_start3A_347 = tpu.memref_slice %arg9[%dma_start3A_342, %dma_start3A_346] : memref<16x128xi32, #tpu.memory_space<vmem>> -> memref<1x128xi32, #tpu.memory_space<vmem>>
      %dma_start3A_348 = tpu.memref_squeeze %dma_start3A_347 : memref<1x128xi32, #tpu.memory_space<vmem>> -> memref<128xi32, #tpu.memory_space<vmem>>
      %dma_start3A_349 = arith.constant 0 : i32
      %dma_start3A_350 = tpu.memref_slice %arg18[%dma_start3A_349] : memref<102400xf32, #tpu.memory_space<vmem_shared>> -> memref<102400xf32, #tpu.memory_space<vmem_shared>>
      tpu.enqueue_indirect_dma source(%dma_start3A_345 : memref<128xf32, #tpu.memory_space<vmem>>) target(%dma_start3A_350 : memref<102400xf32, #tpu.memory_space<vmem_shared>>) offsets(%dma_start3A_348 : memref<128xi32, #tpu.memory_space<vmem>>) semaphore(%arg21 : memref<!tpu.dma_semaphore, #tpu.memory_space<semaphore_mem>>) {add = true}
      %dma_start3A_351 = arith.constant 6 : i32
      %dma_start3A_352 = arith.constant 6 : i32
      %dma_start3A_353 = arith.constant 0 : i32
      %dma_start3A_354 = tpu.memref_slice %arg12[%dma_start3A_351, %dma_start3A_353] : memref<16x128xf32, #tpu.memory_space<vmem>> -> memref<1x128xf32, #tpu.memory_space<vmem>>
      %dma_start3A_355 = tpu.memref_squeeze %dma_start3A_354 : memref<1x128xf32, #tpu.memory_space<vmem>> -> memref<128xf32, #tpu.memory_space<vmem>>
      %dma_start3A_356 = arith.constant 0 : i32
      %dma_start3A_357 = tpu.memref_slice %arg9[%dma_start3A_352, %dma_start3A_356] : memref<16x128xi32, #tpu.memory_space<vmem>> -> memref<1x128xi32, #tpu.memory_space<vmem>>
      %dma_start3A_358 = tpu.memref_squeeze %dma_start3A_357 : memref<1x128xi32, #tpu.memory_space<vmem>> -> memref<128xi32, #tpu.memory_space<vmem>>
      %dma_start3A_359 = arith.constant 0 : i32
      %dma_start3A_360 = tpu.memref_slice %arg18[%dma_start3A_359] : memref<102400xf32, #tpu.memory_space<vmem_shared>> -> memref<102400xf32, #tpu.memory_space<vmem_shared>>
      tpu.enqueue_indirect_dma source(%dma_start3A_355 : memref<128xf32, #tpu.memory_space<vmem>>) target(%dma_start3A_360 : memref<102400xf32, #tpu.memory_space<vmem_shared>>) offsets(%dma_start3A_358 : memref<128xi32, #tpu.memory_space<vmem>>) semaphore(%arg21 : memref<!tpu.dma_semaphore, #tpu.memory_space<semaphore_mem>>) {add = true}
      %dma_start3A_361 = arith.constant 7 : i32
      %dma_start3A_362 = arith.constant 7 : i32
      %dma_start3A_363 = arith.constant 0 : i32
      %dma_start3A_364 = tpu.memref_slice %arg12[%dma_start3A_361, %dma_start3A_363] : memref<16x128xf32, #tpu.memory_space<vmem>> -> memref<1x128xf32, #tpu.memory_space<vmem>>
      %dma_start3A_365 = tpu.memref_squeeze %dma_start3A_364 : memref<1x128xf32, #tpu.memory_space<vmem>> -> memref<128xf32, #tpu.memory_space<vmem>>
      %dma_start3A_366 = arith.constant 0 : i32
      %dma_start3A_367 = tpu.memref_slice %arg9[%dma_start3A_362, %dma_start3A_366] : memref<16x128xi32, #tpu.memory_space<vmem>> -> memref<1x128xi32, #tpu.memory_space<vmem>>
      %dma_start3A_368 = tpu.memref_squeeze %dma_start3A_367 : memref<1x128xi32, #tpu.memory_space<vmem>> -> memref<128xi32, #tpu.memory_space<vmem>>
      %dma_start3A_369 = arith.constant 0 : i32
      %dma_start3A_370 = tpu.memref_slice %arg18[%dma_start3A_369] : memref<102400xf32, #tpu.memory_space<vmem_shared>> -> memref<102400xf32, #tpu.memory_space<vmem_shared>>
      tpu.enqueue_indirect_dma source(%dma_start3A_365 : memref<128xf32, #tpu.memory_space<vmem>>) target(%dma_start3A_370 : memref<102400xf32, #tpu.memory_space<vmem_shared>>) offsets(%dma_start3A_368 : memref<128xi32, #tpu.memory_space<vmem>>) semaphore(%arg21 : memref<!tpu.dma_semaphore, #tpu.memory_space<semaphore_mem>>) {add = true}
      %dma_start3A_371 = arith.constant 8 : i32
      %dma_start3A_372 = arith.constant 8 : i32
      %dma_start3A_373 = arith.constant 0 : i32
      %dma_start3A_374 = tpu.memref_slice %arg12[%dma_start3A_371, %dma_start3A_373] : memref<16x128xf32, #tpu.memory_space<vmem>> -> memref<1x128xf32, #tpu.memory_space<vmem>>
      %dma_start3A_375 = tpu.memref_squeeze %dma_start3A_374 : memref<1x128xf32, #tpu.memory_space<vmem>> -> memref<128xf32, #tpu.memory_space<vmem>>
      %dma_start3A_376 = arith.constant 0 : i32
      %dma_start3A_377 = tpu.memref_slice %arg9[%dma_start3A_372, %dma_start3A_376] : memref<16x128xi32, #tpu.memory_space<vmem>> -> memref<1x128xi32, #tpu.memory_space<vmem>>
      %dma_start3A_378 = tpu.memref_squeeze %dma_start3A_377 : memref<1x128xi32, #tpu.memory_space<vmem>> -> memref<128xi32, #tpu.memory_space<vmem>>
      %dma_start3A_379 = arith.constant 0 : i32
      %dma_start3A_380 = tpu.memref_slice %arg18[%dma_start3A_379] : memref<102400xf32, #tpu.memory_space<vmem_shared>> -> memref<102400xf32, #tpu.memory_space<vmem_shared>>
      tpu.enqueue_indirect_dma source(%dma_start3A_375 : memref<128xf32, #tpu.memory_space<vmem>>) target(%dma_start3A_380 : memref<102400xf32, #tpu.memory_space<vmem_shared>>) offsets(%dma_start3A_378 : memref<128xi32, #tpu.memory_space<vmem>>) semaphore(%arg21 : memref<!tpu.dma_semaphore, #tpu.memory_space<semaphore_mem>>) {add = true}
      %dma_start3A_381 = arith.constant 9 : i32
      %dma_start3A_382 = arith.constant 9 : i32
      %dma_start3A_383 = arith.constant 0 : i32
      %dma_start3A_384 = tpu.memref_slice %arg12[%dma_start3A_381, %dma_start3A_383] : memref<16x128xf32, #tpu.memory_space<vmem>> -> memref<1x128xf32, #tpu.memory_space<vmem>>
      %dma_start3A_385 = tpu.memref_squeeze %dma_start3A_384 : memref<1x128xf32, #tpu.memory_space<vmem>> -> memref<128xf32, #tpu.memory_space<vmem>>
      %dma_start3A_386 = arith.constant 0 : i32
      %dma_start3A_387 = tpu.memref_slice %arg9[%dma_start3A_382, %dma_start3A_386] : memref<16x128xi32, #tpu.memory_space<vmem>> -> memref<1x128xi32, #tpu.memory_space<vmem>>
      %dma_start3A_388 = tpu.memref_squeeze %dma_start3A_387 : memref<1x128xi32, #tpu.memory_space<vmem>> -> memref<128xi32, #tpu.memory_space<vmem>>
      %dma_start3A_389 = arith.constant 0 : i32
      %dma_start3A_390 = tpu.memref_slice %arg18[%dma_start3A_389] : memref<102400xf32, #tpu.memory_space<vmem_shared>> -> memref<102400xf32, #tpu.memory_space<vmem_shared>>
      tpu.enqueue_indirect_dma source(%dma_start3A_385 : memref<128xf32, #tpu.memory_space<vmem>>) target(%dma_start3A_390 : memref<102400xf32, #tpu.memory_space<vmem_shared>>) offsets(%dma_start3A_388 : memref<128xi32, #tpu.memory_space<vmem>>) semaphore(%arg21 : memref<!tpu.dma_semaphore, #tpu.memory_space<semaphore_mem>>) {add = true}
      %dma_start3A_391 = arith.constant 10 : i32
      %dma_start3A_392 = arith.constant 10 : i32
      %dma_start3A_393 = arith.constant 0 : i32
      %dma_start3A_394 = tpu.memref_slice %arg12[%dma_start3A_391, %dma_start3A_393] : memref<16x128xf32, #tpu.memory_space<vmem>> -> memref<1x128xf32, #tpu.memory_space<vmem>>
      %dma_start3A_395 = tpu.memref_squeeze %dma_start3A_394 : memref<1x128xf32, #tpu.memory_space<vmem>> -> memref<128xf32, #tpu.memory_space<vmem>>
      %dma_start3A_396 = arith.constant 0 : i32
      %dma_start3A_397 = tpu.memref_slice %arg9[%dma_start3A_392, %dma_start3A_396] : memref<16x128xi32, #tpu.memory_space<vmem>> -> memref<1x128xi32, #tpu.memory_space<vmem>>
      %dma_start3A_398 = tpu.memref_squeeze %dma_start3A_397 : memref<1x128xi32, #tpu.memory_space<vmem>> -> memref<128xi32, #tpu.memory_space<vmem>>
      %dma_start3A_399 = arith.constant 0 : i32
      %dma_start3A_400 = tpu.memref_slice %arg18[%dma_start3A_399] : memref<102400xf32, #tpu.memory_space<vmem_shared>> -> memref<102400xf32, #tpu.memory_space<vmem_shared>>
      tpu.enqueue_indirect_dma source(%dma_start3A_395 : memref<128xf32, #tpu.memory_space<vmem>>) target(%dma_start3A_400 : memref<102400xf32, #tpu.memory_space<vmem_shared>>) offsets(%dma_start3A_398 : memref<128xi32, #tpu.memory_space<vmem>>) semaphore(%arg21 : memref<!tpu.dma_semaphore, #tpu.memory_space<semaphore_mem>>) {add = true}
      %dma_start3A_401 = arith.constant 11 : i32
      %dma_start3A_402 = arith.constant 11 : i32
      %dma_start3A_403 = arith.constant 0 : i32
      %dma_start3A_404 = tpu.memref_slice %arg12[%dma_start3A_401, %dma_start3A_403] : memref<16x128xf32, #tpu.memory_space<vmem>> -> memref<1x128xf32, #tpu.memory_space<vmem>>
      %dma_start3A_405 = tpu.memref_squeeze %dma_start3A_404 : memref<1x128xf32, #tpu.memory_space<vmem>> -> memref<128xf32, #tpu.memory_space<vmem>>
      %dma_start3A_406 = arith.constant 0 : i32
      %dma_start3A_407 = tpu.memref_slice %arg9[%dma_start3A_402, %dma_start3A_406] : memref<16x128xi32, #tpu.memory_space<vmem>> -> memref<1x128xi32, #tpu.memory_space<vmem>>
      %dma_start3A_408 = tpu.memref_squeeze %dma_start3A_407 : memref<1x128xi32, #tpu.memory_space<vmem>> -> memref<128xi32, #tpu.memory_space<vmem>>
      %dma_start3A_409 = arith.constant 0 : i32
      %dma_start3A_410 = tpu.memref_slice %arg18[%dma_start3A_409] : memref<102400xf32, #tpu.memory_space<vmem_shared>> -> memref<102400xf32, #tpu.memory_space<vmem_shared>>
      tpu.enqueue_indirect_dma source(%dma_start3A_405 : memref<128xf32, #tpu.memory_space<vmem>>) target(%dma_start3A_410 : memref<102400xf32, #tpu.memory_space<vmem_shared>>) offsets(%dma_start3A_408 : memref<128xi32, #tpu.memory_space<vmem>>) semaphore(%arg21 : memref<!tpu.dma_semaphore, #tpu.memory_space<semaphore_mem>>) {add = true}
      %dma_start3A_411 = arith.constant 12 : i32
      %dma_start3A_412 = arith.constant 12 : i32
      %dma_start3A_413 = arith.constant 0 : i32
      %dma_start3A_414 = tpu.memref_slice %arg12[%dma_start3A_411, %dma_start3A_413] : memref<16x128xf32, #tpu.memory_space<vmem>> -> memref<1x128xf32, #tpu.memory_space<vmem>>
      %dma_start3A_415 = tpu.memref_squeeze %dma_start3A_414 : memref<1x128xf32, #tpu.memory_space<vmem>> -> memref<128xf32, #tpu.memory_space<vmem>>
      %dma_start3A_416 = arith.constant 0 : i32
      %dma_start3A_417 = tpu.memref_slice %arg9[%dma_start3A_412, %dma_start3A_416] : memref<16x128xi32, #tpu.memory_space<vmem>> -> memref<1x128xi32, #tpu.memory_space<vmem>>
      %dma_start3A_418 = tpu.memref_squeeze %dma_start3A_417 : memref<1x128xi32, #tpu.memory_space<vmem>> -> memref<128xi32, #tpu.memory_space<vmem>>
      %dma_start3A_419 = arith.constant 0 : i32
      %dma_start3A_420 = tpu.memref_slice %arg18[%dma_start3A_419] : memref<102400xf32, #tpu.memory_space<vmem_shared>> -> memref<102400xf32, #tpu.memory_space<vmem_shared>>
      tpu.enqueue_indirect_dma source(%dma_start3A_415 : memref<128xf32, #tpu.memory_space<vmem>>) target(%dma_start3A_420 : memref<102400xf32, #tpu.memory_space<vmem_shared>>) offsets(%dma_start3A_418 : memref<128xi32, #tpu.memory_space<vmem>>) semaphore(%arg21 : memref<!tpu.dma_semaphore, #tpu.memory_space<semaphore_mem>>) {add = true}
      %dma_start3A_421 = arith.constant 13 : i32
      %dma_start3A_422 = arith.constant 13 : i32
      %dma_start3A_423 = arith.constant 0 : i32
      %dma_start3A_424 = tpu.memref_slice %arg12[%dma_start3A_421, %dma_start3A_423] : memref<16x128xf32, #tpu.memory_space<vmem>> -> memref<1x128xf32, #tpu.memory_space<vmem>>
      %dma_start3A_425 = tpu.memref_squeeze %dma_start3A_424 : memref<1x128xf32, #tpu.memory_space<vmem>> -> memref<128xf32, #tpu.memory_space<vmem>>
      %dma_start3A_426 = arith.constant 0 : i32
      %dma_start3A_427 = tpu.memref_slice %arg9[%dma_start3A_422, %dma_start3A_426] : memref<16x128xi32, #tpu.memory_space<vmem>> -> memref<1x128xi32, #tpu.memory_space<vmem>>
      %dma_start3A_428 = tpu.memref_squeeze %dma_start3A_427 : memref<1x128xi32, #tpu.memory_space<vmem>> -> memref<128xi32, #tpu.memory_space<vmem>>
      %dma_start3A_429 = arith.constant 0 : i32
      %dma_start3A_430 = tpu.memref_slice %arg18[%dma_start3A_429] : memref<102400xf32, #tpu.memory_space<vmem_shared>> -> memref<102400xf32, #tpu.memory_space<vmem_shared>>
      tpu.enqueue_indirect_dma source(%dma_start3A_425 : memref<128xf32, #tpu.memory_space<vmem>>) target(%dma_start3A_430 : memref<102400xf32, #tpu.memory_space<vmem_shared>>) offsets(%dma_start3A_428 : memref<128xi32, #tpu.memory_space<vmem>>) semaphore(%arg21 : memref<!tpu.dma_semaphore, #tpu.memory_space<semaphore_mem>>) {add = true}
      %dma_start3A_431 = arith.constant 14 : i32
      %dma_start3A_432 = arith.constant 14 : i32
      %dma_start3A_433 = arith.constant 0 : i32
      %dma_start3A_434 = tpu.memref_slice %arg12[%dma_start3A_431, %dma_start3A_433] : memref<16x128xf32, #tpu.memory_space<vmem>> -> memref<1x128xf32, #tpu.memory_space<vmem>>
      %dma_start3A_435 = tpu.memref_squeeze %dma_start3A_434 : memref<1x128xf32, #tpu.memory_space<vmem>> -> memref<128xf32, #tpu.memory_space<vmem>>
      %dma_start3A_436 = arith.constant 0 : i32
      %dma_start3A_437 = tpu.memref_slice %arg9[%dma_start3A_432, %dma_start3A_436] : memref<16x128xi32, #tpu.memory_space<vmem>> -> memref<1x128xi32, #tpu.memory_space<vmem>>
      %dma_start3A_438 = tpu.memref_squeeze %dma_start3A_437 : memref<1x128xi32, #tpu.memory_space<vmem>> -> memref<128xi32, #tpu.memory_space<vmem>>
      %dma_start3A_439 = arith.constant 0 : i32
      %dma_start3A_440 = tpu.memref_slice %arg18[%dma_start3A_439] : memref<102400xf32, #tpu.memory_space<vmem_shared>> -> memref<102400xf32, #tpu.memory_space<vmem_shared>>
      tpu.enqueue_indirect_dma source(%dma_start3A_435 : memref<128xf32, #tpu.memory_space<vmem>>) target(%dma_start3A_440 : memref<102400xf32, #tpu.memory_space<vmem_shared>>) offsets(%dma_start3A_438 : memref<128xi32, #tpu.memory_space<vmem>>) semaphore(%arg21 : memref<!tpu.dma_semaphore, #tpu.memory_space<semaphore_mem>>) {add = true}
      %dma_start3A_441 = arith.constant 15 : i32
      %dma_start3A_442 = arith.constant 15 : i32
      %dma_start3A_443 = arith.constant 0 : i32
      %dma_start3A_444 = tpu.memref_slice %arg12[%dma_start3A_441, %dma_start3A_443] : memref<16x128xf32, #tpu.memory_space<vmem>> -> memref<1x128xf32, #tpu.memory_space<vmem>>
      %dma_start3A_445 = tpu.memref_squeeze %dma_start3A_444 : memref<1x128xf32, #tpu.memory_space<vmem>> -> memref<128xf32, #tpu.memory_space<vmem>>
      %dma_start3A_446 = arith.constant 0 : i32
      %dma_start3A_447 = tpu.memref_slice %arg9[%dma_start3A_442, %dma_start3A_446] : memref<16x128xi32, #tpu.memory_space<vmem>> -> memref<1x128xi32, #tpu.memory_space<vmem>>
      %dma_start3A_448 = tpu.memref_squeeze %dma_start3A_447 : memref<1x128xi32, #tpu.memory_space<vmem>> -> memref<128xi32, #tpu.memory_space<vmem>>
      %dma_start3A_449 = arith.constant 0 : i32
      %dma_start3A_450 = tpu.memref_slice %arg18[%dma_start3A_449] : memref<102400xf32, #tpu.memory_space<vmem_shared>> -> memref<102400xf32, #tpu.memory_space<vmem_shared>>
      tpu.enqueue_indirect_dma source(%dma_start3A_445 : memref<128xf32, #tpu.memory_space<vmem>>) target(%dma_start3A_450 : memref<102400xf32, #tpu.memory_space<vmem_shared>>) offsets(%dma_start3A_448 : memref<128xi32, #tpu.memory_space<vmem>>) semaphore(%arg21 : memref<!tpu.dma_semaphore, #tpu.memory_space<semaphore_mem>>) {add = true}
      %dma_wait3A_451 = arith.constant 0 : i32
      %dma_wait3A_452 = arith.constant 0 : i32
      %dma_wait3A_453 = arith.constant 0 : i32
      %dma_wait3A_454 = tpu.memref_slice %arg12[%dma_wait3A_451, %dma_wait3A_453] : memref<16x128xf32, #tpu.memory_space<vmem>> -> memref<1x128xf32, #tpu.memory_space<vmem>>
      %dma_wait3A_455 = tpu.memref_squeeze %dma_wait3A_454 : memref<1x128xf32, #tpu.memory_space<vmem>> -> memref<128xf32, #tpu.memory_space<vmem>>
      %dma_wait3A_456 = arith.constant 0 : i32
      %dma_wait3A_457 = tpu.memref_slice %arg9[%dma_wait3A_452, %dma_wait3A_456] : memref<16x128xi32, #tpu.memory_space<vmem>> -> memref<1x128xi32, #tpu.memory_space<vmem>>
      %dma_wait3A_458 = tpu.memref_squeeze %dma_wait3A_457 : memref<1x128xi32, #tpu.memory_space<vmem>> -> memref<128xi32, #tpu.memory_space<vmem>>
      %dma_wait3A_459 = arith.constant 0 : i32
      %dma_wait3A_460 = tpu.memref_slice %arg18[%dma_wait3A_459] : memref<102400xf32, #tpu.memory_space<vmem_shared>> -> memref<102400xf32, #tpu.memory_space<vmem_shared>>
      tpu.wait_indirect_dma semaphore(%arg21 : memref<!tpu.dma_semaphore, #tpu.memory_space<semaphore_mem>>) src(%dma_wait3A_455 : memref<128xf32, #tpu.memory_space<vmem>>) dst(%dma_wait3A_460 : memref<102400xf32, #tpu.memory_space<vmem_shared>>)
      %dma_wait3A_461 = arith.constant 1 : i32
      %dma_wait3A_462 = arith.constant 1 : i32
      %dma_wait3A_463 = arith.constant 0 : i32
      %dma_wait3A_464 = tpu.memref_slice %arg12[%dma_wait3A_461, %dma_wait3A_463] : memref<16x128xf32, #tpu.memory_space<vmem>> -> memref<1x128xf32, #tpu.memory_space<vmem>>
      %dma_wait3A_465 = tpu.memref_squeeze %dma_wait3A_464 : memref<1x128xf32, #tpu.memory_space<vmem>> -> memref<128xf32, #tpu.memory_space<vmem>>
      %dma_wait3A_466 = arith.constant 0 : i32
      %dma_wait3A_467 = tpu.memref_slice %arg9[%dma_wait3A_462, %dma_wait3A_466] : memref<16x128xi32, #tpu.memory_space<vmem>> -> memref<1x128xi32, #tpu.memory_space<vmem>>
      %dma_wait3A_468 = tpu.memref_squeeze %dma_wait3A_467 : memref<1x128xi32, #tpu.memory_space<vmem>> -> memref<128xi32, #tpu.memory_space<vmem>>
      %dma_wait3A_469 = arith.constant 0 : i32
      %dma_wait3A_470 = tpu.memref_slice %arg18[%dma_wait3A_469] : memref<102400xf32, #tpu.memory_space<vmem_shared>> -> memref<102400xf32, #tpu.memory_space<vmem_shared>>
      tpu.wait_indirect_dma semaphore(%arg21 : memref<!tpu.dma_semaphore, #tpu.memory_space<semaphore_mem>>) src(%dma_wait3A_465 : memref<128xf32, #tpu.memory_space<vmem>>) dst(%dma_wait3A_470 : memref<102400xf32, #tpu.memory_space<vmem_shared>>)
      %dma_wait3A_471 = arith.constant 2 : i32
      %dma_wait3A_472 = arith.constant 2 : i32
      %dma_wait3A_473 = arith.constant 0 : i32
      %dma_wait3A_474 = tpu.memref_slice %arg12[%dma_wait3A_471, %dma_wait3A_473] : memref<16x128xf32, #tpu.memory_space<vmem>> -> memref<1x128xf32, #tpu.memory_space<vmem>>
      %dma_wait3A_475 = tpu.memref_squeeze %dma_wait3A_474 : memref<1x128xf32, #tpu.memory_space<vmem>> -> memref<128xf32, #tpu.memory_space<vmem>>
      %dma_wait3A_476 = arith.constant 0 : i32
      %dma_wait3A_477 = tpu.memref_slice %arg9[%dma_wait3A_472, %dma_wait3A_476] : memref<16x128xi32, #tpu.memory_space<vmem>> -> memref<1x128xi32, #tpu.memory_space<vmem>>
      %dma_wait3A_478 = tpu.memref_squeeze %dma_wait3A_477 : memref<1x128xi32, #tpu.memory_space<vmem>> -> memref<128xi32, #tpu.memory_space<vmem>>
      %dma_wait3A_479 = arith.constant 0 : i32
      %dma_wait3A_480 = tpu.memref_slice %arg18[%dma_wait3A_479] : memref<102400xf32, #tpu.memory_space<vmem_shared>> -> memref<102400xf32, #tpu.memory_space<vmem_shared>>
      tpu.wait_indirect_dma semaphore(%arg21 : memref<!tpu.dma_semaphore, #tpu.memory_space<semaphore_mem>>) src(%dma_wait3A_475 : memref<128xf32, #tpu.memory_space<vmem>>) dst(%dma_wait3A_480 : memref<102400xf32, #tpu.memory_space<vmem_shared>>)
      %dma_wait3A_481 = arith.constant 3 : i32
      %dma_wait3A_482 = arith.constant 3 : i32
      %dma_wait3A_483 = arith.constant 0 : i32
      %dma_wait3A_484 = tpu.memref_slice %arg12[%dma_wait3A_481, %dma_wait3A_483] : memref<16x128xf32, #tpu.memory_space<vmem>> -> memref<1x128xf32, #tpu.memory_space<vmem>>
      %dma_wait3A_485 = tpu.memref_squeeze %dma_wait3A_484 : memref<1x128xf32, #tpu.memory_space<vmem>> -> memref<128xf32, #tpu.memory_space<vmem>>
      %dma_wait3A_486 = arith.constant 0 : i32
      %dma_wait3A_487 = tpu.memref_slice %arg9[%dma_wait3A_482, %dma_wait3A_486] : memref<16x128xi32, #tpu.memory_space<vmem>> -> memref<1x128xi32, #tpu.memory_space<vmem>>
      %dma_wait3A_488 = tpu.memref_squeeze %dma_wait3A_487 : memref<1x128xi32, #tpu.memory_space<vmem>> -> memref<128xi32, #tpu.memory_space<vmem>>
      %dma_wait3A_489 = arith.constant 0 : i32
      %dma_wait3A_490 = tpu.memref_slice %arg18[%dma_wait3A_489] : memref<102400xf32, #tpu.memory_space<vmem_shared>> -> memref<102400xf32, #tpu.memory_space<vmem_shared>>
      tpu.wait_indirect_dma semaphore(%arg21 : memref<!tpu.dma_semaphore, #tpu.memory_space<semaphore_mem>>) src(%dma_wait3A_485 : memref<128xf32, #tpu.memory_space<vmem>>) dst(%dma_wait3A_490 : memref<102400xf32, #tpu.memory_space<vmem_shared>>)
      %dma_wait3A_491 = arith.constant 4 : i32
      %dma_wait3A_492 = arith.constant 4 : i32
      %dma_wait3A_493 = arith.constant 0 : i32
      %dma_wait3A_494 = tpu.memref_slice %arg12[%dma_wait3A_491, %dma_wait3A_493] : memref<16x128xf32, #tpu.memory_space<vmem>> -> memref<1x128xf32, #tpu.memory_space<vmem>>
      %dma_wait3A_495 = tpu.memref_squeeze %dma_wait3A_494 : memref<1x128xf32, #tpu.memory_space<vmem>> -> memref<128xf32, #tpu.memory_space<vmem>>
      %dma_wait3A_496 = arith.constant 0 : i32
      %dma_wait3A_497 = tpu.memref_slice %arg9[%dma_wait3A_492, %dma_wait3A_496] : memref<16x128xi32, #tpu.memory_space<vmem>> -> memref<1x128xi32, #tpu.memory_space<vmem>>
      %dma_wait3A_498 = tpu.memref_squeeze %dma_wait3A_497 : memref<1x128xi32, #tpu.memory_space<vmem>> -> memref<128xi32, #tpu.memory_space<vmem>>
      %dma_wait3A_499 = arith.constant 0 : i32
      %dma_wait3A_500 = tpu.memref_slice %arg18[%dma_wait3A_499] : memref<102400xf32, #tpu.memory_space<vmem_shared>> -> memref<102400xf32, #tpu.memory_space<vmem_shared>>
      tpu.wait_indirect_dma semaphore(%arg21 : memref<!tpu.dma_semaphore, #tpu.memory_space<semaphore_mem>>) src(%dma_wait3A_495 : memref<128xf32, #tpu.memory_space<vmem>>) dst(%dma_wait3A_500 : memref<102400xf32, #tpu.memory_space<vmem_shared>>)
      %dma_wait3A_501 = arith.constant 5 : i32
      %dma_wait3A_502 = arith.constant 5 : i32
      %dma_wait3A_503 = arith.constant 0 : i32
      %dma_wait3A_504 = tpu.memref_slice %arg12[%dma_wait3A_501, %dma_wait3A_503] : memref<16x128xf32, #tpu.memory_space<vmem>> -> memref<1x128xf32, #tpu.memory_space<vmem>>
      %dma_wait3A_505 = tpu.memref_squeeze %dma_wait3A_504 : memref<1x128xf32, #tpu.memory_space<vmem>> -> memref<128xf32, #tpu.memory_space<vmem>>
      %dma_wait3A_506 = arith.constant 0 : i32
      %dma_wait3A_507 = tpu.memref_slice %arg9[%dma_wait3A_502, %dma_wait3A_506] : memref<16x128xi32, #tpu.memory_space<vmem>> -> memref<1x128xi32, #tpu.memory_space<vmem>>
      %dma_wait3A_508 = tpu.memref_squeeze %dma_wait3A_507 : memref<1x128xi32, #tpu.memory_space<vmem>> -> memref<128xi32, #tpu.memory_space<vmem>>
      %dma_wait3A_509 = arith.constant 0 : i32
      %dma_wait3A_510 = tpu.memref_slice %arg18[%dma_wait3A_509] : memref<102400xf32, #tpu.memory_space<vmem_shared>> -> memref<102400xf32, #tpu.memory_space<vmem_shared>>
      tpu.wait_indirect_dma semaphore(%arg21 : memref<!tpu.dma_semaphore, #tpu.memory_space<semaphore_mem>>) src(%dma_wait3A_505 : memref<128xf32, #tpu.memory_space<vmem>>) dst(%dma_wait3A_510 : memref<102400xf32, #tpu.memory_space<vmem_shared>>)
      %dma_wait3A_511 = arith.constant 6 : i32
      %dma_wait3A_512 = arith.constant 6 : i32
      %dma_wait3A_513 = arith.constant 0 : i32
      %dma_wait3A_514 = tpu.memref_slice %arg12[%dma_wait3A_511, %dma_wait3A_513] : memref<16x128xf32, #tpu.memory_space<vmem>> -> memref<1x128xf32, #tpu.memory_space<vmem>>
      %dma_wait3A_515 = tpu.memref_squeeze %dma_wait3A_514 : memref<1x128xf32, #tpu.memory_space<vmem>> -> memref<128xf32, #tpu.memory_space<vmem>>
      %dma_wait3A_516 = arith.constant 0 : i32
      %dma_wait3A_517 = tpu.memref_slice %arg9[%dma_wait3A_512, %dma_wait3A_516] : memref<16x128xi32, #tpu.memory_space<vmem>> -> memref<1x128xi32, #tpu.memory_space<vmem>>
      %dma_wait3A_518 = tpu.memref_squeeze %dma_wait3A_517 : memref<1x128xi32, #tpu.memory_space<vmem>> -> memref<128xi32, #tpu.memory_space<vmem>>
      %dma_wait3A_519 = arith.constant 0 : i32
      %dma_wait3A_520 = tpu.memref_slice %arg18[%dma_wait3A_519] : memref<102400xf32, #tpu.memory_space<vmem_shared>> -> memref<102400xf32, #tpu.memory_space<vmem_shared>>
      tpu.wait_indirect_dma semaphore(%arg21 : memref<!tpu.dma_semaphore, #tpu.memory_space<semaphore_mem>>) src(%dma_wait3A_515 : memref<128xf32, #tpu.memory_space<vmem>>) dst(%dma_wait3A_520 : memref<102400xf32, #tpu.memory_space<vmem_shared>>)
      %dma_wait3A_521 = arith.constant 7 : i32
      %dma_wait3A_522 = arith.constant 7 : i32
      %dma_wait3A_523 = arith.constant 0 : i32
      %dma_wait3A_524 = tpu.memref_slice %arg12[%dma_wait3A_521, %dma_wait3A_523] : memref<16x128xf32, #tpu.memory_space<vmem>> -> memref<1x128xf32, #tpu.memory_space<vmem>>
      %dma_wait3A_525 = tpu.memref_squeeze %dma_wait3A_524 : memref<1x128xf32, #tpu.memory_space<vmem>> -> memref<128xf32, #tpu.memory_space<vmem>>
      %dma_wait3A_526 = arith.constant 0 : i32
      %dma_wait3A_527 = tpu.memref_slice %arg9[%dma_wait3A_522, %dma_wait3A_526] : memref<16x128xi32, #tpu.memory_space<vmem>> -> memref<1x128xi32, #tpu.memory_space<vmem>>
      %dma_wait3A_528 = tpu.memref_squeeze %dma_wait3A_527 : memref<1x128xi32, #tpu.memory_space<vmem>> -> memref<128xi32, #tpu.memory_space<vmem>>
      %dma_wait3A_529 = arith.constant 0 : i32
      %dma_wait3A_530 = tpu.memref_slice %arg18[%dma_wait3A_529] : memref<102400xf32, #tpu.memory_space<vmem_shared>> -> memref<102400xf32, #tpu.memory_space<vmem_shared>>
      tpu.wait_indirect_dma semaphore(%arg21 : memref<!tpu.dma_semaphore, #tpu.memory_space<semaphore_mem>>) src(%dma_wait3A_525 : memref<128xf32, #tpu.memory_space<vmem>>) dst(%dma_wait3A_530 : memref<102400xf32, #tpu.memory_space<vmem_shared>>)
      %dma_wait3A_531 = arith.constant 8 : i32
      %dma_wait3A_532 = arith.constant 8 : i32
      %dma_wait3A_533 = arith.constant 0 : i32
      %dma_wait3A_534 = tpu.memref_slice %arg12[%dma_wait3A_531, %dma_wait3A_533] : memref<16x128xf32, #tpu.memory_space<vmem>> -> memref<1x128xf32, #tpu.memory_space<vmem>>
      %dma_wait3A_535 = tpu.memref_squeeze %dma_wait3A_534 : memref<1x128xf32, #tpu.memory_space<vmem>> -> memref<128xf32, #tpu.memory_space<vmem>>
      %dma_wait3A_536 = arith.constant 0 : i32
      %dma_wait3A_537 = tpu.memref_slice %arg9[%dma_wait3A_532, %dma_wait3A_536] : memref<16x128xi32, #tpu.memory_space<vmem>> -> memref<1x128xi32, #tpu.memory_space<vmem>>
      %dma_wait3A_538 = tpu.memref_squeeze %dma_wait3A_537 : memref<1x128xi32, #tpu.memory_space<vmem>> -> memref<128xi32, #tpu.memory_space<vmem>>
      %dma_wait3A_539 = arith.constant 0 : i32
      %dma_wait3A_540 = tpu.memref_slice %arg18[%dma_wait3A_539] : memref<102400xf32, #tpu.memory_space<vmem_shared>> -> memref<102400xf32, #tpu.memory_space<vmem_shared>>
      tpu.wait_indirect_dma semaphore(%arg21 : memref<!tpu.dma_semaphore, #tpu.memory_space<semaphore_mem>>) src(%dma_wait3A_535 : memref<128xf32, #tpu.memory_space<vmem>>) dst(%dma_wait3A_540 : memref<102400xf32, #tpu.memory_space<vmem_shared>>)
      %dma_wait3A_541 = arith.constant 9 : i32
      %dma_wait3A_542 = arith.constant 9 : i32
      %dma_wait3A_543 = arith.constant 0 : i32
      %dma_wait3A_544 = tpu.memref_slice %arg12[%dma_wait3A_541, %dma_wait3A_543] : memref<16x128xf32, #tpu.memory_space<vmem>> -> memref<1x128xf32, #tpu.memory_space<vmem>>
      %dma_wait3A_545 = tpu.memref_squeeze %dma_wait3A_544 : memref<1x128xf32, #tpu.memory_space<vmem>> -> memref<128xf32, #tpu.memory_space<vmem>>
      %dma_wait3A_546 = arith.constant 0 : i32
      %dma_wait3A_547 = tpu.memref_slice %arg9[%dma_wait3A_542, %dma_wait3A_546] : memref<16x128xi32, #tpu.memory_space<vmem>> -> memref<1x128xi32, #tpu.memory_space<vmem>>
      %dma_wait3A_548 = tpu.memref_squeeze %dma_wait3A_547 : memref<1x128xi32, #tpu.memory_space<vmem>> -> memref<128xi32, #tpu.memory_space<vmem>>
      %dma_wait3A_549 = arith.constant 0 : i32
      %dma_wait3A_550 = tpu.memref_slice %arg18[%dma_wait3A_549] : memref<102400xf32, #tpu.memory_space<vmem_shared>> -> memref<102400xf32, #tpu.memory_space<vmem_shared>>
      tpu.wait_indirect_dma semaphore(%arg21 : memref<!tpu.dma_semaphore, #tpu.memory_space<semaphore_mem>>) src(%dma_wait3A_545 : memref<128xf32, #tpu.memory_space<vmem>>) dst(%dma_wait3A_550 : memref<102400xf32, #tpu.memory_space<vmem_shared>>)
      %dma_wait3A_551 = arith.constant 10 : i32
      %dma_wait3A_552 = arith.constant 10 : i32
      %dma_wait3A_553 = arith.constant 0 : i32
      %dma_wait3A_554 = tpu.memref_slice %arg12[%dma_wait3A_551, %dma_wait3A_553] : memref<16x128xf32, #tpu.memory_space<vmem>> -> memref<1x128xf32, #tpu.memory_space<vmem>>
      %dma_wait3A_555 = tpu.memref_squeeze %dma_wait3A_554 : memref<1x128xf32, #tpu.memory_space<vmem>> -> memref<128xf32, #tpu.memory_space<vmem>>
      %dma_wait3A_556 = arith.constant 0 : i32
      %dma_wait3A_557 = tpu.memref_slice %arg9[%dma_wait3A_552, %dma_wait3A_556] : memref<16x128xi32, #tpu.memory_space<vmem>> -> memref<1x128xi32, #tpu.memory_space<vmem>>
      %dma_wait3A_558 = tpu.memref_squeeze %dma_wait3A_557 : memref<1x128xi32, #tpu.memory_space<vmem>> -> memref<128xi32, #tpu.memory_space<vmem>>
      %dma_wait3A_559 = arith.constant 0 : i32
      %dma_wait3A_560 = tpu.memref_slice %arg18[%dma_wait3A_559] : memref<102400xf32, #tpu.memory_space<vmem_shared>> -> memref<102400xf32, #tpu.memory_space<vmem_shared>>
      tpu.wait_indirect_dma semaphore(%arg21 : memref<!tpu.dma_semaphore, #tpu.memory_space<semaphore_mem>>) src(%dma_wait3A_555 : memref<128xf32, #tpu.memory_space<vmem>>) dst(%dma_wait3A_560 : memref<102400xf32, #tpu.memory_space<vmem_shared>>)
      %dma_wait3A_561 = arith.constant 11 : i32
      %dma_wait3A_562 = arith.constant 11 : i32
      %dma_wait3A_563 = arith.constant 0 : i32
      %dma_wait3A_564 = tpu.memref_slice %arg12[%dma_wait3A_561, %dma_wait3A_563] : memref<16x128xf32, #tpu.memory_space<vmem>> -> memref<1x128xf32, #tpu.memory_space<vmem>>
      %dma_wait3A_565 = tpu.memref_squeeze %dma_wait3A_564 : memref<1x128xf32, #tpu.memory_space<vmem>> -> memref<128xf32, #tpu.memory_space<vmem>>
      %dma_wait3A_566 = arith.constant 0 : i32
      %dma_wait3A_567 = tpu.memref_slice %arg9[%dma_wait3A_562, %dma_wait3A_566] : memref<16x128xi32, #tpu.memory_space<vmem>> -> memref<1x128xi32, #tpu.memory_space<vmem>>
      %dma_wait3A_568 = tpu.memref_squeeze %dma_wait3A_567 : memref<1x128xi32, #tpu.memory_space<vmem>> -> memref<128xi32, #tpu.memory_space<vmem>>
      %dma_wait3A_569 = arith.constant 0 : i32
      %dma_wait3A_570 = tpu.memref_slice %arg18[%dma_wait3A_569] : memref<102400xf32, #tpu.memory_space<vmem_shared>> -> memref<102400xf32, #tpu.memory_space<vmem_shared>>
      tpu.wait_indirect_dma semaphore(%arg21 : memref<!tpu.dma_semaphore, #tpu.memory_space<semaphore_mem>>) src(%dma_wait3A_565 : memref<128xf32, #tpu.memory_space<vmem>>) dst(%dma_wait3A_570 : memref<102400xf32, #tpu.memory_space<vmem_shared>>)
      %dma_wait3A_571 = arith.constant 12 : i32
      %dma_wait3A_572 = arith.constant 12 : i32
      %dma_wait3A_573 = arith.constant 0 : i32
      %dma_wait3A_574 = tpu.memref_slice %arg12[%dma_wait3A_571, %dma_wait3A_573] : memref<16x128xf32, #tpu.memory_space<vmem>> -> memref<1x128xf32, #tpu.memory_space<vmem>>
      %dma_wait3A_575 = tpu.memref_squeeze %dma_wait3A_574 : memref<1x128xf32, #tpu.memory_space<vmem>> -> memref<128xf32, #tpu.memory_space<vmem>>
      %dma_wait3A_576 = arith.constant 0 : i32
      %dma_wait3A_577 = tpu.memref_slice %arg9[%dma_wait3A_572, %dma_wait3A_576] : memref<16x128xi32, #tpu.memory_space<vmem>> -> memref<1x128xi32, #tpu.memory_space<vmem>>
      %dma_wait3A_578 = tpu.memref_squeeze %dma_wait3A_577 : memref<1x128xi32, #tpu.memory_space<vmem>> -> memref<128xi32, #tpu.memory_space<vmem>>
      %dma_wait3A_579 = arith.constant 0 : i32
      %dma_wait3A_580 = tpu.memref_slice %arg18[%dma_wait3A_579] : memref<102400xf32, #tpu.memory_space<vmem_shared>> -> memref<102400xf32, #tpu.memory_space<vmem_shared>>
      tpu.wait_indirect_dma semaphore(%arg21 : memref<!tpu.dma_semaphore, #tpu.memory_space<semaphore_mem>>) src(%dma_wait3A_575 : memref<128xf32, #tpu.memory_space<vmem>>) dst(%dma_wait3A_580 : memref<102400xf32, #tpu.memory_space<vmem_shared>>)
      %dma_wait3A_581 = arith.constant 13 : i32
      %dma_wait3A_582 = arith.constant 13 : i32
      %dma_wait3A_583 = arith.constant 0 : i32
      %dma_wait3A_584 = tpu.memref_slice %arg12[%dma_wait3A_581, %dma_wait3A_583] : memref<16x128xf32, #tpu.memory_space<vmem>> -> memref<1x128xf32, #tpu.memory_space<vmem>>
      %dma_wait3A_585 = tpu.memref_squeeze %dma_wait3A_584 : memref<1x128xf32, #tpu.memory_space<vmem>> -> memref<128xf32, #tpu.memory_space<vmem>>
      %dma_wait3A_586 = arith.constant 0 : i32
      %dma_wait3A_587 = tpu.memref_slice %arg9[%dma_wait3A_582, %dma_wait3A_586] : memref<16x128xi32, #tpu.memory_space<vmem>> -> memref<1x128xi32, #tpu.memory_space<vmem>>
      %dma_wait3A_588 = tpu.memref_squeeze %dma_wait3A_587 : memref<1x128xi32, #tpu.memory_space<vmem>> -> memref<128xi32, #tpu.memory_space<vmem>>
      %dma_wait3A_589 = arith.constant 0 : i32
      %dma_wait3A_590 = tpu.memref_slice %arg18[%dma_wait3A_589] : memref<102400xf32, #tpu.memory_space<vmem_shared>> -> memref<102400xf32, #tpu.memory_space<vmem_shared>>
      tpu.wait_indirect_dma semaphore(%arg21 : memref<!tpu.dma_semaphore, #tpu.memory_space<semaphore_mem>>) src(%dma_wait3A_585 : memref<128xf32, #tpu.memory_space<vmem>>) dst(%dma_wait3A_590 : memref<102400xf32, #tpu.memory_space<vmem_shared>>)
      %dma_wait3A_591 = arith.constant 14 : i32
      %dma_wait3A_592 = arith.constant 14 : i32
      %dma_wait3A_593 = arith.constant 0 : i32
      %dma_wait3A_594 = tpu.memref_slice %arg12[%dma_wait3A_591, %dma_wait3A_593] : memref<16x128xf32, #tpu.memory_space<vmem>> -> memref<1x128xf32, #tpu.memory_space<vmem>>
      %dma_wait3A_595 = tpu.memref_squeeze %dma_wait3A_594 : memref<1x128xf32, #tpu.memory_space<vmem>> -> memref<128xf32, #tpu.memory_space<vmem>>
      %dma_wait3A_596 = arith.constant 0 : i32
      %dma_wait3A_597 = tpu.memref_slice %arg9[%dma_wait3A_592, %dma_wait3A_596] : memref<16x128xi32, #tpu.memory_space<vmem>> -> memref<1x128xi32, #tpu.memory_space<vmem>>
      %dma_wait3A_598 = tpu.memref_squeeze %dma_wait3A_597 : memref<1x128xi32, #tpu.memory_space<vmem>> -> memref<128xi32, #tpu.memory_space<vmem>>
      %dma_wait3A_599 = arith.constant 0 : i32
      %dma_wait3A_600 = tpu.memref_slice %arg18[%dma_wait3A_599] : memref<102400xf32, #tpu.memory_space<vmem_shared>> -> memref<102400xf32, #tpu.memory_space<vmem_shared>>
      tpu.wait_indirect_dma semaphore(%arg21 : memref<!tpu.dma_semaphore, #tpu.memory_space<semaphore_mem>>) src(%dma_wait3A_595 : memref<128xf32, #tpu.memory_space<vmem>>) dst(%dma_wait3A_600 : memref<102400xf32, #tpu.memory_space<vmem_shared>>)
      %dma_wait3A_601 = arith.constant 15 : i32
      %dma_wait3A_602 = arith.constant 15 : i32
      %dma_wait3A_603 = arith.constant 0 : i32
      %dma_wait3A_604 = tpu.memref_slice %arg12[%dma_wait3A_601, %dma_wait3A_603] : memref<16x128xf32, #tpu.memory_space<vmem>> -> memref<1x128xf32, #tpu.memory_space<vmem>>
      %dma_wait3A_605 = tpu.memref_squeeze %dma_wait3A_604 : memref<1x128xf32, #tpu.memory_space<vmem>> -> memref<128xf32, #tpu.memory_space<vmem>>
      %dma_wait3A_606 = arith.constant 0 : i32
      %dma_wait3A_607 = tpu.memref_slice %arg9[%dma_wait3A_602, %dma_wait3A_606] : memref<16x128xi32, #tpu.memory_space<vmem>> -> memref<1x128xi32, #tpu.memory_space<vmem>>
      %dma_wait3A_608 = tpu.memref_squeeze %dma_wait3A_607 : memref<1x128xi32, #tpu.memory_space<vmem>> -> memref<128xi32, #tpu.memory_space<vmem>>
      %dma_wait3A_609 = arith.constant 0 : i32
      %dma_wait3A_610 = tpu.memref_slice %arg18[%dma_wait3A_609] : memref<102400xf32, #tpu.memory_space<vmem_shared>> -> memref<102400xf32, #tpu.memory_space<vmem_shared>>
      tpu.wait_indirect_dma semaphore(%arg21 : memref<!tpu.dma_semaphore, #tpu.memory_space<semaphore_mem>>) src(%dma_wait3A_605 : memref<128xf32, #tpu.memory_space<vmem>>) dst(%dma_wait3A_610 : memref<102400xf32, #tpu.memory_space<vmem_shared>>)
    } else {
    }
    %dma_wait3A = arith.constant 0 : i32
    %dma_wait3A_93 = arith.constant 0 : i32
    %dma_wait3A_94 = arith.constant 0 : i32
    %dma_wait3A_95 = tpu.memref_slice %arg16[%dma_wait3A, %dma_wait3A_94] : memref<16x128xf32, #tpu.memory_space<vmem>> -> memref<1x128xf32, #tpu.memory_space<vmem>>
    %dma_wait3A_96 = tpu.memref_squeeze %dma_wait3A_95 : memref<1x128xf32, #tpu.memory_space<vmem>> -> memref<128xf32, #tpu.memory_space<vmem>>
    %dma_wait3A_97 = arith.constant 0 : i32
    %dma_wait3A_98 = tpu.memref_slice %arg13[%dma_wait3A_93, %dma_wait3A_97] : memref<16x128xi32, #tpu.memory_space<vmem>> -> memref<1x128xi32, #tpu.memory_space<vmem>>
    %dma_wait3A_99 = tpu.memref_squeeze %dma_wait3A_98 : memref<1x128xi32, #tpu.memory_space<vmem>> -> memref<128xi32, #tpu.memory_space<vmem>>
    %dma_wait3A_100 = arith.constant 0 : i32
    %dma_wait3A_101 = tpu.memref_slice %arg18[%dma_wait3A_100] : memref<102400xf32, #tpu.memory_space<vmem_shared>> -> memref<102400xf32, #tpu.memory_space<vmem_shared>>
    tpu.wait_indirect_dma semaphore(%arg22 : memref<!tpu.dma_semaphore, #tpu.memory_space<semaphore_mem>>) src(%dma_wait3A_96 : memref<128xf32, #tpu.memory_space<vmem>>) dst(%dma_wait3A_101 : memref<102400xf32, #tpu.memory_space<vmem_shared>>)
    %dma_wait3A_102 = arith.constant 1 : i32
    %dma_wait3A_103 = arith.constant 1 : i32
    %dma_wait3A_104 = arith.constant 0 : i32
    %dma_wait3A_105 = tpu.memref_slice %arg16[%dma_wait3A_102, %dma_wait3A_104] : memref<16x128xf32, #tpu.memory_space<vmem>> -> memref<1x128xf32, #tpu.memory_space<vmem>>
    %dma_wait3A_106 = tpu.memref_squeeze %dma_wait3A_105 : memref<1x128xf32, #tpu.memory_space<vmem>> -> memref<128xf32, #tpu.memory_space<vmem>>
    %dma_wait3A_107 = arith.constant 0 : i32
    %dma_wait3A_108 = tpu.memref_slice %arg13[%dma_wait3A_103, %dma_wait3A_107] : memref<16x128xi32, #tpu.memory_space<vmem>> -> memref<1x128xi32, #tpu.memory_space<vmem>>
    %dma_wait3A_109 = tpu.memref_squeeze %dma_wait3A_108 : memref<1x128xi32, #tpu.memory_space<vmem>> -> memref<128xi32, #tpu.memory_space<vmem>>
    %dma_wait3A_110 = arith.constant 0 : i32
    %dma_wait3A_111 = tpu.memref_slice %arg18[%dma_wait3A_110] : memref<102400xf32, #tpu.memory_space<vmem_shared>> -> memref<102400xf32, #tpu.memory_space<vmem_shared>>
    tpu.wait_indirect_dma semaphore(%arg22 : memref<!tpu.dma_semaphore, #tpu.memory_space<semaphore_mem>>) src(%dma_wait3A_106 : memref<128xf32, #tpu.memory_space<vmem>>) dst(%dma_wait3A_111 : memref<102400xf32, #tpu.memory_space<vmem_shared>>)
    %dma_wait3A_112 = arith.constant 2 : i32
    %dma_wait3A_113 = arith.constant 2 : i32
    %dma_wait3A_114 = arith.constant 0 : i32
    %dma_wait3A_115 = tpu.memref_slice %arg16[%dma_wait3A_112, %dma_wait3A_114] : memref<16x128xf32, #tpu.memory_space<vmem>> -> memref<1x128xf32, #tpu.memory_space<vmem>>
    %dma_wait3A_116 = tpu.memref_squeeze %dma_wait3A_115 : memref<1x128xf32, #tpu.memory_space<vmem>> -> memref<128xf32, #tpu.memory_space<vmem>>
    %dma_wait3A_117 = arith.constant 0 : i32
    %dma_wait3A_118 = tpu.memref_slice %arg13[%dma_wait3A_113, %dma_wait3A_117] : memref<16x128xi32, #tpu.memory_space<vmem>> -> memref<1x128xi32, #tpu.memory_space<vmem>>
    %dma_wait3A_119 = tpu.memref_squeeze %dma_wait3A_118 : memref<1x128xi32, #tpu.memory_space<vmem>> -> memref<128xi32, #tpu.memory_space<vmem>>
    %dma_wait3A_120 = arith.constant 0 : i32
    %dma_wait3A_121 = tpu.memref_slice %arg18[%dma_wait3A_120] : memref<102400xf32, #tpu.memory_space<vmem_shared>> -> memref<102400xf32, #tpu.memory_space<vmem_shared>>
    tpu.wait_indirect_dma semaphore(%arg22 : memref<!tpu.dma_semaphore, #tpu.memory_space<semaphore_mem>>) src(%dma_wait3A_116 : memref<128xf32, #tpu.memory_space<vmem>>) dst(%dma_wait3A_121 : memref<102400xf32, #tpu.memory_space<vmem_shared>>)
    %dma_wait3A_122 = arith.constant 3 : i32
    %dma_wait3A_123 = arith.constant 3 : i32
    %dma_wait3A_124 = arith.constant 0 : i32
    %dma_wait3A_125 = tpu.memref_slice %arg16[%dma_wait3A_122, %dma_wait3A_124] : memref<16x128xf32, #tpu.memory_space<vmem>> -> memref<1x128xf32, #tpu.memory_space<vmem>>
    %dma_wait3A_126 = tpu.memref_squeeze %dma_wait3A_125 : memref<1x128xf32, #tpu.memory_space<vmem>> -> memref<128xf32, #tpu.memory_space<vmem>>
    %dma_wait3A_127 = arith.constant 0 : i32
    %dma_wait3A_128 = tpu.memref_slice %arg13[%dma_wait3A_123, %dma_wait3A_127] : memref<16x128xi32, #tpu.memory_space<vmem>> -> memref<1x128xi32, #tpu.memory_space<vmem>>
    %dma_wait3A_129 = tpu.memref_squeeze %dma_wait3A_128 : memref<1x128xi32, #tpu.memory_space<vmem>> -> memref<128xi32, #tpu.memory_space<vmem>>
    %dma_wait3A_130 = arith.constant 0 : i32
    %dma_wait3A_131 = tpu.memref_slice %arg18[%dma_wait3A_130] : memref<102400xf32, #tpu.memory_space<vmem_shared>> -> memref<102400xf32, #tpu.memory_space<vmem_shared>>
    tpu.wait_indirect_dma semaphore(%arg22 : memref<!tpu.dma_semaphore, #tpu.memory_space<semaphore_mem>>) src(%dma_wait3A_126 : memref<128xf32, #tpu.memory_space<vmem>>) dst(%dma_wait3A_131 : memref<102400xf32, #tpu.memory_space<vmem_shared>>)
    %dma_wait3A_132 = arith.constant 4 : i32
    %dma_wait3A_133 = arith.constant 4 : i32
    %dma_wait3A_134 = arith.constant 0 : i32
    %dma_wait3A_135 = tpu.memref_slice %arg16[%dma_wait3A_132, %dma_wait3A_134] : memref<16x128xf32, #tpu.memory_space<vmem>> -> memref<1x128xf32, #tpu.memory_space<vmem>>
    %dma_wait3A_136 = tpu.memref_squeeze %dma_wait3A_135 : memref<1x128xf32, #tpu.memory_space<vmem>> -> memref<128xf32, #tpu.memory_space<vmem>>
    %dma_wait3A_137 = arith.constant 0 : i32
    %dma_wait3A_138 = tpu.memref_slice %arg13[%dma_wait3A_133, %dma_wait3A_137] : memref<16x128xi32, #tpu.memory_space<vmem>> -> memref<1x128xi32, #tpu.memory_space<vmem>>
    %dma_wait3A_139 = tpu.memref_squeeze %dma_wait3A_138 : memref<1x128xi32, #tpu.memory_space<vmem>> -> memref<128xi32, #tpu.memory_space<vmem>>
    %dma_wait3A_140 = arith.constant 0 : i32
    %dma_wait3A_141 = tpu.memref_slice %arg18[%dma_wait3A_140] : memref<102400xf32, #tpu.memory_space<vmem_shared>> -> memref<102400xf32, #tpu.memory_space<vmem_shared>>
    tpu.wait_indirect_dma semaphore(%arg22 : memref<!tpu.dma_semaphore, #tpu.memory_space<semaphore_mem>>) src(%dma_wait3A_136 : memref<128xf32, #tpu.memory_space<vmem>>) dst(%dma_wait3A_141 : memref<102400xf32, #tpu.memory_space<vmem_shared>>)
    %dma_wait3A_142 = arith.constant 5 : i32
    %dma_wait3A_143 = arith.constant 5 : i32
    %dma_wait3A_144 = arith.constant 0 : i32
    %dma_wait3A_145 = tpu.memref_slice %arg16[%dma_wait3A_142, %dma_wait3A_144] : memref<16x128xf32, #tpu.memory_space<vmem>> -> memref<1x128xf32, #tpu.memory_space<vmem>>
    %dma_wait3A_146 = tpu.memref_squeeze %dma_wait3A_145 : memref<1x128xf32, #tpu.memory_space<vmem>> -> memref<128xf32, #tpu.memory_space<vmem>>
    %dma_wait3A_147 = arith.constant 0 : i32
    %dma_wait3A_148 = tpu.memref_slice %arg13[%dma_wait3A_143, %dma_wait3A_147] : memref<16x128xi32, #tpu.memory_space<vmem>> -> memref<1x128xi32, #tpu.memory_space<vmem>>
    %dma_wait3A_149 = tpu.memref_squeeze %dma_wait3A_148 : memref<1x128xi32, #tpu.memory_space<vmem>> -> memref<128xi32, #tpu.memory_space<vmem>>
    %dma_wait3A_150 = arith.constant 0 : i32
    %dma_wait3A_151 = tpu.memref_slice %arg18[%dma_wait3A_150] : memref<102400xf32, #tpu.memory_space<vmem_shared>> -> memref<102400xf32, #tpu.memory_space<vmem_shared>>
    tpu.wait_indirect_dma semaphore(%arg22 : memref<!tpu.dma_semaphore, #tpu.memory_space<semaphore_mem>>) src(%dma_wait3A_146 : memref<128xf32, #tpu.memory_space<vmem>>) dst(%dma_wait3A_151 : memref<102400xf32, #tpu.memory_space<vmem_shared>>)
    %dma_wait3A_152 = arith.constant 6 : i32
    %dma_wait3A_153 = arith.constant 6 : i32
    %dma_wait3A_154 = arith.constant 0 : i32
    %dma_wait3A_155 = tpu.memref_slice %arg16[%dma_wait3A_152, %dma_wait3A_154] : memref<16x128xf32, #tpu.memory_space<vmem>> -> memref<1x128xf32, #tpu.memory_space<vmem>>
    %dma_wait3A_156 = tpu.memref_squeeze %dma_wait3A_155 : memref<1x128xf32, #tpu.memory_space<vmem>> -> memref<128xf32, #tpu.memory_space<vmem>>
    %dma_wait3A_157 = arith.constant 0 : i32
    %dma_wait3A_158 = tpu.memref_slice %arg13[%dma_wait3A_153, %dma_wait3A_157] : memref<16x128xi32, #tpu.memory_space<vmem>> -> memref<1x128xi32, #tpu.memory_space<vmem>>
    %dma_wait3A_159 = tpu.memref_squeeze %dma_wait3A_158 : memref<1x128xi32, #tpu.memory_space<vmem>> -> memref<128xi32, #tpu.memory_space<vmem>>
    %dma_wait3A_160 = arith.constant 0 : i32
    %dma_wait3A_161 = tpu.memref_slice %arg18[%dma_wait3A_160] : memref<102400xf32, #tpu.memory_space<vmem_shared>> -> memref<102400xf32, #tpu.memory_space<vmem_shared>>
    tpu.wait_indirect_dma semaphore(%arg22 : memref<!tpu.dma_semaphore, #tpu.memory_space<semaphore_mem>>) src(%dma_wait3A_156 : memref<128xf32, #tpu.memory_space<vmem>>) dst(%dma_wait3A_161 : memref<102400xf32, #tpu.memory_space<vmem_shared>>)
    %dma_wait3A_162 = arith.constant 7 : i32
    %dma_wait3A_163 = arith.constant 7 : i32
    %dma_wait3A_164 = arith.constant 0 : i32
    %dma_wait3A_165 = tpu.memref_slice %arg16[%dma_wait3A_162, %dma_wait3A_164] : memref<16x128xf32, #tpu.memory_space<vmem>> -> memref<1x128xf32, #tpu.memory_space<vmem>>
    %dma_wait3A_166 = tpu.memref_squeeze %dma_wait3A_165 : memref<1x128xf32, #tpu.memory_space<vmem>> -> memref<128xf32, #tpu.memory_space<vmem>>
    %dma_wait3A_167 = arith.constant 0 : i32
    %dma_wait3A_168 = tpu.memref_slice %arg13[%dma_wait3A_163, %dma_wait3A_167] : memref<16x128xi32, #tpu.memory_space<vmem>> -> memref<1x128xi32, #tpu.memory_space<vmem>>
    %dma_wait3A_169 = tpu.memref_squeeze %dma_wait3A_168 : memref<1x128xi32, #tpu.memory_space<vmem>> -> memref<128xi32, #tpu.memory_space<vmem>>
    %dma_wait3A_170 = arith.constant 0 : i32
    %dma_wait3A_171 = tpu.memref_slice %arg18[%dma_wait3A_170] : memref<102400xf32, #tpu.memory_space<vmem_shared>> -> memref<102400xf32, #tpu.memory_space<vmem_shared>>
    tpu.wait_indirect_dma semaphore(%arg22 : memref<!tpu.dma_semaphore, #tpu.memory_space<semaphore_mem>>) src(%dma_wait3A_166 : memref<128xf32, #tpu.memory_space<vmem>>) dst(%dma_wait3A_171 : memref<102400xf32, #tpu.memory_space<vmem_shared>>)
    %dma_wait3A_172 = arith.constant 8 : i32
    %dma_wait3A_173 = arith.constant 8 : i32
    %dma_wait3A_174 = arith.constant 0 : i32
    %dma_wait3A_175 = tpu.memref_slice %arg16[%dma_wait3A_172, %dma_wait3A_174] : memref<16x128xf32, #tpu.memory_space<vmem>> -> memref<1x128xf32, #tpu.memory_space<vmem>>
    %dma_wait3A_176 = tpu.memref_squeeze %dma_wait3A_175 : memref<1x128xf32, #tpu.memory_space<vmem>> -> memref<128xf32, #tpu.memory_space<vmem>>
    %dma_wait3A_177 = arith.constant 0 : i32
    %dma_wait3A_178 = tpu.memref_slice %arg13[%dma_wait3A_173, %dma_wait3A_177] : memref<16x128xi32, #tpu.memory_space<vmem>> -> memref<1x128xi32, #tpu.memory_space<vmem>>
    %dma_wait3A_179 = tpu.memref_squeeze %dma_wait3A_178 : memref<1x128xi32, #tpu.memory_space<vmem>> -> memref<128xi32, #tpu.memory_space<vmem>>
    %dma_wait3A_180 = arith.constant 0 : i32
    %dma_wait3A_181 = tpu.memref_slice %arg18[%dma_wait3A_180] : memref<102400xf32, #tpu.memory_space<vmem_shared>> -> memref<102400xf32, #tpu.memory_space<vmem_shared>>
    tpu.wait_indirect_dma semaphore(%arg22 : memref<!tpu.dma_semaphore, #tpu.memory_space<semaphore_mem>>) src(%dma_wait3A_176 : memref<128xf32, #tpu.memory_space<vmem>>) dst(%dma_wait3A_181 : memref<102400xf32, #tpu.memory_space<vmem_shared>>)
    %dma_wait3A_182 = arith.constant 9 : i32
    %dma_wait3A_183 = arith.constant 9 : i32
    %dma_wait3A_184 = arith.constant 0 : i32
    %dma_wait3A_185 = tpu.memref_slice %arg16[%dma_wait3A_182, %dma_wait3A_184] : memref<16x128xf32, #tpu.memory_space<vmem>> -> memref<1x128xf32, #tpu.memory_space<vmem>>
    %dma_wait3A_186 = tpu.memref_squeeze %dma_wait3A_185 : memref<1x128xf32, #tpu.memory_space<vmem>> -> memref<128xf32, #tpu.memory_space<vmem>>
    %dma_wait3A_187 = arith.constant 0 : i32
    %dma_wait3A_188 = tpu.memref_slice %arg13[%dma_wait3A_183, %dma_wait3A_187] : memref<16x128xi32, #tpu.memory_space<vmem>> -> memref<1x128xi32, #tpu.memory_space<vmem>>
    %dma_wait3A_189 = tpu.memref_squeeze %dma_wait3A_188 : memref<1x128xi32, #tpu.memory_space<vmem>> -> memref<128xi32, #tpu.memory_space<vmem>>
    %dma_wait3A_190 = arith.constant 0 : i32
    %dma_wait3A_191 = tpu.memref_slice %arg18[%dma_wait3A_190] : memref<102400xf32, #tpu.memory_space<vmem_shared>> -> memref<102400xf32, #tpu.memory_space<vmem_shared>>
    tpu.wait_indirect_dma semaphore(%arg22 : memref<!tpu.dma_semaphore, #tpu.memory_space<semaphore_mem>>) src(%dma_wait3A_186 : memref<128xf32, #tpu.memory_space<vmem>>) dst(%dma_wait3A_191 : memref<102400xf32, #tpu.memory_space<vmem_shared>>)
    %dma_wait3A_192 = arith.constant 10 : i32
    %dma_wait3A_193 = arith.constant 10 : i32
    %dma_wait3A_194 = arith.constant 0 : i32
    %dma_wait3A_195 = tpu.memref_slice %arg16[%dma_wait3A_192, %dma_wait3A_194] : memref<16x128xf32, #tpu.memory_space<vmem>> -> memref<1x128xf32, #tpu.memory_space<vmem>>
    %dma_wait3A_196 = tpu.memref_squeeze %dma_wait3A_195 : memref<1x128xf32, #tpu.memory_space<vmem>> -> memref<128xf32, #tpu.memory_space<vmem>>
    %dma_wait3A_197 = arith.constant 0 : i32
    %dma_wait3A_198 = tpu.memref_slice %arg13[%dma_wait3A_193, %dma_wait3A_197] : memref<16x128xi32, #tpu.memory_space<vmem>> -> memref<1x128xi32, #tpu.memory_space<vmem>>
    %dma_wait3A_199 = tpu.memref_squeeze %dma_wait3A_198 : memref<1x128xi32, #tpu.memory_space<vmem>> -> memref<128xi32, #tpu.memory_space<vmem>>
    %dma_wait3A_200 = arith.constant 0 : i32
    %dma_wait3A_201 = tpu.memref_slice %arg18[%dma_wait3A_200] : memref<102400xf32, #tpu.memory_space<vmem_shared>> -> memref<102400xf32, #tpu.memory_space<vmem_shared>>
    tpu.wait_indirect_dma semaphore(%arg22 : memref<!tpu.dma_semaphore, #tpu.memory_space<semaphore_mem>>) src(%dma_wait3A_196 : memref<128xf32, #tpu.memory_space<vmem>>) dst(%dma_wait3A_201 : memref<102400xf32, #tpu.memory_space<vmem_shared>>)
    %dma_wait3A_202 = arith.constant 11 : i32
    %dma_wait3A_203 = arith.constant 11 : i32
    %dma_wait3A_204 = arith.constant 0 : i32
    %dma_wait3A_205 = tpu.memref_slice %arg16[%dma_wait3A_202, %dma_wait3A_204] : memref<16x128xf32, #tpu.memory_space<vmem>> -> memref<1x128xf32, #tpu.memory_space<vmem>>
    %dma_wait3A_206 = tpu.memref_squeeze %dma_wait3A_205 : memref<1x128xf32, #tpu.memory_space<vmem>> -> memref<128xf32, #tpu.memory_space<vmem>>
    %dma_wait3A_207 = arith.constant 0 : i32
    %dma_wait3A_208 = tpu.memref_slice %arg13[%dma_wait3A_203, %dma_wait3A_207] : memref<16x128xi32, #tpu.memory_space<vmem>> -> memref<1x128xi32, #tpu.memory_space<vmem>>
    %dma_wait3A_209 = tpu.memref_squeeze %dma_wait3A_208 : memref<1x128xi32, #tpu.memory_space<vmem>> -> memref<128xi32, #tpu.memory_space<vmem>>
    %dma_wait3A_210 = arith.constant 0 : i32
    %dma_wait3A_211 = tpu.memref_slice %arg18[%dma_wait3A_210] : memref<102400xf32, #tpu.memory_space<vmem_shared>> -> memref<102400xf32, #tpu.memory_space<vmem_shared>>
    tpu.wait_indirect_dma semaphore(%arg22 : memref<!tpu.dma_semaphore, #tpu.memory_space<semaphore_mem>>) src(%dma_wait3A_206 : memref<128xf32, #tpu.memory_space<vmem>>) dst(%dma_wait3A_211 : memref<102400xf32, #tpu.memory_space<vmem_shared>>)
    %dma_wait3A_212 = arith.constant 12 : i32
    %dma_wait3A_213 = arith.constant 12 : i32
    %dma_wait3A_214 = arith.constant 0 : i32
    %dma_wait3A_215 = tpu.memref_slice %arg16[%dma_wait3A_212, %dma_wait3A_214] : memref<16x128xf32, #tpu.memory_space<vmem>> -> memref<1x128xf32, #tpu.memory_space<vmem>>
    %dma_wait3A_216 = tpu.memref_squeeze %dma_wait3A_215 : memref<1x128xf32, #tpu.memory_space<vmem>> -> memref<128xf32, #tpu.memory_space<vmem>>
    %dma_wait3A_217 = arith.constant 0 : i32
    %dma_wait3A_218 = tpu.memref_slice %arg13[%dma_wait3A_213, %dma_wait3A_217] : memref<16x128xi32, #tpu.memory_space<vmem>> -> memref<1x128xi32, #tpu.memory_space<vmem>>
    %dma_wait3A_219 = tpu.memref_squeeze %dma_wait3A_218 : memref<1x128xi32, #tpu.memory_space<vmem>> -> memref<128xi32, #tpu.memory_space<vmem>>
    %dma_wait3A_220 = arith.constant 0 : i32
    %dma_wait3A_221 = tpu.memref_slice %arg18[%dma_wait3A_220] : memref<102400xf32, #tpu.memory_space<vmem_shared>> -> memref<102400xf32, #tpu.memory_space<vmem_shared>>
    tpu.wait_indirect_dma semaphore(%arg22 : memref<!tpu.dma_semaphore, #tpu.memory_space<semaphore_mem>>) src(%dma_wait3A_216 : memref<128xf32, #tpu.memory_space<vmem>>) dst(%dma_wait3A_221 : memref<102400xf32, #tpu.memory_space<vmem_shared>>)
    %dma_wait3A_222 = arith.constant 13 : i32
    %dma_wait3A_223 = arith.constant 13 : i32
    %dma_wait3A_224 = arith.constant 0 : i32
    %dma_wait3A_225 = tpu.memref_slice %arg16[%dma_wait3A_222, %dma_wait3A_224] : memref<16x128xf32, #tpu.memory_space<vmem>> -> memref<1x128xf32, #tpu.memory_space<vmem>>
    %dma_wait3A_226 = tpu.memref_squeeze %dma_wait3A_225 : memref<1x128xf32, #tpu.memory_space<vmem>> -> memref<128xf32, #tpu.memory_space<vmem>>
    %dma_wait3A_227 = arith.constant 0 : i32
    %dma_wait3A_228 = tpu.memref_slice %arg13[%dma_wait3A_223, %dma_wait3A_227] : memref<16x128xi32, #tpu.memory_space<vmem>> -> memref<1x128xi32, #tpu.memory_space<vmem>>
    %dma_wait3A_229 = tpu.memref_squeeze %dma_wait3A_228 : memref<1x128xi32, #tpu.memory_space<vmem>> -> memref<128xi32, #tpu.memory_space<vmem>>
    %dma_wait3A_230 = arith.constant 0 : i32
    %dma_wait3A_231 = tpu.memref_slice %arg18[%dma_wait3A_230] : memref<102400xf32, #tpu.memory_space<vmem_shared>> -> memref<102400xf32, #tpu.memory_space<vmem_shared>>
    tpu.wait_indirect_dma semaphore(%arg22 : memref<!tpu.dma_semaphore, #tpu.memory_space<semaphore_mem>>) src(%dma_wait3A_226 : memref<128xf32, #tpu.memory_space<vmem>>) dst(%dma_wait3A_231 : memref<102400xf32, #tpu.memory_space<vmem_shared>>)
    %dma_wait3A_232 = arith.constant 14 : i32
    %dma_wait3A_233 = arith.constant 14 : i32
    %dma_wait3A_234 = arith.constant 0 : i32
    %dma_wait3A_235 = tpu.memref_slice %arg16[%dma_wait3A_232, %dma_wait3A_234] : memref<16x128xf32, #tpu.memory_space<vmem>> -> memref<1x128xf32, #tpu.memory_space<vmem>>
    %dma_wait3A_236 = tpu.memref_squeeze %dma_wait3A_235 : memref<1x128xf32, #tpu.memory_space<vmem>> -> memref<128xf32, #tpu.memory_space<vmem>>
    %dma_wait3A_237 = arith.constant 0 : i32
    %dma_wait3A_238 = tpu.memref_slice %arg13[%dma_wait3A_233, %dma_wait3A_237] : memref<16x128xi32, #tpu.memory_space<vmem>> -> memref<1x128xi32, #tpu.memory_space<vmem>>
    %dma_wait3A_239 = tpu.memref_squeeze %dma_wait3A_238 : memref<1x128xi32, #tpu.memory_space<vmem>> -> memref<128xi32, #tpu.memory_space<vmem>>
    %dma_wait3A_240 = arith.constant 0 : i32
    %dma_wait3A_241 = tpu.memref_slice %arg18[%dma_wait3A_240] : memref<102400xf32, #tpu.memory_space<vmem_shared>> -> memref<102400xf32, #tpu.memory_space<vmem_shared>>
    tpu.wait_indirect_dma semaphore(%arg22 : memref<!tpu.dma_semaphore, #tpu.memory_space<semaphore_mem>>) src(%dma_wait3A_236 : memref<128xf32, #tpu.memory_space<vmem>>) dst(%dma_wait3A_241 : memref<102400xf32, #tpu.memory_space<vmem_shared>>)
    %dma_wait3A_242 = arith.constant 15 : i32
    %dma_wait3A_243 = arith.constant 15 : i32
    %dma_wait3A_244 = arith.constant 0 : i32
    %dma_wait3A_245 = tpu.memref_slice %arg16[%dma_wait3A_242, %dma_wait3A_244] : memref<16x128xf32, #tpu.memory_space<vmem>> -> memref<1x128xf32, #tpu.memory_space<vmem>>
    %dma_wait3A_246 = tpu.memref_squeeze %dma_wait3A_245 : memref<1x128xf32, #tpu.memory_space<vmem>> -> memref<128xf32, #tpu.memory_space<vmem>>
    %dma_wait3A_247 = arith.constant 0 : i32
    %dma_wait3A_248 = tpu.memref_slice %arg13[%dma_wait3A_243, %dma_wait3A_247] : memref<16x128xi32, #tpu.memory_space<vmem>> -> memref<1x128xi32, #tpu.memory_space<vmem>>
    %dma_wait3A_249 = tpu.memref_squeeze %dma_wait3A_248 : memref<1x128xi32, #tpu.memory_space<vmem>> -> memref<128xi32, #tpu.memory_space<vmem>>
    %dma_wait3A_250 = arith.constant 0 : i32
    %dma_wait3A_251 = tpu.memref_slice %arg18[%dma_wait3A_250] : memref<102400xf32, #tpu.memory_space<vmem_shared>> -> memref<102400xf32, #tpu.memory_space<vmem_shared>>
    tpu.wait_indirect_dma semaphore(%arg22 : memref<!tpu.dma_semaphore, #tpu.memory_space<semaphore_mem>>) src(%dma_wait3A_246 : memref<128xf32, #tpu.memory_space<vmem>>) dst(%dma_wait3A_251 : memref<102400xf32, #tpu.memory_space<vmem_shared>>)
    %barrier3A_252 = arith.constant 0 : index
    tpu.barrier barrier_id(%barrier3A_252)
    %mul3A_253 = arith.constant 6400 : i32
    %mul3A_254 = arith.muli %arg1, %mul3A_253 : i32
    "tpu.region"() ({
      %run_scoped3A = tpu.sem_alloc : memref<!tpu.dma_semaphore, #tpu.memory_space<semaphore_mem>>
      %dma_start3A_255 = tpu.memref_slice %arg18[%mul3A_254] : memref<102400xf32, #tpu.memory_space<vmem_shared>> -> memref<6400xf32, #tpu.memory_space<vmem_shared>>
      %dma_start3A_256 = tpu.memref_slice %arg18[%mul3A_254] : memref<102400xf32, #tpu.memory_space<vmem_shared>> -> memref<6400xf32, #tpu.memory_space<vmem_shared>>
      tpu.enqueue_dma source(%dma_start3A_256 : memref<6400xf32, #tpu.memory_space<vmem_shared>>) target(%arg17 : memref<6400xf32, #tpu.memory_space<vmem>>) target_semaphore(%run_scoped3A : memref<!tpu.dma_semaphore, #tpu.memory_space<semaphore_mem>>)
      %dma_wait3A_257 = tpu.memref_slice %arg18[%mul3A_254] : memref<102400xf32, #tpu.memory_space<vmem_shared>> -> memref<6400xf32, #tpu.memory_space<vmem_shared>>
      %dma_wait3A_258 = tpu.memref_slice %arg18[%mul3A_254] : memref<102400xf32, #tpu.memory_space<vmem_shared>> -> memref<6400xf32, #tpu.memory_space<vmem_shared>>
      tpu.wait_dma2 semaphore(%run_scoped3A : memref<!tpu.dma_semaphore, #tpu.memory_space<semaphore_mem>>) src(%dma_wait3A_258 : memref<6400xf32, #tpu.memory_space<vmem_shared>>) dst(%arg17 : memref<6400xf32, #tpu.memory_space<vmem>>)
      tpu.yield
    }) : () -> ()
    "tpu.region"() ({
      %run_scoped3A = tpu.sem_alloc : memref<!tpu.dma_semaphore, #tpu.memory_space<semaphore_mem>>
      %dma_start3A_255 = tpu.memref_slice %arg6[%arg0, %mul3A_254] : memref<2x102400xf32, #tpu.memory_space<hbm>> -> memref<1x6400xf32, #tpu.memory_space<hbm>>
      %dma_start3A_256 = tpu.memref_squeeze %dma_start3A_255 : memref<1x6400xf32, #tpu.memory_space<hbm>> -> memref<6400xf32, #tpu.memory_space<hbm>>
      %dma_start3A_257 = tpu.memref_slice %arg6[%arg0, %mul3A_254] : memref<2x102400xf32, #tpu.memory_space<hbm>> -> memref<1x6400xf32, #tpu.memory_space<hbm>>
      %dma_start3A_258 = tpu.memref_squeeze %dma_start3A_257 : memref<1x6400xf32, #tpu.memory_space<hbm>> -> memref<6400xf32, #tpu.memory_space<hbm>>
      tpu.enqueue_dma source(%arg17 : memref<6400xf32, #tpu.memory_space<vmem>>) target(%dma_start3A_258 : memref<6400xf32, #tpu.memory_space<hbm>>) target_semaphore(%run_scoped3A : memref<!tpu.dma_semaphore, #tpu.memory_space<semaphore_mem>>)
      %dma_wait3A_259 = tpu.memref_slice %arg6[%arg0, %mul3A_254] : memref<2x102400xf32, #tpu.memory_space<hbm>> -> memref<1x6400xf32, #tpu.memory_space<hbm>>
      %dma_wait3A_260 = tpu.memref_squeeze %dma_wait3A_259 : memref<1x6400xf32, #tpu.memory_space<hbm>> -> memref<6400xf32, #tpu.memory_space<hbm>>
      %dma_wait3A_261 = tpu.memref_slice %arg6[%arg0, %mul3A_254] : memref<2x102400xf32, #tpu.memory_space<hbm>> -> memref<1x6400xf32, #tpu.memory_space<hbm>>
      %dma_wait3A_262 = tpu.memref_squeeze %dma_wait3A_261 : memref<1x6400xf32, #tpu.memory_space<hbm>> -> memref<6400xf32, #tpu.memory_space<hbm>>
      tpu.wait_dma2 semaphore(%run_scoped3A : memref<!tpu.dma_semaphore, #tpu.memory_space<semaphore_mem>>) src(%arg17 : memref<6400xf32, #tpu.memory_space<vmem>>) dst(%dma_wait3A_262 : memref<6400xf32, #tpu.memory_space<hbm>>)
      tpu.yield
    }) : () -> ()
    return
  }
}

module attributes {stable_mosaic.version = 14 : i64} {
  func.func @body(%arg0: memref<2x800x128xf32, #tpu.memory_space<vmem>>, %arg1: memref<800x128xf32, #tpu.memory_space<vmem>>) attributes {dimension_semantics = [], scalar_prefetch = 0 : i64, scratch_operands = 0 : i64, tpu.core_type = #tpu.core_type<tc>} {
    %get3A = arith.constant 0 : index
    %get3A_0 = arith.constant 0 : index
    %get3A_1 = arith.constant 0 : index
    %get3A_2 = vector.load %arg0[%get3A, %get3A_0, %get3A_1] : memref<2x800x128xf32, #tpu.memory_space<vmem>>, vector<1x800x128xf32>
    %get3A_3 = vector.shape_cast %get3A_2 : vector<1x800x128xf32> to vector<800x128xf32>
    %get3A_4 = arith.constant 1 : index
    %get3A_5 = arith.constant 0 : index
    %get3A_6 = arith.constant 0 : index
    %get3A_7 = vector.load %arg0[%get3A_4, %get3A_5, %get3A_6] : memref<2x800x128xf32, #tpu.memory_space<vmem>>, vector<1x800x128xf32>
    %get3A_8 = vector.shape_cast %get3A_7 : vector<1x800x128xf32> to vector<800x128xf32>
    %add3A = arith.addf %get3A_3, %get3A_8 : vector<800x128xf32>
    %swap3A = arith.constant 0 : index
    %swap3A_9 = arith.constant 0 : index
    %swap3A_10 = vector.load %arg1[%swap3A, %swap3A_9] : memref<800x128xf32, #tpu.memory_space<vmem>>, vector<800x128xf32>
    tpu.vector_store %arg1[%swap3A, %swap3A_9], %add3A {strides = array<i32>} : memref<800x128xf32, #tpu.memory_space<vmem>>, vector<800x128xf32>,
    return
  }
}

</mosaic_0001>

<sc_bundles>
// kernel: kernel.4.cloned.1.call-start
scs
__scs_entry_jumppad:
0x0: {  	(pc) =	sbr.rel $0x88, $3  }
0x1: {  	(tag) =	ssettag $0x0;
	lr =	simm.s32 $0x1  }
0x2: {  	[smem:$0x3F9D] =	sst lr;
	_ =	strace $0xD0000000  }
0x3: {  	_ = 	snop  }
0x4: {  	_ = 	snop  }
0x5: {  	_ = 	snop  }
0x6: {  	_ = 	snop  }
0x7: {  	_ = 	snop  }
__scs_overlays_trampoline_lowered:
0x8: {  	[smem:$0x3FAC] =	sst s0  }
0x9: {  	[smem:$0x3FAD] =	sst s1  }
0xa: {  	[smem:$0x3FAE] =	sst s2  }
0xb: {  	[smem:$0x3FAF] =	sst s3  }
0xc: {  	[smem:$0x3FB0] =	sst s4  }
0xd: {  	[smem:$0x3FB1] =	sst s5  }
0xe: {  	[smem:$0x3FB2] =	sst s6  }
0xf: {  	[smem:$0x3FB3] =	sst s7  }
0x10: {  	[smem:$0x3FB4] =	sst s8  }
0x11: {  	[smem:$0x3FB5] =	sst s9;
	s0 =	simm.s32 @!p0 $0x0  }
0x12: {  	s1 =	sld [smem:$0x3F9B];
	s0 =	simm.s32 @p0 $0x1  }
0x13: {  	[smem:$0x3FB6] =	sst s0;
	s0 =	simm.s32 @!p1 $0x0  }
0x14: {  	s2 =	sld [smem:$0x3F9A];
	s0 =	simm.s32 @p1 $0x1  }
0x15: {  	[smem:$0x3FB7] =	sst s0;
	s0 =	simm.s32 @!p2 $0x0  }
0x16: {  	s3 =	sld [smem:$0x3FDB];
	s0 =	simm.s32 @p2 $0x1  }
0x17: {  	s4 =	simm.s32 $0x1BF5;
	[smem:$0x3FB9] =	sst s0  }
0x18: {  	s0 =	sld [smem:$0x3F9C];
	_ =	swait.ge [sflag:s4], $0x0  }
0x19: {  	s7 =	sld [smem:$0x3F9D]  }
0x1a: {  	s8 =	sadd.s32 $0xFFFFE003, lr  }
0x1b: {  	s9 =	sadd.s32 $0xFFFFFEF7, lr;
	s5 =	simm.s32 $0xFFFFFFFF;
	p2 =	slt.u32 s8, $0xFFFFF086  }
0x1c: {  	p1 =	slt.u32 s9, $0xF7A;
	s5 =	simm.s32 @!p2 $0x0  }
0x1d: {  	s5 =	simm.s32 @p1 $0x1;
	p0 =	seq.s32 s7, s2  }
0x1e: {  	s7 =	smul.u32 @!p0 $0xF7A, s2;
	p2 =	seq.s32 @!p0 s5, $0x0  }
0x1f: {  	s9 =	smul.u32 $0xF7A, s1;
	s8 =	simm.s32 @!p0 $0x1BF5;
	p2 =	por !p2, p0  }
0x20: {  	[sflag:s8] =	ssyncset.s32 @!p0 $0xFFFFF086;
	s6 =	sadd.s32 @!p0 s3, s7;
	s7 =	simm.s32 @!p0 $0x108  }
0x21: {  	s3 =	sadd.s32 s3, s9;
	s6 =	sadd.s32 @!p0 $0x88, s6;
	s7 =	simm.s32 @p2 $0x1082  }
0x22: {  	[simem:s7], [sflag:s8] =	dma.local @!p0 [hbm:s6], $0xF7A  }
0x23: {  	s9 =	sor.u32 $0xD0000000, s2;
	s6 =	simm.s32 $0x108;
	_ =	swait.ge @!p0 [sflag:s8], $0x0  }
0x24: {  	s3 =	sadd.s32 $0x88, s3;
	s6 =	simm.s32 @!p1 $0x1082;
	[sflag:s4] =	ssyncset.s32 $0xFFFFF086  }
0x25: {  	[simem:s6], [sflag:s4] =	dma.local [hbm:s3], $0xF7A  }
0x26: {  	[smem:$0x3F9D] =	sst s1;
	(tag) =	ssettag s2;
	_ =	strace s9  }
0x27: {  	s1 =	sld [smem:$0x3FAD]  }
0x28: {  	s2 =	sld [smem:$0x3FAE]  }
0x29: {  	s4 =	sld [smem:$0x3FB0]  }
0x2a: {  	p0 =	seq.s32 s5, $0x0;
	s5 =	sld [smem:$0x3FB1]  }
0x2b: {  	s6 =	sld [smem:$0x3FB2]  }
0x2c: {  	s7 =	sld [smem:$0x3FB3]  }
0x2d: {  	s3 =	simm.s32 $0x108;
	s8 =	sld [smem:$0x3FB4]  }
0x2e: {  	s3 =	simm.s32 @!p0 $0x1082;
	s9 =	sld [smem:$0x3FB5]  }
0x2f: {  	lr =	sadd.s32 s0, s3;
	s0 =	sld [smem:$0x3FAC]  }
0x30: {  	s3 =	sld [smem:$0x3FAF]  }
0x31: {  	[smem:$0x3FB8] =	sst s10  }
0x32: {  	s10 =	sld [smem:$0x3FB6];
	_ =	sdelay $0x3  }
0x33: {  	p0 =	seq.s32 s10, $0x1;
	s10 =	sld [smem:$0x3FB8];
	_ =	sdelay $0x3  }
0x34: {  	[smem:$0x3FB8] =	sst s10  }
0x35: {  	s10 =	sld [smem:$0x3FB7];
	_ =	sdelay $0x3  }
0x36: {  	p1 =	seq.s32 s10, $0x1;
	s10 =	sld [smem:$0x3FB8];
	_ =	sdelay $0x3  }
0x37: {  	[smem:$0x3FB8] =	sst s10  }
0x38: {  	s10 =	sld [smem:$0x3FB9]  }
0x39: {  	_ = 	snop;
	(pc) =	sbr.ind lr, $3  }
0x3a: {  	_ = 	snop  }
0x3b: {  	_ = 	snop  }
0x3c: {  	p2 =	seq.s32 s10, $0x1;
	s10 =	sld [smem:$0x3FB8]  }
0x3d: {  	_ =	shalt  }
0x3e: {  	_ =	shalt  }
0x3f: {  	_ =	shalt  }
0x40: {  	_ =	shalt  }
0x41: {  	_ =	shalt  }
0x42: {  	_ =	shalt  }
0x43: {  	_ =	shalt  }
0x44: {  	_ =	shalt  }
0x45: {  	_ =	shalt  }
0x46: {  	_ =	shalt  }
0x47: {  	_ =	shalt  }
0x48: {  	_ =	shalt  }
0x49: {  	_ =	shalt  }
0x4a: {  	_ =	shalt  }
0x4b: {  	_ =	shalt  }
0x4c: {  	_ =	shalt  }
0x4d: {  	_ =	shalt  }
0x4e: {  	_ =	shalt  }
0x4f: {  	_ =	shalt  }
0x50: {  	_ =	shalt  }
0x51: {  	_ =	shalt  }
0x52: {  	_ =	shalt  }
0x53: {  	_ =	shalt  }
0x54: {  	_ =	shalt  }
0x55: {  	_ =	shalt  }
0x56: {  	_ =	shalt  }
0x57: {  	_ =	shalt  }
0x58: {  	_ =	shalt  }
0x59: {  	_ =	shalt  }
0x5a: {  	_ =	shalt  }
0x5b: {  	_ =	shalt  }
0x5c: {  	_ =	shalt  }
0x5d: {  	_ =	shalt  }
0x5e: {  	_ =	shalt  }
0x5f: {  	_ =	shalt  }
0x60: {  	_ =	shalt  }
0x61: {  	_ =	shalt  }
0x62: {  	_ =	shalt  }
0x63: {  	_ =	shalt  }
0x64: {  	_ =	shalt  }
0x65: {  	_ =	shalt  }
0x66: {  	_ =	shalt  }
0x67: {  	_ =	shalt  }
0x68: {  	_ =	shalt  }
0x69: {  	_ =	shalt  }
0x6a: {  	_ =	shalt  }
0x6b: {  	_ =	shalt  }
0x6c: {  	_ =	shalt  }
0x6d: {  	_ =	shalt  }
0x6e: {  	_ =	shalt  }
0x6f: {  	_ =	shalt  }
0x70: {  	_ =	shalt  }
0x71: {  	_ =	shalt  }
0x72: {  	_ =	shalt  }
0x73: {  	_ =	shalt  }
0x74: {  	_ =	shalt  }
0x75: {  	_ =	shalt  }
0x76: {  	_ =	shalt  }
0x77: {  	_ =	shalt  }
0x78: {  	_ =	shalt  }
0x79: {  	_ =	shalt  }
0x7a: {  	_ =	shalt  }
0x7b: {  	_ =	shalt  }
0x7c: {  	_ =	shalt  }
0x7d: {  	_ =	shalt  }
0x7e: {  	_ =	shalt  }
0x7f: {  	_ =	shalt  }
0x80: {  	_ =	shalt  }
0x81: {  	_ =	shalt  }
0x82: {  	_ =	shalt  }
0x83: {  	_ =	shalt  }
0x84: {  	_ =	shalt  }
0x85: {  	_ =	shalt  }
0x86: {  	_ =	shalt  }
0x87: {  	_ =	shalt  }
.Lfunc_end0:
.L_simem_size_0:
called_computation.1_lowered:
.L_overlay_start_0:
0x88: {  	s2 =	sld [smem:$0x3FD9]  }
0x89: {  	s3 =	sld [smem:$0x3FFE];
	_ =	sdelay $0x1  }
0x8a: {  	s1 =	srdreg.scid  }
0x8b: {  	s0 =	sand.u32 $0x1, s1  }
0x8c: {  	s17 =	sshll.u32 s0, $0xA;
	s2 =	sadd.s32 s3, s2  }
0x8d: {  	s2 =	sadd.s32 s2, s17  }
0x8e: {  	[smem:$0x3FC4] =	sst s2  }
0x8f: {  	_ = 	snop  }
0x90: {  	s2 =	sld [smem:$0x3FC9]  }
0x91: {  	s18 =	sld [smem:$0x3FD0];
	(tm) =	ssettm $0x1  }
0x92: {  	s4 =	sld [smem:$0x3FFB];
	_ =	sdelay $0x3  }
0x93: {  	_ =	strace s4  }
0x94: {  	s4 =	sld [smem:$0x3FFC];
	_ =	sdelay $0x3  }
0x95: {  	_ =	strace s4  }
0x96: {  	s4 =	sld [smem:$0x3FFD];
	_ =	sdelay $0x3  }
0x97: {  	_ =	strace s4  }
0x98: {  	_ =	strace $0x8FFFFFFF  }
0x99: {  	s19 =	sld [smem:$0x3FDB];
	_ =	sdelay $0x1  }
0x9a: {  	s5 =	simm.s32 $_scs_section_size  }
0x9b: {  	s6 =	simm.s32 $_size__tile_overlayer_lowered;
	s7 =	simm.s32 $_tile_overlayer_lowered  }
0x9c: {  	s22 =	simm.s32 $0x1BFF;
	s21 =	sshll.u32 s7, $0x1;
	s4 =	sadd.s32 s5, s19  }
0x9d: {  	s8 =	simm.s32 $0x0;
	s20 =	sshll.u32 s6, $0x1;
	s6 =	sadd.s32 s21, s4  }
0x9e: {  	[timem:s8], [sflag:s22] =	dma.local [hbm:s6], s20  }
0x9f: {  	_ =	swait.ge [sflag:s22], s20  }
0xa0: {  	s5 =	ssub.s32 $0x0, s20;
	[sflag:s22] =	ssyncset.done $0x0  }
0xa1: {  	[sflag:s22] =	ssyncadd.s32 s5;
	_ =	sdelay $0x1  }
0xa2: {  	s23 =	simm.s32 $0x1B8B  }
0xa3: {  	_ =	swait.ge [sflag:s23], $0x1  }
0xa4: {  	[sflag:s23] =	ssyncset.done $0x0  }
0xa5: {  	s25 =	simm.s32 $0x1B8E;
	s24 =	sld [smem:$0x3FFE];
	[sflag:s23] =	ssyncadd.s32 $0xFFFFFFFF  }
0xa6: {  	s26 =	simm.s32 $execute0_lowered;
	[smem:$0x3FD2] =	sst s25  }
0xa7: {  	s6 =	sshll.u32 s26, $0x1;
	_ =	strace $0x80000049;
	[dreg:$0x1] =	wrdreg $0xFFFFFFFF  }
0xa8: {  	s28 =	simm.s32 $_size_execute0_lowered;
	s4 =	sadd.s32 s4, s6;
	[dreg:$0x0] =	wrdreg $0x0  }
0xa9: {  	s6 =	sshll.u32 s28, $0x1;
	[dreg:$0x2] =	wrdreg s4  }
0xaa: {  	[dreg:$0x3] =	wrdreg s6  }
0xab: {  	[dreg:$0x4] =	wrdreg $0xC0  }
0xac: {  	_ =	task [dreg:s8], $0x5FFFF  }
0xad: {  	[dreg:$0x1] =	wrdreg $0xFFFFFFFF  }
0xae: {  	[dreg:$0x0] =	wrdreg $0x60  }
0xaf: {  	[dreg:$0x2] =	wrdreg s2  }
0xb0: {  	[dreg:$0x3] =	wrdreg s24  }
0xb1: {  	[dreg:$0x4] =	wrdreg s18  }
0xb2: {  	[dreg:$0x5] =	wrdreg $0x1E0800  }
0xb3: {  	[dreg:$0x6] =	wrdreg $0x9  }
0xb4: {  	_ =	task.clear_ibuf [dreg:s8], $0x7FFFF;
	_ =	strace $0x90000049  }
0xb5: {  	s29 =	simm.s32 $0x9;
	_ =	strace $0x8000004B  }
0xb6: {  	_ =	swait.ge [sflag:s29], $0x1  }
0xb7: {  	[sflag:s29] =	ssyncadd.s32 $0xFFFFFFFF  }
0xb8: {  	_ =	strace $0x9000004B  }
0xb9: {  	_ =	sfence  }
0xba: {  	s30 =	sld [smem:$0x0];
	_ =	sdelay $0x2  }
0xbb: {  	s31 =	sshll.u32 s1, $0xD;
	s1 =	sshrl.u32 s1, $0x2  }
0xbc: {  	s3 =	sand.u32 $0x4000, s31;
	s1 =	sadd.s32 s1, s30  }
0xbd: {  	s0 =	sor.u32 s3, s0;
	s1 =	sshll.u32 s1, $0x11  }
0xbe: {  	s0 =	sor.u32 s1, s0  }
0xbf: {  	s0 =	sadd.s32 $0x8F2B, s0  }
0xc0: {  	[sflag:s0] =	ssyncadd.remote.s32 $0x1  }
0xc1: {  	_ =	sfence.sel $0xFFFF  }
0xc2: {  	[dreg:$0x0] =	wrdreg $0xFFFFFFFF;
	(pc) =	sbr.abs _section_cstart, $3  }
0xc3: {  	[dreg:$0x1] =	wrdreg $0xFFFFFFFF  }
0xc4: {  	_ =	task.clear_ibuf [dreg:s8], $0x2FFFF;
	_ =	strace $0x9FFFFFFF  }
0xc5: {  	(tm) =	ssettm $0x7FFFFFFF  }
tec
execute0_lowered:
.L_overlay_start_1:
0x0: {  	(tag) =	ssettag $0x1  }
0x1: {  	s1 =	rddreg [dreg:$0x0]  }
0x2: {  	s0 =	rddreg [dreg:$0x1]  }
0x3: {  	s4 =	rddreg [dreg:$0x3]  }
0x4: {  	s2 =	srdreg.scid;
	s9 =	stileid.u32  }
0x5: {  	s5 =	simm.s32 $0x0;
	s14 =	simm.s32 $0x2;
	s15 =	simm.s32 $0x3  }
0x6: {  	s17 =	simm.s32 $0x1AD00;
	s28 =	simm.s32 $0x1C600;
	s13 =	simm.s32 $0x1AE80  }
0x7: {  	s29 =	simm.s32 $0x1C680;
	s30 =	simm.s32 $0x1AF00;
	s31 =	simm.s32 $0x1C700  }
0x8: {  	s2 =	sand.u32 $0x1, s2;
	s3 =	smul.u32 $0x3200, s9;
	[smem:$0x7FF] =	sst s5  }
0x9: {  	s6 =	sadd.s32 $0x800, s0;
	s18 =	sadd.s32 $0x187200, s0;
	s19 =	sshll.u32 s9, $0x1  }
0xa: {  	s20 =	smul.u32 $0x6400, s9;
	s9 =	simm.s32 $0x0;
	s7 =	sshll.u32 s2, $0x7  }
0xb: {  	_ =	strace $0x8000004A;
	[dreg:$0x5] =	wrdreg s18;
	s8 =	ssub.s32 $0x2, s2  }
0xc: {  	s2 =	sor.u32 s2, s19;
	s18 =	simm.s32 $0x18700;
	s19 =	simm.s32 $0x1C780  }
0xd: {  	s3 =	sor.u32 s7, s3;
	s21 =	sshrl.u32 s8, $0x1;
	s22 =	smul.u32 $0x61, s2  }
0xe: {  	s7 =	sshrl.u32 s20, $0x2;
	s23 =	smin.u32 s2, $0x15;
	p0 =	slt.u32 s2, $0x15  }
0xf: {  	s2 =	simm.s32 $0x62;
	s20 =	simm.s32 $0x4;
	s3 =	sshrl.u32 s3, $0x3  }
0x10: {  	s11 =	sadd.s32 s7, s4;
	s2 =	simm.s32 @!p0 $0x61;
	s0 =	sadd.s32 s3, s0  }
0x11: {  	s3 =	ssub.s32 s8, s21;
	s8 =	sadd.s32 s23, s22;
	s10 =	sshrl.u32 s2, $0x1  }
0x12: {  	s25 =	sand.u32 $0x1, s2;
	s16 =	sadd.s32 $0xFFFFFFFE, s2;
	s23 =	simm.s32 $0x1  }
0x13: {  	s22 =	simm.s32 $0x1C500;
	[dreg:$0x6] =	wrdreg s11;
	s24 =	sshll.u32 s8, $0x8  }
0x14: {  	s0 =	sadd.s32 $0x18A400, s0;
	s26 =	smax.u32 s3, $0x1;
	s3 =	simm.s32 $0x5  }
.Ltmp0:
0x15: {  	p0 =	seq.s32 s25, $0x0;
	[dreg:$0xa] =	wrdreg s0;
	(pc) =	sbr.rel .LBB2_1-.Ltmp0, $4  }
0x16: {  	s25 =	simm.s32 $0x1AD80;
	s12 =	sadd.s32 s6, s24;
	[dreg:$0xb] =	wrdreg s26  }
0x17: {  	s7 =	sadd.s32 s1, s24;
	s24 =	simm.s32 $0x80;
	[dreg:$0x7] =	wrdreg s12  }
0x18: {  	s26 =	simm.s32 $0x1C580;
	s12 =	sadd.s32 $0xC3500, s12;
	[dreg:$0x9] =	wrdreg s7  }
0x19: {  	v0 =	vimm.f32 $0.0e+00;
	s7 =	simm.s32 $0x1A780;
	[dreg:$0x8] =	wrdreg s12;
	s12 =	simm.s32 $0x1AE00  }
.LBB2_13:
0x1a: {  	_ =	swait.ge [sflag:s20], $0x80  }
0x1b: {  	[sflag:s20] =	ssyncset.done $0x0  }
0x1c: {  	[sflag:s20] =	ssyncadd.s32 $0xFFFFFF80  }
0x1d: {  	_ =	swait.ge [sflag:s20], $0x80  }
0x1e: {  	[sflag:s20] =	ssyncset.done $0x0  }
0x1f: {  	[sflag:s20] =	ssyncadd.s32 $0xFFFFFF80  }
0x20: {  	_ =	swait.ge [sflag:s20], $0x80  }
0x21: {  	[sflag:s20] =	ssyncset.done $0x0  }
0x22: {  	[sflag:s20] =	ssyncadd.s32 $0xFFFFFF80  }
0x23: {  	_ =	swait.ge [sflag:s20], $0x80  }
0x24: {  	[sflag:s20] =	ssyncset.done $0x0  }
0x25: {  	[sflag:s20] =	ssyncadd.s32 $0xFFFFFF80  }
0x26: {  	_ =	swait.ge [sflag:s20], $0x80  }
0x27: {  	[sflag:s20] =	ssyncset.done $0x0  }
0x28: {  	[sflag:s20] =	ssyncadd.s32 $0xFFFFFF80  }
0x29: {  	_ =	swait.ge [sflag:s20], $0x80  }
0x2a: {  	[sflag:s20] =	ssyncset.done $0x0  }
0x2b: {  	[sflag:s20] =	ssyncadd.s32 $0xFFFFFF80  }
0x2c: {  	_ =	swait.ge [sflag:s20], $0x80  }
0x2d: {  	[sflag:s20] =	ssyncset.done $0x0  }
0x2e: {  	[sflag:s20] =	ssyncadd.s32 $0xFFFFFF80  }
0x2f: {  	_ =	swait.ge [sflag:s20], $0x80  }
0x30: {  	[sflag:s20] =	ssyncset.done $0x0  }
0x31: {  	[sflag:s20] =	ssyncadd.s32 $0xFFFFFF80  }
0x32: {  	_ =	swait.ge [sflag:s20], $0x80  }
0x33: {  	[sflag:s20] =	ssyncset.done $0x0  }
0x34: {  	[sflag:s20] =	ssyncadd.s32 $0xFFFFFF80  }
0x35: {  	_ =	swait.ge [sflag:s20], $0x80  }
0x36: {  	[sflag:s20] =	ssyncset.done $0x0  }
0x37: {  	[sflag:s20] =	ssyncadd.s32 $0xFFFFFF80  }
0x38: {  	_ =	swait.ge [sflag:s20], $0x80  }
0x39: {  	[sflag:s20] =	ssyncset.done $0x0  }
0x3a: {  	[sflag:s20] =	ssyncadd.s32 $0xFFFFFF80  }
0x3b: {  	_ =	swait.ge [sflag:s20], $0x80  }
0x3c: {  	[sflag:s20] =	ssyncset.done $0x0  }
0x3d: {  	[sflag:s20] =	ssyncadd.s32 $0xFFFFFF80  }
0x3e: {  	_ =	swait.ge [sflag:s20], $0x80  }
0x3f: {  	[sflag:s20] =	ssyncset.done $0x0  }
0x40: {  	[sflag:s20] =	ssyncadd.s32 $0xFFFFFF80  }
0x41: {  	_ =	swait.ge [sflag:s20], $0x80  }
0x42: {  	[sflag:s20] =	ssyncset.done $0x0  }
0x43: {  	[sflag:s20] =	ssyncadd.s32 $0xFFFFFF80  }
0x44: {  	_ =	swait.ge [sflag:s20], $0x80  }
0x45: {  	[sflag:s20] =	ssyncset.done $0x0  }
0x46: {  	[sflag:s20] =	ssyncadd.s32 $0xFFFFFF80  }
0x47: {  	_ =	swait.ge [sflag:s20], $0x80  }
0x48: {  	[sflag:s20] =	ssyncset.done $0x0  }
0x49: {  	[sflag:s20] =	ssyncadd.s32 $0xFFFFFF80  }
0x4a: {  	[bflag:$0x0] =	sbarrier.arrive $0xFFFF  }
0x4b: {  	[tilespmem:s19], [sflag:$0x5] =	stream.linear.gather [spmem:s11], $0x1900, $0x38;
	[tilespmem:$0x1F980] =	vst v63  }
0x4c: {  	_ =	swait.ge [sflag:s3], $0x1900  }
0x4d: {  	[sflag:s3] =	ssyncset.done $0x0  }
0x4e: {  	s2 =	simm.s32 $0x100;
	s0 =	rddreg [dreg:$0xa];
	[sflag:s3] =	ssyncadd.s32 $0xFFFFE700  }
0x4f: {  	[hbm4b:s0+s24] =	stream.strided.scatter [tilespmem:s19], [sflag:$0x5], $0x1900, s2, s24, $0x38;
	[tilespmem:$0x1F980] =	vst v63  }
0x50: {  	_ =	swait.ge [sflag:s3], $0x1900  }
0x51: {  	s9 =	sadd.s32 $0x1, s9;
	s21 =	rddreg [dreg:$0xb]  }
0x52: {  	p1 =	sne.s32 s9, s21  }
.Ltmp1:
0x53: {  	_ = 	snop;
	(pc) =	sbr.rel @!p1 .LBB2_14-.Ltmp1, $3  }
0x54: {  	_ =	sdelay $0x1  }
0x55: {  	[sflag:s3] =	ssyncset.done $0x0  }
0x56: {  	[sflag:s3] =	ssyncadd.s32 $0xFFFFE700  }
.LBB2_1:
0x57: {  	[dreg:$0xc] =	wrdreg s9  }
0x58: {  	s0 =	rddreg [dreg:$0x5]  }
0x59: {  	[tilespmem:s5], [sflag:$0x5] =	stream.linear.gather [hbm4b:s0+s5], $0x18700, $0x38;
	[tilespmem:$0x1F980] =	vst v63  }
0x5a: {  	_ =	swait.ge [sflag:s3], $0x18700  }
0x5b: {  	[sflag:s3] =	ssyncset.done $0x0  }
0x5c: {  	[sflag:s3] =	ssyncadd.s32 $0xFFFE7900  }
0x5d: {  	s21 =	rddreg [dreg:$0x2]  }
0x5e: {  	[tilespmem:s18], [sflag:$0x5] =	stream.linear.gather [hbm4b:s21+s5], $0x80, $0x38;
	[tilespmem:$0x1F980] =	vst v63  }
0x5f: {  	_ =	swait.ge [sflag:s3], $0x80  }
0x60: {  	[sflag:s3] =	ssyncset.done $0x0  }
0x61: {  	[sflag:s3] =	ssyncadd.s32 $0xFFFFFF80  }
0x62: {  	v1 =	vld [tilespmem:$0x18700];
	_ =	sdelay $0x4  }
0x63: {  	v1 =	vmul.f32 $1.250000000e-01, v1;
	_ =	sdelay $0x1  }
0x64: {  	s2 =	simm.s32 $0x0;
	s0 =	simm.s32 $0x40;
	[tilespmem:$0x18700] =	vst v1  }
.LBB2_2:
0x65: {  	p1 =	sne.s32 s0, $0x63C0;
	[tilespmem:s2+$0x1C780] =	vst v0;
	s2 =	smov.u32 s0;
	s0 =	sadd.s32 $0x40, s0  }
.Ltmp2:
0x66: {  	(pc) =	sbr.rel @p1 .LBB2_2-.Ltmp2, $2  }
0x67: {  	_ =	sdelay $0x2  }
0x68: {  	s2 =	sshra.s32 s2, $0x2  }
0x69: {  	[tilespmem:s2+$0x1C780] =	vst v0  }
0x6a: {  	[spmem:s11] =	stream.linear.scatter [tilespmem:s19], [sflag:$0x5], $0x1900, $0x38;
	[tilespmem:$0x1F980] =	vst v63  }
0x6b: {  	_ =	swait.ge [sflag:s3], $0x1900  }
0x6c: {  	[sflag:s3] =	ssyncset.done $0x0  }
0x6d: {  	[sflag:s3] =	ssyncadd.s32 $0xFFFFE700  }
0x6e: {  	[bflag:$0x0] =	sbarrier.arrive $0xFFFF  }
0x6f: {  	s0 =	simm.s32 $0x0;
	s21 =	simm.s32 $0x18780;
	s19 =	rddreg [dreg:$0x7]  }
0x70: {  	[tilespmem:s21], [sflag:$0x1] =	stream.linear.gather [hbm4b:s19+s0], $0x800, $0x38;
	[tilespmem:$0x1F980] =	vst v63  }
0x71: {  	s11 =	simm.s32 $0x18F80;
	s9 =	rddreg [dreg:$0x8]  }
0x72: {  	[tilespmem:s11], [sflag:$0x1] =	stream.linear.gather [hbm4b:s9+s0], $0x800, $0x38;
	[tilespmem:$0x1F980] =	vst v63  }
0x73: {  	s19 =	rddreg [dreg:$0x9];
	s21 =	simm.s32 $0x19780  }
0x74: {  	[tilespmem:s21], [sflag:$0x1] =	stream.linear.gather [hbm4b:s19+s0], $0x800, $0x38;
	[tilespmem:$0x1F980] =	vst v63  }
.LBB2_4:
0x75: {  	_ =	swait.ge [sflag:s23], $0x800  }
0x76: {  	[sflag:s23] =	ssyncset.done $0x0  }
0x77: {  	[sflag:s23] =	ssyncadd.s32 $0xFFFFF800  }
0x78: {  	_ =	swait.ge [sflag:s23], $0x800  }
0x79: {  	[sflag:s23] =	ssyncset.done $0x0  }
0x7a: {  	[sflag:s23] =	ssyncadd.s32 $0xFFFFF800  }
0x7b: {  	_ =	swait.ge [sflag:s23], $0x800  }
0x7c: {  	[sflag:s23] =	ssyncset.done $0x0  }
0x7d: {  	s2 =	simm.s32 $0x0;
	[sflag:s23] =	ssyncadd.s32 $0xFFFFF800  }
.LBB2_5:
0x7e: {  	s11 =	sshra.s32 s2, $0x2  }
0x7f: {  	v1 =	vld [tilespmem:s11+$0x18780]  }
0x80: {  	v2 =	vld [tilespmem:s11+$0x18F80];
	_ =	sdelay $0x6  }
0x81: {  	v1 =	vld.idx.msk [tilespmem:v1+s5+$0x0], $0xffff  }
0x82: {  	v2 =	vld.idx.msk [tilespmem:v2+s5+$0x0], $0xffff;
	_ =	sdelay $0x3  }
0x83: {  	v1 =	vshll.u32 v1, $0x2  }
0x84: {  	v1 =	vadd.s32 v2, v1;
	_ =	sdelay $0x2  }
0x85: {  	v3 =	vld [tilespmem:s11+$0x18790]  }
0x86: {  	v2 =	vld [tilespmem:s11+$0x19780]  }
0x87: {  	v1 =	vld.idx.msk [tilespmem:v1+s18+$0x0], $0xffff  }
0x88: {  	v4 =	vld [tilespmem:s11+$0x18F90];
	_ =	sdelay $0x3  }
0x89: {  	v1 =	vmul.f32 v2, v1;
	_ =	sdelay $0x1  }
0x8a: {  	[tilespmem:s11+$0x19F80] =	vst v1  }
0x8b: {  	v1 =	vld.idx.msk [tilespmem:v3+s5+$0x0], $0xffff  }
0x8c: {  	v2 =	vld.idx.msk [tilespmem:v4+s5+$0x0], $0xffff;
	_ =	sdelay $0x3  }
0x8d: {  	v1 =	vshll.u32 v1, $0x2  }
0x8e: {  	v1 =	vadd.s32 v2, v1;
	_ =	sdelay $0x2  }
0x8f: {  	v3 =	vld [tilespmem:s11+$0x187A0]  }
0x90: {  	v2 =	vld [tilespmem:s11+$0x19790]  }
0x91: {  	v1 =	vld.idx.msk [tilespmem:v1+s18+$0x0], $0xffff  }
0x92: {  	v58 =	vld [tilespmem:s11+$0x18FA0];
	_ =	sdelay $0x3  }
0x93: {  	v1 =	vmul.f32 v2, v1;
	_ =	sdelay $0x1  }
0x94: {  	[tilespmem:s11+$0x19F90] =	vst v1  }
0x95: {  	v1 =	vld.idx.msk [tilespmem:v3+s5+$0x0], $0xffff  }
0x96: {  	v2 =	vld.idx.msk [tilespmem:v58+s5+$0x0], $0xffff;
	_ =	sdelay $0x3  }
0x97: {  	v1 =	vshll.u32 v1, $0x2  }
0x98: {  	v1 =	vadd.s32 v2, v1;
	_ =	sdelay $0x2  }
0x99: {  	v3 =	vld [tilespmem:s11+$0x187B0]  }
0x9a: {  	v2 =	vld [tilespmem:s11+$0x197A0]  }
0x9b: {  	v1 =	vld.idx.msk [tilespmem:v1+s18+$0x0], $0xffff  }
0x9c: {  	v59 =	vld [tilespmem:s11+$0x18FB0];
	_ =	sdelay $0x3  }
0x9d: {  	v1 =	vmul.f32 v2, v1;
	_ =	sdelay $0x1  }
0x9e: {  	[tilespmem:s11+$0x19FA0] =	vst v1  }
0x9f: {  	v1 =	vld.idx.msk [tilespmem:v3+s5+$0x0], $0xffff  }
0xa0: {  	v2 =	vld.idx.msk [tilespmem:v59+s5+$0x0], $0xffff;
	_ =	sdelay $0x3  }
0xa1: {  	v1 =	vshll.u32 v1, $0x2  }
0xa2: {  	v1 =	vadd.s32 v2, v1;
	_ =	sdelay $0x2  }
0xa3: {  	v3 =	vld [tilespmem:s11+$0x187C0]  }
0xa4: {  	v2 =	vld [tilespmem:s11+$0x197B0]  }
0xa5: {  	v1 =	vld.idx.msk [tilespmem:v1+s18+$0x0], $0xffff  }
0xa6: {  	v60 =	vld [tilespmem:s11+$0x18FC0];
	_ =	sdelay $0x3  }
0xa7: {  	v1 =	vmul.f32 v2, v1;
	_ =	sdelay $0x1  }
0xa8: {  	[tilespmem:s11+$0x19FB0] =	vst v1  }
0xa9: {  	v1 =	vld.idx.msk [tilespmem:v3+s5+$0x0], $0xffff  }
0xaa: {  	v2 =	vld.idx.msk [tilespmem:v60+s5+$0x0], $0xffff;
	_ =	sdelay $0x3  }
0xab: {  	v1 =	vshll.u32 v1, $0x2  }
0xac: {  	v1 =	vadd.s32 v2, v1;
	_ =	sdelay $0x2  }
0xad: {  	v3 =	vld [tilespmem:s11+$0x187D0]  }
0xae: {  	v2 =	vld [tilespmem:s11+$0x197C0]  }
0xaf: {  	v1 =	vld.idx.msk [tilespmem:v1+s18+$0x0], $0xffff  }
0xb0: {  	v61 =	vld [tilespmem:s11+$0x18FD0];
	_ =	sdelay $0x3  }
0xb1: {  	v1 =	vmul.f32 v2, v1;
	_ =	sdelay $0x1  }
0xb2: {  	[tilespmem:s11+$0x19FC0] =	vst v1  }
0xb3: {  	v1 =	vld.idx.msk [tilespmem:v3+s5+$0x0], $0xffff  }
0xb4: {  	v2 =	vld.idx.msk [tilespmem:v61+s5+$0x0], $0xffff;
	_ =	sdelay $0x3  }
0xb5: {  	v1 =	vshll.u32 v1, $0x2  }
0xb6: {  	v1 =	vadd.s32 v2, v1;
	_ =	sdelay $0x2  }
0xb7: {  	v3 =	vld [tilespmem:s11+$0x187E0]  }
0xb8: {  	v2 =	vld [tilespmem:s11+$0x197D0]  }
0xb9: {  	v1 =	vld.idx.msk [tilespmem:v1+s18+$0x0], $0xffff  }
0xba: {  	v62 =	vld [tilespmem:s11+$0x18FE0];
	_ =	sdelay $0x3  }
0xbb: {  	v1 =	vmul.f32 v2, v1;
	_ =	sdelay $0x1  }
0xbc: {  	[tilespmem:s11+$0x19FD0] =	vst v1  }
0xbd: {  	v1 =	vld.idx.msk [tilespmem:v3+s5+$0x0], $0xffff  }
0xbe: {  	v2 =	vld.idx.msk [tilespmem:v62+s5+$0x0], $0xffff;
	_ =	sdelay $0x3  }
0xbf: {  	v1 =	vshll.u32 v1, $0x2  }
0xc0: {  	v1 =	vadd.s32 v2, v1;
	_ =	sdelay $0x2  }
0xc1: {  	v3 =	vld [tilespmem:s11+$0x187F0]  }
0xc2: {  	v2 =	vld [tilespmem:s11+$0x197E0]  }
0xc3: {  	v1 =	vld.idx.msk [tilespmem:v1+s18+$0x0], $0xffff  }
0xc4: {  	v63 =	vld [tilespmem:s11+$0x18FF0];
	_ =	sdelay $0x3  }
0xc5: {  	v1 =	vmul.f32 v2, v1;
	_ =	sdelay $0x1  }
0xc6: {  	[tilespmem:s11+$0x19FE0] =	vst v1  }
0xc7: {  	v1 =	vld.idx.msk [tilespmem:v3+s5+$0x0], $0xffff  }
0xc8: {  	v2 =	vld.idx.msk [tilespmem:v63+s5+$0x0], $0xffff;
	_ =	sdelay $0x3  }
0xc9: {  	v1 =	vshll.u32 v1, $0x2  }
0xca: {  	v1 =	vadd.s32 v2, v1;
	_ =	sdelay $0x3  }
0xcb: {  	v2 =	vld [tilespmem:s11+$0x197F0]  }
0xcc: {  	v1 =	vld.idx.msk [tilespmem:v1+s18+$0x0], $0xffff;
	_ =	sdelay $0x1  }
0xcd: {  	p1 =	sne.s32 s2, $0x1E00  }
.Ltmp3:
0xce: {  	_ = 	snop;
	(pc) =	sbr.rel @p1 .LBB2_5-.Ltmp3, $3  }
0xcf: {  	_ = 	snop  }
0xd0: {  	v1 =	vmul.f32 v2, v1;
	_ =	sdelay $0x1  }
0xd1: {  	s2 =	sadd.s32 $0x200, s2;
	[tilespmem:s11+$0x19FF0] =	vst v1  }
0xd2: {  	s2 =	simm.s32 $0x18780;
	s3 =	simm.s32 $0x19F80  }
0xd3: {  	[spmem:s4] =	stream.indirect.scatter.add.f32 [tilespmem:s3], [sflag:$0x3], $0x1, s2, s24, $0xb8;
	[tilespmem:$0x1F980] =	vst v63  }
0xd4: {  	s19 =	simm.s32 $0x18800;
	s21 =	simm.s32 $0x1A000  }
0xd5: {  	[spmem:s4] =	stream.indirect.scatter.add.f32 [tilespmem:s21], [sflag:$0x3], $0x1, s19, s24, $0xb8;
	[tilespmem:$0x1F980] =	vst v63  }
0xd6: {  	s9 =	simm.s32 $0x18880;
	s11 =	simm.s32 $0x1A080  }
0xd7: {  	[spmem:s4] =	stream.indirect.scatter.add.f32 [tilespmem:s11], [sflag:$0x3], $0x1, s9, s24, $0xb8;
	[tilespmem:$0x1F980] =	vst v63  }
0xd8: {  	s19 =	simm.s32 $0x18900;
	s21 =	simm.s32 $0x1A100  }
0xd9: {  	[spmem:s4] =	stream.indirect.scatter.add.f32 [tilespmem:s21], [sflag:$0x3], $0x1, s19, s24, $0xb8;
	[tilespmem:$0x1F980] =	vst v63  }
0xda: {  	s9 =	simm.s32 $0x18980;
	s11 =	simm.s32 $0x1A180  }
0xdb: {  	[spmem:s4] =	stream.indirect.scatter.add.f32 [tilespmem:s11], [sflag:$0x3], $0x1, s9, s24, $0xb8;
	[tilespmem:$0x1F980] =	vst v63  }
0xdc: {  	s19 =	simm.s32 $0x18A00;
	s21 =	simm.s32 $0x1A200  }
0xdd: {  	[spmem:s4] =	stream.indirect.scatter.add.f32 [tilespmem:s21], [sflag:$0x3], $0x1, s19, s24, $0xb8;
	[tilespmem:$0x1F980] =	vst v63  }
0xde: {  	s9 =	simm.s32 $0x18A80;
	s11 =	simm.s32 $0x1A280  }
0xdf: {  	[spmem:s4] =	stream.indirect.scatter.add.f32 [tilespmem:s11], [sflag:$0x3], $0x1, s9, s24, $0xb8;
	[tilespmem:$0x1F980] =	vst v63  }
0xe0: {  	s19 =	simm.s32 $0x18B00;
	s21 =	simm.s32 $0x1A300  }
0xe1: {  	[spmem:s4] =	stream.indirect.scatter.add.f32 [tilespmem:s21], [sflag:$0x3], $0x1, s19, s24, $0xb8;
	[tilespmem:$0x1F980] =	vst v63  }
0xe2: {  	s9 =	simm.s32 $0x18B80;
	s11 =	simm.s32 $0x1A380  }
0xe3: {  	[spmem:s4] =	stream.indirect.scatter.add.f32 [tilespmem:s11], [sflag:$0x3], $0x1, s9, s24, $0xb8;
	[tilespmem:$0x1F980] =	vst v63  }
0xe4: {  	s19 =	simm.s32 $0x18C00;
	s21 =	simm.s32 $0x1A400  }
0xe5: {  	[spmem:s4] =	stream.indirect.scatter.add.f32 [tilespmem:s21], [sflag:$0x3], $0x1, s19, s24, $0xb8;
	[tilespmem:$0x1F980] =	vst v63  }
0xe6: {  	s9 =	simm.s32 $0x18C80;
	s11 =	simm.s32 $0x1A480  }
0xe7: {  	[spmem:s4] =	stream.indirect.scatter.add.f32 [tilespmem:s11], [sflag:$0x3], $0x1, s9, s24, $0xb8;
	[tilespmem:$0x1F980] =	vst v63  }
0xe8: {  	s19 =	simm.s32 $0x18D00;
	s21 =	simm.s32 $0x1A500  }
0xe9: {  	[spmem:s4] =	stream.indirect.scatter.add.f32 [tilespmem:s21], [sflag:$0x3], $0x1, s19, s24, $0xb8;
	[tilespmem:$0x1F980] =	vst v63  }
0xea: {  	s9 =	simm.s32 $0x18D80;
	s11 =	simm.s32 $0x1A580  }
0xeb: {  	[spmem:s4] =	stream.indirect.scatter.add.f32 [tilespmem:s11], [sflag:$0x3], $0x1, s9, s24, $0xb8;
	[tilespmem:$0x1F980] =	vst v63  }
0xec: {  	s19 =	simm.s32 $0x18E00;
	s21 =	simm.s32 $0x1A600  }
0xed: {  	[spmem:s4] =	stream.indirect.scatter.add.f32 [tilespmem:s21], [sflag:$0x3], $0x1, s19, s24, $0xb8;
	[tilespmem:$0x1F980] =	vst v63  }
0xee: {  	p1 =	seq.s32 s0, $0x0;
	s3 =	simm.s32 $0x18E80;
	s9 =	simm.s32 $0x1A680  }
0xef: {  	[spmem:s4] =	stream.indirect.scatter.add.f32 [tilespmem:s9], [sflag:$0x3], $0x1, s3, s24, $0xb8;
	[tilespmem:$0x1F980] =	vst v63  }
0xf0: {  	s11 =	simm.s32 $0x18F00;
	s19 =	simm.s32 $0x1A700;
	s3 =	simm.s32 @!p1 $0x4  }
0xf1: {  	[spmem:s4] =	stream.indirect.scatter.add.f32 [tilespmem:s19], [sflag:$0x3], $0x1, s11, s24, $0xb8;
	[tilespmem:$0x1F980] =	vst v63  }
0xf2: {  	_ =	swait.ge @!p1 [sflag:s3], $0x80  }
0xf3: {  	[sflag:s3] =	ssyncset.done @!p1 $0x0  }
0xf4: {  	[sflag:s3] =	ssyncadd.s32 @!p1 $0xFFFFFF80  }
0xf5: {  	_ =	swait.ge @!p1 [sflag:s3], $0x80  }
0xf6: {  	[sflag:s3] =	ssyncset.done @!p1 $0x0  }
0xf7: {  	[sflag:s3] =	ssyncadd.s32 @!p1 $0xFFFFFF80  }
0xf8: {  	_ =	swait.ge @!p1 [sflag:s3], $0x80  }
0xf9: {  	[sflag:s3] =	ssyncset.done @!p1 $0x0  }
0xfa: {  	[sflag:s3] =	ssyncadd.s32 @!p1 $0xFFFFFF80  }
0xfb: {  	_ =	swait.ge @!p1 [sflag:s3], $0x80  }
0xfc: {  	[sflag:s3] =	ssyncset.done @!p1 $0x0  }
0xfd: {  	[sflag:s3] =	ssyncadd.s32 @!p1 $0xFFFFFF80  }
0xfe: {  	_ =	swait.ge @!p1 [sflag:s3], $0x80  }
0xff: {  	[sflag:s3] =	ssyncset.done @!p1 $0x0  }
0x100: {  	[sflag:s3] =	ssyncadd.s32 @!p1 $0xFFFFFF80  }
0x101: {  	_ =	swait.ge @!p1 [sflag:s3], $0x80  }
0x102: {  	[sflag:s3] =	ssyncset.done @!p1 $0x0  }
0x103: {  	[sflag:s3] =	ssyncadd.s32 @!p1 $0xFFFFFF80  }
0x104: {  	_ =	swait.ge @!p1 [sflag:s3], $0x80  }
0x105: {  	[sflag:s3] =	ssyncset.done @!p1 $0x0  }
0x106: {  	[sflag:s3] =	ssyncadd.s32 @!p1 $0xFFFFFF80  }
0x107: {  	_ =	swait.ge @!p1 [sflag:s3], $0x80  }
0x108: {  	[sflag:s3] =	ssyncset.done @!p1 $0x0  }
0x109: {  	[sflag:s3] =	ssyncadd.s32 @!p1 $0xFFFFFF80  }
0x10a: {  	_ =	swait.ge @!p1 [sflag:s3], $0x80  }
0x10b: {  	[sflag:s3] =	ssyncset.done @!p1 $0x0  }
0x10c: {  	[sflag:s3] =	ssyncadd.s32 @!p1 $0xFFFFFF80  }
0x10d: {  	_ =	swait.ge @!p1 [sflag:s3], $0x80  }
0x10e: {  	[sflag:s3] =	ssyncset.done @!p1 $0x0  }
0x10f: {  	[sflag:s3] =	ssyncadd.s32 @!p1 $0xFFFFFF80  }
0x110: {  	_ =	swait.ge @!p1 [sflag:s3], $0x80  }
0x111: {  	[sflag:s3] =	ssyncset.done @!p1 $0x0  }
0x112: {  	[sflag:s3] =	ssyncadd.s32 @!p1 $0xFFFFFF80  }
0x113: {  	_ =	swait.ge @!p1 [sflag:s3], $0x80  }
0x114: {  	[sflag:s3] =	ssyncset.done @!p1 $0x0  }
0x115: {  	[sflag:s3] =	ssyncadd.s32 @!p1 $0xFFFFFF80  }
0x116: {  	_ =	swait.ge @!p1 [sflag:s3], $0x80  }
0x117: {  	[sflag:s3] =	ssyncset.done @!p1 $0x0  }
0x118: {  	[sflag:s3] =	ssyncadd.s32 @!p1 $0xFFFFFF80  }
0x119: {  	_ =	swait.ge @!p1 [sflag:s3], $0x80  }
0x11a: {  	[sflag:s3] =	ssyncset.done @!p1 $0x0  }
0x11b: {  	[sflag:s3] =	ssyncadd.s32 @!p1 $0xFFFFFF80  }
0x11c: {  	s11 =	sshll.u32 s0, $0x1;
	_ =	swait.ge @!p1 [sflag:s3], $0x80  }
0x11d: {  	s21 =	sadd.s32 s8, s11;
	[sflag:s3] =	ssyncset.done @!p1 $0x0  }
0x11e: {  	s2 =	sshll.u32 s21, $0xB;
	[sflag:s3] =	ssyncadd.s32 @!p1 $0xFFFFFF80  }
0x11f: {  	s9 =	sshrl.u32 s2, $0x3;
	_ =	swait.ge @!p1 [sflag:s3], $0x80  }
0x120: {  	s19 =	simm.s32 $0x0;
	s21 =	sadd.s32 $0x100, s9;
	[sflag:s3] =	ssyncset.done @!p1 $0x0  }
0x121: {  	s9 =	sadd.s32 s6, s9;
	[sflag:s3] =	ssyncadd.s32 @!p1 $0xFFFFFF80;
	s3 =	sadd.s32 s6, s21  }
0x122: {  	[tilespmem:s7], [sflag:$0x2] =	stream.linear.gather [hbm4b:s3+s19], $0x800, $0x38;
	[tilespmem:$0x1F980] =	vst v63  }
0x123: {  	s3 =	sadd.s32 $0xC3600, s9;
	s9 =	simm.s32 $0x1AF80  }
0x124: {  	[tilespmem:s9], [sflag:$0x2] =	stream.linear.gather [hbm4b:s3+s19], $0x800, $0x38;
	[tilespmem:$0x1F980] =	vst v63  }
0x125: {  	s9 =	sadd.s32 s1, s21;
	s21 =	simm.s32 $0x1B780  }
0x126: {  	[tilespmem:s21], [sflag:$0x2] =	stream.linear.gather [hbm4b:s9+s19], $0x800, $0x38;
	[tilespmem:$0x1F980] =	vst v63  }
0x127: {  	_ =	swait.ge [sflag:s14], $0x800  }
0x128: {  	[sflag:s14] =	ssyncset.done $0x0  }
0x129: {  	[sflag:s14] =	ssyncadd.s32 $0xFFFFF800  }
0x12a: {  	_ =	swait.ge [sflag:s14], $0x800  }
0x12b: {  	[sflag:s14] =	ssyncset.done $0x0  }
0x12c: {  	[sflag:s14] =	ssyncadd.s32 $0xFFFFF800  }
0x12d: {  	_ =	swait.ge [sflag:s14], $0x800  }
0x12e: {  	[sflag:s14] =	ssyncset.done $0x0  }
0x12f: {  	[sflag:s14] =	ssyncadd.s32 $0xFFFFF800  }
.LBB2_7:
0x130: {  	s3 =	sshra.s32 s19, $0x2  }
0x131: {  	v1 =	vld [tilespmem:s3+$0x1A780]  }
0x132: {  	v2 =	vld [tilespmem:s3+$0x1AF80];
	_ =	sdelay $0x6  }
0x133: {  	v1 =	vld.idx.msk [tilespmem:v1+s5+$0x0], $0xffff  }
0x134: {  	v2 =	vld.idx.msk [tilespmem:v2+s5+$0x0], $0xffff;
	_ =	sdelay $0x3  }
0x135: {  	v1 =	vshll.u32 v1, $0x2  }
0x136: {  	v1 =	vadd.s32 v2, v1;
	_ =	sdelay $0x2  }
0x137: {  	v3 =	vld [tilespmem:s3+$0x1A790]  }
0x138: {  	v2 =	vld [tilespmem:s3+$0x1B780]  }
0x139: {  	v1 =	vld.idx.msk [tilespmem:v1+s18+$0x0], $0xffff  }
0x13a: {  	v4 =	vld [tilespmem:s3+$0x1AF90];
	_ =	sdelay $0x3  }
0x13b: {  	v1 =	vmul.f32 v2, v1;
	_ =	sdelay $0x1  }
0x13c: {  	[tilespmem:s3+$0x1BF80] =	vst v1  }
0x13d: {  	v1 =	vld.idx.msk [tilespmem:v3+s5+$0x0], $0xffff  }
0x13e: {  	v2 =	vld.idx.msk [tilespmem:v4+s5+$0x0], $0xffff;
	_ =	sdelay $0x3  }
0x13f: {  	v1 =	vshll.u32 v1, $0x2  }
0x140: {  	v1 =	vadd.s32 v2, v1;
	_ =	sdelay $0x2  }
0x141: {  	v3 =	vld [tilespmem:s3+$0x1A7A0]  }
0x142: {  	v2 =	vld [tilespmem:s3+$0x1B790]  }
0x143: {  	v1 =	vld.idx.msk [tilespmem:v1+s18+$0x0], $0xffff  }
0x144: {  	v58 =	vld [tilespmem:s3+$0x1AFA0];
	_ =	sdelay $0x3  }
0x145: {  	v1 =	vmul.f32 v2, v1;
	_ =	sdelay $0x1  }
0x146: {  	[tilespmem:s3+$0x1BF90] =	vst v1  }
0x147: {  	v1 =	vld.idx.msk [tilespmem:v3+s5+$0x0], $0xffff  }
0x148: {  	v2 =	vld.idx.msk [tilespmem:v58+s5+$0x0], $0xffff;
	_ =	sdelay $0x3  }
0x149: {  	v1 =	vshll.u32 v1, $0x2  }
0x14a: {  	v1 =	vadd.s32 v2, v1;
	_ =	sdelay $0x2  }
0x14b: {  	v3 =	vld [tilespmem:s3+$0x1A7B0]  }
0x14c: {  	v2 =	vld [tilespmem:s3+$0x1B7A0]  }
0x14d: {  	v1 =	vld.idx.msk [tilespmem:v1+s18+$0x0], $0xffff  }
0x14e: {  	v59 =	vld [tilespmem:s3+$0x1AFB0];
	_ =	sdelay $0x3  }
0x14f: {  	v1 =	vmul.f32 v2, v1;
	_ =	sdelay $0x1  }
0x150: {  	[tilespmem:s3+$0x1BFA0] =	vst v1  }
0x151: {  	v1 =	vld.idx.msk [tilespmem:v3+s5+$0x0], $0xffff  }
0x152: {  	v2 =	vld.idx.msk [tilespmem:v59+s5+$0x0], $0xffff;
	_ =	sdelay $0x3  }
0x153: {  	v1 =	vshll.u32 v1, $0x2  }
0x154: {  	v1 =	vadd.s32 v2, v1;
	_ =	sdelay $0x2  }
0x155: {  	v3 =	vld [tilespmem:s3+$0x1A7C0]  }
0x156: {  	v2 =	vld [tilespmem:s3+$0x1B7B0]  }
0x157: {  	v1 =	vld.idx.msk [tilespmem:v1+s18+$0x0], $0xffff  }
0x158: {  	v60 =	vld [tilespmem:s3+$0x1AFC0];
	_ =	sdelay $0x3  }
0x159: {  	v1 =	vmul.f32 v2, v1;
	_ =	sdelay $0x1  }
0x15a: {  	[tilespmem:s3+$0x1BFB0] =	vst v1  }
0x15b: {  	v1 =	vld.idx.msk [tilespmem:v3+s5+$0x0], $0xffff  }
0x15c: {  	v2 =	vld.idx.msk [tilespmem:v60+s5+$0x0], $0xffff;
	_ =	sdelay $0x3  }
0x15d: {  	v1 =	vshll.u32 v1, $0x2  }
0x15e: {  	v1 =	vadd.s32 v2, v1;
	_ =	sdelay $0x2  }
0x15f: {  	v3 =	vld [tilespmem:s3+$0x1A7D0]  }
0x160: {  	v2 =	vld [tilespmem:s3+$0x1B7C0]  }
0x161: {  	v1 =	vld.idx.msk [tilespmem:v1+s18+$0x0], $0xffff  }
0x162: {  	v61 =	vld [tilespmem:s3+$0x1AFD0];
	_ =	sdelay $0x3  }
0x163: {  	v1 =	vmul.f32 v2, v1;
	_ =	sdelay $0x1  }
0x164: {  	[tilespmem:s3+$0x1BFC0] =	vst v1  }
0x165: {  	v1 =	vld.idx.msk [tilespmem:v3+s5+$0x0], $0xffff  }
0x166: {  	v2 =	vld.idx.msk [tilespmem:v61+s5+$0x0], $0xffff;
	_ =	sdelay $0x3  }
0x167: {  	v1 =	vshll.u32 v1, $0x2  }
0x168: {  	v1 =	vadd.s32 v2, v1;
	_ =	sdelay $0x2  }
0x169: {  	v3 =	vld [tilespmem:s3+$0x1A7E0]  }
0x16a: {  	v2 =	vld [tilespmem:s3+$0x1B7D0]  }
0x16b: {  	v1 =	vld.idx.msk [tilespmem:v1+s18+$0x0], $0xffff  }
0x16c: {  	v62 =	vld [tilespmem:s3+$0x1AFE0];
	_ =	sdelay $0x3  }
0x16d: {  	v1 =	vmul.f32 v2, v1;
	_ =	sdelay $0x1  }
0x16e: {  	[tilespmem:s3+$0x1BFD0] =	vst v1  }
0x16f: {  	v1 =	vld.idx.msk [tilespmem:v3+s5+$0x0], $0xffff  }
0x170: {  	v2 =	vld.idx.msk [tilespmem:v62+s5+$0x0], $0xffff;
	_ =	sdelay $0x3  }
0x171: {  	v1 =	vshll.u32 v1, $0x2  }
0x172: {  	v1 =	vadd.s32 v2, v1;
	_ =	sdelay $0x2  }
0x173: {  	v3 =	vld [tilespmem:s3+$0x1A7F0]  }
0x174: {  	v2 =	vld [tilespmem:s3+$0x1B7E0]  }
0x175: {  	v1 =	vld.idx.msk [tilespmem:v1+s18+$0x0], $0xffff  }
0x176: {  	v63 =	vld [tilespmem:s3+$0x1AFF0];
	_ =	sdelay $0x3  }
0x177: {  	v1 =	vmul.f32 v2, v1;
	_ =	sdelay $0x1  }
0x178: {  	[tilespmem:s3+$0x1BFE0] =	vst v1  }
0x179: {  	v1 =	vld.idx.msk [tilespmem:v3+s5+$0x0], $0xffff  }
0x17a: {  	v2 =	vld.idx.msk [tilespmem:v63+s5+$0x0], $0xffff;
	_ =	sdelay $0x3  }
0x17b: {  	v1 =	vshll.u32 v1, $0x2  }
0x17c: {  	v1 =	vadd.s32 v2, v1;
	_ =	sdelay $0x3  }
0x17d: {  	v2 =	vld [tilespmem:s3+$0x1B7F0]  }
0x17e: {  	v1 =	vld.idx.msk [tilespmem:v1+s18+$0x0], $0xffff;
	_ =	sdelay $0x1  }
0x17f: {  	p1 =	sne.s32 s19, $0x1E00  }
.Ltmp4:
0x180: {  	_ = 	snop;
	(pc) =	sbr.rel @p1 .LBB2_7-.Ltmp4, $3  }
0x181: {  	_ = 	snop  }
0x182: {  	v1 =	vmul.f32 v2, v1;
	_ =	sdelay $0x1  }
0x183: {  	s19 =	sadd.s32 $0x200, s19;
	[tilespmem:s3+$0x1BFF0] =	vst v1  }
0x184: {  	_ =	swait.ge [sflag:s15], $0x80  }
0x185: {  	[sflag:s15] =	ssyncset.done $0x0  }
0x186: {  	[sflag:s15] =	ssyncadd.s32 $0xFFFFFF80  }
0x187: {  	_ =	swait.ge [sflag:s15], $0x80  }
0x188: {  	[sflag:s15] =	ssyncset.done $0x0  }
0x189: {  	[sflag:s15] =	ssyncadd.s32 $0xFFFFFF80  }
0x18a: {  	_ =	swait.ge [sflag:s15], $0x80  }
0x18b: {  	[sflag:s15] =	ssyncset.done $0x0  }
0x18c: {  	[sflag:s15] =	ssyncadd.s32 $0xFFFFFF80  }
0x18d: {  	_ =	swait.ge [sflag:s15], $0x80  }
0x18e: {  	[sflag:s15] =	ssyncset.done $0x0  }
0x18f: {  	[sflag:s15] =	ssyncadd.s32 $0xFFFFFF80  }
0x190: {  	_ =	swait.ge [sflag:s15], $0x80  }
0x191: {  	[sflag:s15] =	ssyncset.done $0x0  }
0x192: {  	[sflag:s15] =	ssyncadd.s32 $0xFFFFFF80  }
0x193: {  	_ =	swait.ge [sflag:s15], $0x80  }
0x194: {  	[sflag:s15] =	ssyncset.done $0x0  }
0x195: {  	[sflag:s15] =	ssyncadd.s32 $0xFFFFFF80  }
0x196: {  	_ =	swait.ge [sflag:s15], $0x80  }
0x197: {  	[sflag:s15] =	ssyncset.done $0x0  }
0x198: {  	[sflag:s15] =	ssyncadd.s32 $0xFFFFFF80  }
0x199: {  	_ =	swait.ge [sflag:s15], $0x80  }
0x19a: {  	[sflag:s15] =	ssyncset.done $0x0  }
0x19b: {  	[sflag:s15] =	ssyncadd.s32 $0xFFFFFF80  }
0x19c: {  	_ =	swait.ge [sflag:s15], $0x80  }
0x19d: {  	[sflag:s15] =	ssyncset.done $0x0  }
0x19e: {  	[sflag:s15] =	ssyncadd.s32 $0xFFFFFF80  }
0x19f: {  	_ =	swait.ge [sflag:s15], $0x80  }
0x1a0: {  	[sflag:s15] =	ssyncset.done $0x0  }
0x1a1: {  	[sflag:s15] =	ssyncadd.s32 $0xFFFFFF80  }
0x1a2: {  	_ =	swait.ge [sflag:s15], $0x80  }
0x1a3: {  	[sflag:s15] =	ssyncset.done $0x0  }
0x1a4: {  	[sflag:s15] =	ssyncadd.s32 $0xFFFFFF80  }
0x1a5: {  	_ =	swait.ge [sflag:s15], $0x80  }
0x1a6: {  	[sflag:s15] =	ssyncset.done $0x0  }
0x1a7: {  	[sflag:s15] =	ssyncadd.s32 $0xFFFFFF80  }
0x1a8: {  	_ =	swait.ge [sflag:s15], $0x80  }
0x1a9: {  	[sflag:s15] =	ssyncset.done $0x0  }
0x1aa: {  	[sflag:s15] =	ssyncadd.s32 $0xFFFFFF80  }
0x1ab: {  	_ =	swait.ge [sflag:s15], $0x80  }
0x1ac: {  	[sflag:s15] =	ssyncset.done $0x0  }
0x1ad: {  	[sflag:s15] =	ssyncadd.s32 $0xFFFFFF80  }
0x1ae: {  	_ =	swait.ge [sflag:s15], $0x80  }
0x1af: {  	[sflag:s15] =	ssyncset.done $0x0  }
0x1b0: {  	[sflag:s15] =	ssyncadd.s32 $0xFFFFFF80  }
0x1b1: {  	_ =	swait.ge [sflag:s15], $0x80  }
0x1b2: {  	[sflag:s15] =	ssyncset.done $0x0  }
0x1b3: {  	s3 =	simm.s32 $0x1BF80;
	[sflag:s15] =	ssyncadd.s32 $0xFFFFFF80  }
0x1b4: {  	[spmem:s4] =	stream.indirect.scatter.add.f32 [tilespmem:s3], [sflag:$0x4], $0x1, s7, s24, $0xb8;
	[tilespmem:$0x1F980] =	vst v63  }
0x1b5: {  	s21 =	simm.s32 $0x1A800;
	s9 =	simm.s32 $0x1C000  }
0x1b6: {  	[spmem:s4] =	stream.indirect.scatter.add.f32 [tilespmem:s9], [sflag:$0x4], $0x1, s21, s24, $0xb8;
	[tilespmem:$0x1F980] =	vst v63  }
0x1b7: {  	s19 =	simm.s32 $0x1A880;
	s21 =	simm.s32 $0x1C080  }
0x1b8: {  	[spmem:s4] =	stream.indirect.scatter.add.f32 [tilespmem:s21], [sflag:$0x4], $0x1, s19, s24, $0xb8;
	[tilespmem:$0x1F980] =	vst v63  }
0x1b9: {  	s19 =	simm.s32 $0x1A900;
	s21 =	simm.s32 $0x1C100  }
0x1ba: {  	[spmem:s4] =	stream.indirect.scatter.add.f32 [tilespmem:s21], [sflag:$0x4], $0x1, s19, s24, $0xb8;
	[tilespmem:$0x1F980] =	vst v63  }
0x1bb: {  	s19 =	simm.s32 $0x1A980;
	s21 =	simm.s32 $0x1C180  }
0x1bc: {  	[spmem:s4] =	stream.indirect.scatter.add.f32 [tilespmem:s21], [sflag:$0x4], $0x1, s19, s24, $0xb8;
	[tilespmem:$0x1F980] =	vst v63  }
0x1bd: {  	s19 =	simm.s32 $0x1AA00;
	s21 =	simm.s32 $0x1C200  }
0x1be: {  	[spmem:s4] =	stream.indirect.scatter.add.f32 [tilespmem:s21], [sflag:$0x4], $0x1, s19, s24, $0xb8;
	[tilespmem:$0x1F980] =	vst v63  }
0x1bf: {  	s19 =	simm.s32 $0x1AA80;
	s21 =	simm.s32 $0x1C280  }
0x1c0: {  	[spmem:s4] =	stream.indirect.scatter.add.f32 [tilespmem:s21], [sflag:$0x4], $0x1, s19, s24, $0xb8;
	[tilespmem:$0x1F980] =	vst v63  }
0x1c1: {  	s19 =	simm.s32 $0x1AB00;
	s21 =	simm.s32 $0x1C300  }
0x1c2: {  	[spmem:s4] =	stream.indirect.scatter.add.f32 [tilespmem:s21], [sflag:$0x4], $0x1, s19, s24, $0xb8;
	[tilespmem:$0x1F980] =	vst v63  }
0x1c3: {  	s19 =	simm.s32 $0x1AB80;
	s21 =	simm.s32 $0x1C380  }
0x1c4: {  	[spmem:s4] =	stream.indirect.scatter.add.f32 [tilespmem:s21], [sflag:$0x4], $0x1, s19, s24, $0xb8;
	[tilespmem:$0x1F980] =	vst v63  }
0x1c5: {  	s19 =	simm.s32 $0x1AC00;
	s21 =	simm.s32 $0x1C400  }
0x1c6: {  	[spmem:s4] =	stream.indirect.scatter.add.f32 [tilespmem:s21], [sflag:$0x4], $0x1, s19, s24, $0xb8;
	[tilespmem:$0x1F980] =	vst v63  }
0x1c7: {  	s19 =	simm.s32 $0x1AC80;
	s21 =	simm.s32 $0x1C480  }
0x1c8: {  	[spmem:s4] =	stream.indirect.scatter.add.f32 [tilespmem:s21], [sflag:$0x4], $0x1, s19, s24, $0xb8;
	[tilespmem:$0x1F980] =	vst v63  }
0x1c9: {  	_ = 	snop  }
0x1ca: {  	[spmem:s4] =	stream.indirect.scatter.add.f32 [tilespmem:s22], [sflag:$0x4], $0x1, s17, s24, $0xb8;
	[tilespmem:$0x1F980] =	vst v63  }
0x1cb: {  	_ = 	snop  }
0x1cc: {  	[spmem:s4] =	stream.indirect.scatter.add.f32 [tilespmem:s26], [sflag:$0x4], $0x1, s25, s24, $0xb8;
	[tilespmem:$0x1F980] =	vst v63  }
0x1cd: {  	p1 =	sge.u32 s11, s16  }
0x1ce: {  	[spmem:s4] =	stream.indirect.scatter.add.f32 [tilespmem:s28], [sflag:$0x4], $0x1, s12, s24, $0xb8;
	[tilespmem:$0x1F980] =	vst v63  }
0x1cf: {  	s2 =	sshrl.u32 @!p1 s2, $0x3  }
0x1d0: {  	[spmem:s4] =	stream.indirect.scatter.add.f32 [tilespmem:s29], [sflag:$0x4], $0x1, s13, s24, $0xb8;
	[tilespmem:$0x1F980] =	vst v63  }
0x1d1: {  	s11 =	simm.s32 @!p1 $0x0;
	s3 =	sadd.s32 @!p1 $0x200, s2  }
0x1d2: {  	[spmem:s4] =	stream.indirect.scatter.add.f32 [tilespmem:s31], [sflag:$0x4], $0x1, s30, s24, $0xb8;
	[tilespmem:$0x1F980] =	vst v63  }
0x1d3: {  	s2 =	sadd.s32 @!p1 s6, s2;
	s9 =	sadd.s32 @!p1 s6, s3;
	s19 =	simm.s32 @!p1 $0x18780  }
0x1d4: {  	[tilespmem:s19], [sflag:$0x1] =	stream.linear.gather @!p1 [hbm4b:s9+s11], $0x800, $0x38;
	[tilespmem:$0x1F980] =	vst v63  }
0x1d5: {  	s2 =	sadd.s32 @!p1 $0xC3700, s2;
	s9 =	simm.s32 @!p1 $0x18F80  }
0x1d6: {  	[tilespmem:s9], [sflag:$0x1] =	stream.linear.gather @!p1 [hbm4b:s2+s11], $0x800, $0x38;
	[tilespmem:$0x1F980] =	vst v63  }
0x1d7: {  	s0 =	sadd.s32 $0x1, s0;
	s2 =	sadd.s32 @!p1 s1, s3;
	s3 =	simm.s32 @!p1 $0x19780  }
0x1d8: {  	[tilespmem:s3], [sflag:$0x1] =	stream.linear.gather @!p1 [hbm4b:s2+s11], $0x800, $0x38;
	[tilespmem:$0x1F980] =	vst v63  }
0x1d9: {  	p1 =	sne.s32 s0, s10  }
.Ltmp5:
0x1da: {  	_ = 	snop;
	(pc) =	sbr.rel @p1 .LBB2_4-.Ltmp5, $1  }
0x1db: {  	_ =	sdelay $0x3  }
.Ltmp6:
0x1dc: {  	(pc) =	sbr.rel @p0 .LBB2_13-.Ltmp6, $3  }
0x1dd: {  	_ =	sdelay $0x1  }
0x1de: {  	s11 =	rddreg [dreg:$0x6]  }
0x1df: {  	s3 =	simm.s32 $0x5;
	s19 =	simm.s32 $0x1C780;
	s9 =	rddreg [dreg:$0xc]  }
0x1e0: {  	_ =	swait.ge [sflag:s23], $0x800  }
0x1e1: {  	[sflag:s23] =	ssyncset.done $0x0  }
0x1e2: {  	[sflag:s23] =	ssyncadd.s32 $0xFFFFF800  }
0x1e3: {  	_ =	swait.ge [sflag:s23], $0x800  }
0x1e4: {  	[sflag:s23] =	ssyncset.done $0x0  }
0x1e5: {  	[sflag:s23] =	ssyncadd.s32 $0xFFFFF800  }
0x1e6: {  	_ =	swait.ge [sflag:s23], $0x800  }
0x1e7: {  	[sflag:s23] =	ssyncset.done $0x0  }
0x1e8: {  	s0 =	simm.s32 $0x0;
	[sflag:s23] =	ssyncadd.s32 $0xFFFFF800  }
.LBB2_11:
0x1e9: {  	s2 =	sshra.s32 s0, $0x2  }
0x1ea: {  	v1 =	vld [tilespmem:s2+$0x18780]  }
0x1eb: {  	v2 =	vld [tilespmem:s2+$0x18F80];
	_ =	sdelay $0x6  }
0x1ec: {  	v1 =	vld.idx.msk [tilespmem:v1+s5+$0x0], $0xffff  }
0x1ed: {  	v2 =	vld.idx.msk [tilespmem:v2+s5+$0x0], $0xffff;
	_ =	sdelay $0x3  }
0x1ee: {  	v1 =	vshll.u32 v1, $0x2  }
0x1ef: {  	v1 =	vadd.s32 v2, v1;
	_ =	sdelay $0x2  }
0x1f0: {  	v3 =	vld [tilespmem:s2+$0x18790]  }
0x1f1: {  	v2 =	vld [tilespmem:s2+$0x19780]  }
0x1f2: {  	v1 =	vld.idx.msk [tilespmem:v1+s18+$0x0], $0xffff  }
0x1f3: {  	v4 =	vld [tilespmem:s2+$0x18F90];
	_ =	sdelay $0x3  }
0x1f4: {  	v1 =	vmul.f32 v2, v1;
	_ =	sdelay $0x1  }
0x1f5: {  	[tilespmem:s2+$0x19F80] =	vst v1  }
0x1f6: {  	v1 =	vld.idx.msk [tilespmem:v3+s5+$0x0], $0xffff  }
0x1f7: {  	v2 =	vld.idx.msk [tilespmem:v4+s5+$0x0], $0xffff;
	_ =	sdelay $0x3  }
0x1f8: {  	v1 =	vshll.u32 v1, $0x2  }
0x1f9: {  	v1 =	vadd.s32 v2, v1;
	_ =	sdelay $0x2  }
0x1fa: {  	v3 =	vld [tilespmem:s2+$0x187A0]  }
0x1fb: {  	v2 =	vld [tilespmem:s2+$0x19790]  }
0x1fc: {  	v1 =	vld.idx.msk [tilespmem:v1+s18+$0x0], $0xffff  }
0x1fd: {  	v58 =	vld [tilespmem:s2+$0x18FA0];
	_ =	sdelay $0x3  }
0x1fe: {  	v1 =	vmul.f32 v2, v1;
	_ =	sdelay $0x1  }
0x1ff: {  	[tilespmem:s2+$0x19F90] =	vst v1  }
0x200: {  	v1 =	vld.idx.msk [tilespmem:v3+s5+$0x0], $0xffff  }
0x201: {  	v2 =	vld.idx.msk [tilespmem:v58+s5+$0x0], $0xffff;
	_ =	sdelay $0x3  }
0x202: {  	v1 =	vshll.u32 v1, $0x2  }
0x203: {  	v1 =	vadd.s32 v2, v1;
	_ =	sdelay $0x2  }
0x204: {  	v3 =	vld [tilespmem:s2+$0x187B0]  }
0x205: {  	v2 =	vld [tilespmem:s2+$0x197A0]  }
0x206: {  	v1 =	vld.idx.msk [tilespmem:v1+s18+$0x0], $0xffff  }
0x207: {  	v59 =	vld [tilespmem:s2+$0x18FB0];
	_ =	sdelay $0x3  }
0x208: {  	v1 =	vmul.f32 v2, v1;
	_ =	sdelay $0x1  }
0x209: {  	[tilespmem:s2+$0x19FA0] =	vst v1  }
0x20a: {  	v1 =	vld.idx.msk [tilespmem:v3+s5+$0x0], $0xffff  }
0x20b: {  	v2 =	vld.idx.msk [tilespmem:v59+s5+$0x0], $0xffff;
	_ =	sdelay $0x3  }
0x20c: {  	v1 =	vshll.u32 v1, $0x2  }
0x20d: {  	v1 =	vadd.s32 v2, v1;
	_ =	sdelay $0x2  }
0x20e: {  	v3 =	vld [tilespmem:s2+$0x187C0]  }
0x20f: {  	v2 =	vld [tilespmem:s2+$0x197B0]  }
0x210: {  	v1 =	vld.idx.msk [tilespmem:v1+s18+$0x0], $0xffff  }
0x211: {  	v60 =	vld [tilespmem:s2+$0x18FC0];
	_ =	sdelay $0x3  }
0x212: {  	v1 =	vmul.f32 v2, v1;
	_ =	sdelay $0x1  }
0x213: {  	[tilespmem:s2+$0x19FB0] =	vst v1  }
0x214: {  	v1 =	vld.idx.msk [tilespmem:v3+s5+$0x0], $0xffff  }
0x215: {  	v2 =	vld.idx.msk [tilespmem:v60+s5+$0x0], $0xffff;
	_ =	sdelay $0x3  }
0x216: {  	v1 =	vshll.u32 v1, $0x2  }
0x217: {  	v1 =	vadd.s32 v2, v1;
	_ =	sdelay $0x2  }
0x218: {  	v3 =	vld [tilespmem:s2+$0x187D0]  }
0x219: {  	v2 =	vld [tilespmem:s2+$0x197C0]  }
0x21a: {  	v1 =	vld.idx.msk [tilespmem:v1+s18+$0x0], $0xffff  }
0x21b: {  	v61 =	vld [tilespmem:s2+$0x18FD0];
	_ =	sdelay $0x3  }
0x21c: {  	v1 =	vmul.f32 v2, v1;
	_ =	sdelay $0x1  }
0x21d: {  	[tilespmem:s2+$0x19FC0] =	vst v1  }
0x21e: {  	v1 =	vld.idx.msk [tilespmem:v3+s5+$0x0], $0xffff  }
0x21f: {  	v2 =	vld.idx.msk [tilespmem:v61+s5+$0x0], $0xffff;
	_ =	sdelay $0x3  }
0x220: {  	v1 =	vshll.u32 v1, $0x2  }
0x221: {  	v1 =	vadd.s32 v2, v1;
	_ =	sdelay $0x2  }
0x222: {  	v3 =	vld [tilespmem:s2+$0x187E0]  }
0x223: {  	v2 =	vld [tilespmem:s2+$0x197D0]  }
0x224: {  	v1 =	vld.idx.msk [tilespmem:v1+s18+$0x0], $0xffff  }
0x225: {  	v62 =	vld [tilespmem:s2+$0x18FE0];
	_ =	sdelay $0x3  }
0x226: {  	v1 =	vmul.f32 v2, v1;
	_ =	sdelay $0x1  }
0x227: {  	[tilespmem:s2+$0x19FD0] =	vst v1  }
0x228: {  	v1 =	vld.idx.msk [tilespmem:v3+s5+$0x0], $0xffff  }
0x229: {  	v2 =	vld.idx.msk [tilespmem:v62+s5+$0x0], $0xffff;
	_ =	sdelay $0x3  }
0x22a: {  	v1 =	vshll.u32 v1, $0x2  }
0x22b: {  	v1 =	vadd.s32 v2, v1;
	_ =	sdelay $0x2  }
0x22c: {  	v3 =	vld [tilespmem:s2+$0x187F0]  }
0x22d: {  	v2 =	vld [tilespmem:s2+$0x197E0]  }
0x22e: {  	v1 =	vld.idx.msk [tilespmem:v1+s18+$0x0], $0xffff  }
0x22f: {  	v63 =	vld [tilespmem:s2+$0x18FF0];
	_ =	sdelay $0x3  }
0x230: {  	v1 =	vmul.f32 v2, v1;
	_ =	sdelay $0x1  }
0x231: {  	[tilespmem:s2+$0x19FE0] =	vst v1  }
0x232: {  	v1 =	vld.idx.msk [tilespmem:v3+s5+$0x0], $0xffff  }
0x233: {  	v2 =	vld.idx.msk [tilespmem:v63+s5+$0x0], $0xffff;
	_ =	sdelay $0x3  }
0x234: {  	v1 =	vshll.u32 v1, $0x2  }
0x235: {  	v1 =	vadd.s32 v2, v1;
	_ =	sdelay $0x3  }
0x236: {  	v2 =	vld [tilespmem:s2+$0x197F0]  }
0x237: {  	v1 =	vld.idx.msk [tilespmem:v1+s18+$0x0], $0xffff;
	_ =	sdelay $0x1  }
0x238: {  	p1 =	sne.s32 s0, $0x1E00  }
.Ltmp7:
0x239: {  	_ = 	snop;
	(pc) =	sbr.rel @p1 .LBB2_11-.Ltmp7, $3  }
0x23a: {  	_ = 	snop  }
0x23b: {  	v1 =	vmul.f32 v2, v1;
	_ =	sdelay $0x1  }
0x23c: {  	s0 =	sadd.s32 $0x200, s0;
	[tilespmem:s2+$0x19FF0] =	vst v1  }
0x23d: {  	s0 =	simm.s32 $0x18780;
	s2 =	simm.s32 $0x19F80  }
0x23e: {  	[spmem:s4] =	stream.indirect.scatter.add.f32 [tilespmem:s2], [sflag:$0x3], $0x1, s0, s24, $0xb8;
	[tilespmem:$0x1F980] =	vst v63  }
0x23f: {  	s9 =	simm.s32 $0x18800;
	s21 =	simm.s32 $0x1A000  }
0x240: {  	[spmem:s4] =	stream.indirect.scatter.add.f32 [tilespmem:s21], [sflag:$0x3], $0x1, s9, s24, $0xb8;
	[tilespmem:$0x1F980] =	vst v63  }
0x241: {  	s9 =	simm.s32 $0x18880;
	s21 =	simm.s32 $0x1A080  }
0x242: {  	[spmem:s4] =	stream.indirect.scatter.add.f32 [tilespmem:s21], [sflag:$0x3], $0x1, s9, s24, $0xb8;
	[tilespmem:$0x1F980] =	vst v63  }
0x243: {  	s9 =	simm.s32 $0x18900;
	s21 =	simm.s32 $0x1A100  }
0x244: {  	[spmem:s4] =	stream.indirect.scatter.add.f32 [tilespmem:s21], [sflag:$0x3], $0x1, s9, s24, $0xb8;
	[tilespmem:$0x1F980] =	vst v63  }
0x245: {  	s9 =	simm.s32 $0x18980;
	s21 =	simm.s32 $0x1A180  }
0x246: {  	[spmem:s4] =	stream.indirect.scatter.add.f32 [tilespmem:s21], [sflag:$0x3], $0x1, s9, s24, $0xb8;
	[tilespmem:$0x1F980] =	vst v63  }
0x247: {  	s9 =	simm.s32 $0x18A00;
	s21 =	simm.s32 $0x1A200  }
0x248: {  	[spmem:s4] =	stream.indirect.scatter.add.f32 [tilespmem:s21], [sflag:$0x3], $0x1, s9, s24, $0xb8;
	[tilespmem:$0x1F980] =	vst v63  }
0x249: {  	s9 =	simm.s32 $0x18A80;
	s21 =	simm.s32 $0x1A280  }
0x24a: {  	[spmem:s4] =	stream.indirect.scatter.add.f32 [tilespmem:s21], [sflag:$0x3], $0x1, s9, s24, $0xb8;
	[tilespmem:$0x1F980] =	vst v63  }
0x24b: {  	s9 =	simm.s32 $0x18B00;
	s21 =	simm.s32 $0x1A300  }
0x24c: {  	[spmem:s4] =	stream.indirect.scatter.add.f32 [tilespmem:s21], [sflag:$0x3], $0x1, s9, s24, $0xb8;
	[tilespmem:$0x1F980] =	vst v63  }
0x24d: {  	s9 =	simm.s32 $0x18B80;
	s21 =	simm.s32 $0x1A380  }
0x24e: {  	[spmem:s4] =	stream.indirect.scatter.add.f32 [tilespmem:s21], [sflag:$0x3], $0x1, s9, s24, $0xb8;
	[tilespmem:$0x1F980] =	vst v63  }
0x24f: {  	s9 =	simm.s32 $0x18C00;
	s21 =	simm.s32 $0x1A400  }
0x250: {  	[spmem:s4] =	stream.indirect.scatter.add.f32 [tilespmem:s21], [sflag:$0x3], $0x1, s9, s24, $0xb8;
	[tilespmem:$0x1F980] =	vst v63  }
0x251: {  	s9 =	simm.s32 $0x18C80;
	s21 =	simm.s32 $0x1A480  }
0x252: {  	[spmem:s4] =	stream.indirect.scatter.add.f32 [tilespmem:s21], [sflag:$0x3], $0x1, s9, s24, $0xb8;
	[tilespmem:$0x1F980] =	vst v63  }
0x253: {  	s9 =	simm.s32 $0x18D00;
	s21 =	simm.s32 $0x1A500  }
0x254: {  	[spmem:s4] =	stream.indirect.scatter.add.f32 [tilespmem:s21], [sflag:$0x3], $0x1, s9, s24, $0xb8;
	[tilespmem:$0x1F980] =	vst v63  }
0x255: {  	s9 =	simm.s32 $0x18D80;
	s21 =	simm.s32 $0x1A580  }
0x256: {  	[spmem:s4] =	stream.indirect.scatter.add.f32 [tilespmem:s21], [sflag:$0x3], $0x1, s9, s24, $0xb8;
	[tilespmem:$0x1F980] =	vst v63  }
0x257: {  	s9 =	simm.s32 $0x18E00;
	s21 =	simm.s32 $0x1A600  }
0x258: {  	[spmem:s4] =	stream.indirect.scatter.add.f32 [tilespmem:s21], [sflag:$0x3], $0x1, s9, s24, $0xb8;
	[tilespmem:$0x1F980] =	vst v63  }
0x259: {  	s9 =	simm.s32 $0x18E80;
	s21 =	simm.s32 $0x1A680  }
0x25a: {  	[spmem:s4] =	stream.indirect.scatter.add.f32 [tilespmem:s21], [sflag:$0x3], $0x1, s9, s24, $0xb8;
	[tilespmem:$0x1F980] =	vst v63  }
0x25b: {  	s9 =	simm.s32 $0x18F00;
	s21 =	simm.s32 $0x1A700  }
0x25c: {  	[spmem:s4] =	stream.indirect.scatter.add.f32 [tilespmem:s21], [sflag:$0x3], $0x1, s9, s24, $0xb8;
	[tilespmem:$0x1F980] =	vst v63  }
0x25d: {  	_ =	swait.ge [sflag:s15], $0x80  }
0x25e: {  	[sflag:s15] =	ssyncset.done $0x0  }
0x25f: {  	[sflag:s15] =	ssyncadd.s32 $0xFFFFFF80  }
0x260: {  	_ =	swait.ge [sflag:s15], $0x80  }
0x261: {  	[sflag:s15] =	ssyncset.done $0x0  }
0x262: {  	[sflag:s15] =	ssyncadd.s32 $0xFFFFFF80  }
0x263: {  	_ =	swait.ge [sflag:s15], $0x80  }
0x264: {  	[sflag:s15] =	ssyncset.done $0x0  }
0x265: {  	[sflag:s15] =	ssyncadd.s32 $0xFFFFFF80  }
0x266: {  	_ =	swait.ge [sflag:s15], $0x80  }
0x267: {  	[sflag:s15] =	ssyncset.done $0x0  }
0x268: {  	[sflag:s15] =	ssyncadd.s32 $0xFFFFFF80  }
0x269: {  	_ =	swait.ge [sflag:s15], $0x80  }
0x26a: {  	[sflag:s15] =	ssyncset.done $0x0  }
0x26b: {  	[sflag:s15] =	ssyncadd.s32 $0xFFFFFF80  }
0x26c: {  	_ =	swait.ge [sflag:s15], $0x80  }
0x26d: {  	[sflag:s15] =	ssyncset.done $0x0  }
0x26e: {  	[sflag:s15] =	ssyncadd.s32 $0xFFFFFF80  }
0x26f: {  	_ =	swait.ge [sflag:s15], $0x80  }
0x270: {  	[sflag:s15] =	ssyncset.done $0x0  }
0x271: {  	[sflag:s15] =	ssyncadd.s32 $0xFFFFFF80  }
0x272: {  	_ =	swait.ge [sflag:s15], $0x80  }
0x273: {  	[sflag:s15] =	ssyncset.done $0x0  }
0x274: {  	[sflag:s15] =	ssyncadd.s32 $0xFFFFFF80  }
0x275: {  	_ =	swait.ge [sflag:s15], $0x80  }
0x276: {  	[sflag:s15] =	ssyncset.done $0x0  }
0x277: {  	[sflag:s15] =	ssyncadd.s32 $0xFFFFFF80  }
0x278: {  	_ =	swait.ge [sflag:s15], $0x80  }
0x279: {  	[sflag:s15] =	ssyncset.done $0x0  }
0x27a: {  	[sflag:s15] =	ssyncadd.s32 $0xFFFFFF80  }
0x27b: {  	_ =	swait.ge [sflag:s15], $0x80  }
0x27c: {  	[sflag:s15] =	ssyncset.done $0x0  }
0x27d: {  	[sflag:s15] =	ssyncadd.s32 $0xFFFFFF80  }
0x27e: {  	_ =	swait.ge [sflag:s15], $0x80  }
0x27f: {  	[sflag:s15] =	ssyncset.done $0x0  }
0x280: {  	[sflag:s15] =	ssyncadd.s32 $0xFFFFFF80  }
0x281: {  	_ =	swait.ge [sflag:s15], $0x80  }
0x282: {  	[sflag:s15] =	ssyncset.done $0x0  }
0x283: {  	[sflag:s15] =	ssyncadd.s32 $0xFFFFFF80  }
0x284: {  	_ =	swait.ge [sflag:s15], $0x80  }
0x285: {  	[sflag:s15] =	ssyncset.done $0x0  }
0x286: {  	[sflag:s15] =	ssyncadd.s32 $0xFFFFFF80  }
0x287: {  	_ =	swait.ge [sflag:s15], $0x80  }
.Ltmp8:
0x288: {  	[sflag:s15] =	ssyncset.done $0x0;
	(pc) =	sbr.rel .LBB2_13-.Ltmp8, $4  }
0x289: {  	[sflag:s15] =	ssyncadd.s32 $0xFFFFFF80  }
0x28a: {  	_ =	swait.ge [sflag:s15], $0x80  }
0x28b: {  	[sflag:s15] =	ssyncset.done $0x0  }
0x28c: {  	s9 =	rddreg [dreg:$0xc];
	[sflag:s15] =	ssyncadd.s32 $0xFFFFFF80  }
.LBB2_14:
0x28d: {  	_ =	sfence.sel $0x180000  }
0x28e: {  	[bflag:$0x0] =	sbarrier.arrive $0xFFFF  }
0x28f: {  	_ =	strace $0x9000004A  }
0x290: {  	s0 =	stileid.u32;
	[bflag:$0x2] =	sbarrier.arrive $0xFFFF  }
0x291: {  	p0 =	sne.s32 s0, $0x0;
	s0 =	rddreg [dreg:$0x4]  }
0x292: {  	s0 =	sadd.s32 @!p0 $0x100000, s0  }
0x293: {  	[sflag:s0] =	ssyncadd.tile.s32 @!p0 $0x1;
	_ =	shalt  }
.Lfunc_end2:
_tile_overlayer_lowered:
.L_overlay_start_2:
0x294: {  	(tag) =	ssettag $0x2  }
0x295: {  	s0 =	rddreg [dreg:$0x0];
	s2 =	stileid.u32  }
0x296: {  	s1 =	rddreg [dreg:$0x1];
	p0 =	sne.s32 s2, $0x0  }
0x297: {  	s3 =	rddreg [dreg:$0x2];
	[bflag:$0x3] =	sbarrier.arrive $0xFFFF;
	s2 =	simm.s32 @!p0 $0x1C05  }
0x298: {  	[timem:s3], [sflag:s2] =	dma.local @!p0 [hbm:s0], s1  }
0x299: {  	s0 =	simm.s32 @!p0 $0x5  }
0x29a: {  	_ =	swait.ge @!p0 [sflag:s0], s1  }
0x29b: {  	s1 =	ssub.s32 @!p0 $0x0, s1;
	[sflag:s0] =	ssyncset.done @!p0 $0x0  }
0x29c: {  	[sflag:s0] =	ssyncadd.s32 @!p0 s1  }
0x29d: {  	[bflag:$0x3] =	sbarrier.arrive $0xFFFF  }
0x29e: {  	_ =	shalt  }

// kernel: sparse-core-data-format-call.cloned.1.call-start
scs
called_computation_lowered:
.L_overlay_start_0:
0x0: {  	s2 =	sld [smem:$0x3FD9]  }
0x1: {  	s3 =	sld [smem:$0x3FFE];
	_ =	sdelay $0x1  }
0x2: {  	s1 =	srdreg.scid  }
0x3: {  	s0 =	sand.u32 $0x1, s1  }
0x4: {  	s18 =	sshll.u32 s0, $0xA;
	s2 =	sadd.s32 s3, s2  }
0x5: {  	s2 =	sadd.s32 s2, s18  }
0x6: {  	[smem:$0x3FC4] =	sst s2  }
0x7: {  	_ = 	snop  }
0x8: {  	s2 =	sld [smem:$0x3FC7];
	(tm) =	ssettm $0x1  }
0x9: {  	s19 =	sld [smem:$0x3FFB];
	_ =	sdelay $0x3  }
0xa: {  	_ =	strace s19  }
0xb: {  	s3 =	sld [smem:$0x3FFC];
	_ =	sdelay $0x3  }
0xc: {  	_ =	strace s3  }
0xd: {  	s3 =	sld [smem:$0x3FFD];
	_ =	sdelay $0x3  }
0xe: {  	_ =	strace s3  }
0xf: {  	_ =	strace $0x8FFFFFFF  }
0x10: {  	s20 =	sld [smem:$0x3FDB];
	_ =	sdelay $0x1  }
0x11: {  	s4 =	simm.s32 $_scs_section_size  }
0x12: {  	s5 =	simm.s32 $_size__tile_overlayer_lowered;
	s6 =	simm.s32 $_tile_overlayer_lowered  }
0x13: {  	s23 =	simm.s32 $0x1BFF;
	s22 =	sshll.u32 s6, $0x1;
	s3 =	sadd.s32 s4, s20  }
0x14: {  	s7 =	simm.s32 $0x0;
	s21 =	sshll.u32 s5, $0x1;
	s5 =	sadd.s32 s22, s3  }
0x15: {  	[timem:s7], [sflag:s23] =	dma.local [hbm:s5], s21  }
0x16: {  	_ =	swait.ge [sflag:s23], s21  }
0x17: {  	s4 =	ssub.s32 $0x0, s21;
	[sflag:s23] =	ssyncset.done $0x0  }
0x18: {  	[sflag:s23] =	ssyncadd.s32 s4;
	_ =	sdelay $0x1  }
0x19: {  	s24 =	simm.s32 $0x1B8B  }
0x1a: {  	_ =	swait.ge [sflag:s24], $0x1  }
0x1b: {  	[sflag:s24] =	ssyncset.done $0x0  }
0x1c: {  	s26 =	simm.s32 $0x1B8E;
	s25 =	sld [smem:$0x3FFE];
	[sflag:s24] =	ssyncadd.s32 $0xFFFFFFFF  }
0x1d: {  	s27 =	simm.s32 $execute0_lowered;
	[smem:$0x3FD2] =	sst s26  }
0x1e: {  	s5 =	sshll.u32 s27, $0x1;
	_ =	strace $0x80000046;
	[dreg:$0x1] =	wrdreg $0xFFFFFFFF  }
0x1f: {  	s28 =	simm.s32 $_size_execute0_lowered;
	s3 =	sadd.s32 s3, s5;
	[dreg:$0x0] =	wrdreg $0x0  }
0x20: {  	s5 =	sshll.u32 s28, $0x1;
	[dreg:$0x2] =	wrdreg s3  }
0x21: {  	[dreg:$0x3] =	wrdreg s5  }
0x22: {  	[dreg:$0x4] =	wrdreg $0xC0  }
0x23: {  	_ =	task [dreg:s7], $0x5FFFF  }
0x24: {  	[dreg:$0x1] =	wrdreg $0xFFFFFFFF  }
0x25: {  	[dreg:$0x0] =	wrdreg $0x60  }
0x26: {  	[dreg:$0x2] =	wrdreg s2  }
0x27: {  	[dreg:$0x3] =	wrdreg s25  }
0x28: {  	[dreg:$0x4] =	wrdreg $0x9  }
0x29: {  	_ =	task.clear_ibuf [dreg:s7], $0x5FFFF;
	_ =	strace $0x90000046  }
0x2a: {  	s29 =	simm.s32 $0x9;
	_ =	strace $0x80000048  }
0x2b: {  	_ =	swait.ge [sflag:s29], $0x1  }
0x2c: {  	[sflag:s29] =	ssyncadd.s32 $0xFFFFFFFF  }
0x2d: {  	_ =	strace $0x90000048  }
0x2e: {  	_ =	sfence  }
0x2f: {  	s30 =	sld [smem:$0x0];
	_ =	sdelay $0x2  }
0x30: {  	s31 =	sshll.u32 s1, $0xD;
	s1 =	sshrl.u32 s1, $0x2  }
0x31: {  	s3 =	sand.u32 $0x4000, s31;
	s1 =	sadd.s32 s1, s30  }
0x32: {  	s0 =	sor.u32 s3, s0;
	s1 =	sshll.u32 s1, $0x11  }
0x33: {  	s0 =	sor.u32 s1, s0  }
0x34: {  	s0 =	sadd.s32 $0x8F2B, s0  }
0x35: {  	[sflag:s0] =	ssyncadd.remote.s32 $0x1  }
0x36: {  	_ =	sfence.sel $0xFFFF  }
0x37: {  	[dreg:$0x0] =	wrdreg $0xFFFFFFFF;
	(pc) =	sbr.abs _section_cstart, $3  }
0x38: {  	[dreg:$0x1] =	wrdreg $0xFFFFFFFF  }
0x39: {  	_ =	task.clear_ibuf [dreg:s7], $0x2FFFF;
	_ =	strace $0x9FFFFFFF  }
0x3a: {  	(tm) =	ssettm $0x7FFFFFFF  }
0x3b: {  	_ =	shalt  }
tec
execute0_lowered:
.L_overlay_start_1:
0x0: {  	(tag) =	ssettag $0x1  }
0x1: {  	s0 =	stileid.u32;
	s7 =	rddreg [dreg:$0x0]  }
0x2: {  	s1 =	srdreg.scid;
	s4 =	rddreg [dreg:$0x1]  }
0x3: {  	s30 =	simm.s32 $0x2;
	s10 =	simm.s32 $0x0;
	s14 =	simm.s32 $0x0  }
0x4: {  	s15 =	simm.s32 $0x0;
	s11 =	simm.s32 $0x0;
	s13 =	simm.s32 $0x0  }
0x5: {  	s2 =	sand.u32 $0x1, s1;
	s3 =	sshll.u32 s0, $0x7;
	s1 =	rddreg [dreg:$0x2]  }
0x6: {  	_ =	strace $0x80000047;
	s5 =	ssub.s32 $0xC300, s3;
	s6 =	ssub.s32 $0x2, s2  }
.Ltmp0:
0x7: {  	s5 =	sshrl.u32 s5, $0xB;
	s8 =	sshrl.u32 s6, $0x1;
	(pc) =	sbr.rel .LBB1_1-.Ltmp0, $4  }
0x8: {  	s4 =	sadd.s32 $0x800, s4;
	s9 =	sadd.s32 $0x1, s5;
	s6 =	ssub.s32 s6, s8  }
0x9: {  	s31 =	sshll.u32 s2, $0x4;
	s5 =	simm.s32 $0x1;
	s6 =	smul.u32 s9, s6  }
0xa: {  	s12 =	smov.u32 s3;
	s7 =	sadd.s32 s7, s31;
	[sflag:s5] =	ssyncpa.u1 $0x0  }
0xb: {  	s9 =	simm.s32 $0x0;
	[sflag:s30] =	ssyncpa.u1 $0x0;
	s8 =	sadd.s32 $0x1, s6  }
.LBB1_4:
0xc: {  	s21 =	simm.s32 $0x0  }
.LBB1_8:
0xd: {  	_ =	sdelay $0x3  }
0xe: {  	v6 =	vld [tilespmem:s18+$0xFFFFFFC0];
	[tilespmem:v0+s20+$0x30 ss:$0x1] =	vst.idx.msk @p0 $0xffff, v2  }
0xf: {  	v58 =	vld [tilespmem:s18+$0xFFFFFFD0];
	[tilespmem:v0+s20+$0x40 ss:$0x1] =	vst.idx.msk @p0 $0xffff, v3;
	s21 =	sadd.s32 @p0 $0x80, s21  }
0x10: {  	v59 =	vld [tilespmem:s18+$0xFFFFFFE0];
	[tilespmem:v0+s20+$0x50 ss:$0x1] =	vst.idx.msk @p0 $0xffff, v5;
	s19 =	smov.u32 @p0 s21  }
0x11: {  	v60 =	vld [tilespmem:s18+$0xFFFFFFF0];
	[tilespmem:v0+s20+$0x60 ss:$0x1] =	vst.idx.msk @p0 $0xffff, v4;
	s19 =	sand.u32 $0x3F80, s19  }
0x12: {  	v61 =	vld [tilespmem:s18+$0x0];
	[tilespmem:v0+s19+$0x70 ss:$0x1] =	vst.idx.msk $0xffff, v1  }
0x13: {  	v62 =	vld [tilespmem:s18+$0x10];
	[tilespmem:v0+s19+$0x0 ss:$0x1] =	vst.idx.msk $0xffff, v6  }
0x14: {  	v63 =	vld [tilespmem:s18+$0x20];
	[tilespmem:v0+s19+$0x10 ss:$0x1] =	vst.idx.msk $0xffff, v58  }
0x15: {  	[tilespmem:v0+s19+$0x20 ss:$0x1] =	vst.idx.msk $0xffff, v59  }
0x16: {  	[tilespmem:v0+s19+$0x30 ss:$0x1] =	vst.idx.msk $0xffff, v60  }
0x17: {  	[tilespmem:v0+s19+$0x40 ss:$0x1] =	vst.idx.msk $0xffff, v61  }
0x18: {  	[tilespmem:v0+s19+$0x50 ss:$0x1] =	vst.idx.msk $0xffff, v62  }
0x19: {  	[tilespmem:v0+s19+$0x60 ss:$0x1] =	vst.idx.msk $0xffff, v63  }
.LBB1_9:
0x1a: {  	s18 =	sand.u32 $0x1FFFFFF, s11  }
0x1b: {  	s19 =	smulhi.u32 $0x14F8B59, s18;
	_ =	sdelay $0x1  }
0x1c: {  	s19 =	sshrl.u32 s19, $0x8  }
0x1d: {  	s19 =	smul.u32 $0xC350, s19  }
0x1e: {  	s15 =	smul.u32 $0xC3500, s15  }
0x1f: {  	s18 =	ssub.s32 s18, s19  }
0x20: {  	s15 =	sadd.s32 s4, s15;
	s18 =	sshll.u32 s18, $0x4  }
0x21: {  	s15 =	sadd.s32 s18, s15  }
0x22: {  	[hbm4b:s15+s9] =	stream.linear.scatter [tilespmem:s17], [sflag:$0x2], s16, $0x38;
	[tilespmem:$0x10000] =	vst v63  }
.LBB1_10:
0x23: {  	p0 =	slt.u32 s13, $0x2  }
0x24: {  	p1 =	sgt.s32 @!p0 s14, $0xC2D0  }
0x25: {  	s15 =	smov.u32 s14;
	s16 =	sshra.s32 @!p0 s14, $0x1F;
	p1 =	por !p1, p0  }
0x26: {  	s14 =	sand.u32 @!p0 s16, s14;
	s15 =	simm.s32 @p1 $0xC2D0  }
0x27: {  	s14 =	ssub.s32 @!p0 s15, s14  }
0x28: {  	s14 =	sadd.s32 @!p0 $0xFFFF3D30, s14  }
0x29: {  	s15 =	sshll.u32 @!p0 s14, $0x7  }
0x2a: {  	p1 =	sgt.s32 @!p0 s14, $0x7F;
	s14 =	ssub.s32 @!p0 $0x4000, s15  }
0x2b: {  	s16 =	sadd.s32 $0x800, s12;
	p1 =	por !p1, p0;
	s14 =	sand.u32 @!p0 $0x3FFFFF80, s14  }
0x2c: {  	s14 =	simm.s32 @!p1 $0x0;
	p1 =	sgt.s32 s16, $0xC34F  }
0x2d: {  	s16 =	smov.u32 @p1 s3;
	p1 =	sne.s32 s13, s8  }
.Ltmp1:
0x2e: {  	_ = 	snop;
	(pc) =	sbr.rel @!p1 .LBB1_11-.Ltmp1, $4  }
0x2f: {  	s10 =	sadd.s32 $0x4000, s10;
	s15 =	simm.s32 @!p0 $0x2  }
0x30: {  	_ =	swait.ge @!p0 [sflag:s15], s14;
	s17 =	ssub.s32 @!p0 $0x0, s14;
	s14 =	smov.u32 s11  }
0x31: {  	s13 =	sadd.s32 $0x1, s13;
	s11 =	smov.u32 s12;
	[sflag:s15] =	ssyncset.done @!p0 $0x0  }
0x32: {  	s12 =	smov.u32 s16;
	[sflag:s15] =	ssyncadd.s32 @!p0 s17;
	s15 =	smov.u32 s2  }
.LBB1_1:
0x33: {  	p0 =	sge.u32 s13, s6  }
0x34: {  	p1 =	sgt.s32 @!p0 s12, $0xC2D0  }
0x35: {  	s16 =	smov.u32 s12;
	s17 =	sshra.s32 @!p0 s12, $0x1F;
	p1 =	por !p1, p0  }
0x36: {  	s17 =	sand.u32 @!p0 s17, s12;
	s16 =	simm.s32 @p1 $0xC2D0  }
0x37: {  	s16 =	ssub.s32 @!p0 s16, s17  }
0x38: {  	s31 =	sadd.s32 $0xFFFFFFFF, s13;
	s18 =	sxor.u32 @!p0 $0xFFFFFFFF, s13;
	s16 =	sadd.s32 @!p0 $0xFFFF3D30, s16  }
0x39: {  	s19 =	simm.s32 @!p0 $0x80;
	s20 =	simm.s32 @!p0 $0x100;
	s17 =	sshll.u32 @!p0 s16, $0x7  }
0x3a: {  	p1 =	sgt.s32 @!p0 s16, $0x7F;
	s16 =	ssub.s32 @!p0 $0x4000, s17;
	s17 =	sshll.u32 @!p0 s18, $0xE  }
0x3b: {  	p1 =	por !p1, p0;
	s18 =	sshll.u32 @!p0 s12, $0x5;
	s16 =	sand.u32 @!p0 $0x3FFFFF80, s16  }
0x3c: {  	s17 =	sand.u32 @!p0 $0x4000, s17;
	s18 =	sadd.s32 @!p0 s18, s7;
	s16 =	simm.s32 @!p1 $0x0  }
0x3d: {  	[tilespmem:s17], [sflag:$0x1] =	stream.strided.gather @!p0 [hbm4b:s18+s19], s16, s20, s19, $0x38;
	[tilespmem:$0x10000] =	vst v63  }
0x3e: {  	p0 =	sge.u32 s31, s6  }
.Ltmp2:
0x3f: {  	_ = 	snop;
	(pc) =	sbr.rel @p0 .LBB1_10-.Ltmp2, $1  }
0x40: {  	_ =	sdelay $0x3  }
0x41: {  	p0 =	sgt.s32 s11, $0xC2D0;
	s16 =	smov.u32 s11;
	s17 =	sshra.s32 s11, $0x1F  }
0x42: {  	s16 =	simm.s32 @!p0 $0xC2D0;
	s17 =	sand.u32 s17, s11  }
0x43: {  	s16 =	ssub.s32 s16, s17  }
0x44: {  	s16 =	sadd.s32 $0xFFFF3D30, s16  }
0x45: {  	s30 =	sshll.u32 s16, $0x7  }
0x46: {  	s17 =	ssub.s32 $0x4000, s30  }
0x47: {  	p0 =	sgt.s32 s16, $0x7F;
	s16 =	sand.u32 $0x3FFFFF80, s17;
	s17 =	sadd.s32 $0x80, s11  }
0x48: {  	s16 =	simm.s32 @p0 $0x0;
	p0 =	slt.s32 s17, $0xC350  }
0x49: {  	s17 =	simm.s32 @!p0 $0xC350  }
0x4a: {  	s20 =	ssub.s32 s17, s11  }
0x4b: {  	p0 =	slt.s32 s20, $0x1  }
.Ltmp3:
0x4c: {  	_ = 	snop;
	(pc) =	sbr.rel @p0 .LBB1_9-.Ltmp3, $4  }
0x4d: {  	_ = 	snop  }
0x4e: {  	s19 =	sshll.u32 s13, $0xE;
	_ =	swait.ge [sflag:s5], s16  }
0x4f: {  	s31 =	sand.u32 $0x4000, s19;
	s18 =	ssub.s32 $0x0, s16;
	[sflag:s5] =	ssyncset.done $0x0  }
0x50: {  	s17 =	sor.u32 $0x8000, s31;
	[sflag:s5] =	ssyncadd.s32 s18  }
0x51: {  	p1 =	sne.s32 s20, $0x1  }
.Ltmp4:
0x52: {  	v0 =	vmov s17;
	(pc) =	sbr.rel @!p1 .LBB1_4-.Ltmp4, $4  }
0x53: {  	_ = 	snop  }
0x54: {  	s18 =	sand.u32 $0x4000, s10  }
0x55: {  	s18 =	sor.u32 $0x40, s18  }
0x56: {  	s19 =	simm.s32 $0x0;
	s21 =	sadd.s32 $0xFFFFFFFF, s20;
	p0 =	por $0x0, $0x0;
	v1 =	vld [tilespmem:s18+$0x30]  }
0x57: {  	v4 =	vld [tilespmem:s18+$0xFFFFFFC0]  }
0x58: {  	v6 =	vld [tilespmem:s18+$0xFFFFFFD0]  }
0x59: {  	v7 =	vld [tilespmem:s18+$0xFFFFFFE0];
	p1 =	sne.s32 s21, $0x1  }
.Ltmp5:
0x5a: {  	v2 =	vld [tilespmem:s18+$0xFFFFFFF0];
	s20 =	sand.u32 $0x3F80, s19;
	(pc) =	sbr.rel @!p1 .LBB1_6-.Ltmp5, $4  }
0x5b: {  	v3 =	vld [tilespmem:s18+$0x0];
	[tilespmem:v0+s20+$0x70 ss:$0x1] =	vst.idx.msk $0xffff, v1  }
0x5c: {  	v5 =	vld [tilespmem:s18+$0x10];
	[tilespmem:v0+s20+$0x0 ss:$0x1] =	vst.idx.msk $0xffff, v4  }
0x5d: {  	v4 =	vld [tilespmem:s18+$0x20];
	[tilespmem:v0+s20+$0x10 ss:$0x1] =	vst.idx.msk $0xffff, v6;
	s18 =	sadd.s32 $0x80, s18  }
0x5e: {  	s22 =	sadd.s32 $0xFFFFFFFF, s21;
	p0 =	por $0x1, $0x1;
	s21 =	simm.s32 $0x0;
	[tilespmem:v0+s20+$0x20 ss:$0x1] =	vst.idx.msk $0xffff, v7;
	v1 =	vld [tilespmem:s18+$0x30]  }
.LBB1_7:
0x5f: {  	p1 =	sne.s32 s22, $0x1;
	v6 =	vld [tilespmem:s18+$0xFFFFFFC0];
	[tilespmem:v0+s20+$0x30 ss:$0x1] =	vst.idx.msk $0xffff, v2  }
0x60: {  	v7 =	vld [tilespmem:s18+$0xFFFFFFD0];
	[tilespmem:v0+s20+$0x40 ss:$0x1] =	vst.idx.msk $0xffff, v3  }
0x61: {  	s21 =	sadd.s32 $0x80, s21;
	v8 =	vld [tilespmem:s18+$0xFFFFFFE0];
	[tilespmem:v0+s20+$0x50 ss:$0x1] =	vst.idx.msk $0xffff, v5  }
.Ltmp6:
0x62: {  	v2 =	vld [tilespmem:s18+$0xFFFFFFF0];
	[tilespmem:v0+s20+$0x60 ss:$0x1] =	vst.idx.msk $0xffff, v4;
	s20 =	sand.u32 $0x3F80, s21;
	(pc) =	sbr.rel @p1 .LBB1_7-.Ltmp6, $4  }
0x63: {  	v3 =	vld [tilespmem:s18+$0x0];
	[tilespmem:v0+s20+$0x70 ss:$0x1] =	vst.idx.msk $0xffff, v1  }
0x64: {  	[tilespmem:v0+s20+$0x0 ss:$0x1] =	vst.idx.msk $0xffff, v6;
	v5 =	vld [tilespmem:s18+$0x10]  }
0x65: {  	[tilespmem:v0+s20+$0x10 ss:$0x1] =	vst.idx.msk $0xffff, v7;
	v4 =	vld [tilespmem:s18+$0x20];
	s18 =	sadd.s32 $0x80, s18  }
0x66: {  	s22 =	sadd.s32 $0xFFFFFFFF, s22;
	v1 =	vld [tilespmem:s18+$0x30];
	[tilespmem:v0+s20+$0x20 ss:$0x1] =	vst.idx.msk $0xffff, v8  }
.Ltmp7:
0x67: {  	_ = 	snop;
	(pc) =	sbr.rel .LBB1_8-.Ltmp7, $1  }
0x68: {  	_ =	sdelay $0x3  }
.LBB1_6:
.Ltmp8:
0x69: {  	(pc) =	sbr.rel .LBB1_8-.Ltmp8, $2  }
0x6a: {  	_ =	sdelay $0x2  }
0x6b: {  	s21 =	simm.s32 $0x0  }
.LBB1_11:
0x6c: {  	_ =	sfence.sel $0x180000  }
0x6d: {  	s2 =	simm.s32 $0x1;
	[bflag:$0x0] =	sbarrier.arrive $0xFFFF  }
0x6e: {  	s31 =	simm.s32 $0x2;
	[sflag:s2] =	ssyncpa.u1 $0x1  }
0x6f: {  	[sflag:s31] =	ssyncpa.u1 $0x1  }
0x70: {  	p0 =	sne.s32 s0, $0x0;
	_ =	strace $0x90000047  }
0x71: {  	s0 =	sadd.s32 @!p0 $0x100000, s1;
	[bflag:$0x2] =	sbarrier.arrive $0xFFFF  }
0x72: {  	[sflag:s0] =	ssyncadd.tile.s32 @!p0 $0x1;
	_ =	shalt  }
.Lfunc_end1:
_tile_overlayer_lowered:
.L_overlay_start_2:
0x73: {  	(tag) =	ssettag $0x2  }
0x74: {  	s0 =	rddreg [dreg:$0x0];
	s2 =	stileid.u32  }
0x75: {  	s1 =	rddreg [dreg:$0x1];
	p0 =	sne.s32 s2, $0x0  }
0x76: {  	s3 =	rddreg [dreg:$0x2];
	[bflag:$0x3] =	sbarrier.arrive $0xFFFF;
	s2 =	simm.s32 @!p0 $0x1C01  }
0x77: {  	[timem:s3], [sflag:s2] =	dma.local @!p0 [hbm:s0], s1  }
0x78: {  	s0 =	simm.s32 @!p0 $0x1  }
0x79: {  	_ =	swait.ge @!p0 [sflag:s0], s1  }
0x7a: {  	s1 =	ssub.s32 @!p0 $0x0, s1;
	[sflag:s0] =	ssyncset.done @!p0 $0x0  }
0x7b: {  	[sflag:s0] =	ssyncadd.s32 @!p0 s1  }
0x7c: {  	[bflag:$0x3] =	sbarrier.arrive $0xFFFF  }
0x7d: {  	_ =	shalt  }

</sc_bundles>
